<compile_context>
chip_gen: v7x
topology: tpu7x:2x2x1
jax: 0.10.2.dev20260603
libtpu: 0.0.44.dev20260713+nightly
codegen_flags: <defaults>
</compile_context>

<pallas_src>
import functools

import jax
import jax.numpy as jnp
from jax import lax
from jax.experimental import pallas as pl
from jax.experimental.pallas import tpu as pltpu
from jax.experimental.pallas import tpu_sc as plsc

V = 100000
B = 16384
D = 64
W = D + 16
ALPHA = 0.5
NS, L = 16, 16
CHUNK = B // NS
KJ = 128
NJ = CHUNK // KJ
SLAB = 3128

_mesh = plsc.VectorSubcoreMesh(core_axis_name="c", subcore_axis_name="s")

_SCRATCH = (
    [pltpu.VMEM((KJ,), jnp.int32) for _ in range(NJ)]
    + [pltpu.VMEM((KJ,), jnp.int32) for _ in range(NJ)]
    + [
        pltpu.VMEM((KJ,), jnp.int32),
        pltpu.VMEM((KJ, D), jnp.float32),
        pltpu.VMEM((KJ, D), jnp.float32),
        pltpu.VMEM((KJ, W), jnp.float32),
        pltpu.VMEM((L,), jnp.float32),
        pltpu.VMEM((NS, L), jnp.float32),
        pltpu.VMEM((D, W), jnp.float32),
        pltpu.VMEM_SHARED((NS * 6400,), jnp.int32),
        pltpu.VMEM_SHARED((B, W), jnp.float32),
        pltpu.VMEM_SHARED((NS, L), jnp.float32),
        pltpu.SemaphoreType.DMA,
        pltpu.SemaphoreType.DMA,
    ]
)


@functools.partial(
    pl.kernel,
    out_type=(
        jax.ShapeDtypeStruct((L,), jnp.float32),
        jax.ShapeDtypeStruct((V, D), jnp.float32),
    ),
    mesh=_mesh,
    compiler_params=pltpu.CompilerParams(use_tc_tiling_on_sc=False),
    scratch_types=_SCRATCH,
)
def _center_loss_sc(feat_hbm, lab_hbm, cent_hbm, loss_hbm, out_hbm, *scr):
    lab = scr[0:NJ]
    rbuf = scr[NJ:2 * NJ]
    (ibuf, crow_v, fbuf_v, wrk_v, lbuf_v, lsum_v, zrow_v,
     rep_sh, acc_sh, loss_sh, copy_sem, batch_sem) = scr[2 * NJ:]

    c = lax.axis_index("c")
    s = lax.axis_index("s")
    base = s * CHUNK

    wid = s * 2 + c
    row0 = jnp.minimum(wid * SLAB, V - SLAB)
    cdesc = pltpu.async_copy(cent_hbm.at[pl.ds(row0, SLAB)],
                             out_hbm.at[pl.ds(row0, SLAB)], copy_sem)

    zero16 = jnp.zeros((L,), jnp.float32)
    one16 = jnp.ones((L,), jnp.float32)
    iota16 = lax.iota(jnp.int32, L)

    @pl.when(c == 0)
    def _p1():
        def _zr(i, _):
            zrow_v[i // (W // L), pl.ds((i % (W // L)) * L, L)] = zero16
            return 0
        lax.fori_loop(0, D * (W // L), _zr, 0)

        for k in range(CHUNK // D):
            pltpu.sync_copy(zrow_v, acc_sh.at[pl.ds(base + k * D, D)])
        for j in range(NJ):
            pltpu.sync_copy(lab_hbm.at[pl.ds(base + j * KJ, KJ)], lab[j])
        for j in range(NJ):
            for q in range(KJ // L):
                ibuf[pl.ds(q * L, L)] = iota16 + (base + j * KJ + q * L)
            pltpu.sync_copy(ibuf, rep_sh.at[lab[j]])

    plsc.subcore_barrier()

    @pl.when(c == 0)
    def _p2():
        loss_acc = jnp.zeros((L,), jnp.float32)
        for j in range(NJ):
            pltpu.sync_copy(cent_hbm.at[lab[j]], crow_v)
            pltpu.sync_copy(feat_hbm.at[pl.ds(base + j * KJ, KJ)], fbuf_v)
            pltpu.sync_copy(rep_sh.at[lab[j]], rbuf[j])

            def _row(r, acc):
                for cc in range(D // L):
                    f = fbuf_v[r, pl.ds(cc * L, L)]
                    cr = crow_v[r, pl.ds(cc * L, L)]
                    dd = cr - f
                    acc = acc + dd * dd
                    wrk_v[r, pl.ds(cc * L, L)] = dd
                wrk_v[r, pl.ds(D, L)] = one16
                return acc
            loss_acc = lax.fori_loop(0, KJ, _row, loss_acc)

            pltpu.sync_copy(wrk_v, acc_sh.at[rbuf[j]], add=True)

        lbuf_v[pl.ds(0, L)] = loss_acc * 0.5
        pltpu.sync_copy(lbuf_v, loss_sh.at[s])

    cdesc.wait()
    plsc.subcore_barrier()

    @pl.when(c == 0)
    def _p3():
        @pl.when(s == 0)
        def _():
            pltpu.sync_copy(loss_sh, lsum_v)
            tot = jnp.zeros((L,), jnp.float32)
            for i in range(NS):
                tot = tot + lsum_v[i, pl.ds(0, L)]
            lbuf_v[pl.ds(0, L)] = tot
            pltpu.sync_copy(lbuf_v, loss_hbm)

        for j in range(NJ):
            pltpu.sync_copy(acc_sh.at[rbuf[j]], wrk_v)
            pltpu.sync_copy(cent_hbm.at[lab[j]], crow_v)

            def _row2(r, _):
                n = wrk_v[r, pl.ds(D, L)]
                scv = ALPHA / (1.0 + n)
                for cc in range(D // L):
                    cr = crow_v[r, pl.ds(cc * L, L)]
                    fbuf_v[r, pl.ds(cc * L, L)] = (
                        cr - scv * wrk_v[r, pl.ds(cc * L, L)])
                return 0
            lax.fori_loop(0, KJ, _row2, 0)

            pltpu.sync_copy(fbuf_v, out_hbm.at[lab[j]])


def kernel(features, labels, centers):
    loss_vec, out = _center_loss_sc(features, labels, centers)
    return jnp.sum(loss_vec), out

# --- scband reference (transcript-rebuilt; emitter-appended) ---
"""Pipeline reference for scband-center-loss-layer-42099269436115 (READ-ONLY COPY).

The authoritative reference and input builder live on the scoring server;
editing this copy changes nothing except your own understanding.
"""

import jax, jax.numpy as jnp
import numpy as np

NUM_CLASSES = 100000
FEAT_DIM = 64
BATCH = 16384
ALPHA = 0.5


def setup_inputs(seed: int = 0) -> dict:
    key = jax.random.key(seed)
    k1, k2, k3 = jax.random.split(key, 3)
    features = jax.random.normal(k1, (BATCH, FEAT_DIM), dtype=jnp.float32)
    labels = jax.random.randint(k2, (BATCH,), 0, NUM_CLASSES, dtype=jnp.int32)
    # learned parameter: class-center table (original inits to zeros; use randn so the
    # loss and updates are non-trivial, as after some training steps)
    centers = jax.random.normal(k3, (NUM_CLASSES, FEAT_DIM), dtype=jnp.float32)
    return {"features": features, "labels": labels, "centers": centers}


def reference(features, labels, centers):
    # Faithful JAX translation of CenterLossLayer.get_center_loss
    # centers_batch = tf.gather(centers, labels)
    centers_batch = jnp.take(centers, labels, axis=0)
    # loss = tf.nn.l2_loss(features - centers_batch)  == 0.5 * sum(sq)
    loss = 0.5 * jnp.sum(jnp.square(features - centers_batch))
    diff = centers_batch - features
    # unique_with_counts -> appear_times per element == bincount gathered by label
    counts = jnp.bincount(labels, length=NUM_CLASSES)
    appear_times = jnp.take(counts, labels).reshape(-1, 1)
    diff = diff / (1.0 + appear_times).astype(jnp.float32)
    diff = ALPHA * diff
    # centers_update_op = tf.scatter_sub(centers, labels, diff)
    # (duplicate indices accumulate, matching .at[].add semantics)
    centers_updated = centers.at[labels].add(-diff)
    return (loss, centers_updated)

if __name__ == "__main__":
    import jax
    _d = setup_inputs()
    print(jax.jit(kernel)(*tuple(_d.values())))

</pallas_src>

<mosaic_0001>
#map = affine_map<(d0, d1) -> (0, 0)>
#map1 = affine_map<(d0, d1) -> (0)>
module attributes {stable_mosaic.version = 14 : i64} {
  func.func @_center_loss_sc(%arg0: i32, %arg1: i32, %arg2: memref<16384x64xf32, #tpu.memory_space<hbm>>, %arg3: memref<16384xi32, #tpu.memory_space<hbm>>, %arg4: memref<100000x64xf32, #tpu.memory_space<hbm>>, %arg5: memref<16xf32, #tpu.memory_space<hbm>>, %arg6: memref<100000x64xf32, #tpu.memory_space<hbm>>, %arg7: memref<128xi32, #tpu.memory_space<vmem>>, %arg8: memref<128xi32, #tpu.memory_space<vmem>>, %arg9: memref<128xi32, #tpu.memory_space<vmem>>, %arg10: memref<128xi32, #tpu.memory_space<vmem>>, %arg11: memref<128xi32, #tpu.memory_space<vmem>>, %arg12: memref<128xi32, #tpu.memory_space<vmem>>, %arg13: memref<128xi32, #tpu.memory_space<vmem>>, %arg14: memref<128xi32, #tpu.memory_space<vmem>>, %arg15: memref<128xi32, #tpu.memory_space<vmem>>, %arg16: memref<128xi32, #tpu.memory_space<vmem>>, %arg17: memref<128xi32, #tpu.memory_space<vmem>>, %arg18: memref<128xi32, #tpu.memory_space<vmem>>, %arg19: memref<128xi32, #tpu.memory_space<vmem>>, %arg20: memref<128xi32, #tpu.memory_space<vmem>>, %arg21: memref<128xi32, #tpu.memory_space<vmem>>, %arg22: memref<128xi32, #tpu.memory_space<vmem>>, %arg23: memref<128xi32, #tpu.memory_space<vmem>>, %arg24: memref<128x64xf32, #tpu.memory_space<vmem>>, %arg25: memref<128x64xf32, #tpu.memory_space<vmem>>, %arg26: memref<128x80xf32, #tpu.memory_space<vmem>>, %arg27: memref<16xf32, #tpu.memory_space<vmem>>, %arg28: memref<16x16xf32, #tpu.memory_space<vmem>>, %arg29: memref<64x80xf32, #tpu.memory_space<vmem>>, %arg30: memref<102400xi32, #tpu.memory_space<vmem_shared>>, %arg31: memref<16384x80xf32, #tpu.memory_space<vmem_shared>>, %arg32: memref<16x16xf32, #tpu.memory_space<vmem_shared>>, %arg33: memref<!tpu.dma_semaphore, #tpu.memory_space<semaphore_mem>>, %arg34: memref<!tpu.dma_semaphore, #tpu.memory_space<semaphore_mem>>) attributes {dimension_semantics = [#tpu.dimension_semantics<core_parallel>, #tpu.dimension_semantics<subcore_parallel>], iteration_bounds = array<i64: 2, 16>, scalar_prefetch = 0 : i64, scratch_operands = 28 : i64, tpu.core_type = #tpu.core_type<sc_vector_subcore>, window_params = [{transform_indices = #map}, {transform_indices = #map1}, {transform_indices = #map}, {transform_indices = #map1}, {transform_indices = #map}]} {
    %mul3A = arith.constant 1024 : i32
    %mul3A_0 = arith.muli %arg1, %mul3A : i32
    %mul3A_1 = arith.constant 2 : i32
    %mul3A_2 = arith.muli %arg1, %mul3A_1 : i32
    %add3A = arith.addi %mul3A_2, %arg0 : i32
    %mul3A_3 = arith.constant 3128 : i32
    %mul3A_4 = arith.muli %add3A, %mul3A_3 : i32
    %min3A = arith.constant 96872 : i32
    %min3A_5 = arith.minsi %mul3A_4, %min3A : i32
    %dma_start3A = arith.constant 0 : i32
    %dma_start3A_6 = tpu.memref_slice %arg6[%min3A_5, %dma_start3A] : memref<100000x64xf32, #tpu.memory_space<hbm>> -> memref<3128x64xf32, #tpu.memory_space<hbm>>
    %dma_start3A_7 = arith.constant 0 : i32
    %dma_start3A_8 = tpu.memref_slice %arg4[%min3A_5, %dma_start3A_7] : memref<100000x64xf32, #tpu.memory_space<hbm>> -> memref<3128x64xf32, #tpu.memory_space<hbm>>
    tpu.enqueue_dma source(%dma_start3A_8 : memref<3128x64xf32, #tpu.memory_space<hbm>>) target(%dma_start3A_6 : memref<3128x64xf32, #tpu.memory_space<hbm>>) target_semaphore(%arg33 : memref<!tpu.dma_semaphore, #tpu.memory_space<semaphore_mem>>)
    %broadcast_in_dim3A = arith.constant 0.000000e+00 : f32
    %broadcast_in_dim3A_9 = vector.broadcast %broadcast_in_dim3A : f32 to vector<16xf32>
    %broadcast_in_dim3A_10 = arith.constant 1.000000e+00 : f32
    %broadcast_in_dim3A_11 = vector.broadcast %broadcast_in_dim3A_10 : f32 to vector<16xf32>
    %iota3A = tpu.iota {dimensions = array<i32: 0>} : vector<16xi32>
    %eq3A = arith.constant 0 : i32
    %eq3A_12 = arith.cmpi eq, %arg0, %eq3A : i32
    %convert_element_type3A = arith.extui %eq3A_12 : i1 to i32
    %cond3A = arith.constant 0 : i32
    %cond3A_13 = arith.cmpi ne, %convert_element_type3A, %cond3A : i32
    scf.if %cond3A_13 {
      %scan3A = arith.constant 0 : i32
      %scan3A_28 = arith.constant 0 : i32
      %scan3A_29 = arith.constant 320 : i32
      %scan3A_30 = arith.addi %scan3A_28, %scan3A_29 : i32
      %scan3A_31 = arith.constant 1 : i32
      %scan3A_32 = scf.for %scan3A_721 = %scan3A_28 to %scan3A_30 step %scan3A_31 iter_args(%scan3A_722 = %scan3A) -> (i32)  : i32 {
        %jit3A = arith.constant 5 : i32
        %div3A = arith.divsi %scan3A_721, %jit3A : i32
        %sign3A = arith.constant 0 : i32
        %sign3A_723 = arith.cmpi sgt, %scan3A_721, %sign3A : i32
        %sign3A_724 = arith.extui %sign3A_723 : i1 to i32
        %sign3A_725 = arith.constant 0 : i32
        %sign3A_726 = arith.cmpi slt, %scan3A_721, %sign3A_725 : i32
        %sign3A_727 = arith.extui %sign3A_726 : i1 to i32
        %sign3A_728 = arith.subi %sign3A_724, %sign3A_727 : i32
        %sign3A_729 = arith.constant 0 : i32
        %sign3A_730 = arith.cmpi sgt, %jit3A, %sign3A_729 : i32
        %sign3A_731 = arith.extui %sign3A_730 : i1 to i32
        %sign3A_732 = arith.constant 0 : i32
        %sign3A_733 = arith.cmpi slt, %jit3A, %sign3A_732 : i32
        %sign3A_734 = arith.extui %sign3A_733 : i1 to i32
        %sign3A_735 = arith.subi %sign3A_731, %sign3A_734 : i32
        %ne3A = arith.cmpi ne, %sign3A_728, %sign3A_735 : i32
        %rem3A = arith.remsi %scan3A_721, %jit3A : i32
        %ne3A_736 = arith.constant 0 : i32
        %ne3A_737 = arith.cmpi ne, %rem3A, %ne3A_736 : i32
        %and3A = arith.andi %ne3A, %ne3A_737 : i1
        %sub3A = arith.constant 1 : i32
        %sub3A_738 = arith.subi %div3A, %sub3A : i32
        %select_n3A = arith.select %and3A, %sub3A_738, %div3A : i32
        %jit3A_739 = arith.constant 5 : i32
        %eq3A_740 = arith.constant 0 : i32
        %eq3A_741 = arith.cmpi eq, %jit3A_739, %eq3A_740 : i32
        %jit3A_742 = arith.constant 1 : i32
        %select_n3A_743 = arith.select %eq3A_741, %jit3A_742, %jit3A_739 : i32
        %rem3A_744 = arith.remsi %scan3A_721, %select_n3A_743 : i32
        %ne3A_745 = arith.constant 0 : i32
        %ne3A_746 = arith.cmpi ne, %rem3A_744, %ne3A_745 : i32
        %lt3A = arith.constant 0 : i32
        %lt3A_747 = arith.cmpi slt, %rem3A_744, %lt3A : i32
        %lt3A_748 = arith.constant 0 : i32
        %lt3A_749 = arith.cmpi slt, %select_n3A_743, %lt3A_748 : i32
        %ne3A_750 = arith.xori %lt3A_747, %lt3A_749 : i1
        %and3A_751 = arith.andi %ne3A_750, %ne3A_746 : i1
        %add3A_752 = arith.addi %rem3A_744, %select_n3A_743 : i32
        %select_n3A_753 = arith.select %and3A_751, %add3A_752, %rem3A_744 : i32
        %mul3A_754 = arith.constant 16 : i32
        %mul3A_755 = arith.muli %select_n3A_753, %mul3A_754 : i32
        %swap3A_756 = arith.index_cast %select_n3A : i32 to index
        %swap3A_757 = arith.index_cast %mul3A_755 : i32 to index
        %swap3A_758 = tpu.vector_load %arg29[%swap3A_756, %swap3A_757] {strides = array<i32>} : memref<64x80xf32, #tpu.memory_space<vmem>>, vector<1x16xf32>,
        %swap3A_759 = vector.shape_cast %swap3A_758 : vector<1x16xf32> to vector<16xf32>
        %swap3A_760 = vector.shape_cast %broadcast_in_dim3A_9 : vector<16xf32> to vector<1x16xf32>
        tpu.vector_store %arg29[%swap3A_756, %swap3A_757], %swap3A_760 {strides = array<i32>} : memref<64x80xf32, #tpu.memory_space<vmem>>, vector<1x16xf32>,
        %scan3A_761 = arith.constant 0 : i32
        scf.yield %scan3A_761 : i32
      }
      %scan3A_33 = arith.constant 320 : i32
      %add3A_34 = arith.constant 0 : i32
      %add3A_35 = arith.addi %mul3A_0, %add3A_34 : i32
      "tpu.region"() ({
        %run_scoped3A = tpu.sem_alloc : memref<!tpu.dma_semaphore, #tpu.memory_space<semaphore_mem>>
        %dma_start3A_721 = arith.constant 0 : i32
        %dma_start3A_722 = tpu.memref_slice %arg31[%add3A_35, %dma_start3A_721] : memref<16384x80xf32, #tpu.memory_space<vmem_shared>> -> memref<64x80xf32, #tpu.memory_space<vmem_shared>>
        %dma_start3A_723 = arith.constant 0 : i32
        %dma_start3A_724 = tpu.memref_slice %arg31[%add3A_35, %dma_start3A_723] : memref<16384x80xf32, #tpu.memory_space<vmem_shared>> -> memref<64x80xf32, #tpu.memory_space<vmem_shared>>
        tpu.enqueue_dma source(%arg29 : memref<64x80xf32, #tpu.memory_space<vmem>>) target(%dma_start3A_724 : memref<64x80xf32, #tpu.memory_space<vmem_shared>>) target_semaphore(%run_scoped3A : memref<!tpu.dma_semaphore, #tpu.memory_space<semaphore_mem>>)
        %dma_wait3A_725 = arith.constant 0 : i32
        %dma_wait3A_726 = tpu.memref_slice %arg31[%add3A_35, %dma_wait3A_725] : memref<16384x80xf32, #tpu.memory_space<vmem_shared>> -> memref<64x80xf32, #tpu.memory_space<vmem_shared>>
        %dma_wait3A_727 = arith.constant 0 : i32
        %dma_wait3A_728 = tpu.memref_slice %arg31[%add3A_35, %dma_wait3A_727] : memref<16384x80xf32, #tpu.memory_space<vmem_shared>> -> memref<64x80xf32, #tpu.memory_space<vmem_shared>>
        tpu.wait_dma2 semaphore(%run_scoped3A : memref<!tpu.dma_semaphore, #tpu.memory_space<semaphore_mem>>) src(%arg29 : memref<64x80xf32, #tpu.memory_space<vmem>>) dst(%dma_wait3A_728 : memref<64x80xf32, #tpu.memory_space<vmem_shared>>)
        tpu.yield
      }) : () -> ()
      %add3A_36 = arith.constant 64 : i32
      %add3A_37 = arith.addi %mul3A_0, %add3A_36 : i32
      "tpu.region"() ({
        %run_scoped3A = tpu.sem_alloc : memref<!tpu.dma_semaphore, #tpu.memory_space<semaphore_mem>>
        %dma_start3A_721 = arith.constant 0 : i32
        %dma_start3A_722 = tpu.memref_slice %arg31[%add3A_37, %dma_start3A_721] : memref<16384x80xf32, #tpu.memory_space<vmem_shared>> -> memref<64x80xf32, #tpu.memory_space<vmem_shared>>
        %dma_start3A_723 = arith.constant 0 : i32
        %dma_start3A_724 = tpu.memref_slice %arg31[%add3A_37, %dma_start3A_723] : memref<16384x80xf32, #tpu.memory_space<vmem_shared>> -> memref<64x80xf32, #tpu.memory_space<vmem_shared>>
        tpu.enqueue_dma source(%arg29 : memref<64x80xf32, #tpu.memory_space<vmem>>) target(%dma_start3A_724 : memref<64x80xf32, #tpu.memory_space<vmem_shared>>) target_semaphore(%run_scoped3A : memref<!tpu.dma_semaphore, #tpu.memory_space<semaphore_mem>>)
        %dma_wait3A_725 = arith.constant 0 : i32
        %dma_wait3A_726 = tpu.memref_slice %arg31[%add3A_37, %dma_wait3A_725] : memref<16384x80xf32, #tpu.memory_space<vmem_shared>> -> memref<64x80xf32, #tpu.memory_space<vmem_shared>>
        %dma_wait3A_727 = arith.constant 0 : i32
        %dma_wait3A_728 = tpu.memref_slice %arg31[%add3A_37, %dma_wait3A_727] : memref<16384x80xf32, #tpu.memory_space<vmem_shared>> -> memref<64x80xf32, #tpu.memory_space<vmem_shared>>
        tpu.wait_dma2 semaphore(%run_scoped3A : memref<!tpu.dma_semaphore, #tpu.memory_space<semaphore_mem>>) src(%arg29 : memref<64x80xf32, #tpu.memory_space<vmem>>) dst(%dma_wait3A_728 : memref<64x80xf32, #tpu.memory_space<vmem_shared>>)
        tpu.yield
      }) : () -> ()
      %add3A_38 = arith.constant 128 : i32
      %add3A_39 = arith.addi %mul3A_0, %add3A_38 : i32
      "tpu.region"() ({
        %run_scoped3A = tpu.sem_alloc : memref<!tpu.dma_semaphore, #tpu.memory_space<semaphore_mem>>
        %dma_start3A_721 = arith.constant 0 : i32
        %dma_start3A_722 = tpu.memref_slice %arg31[%add3A_39, %dma_start3A_721] : memref<16384x80xf32, #tpu.memory_space<vmem_shared>> -> memref<64x80xf32, #tpu.memory_space<vmem_shared>>
        %dma_start3A_723 = arith.constant 0 : i32
        %dma_start3A_724 = tpu.memref_slice %arg31[%add3A_39, %dma_start3A_723] : memref<16384x80xf32, #tpu.memory_space<vmem_shared>> -> memref<64x80xf32, #tpu.memory_space<vmem_shared>>
        tpu.enqueue_dma source(%arg29 : memref<64x80xf32, #tpu.memory_space<vmem>>) target(%dma_start3A_724 : memref<64x80xf32, #tpu.memory_space<vmem_shared>>) target_semaphore(%run_scoped3A : memref<!tpu.dma_semaphore, #tpu.memory_space<semaphore_mem>>)
        %dma_wait3A_725 = arith.constant 0 : i32
        %dma_wait3A_726 = tpu.memref_slice %arg31[%add3A_39, %dma_wait3A_725] : memref<16384x80xf32, #tpu.memory_space<vmem_shared>> -> memref<64x80xf32, #tpu.memory_space<vmem_shared>>
        %dma_wait3A_727 = arith.constant 0 : i32
        %dma_wait3A_728 = tpu.memref_slice %arg31[%add3A_39, %dma_wait3A_727] : memref<16384x80xf32, #tpu.memory_space<vmem_shared>> -> memref<64x80xf32, #tpu.memory_space<vmem_shared>>
        tpu.wait_dma2 semaphore(%run_scoped3A : memref<!tpu.dma_semaphore, #tpu.memory_space<semaphore_mem>>) src(%arg29 : memref<64x80xf32, #tpu.memory_space<vmem>>) dst(%dma_wait3A_728 : memref<64x80xf32, #tpu.memory_space<vmem_shared>>)
        tpu.yield
      }) : () -> ()
      %add3A_40 = arith.constant 192 : i32
      %add3A_41 = arith.addi %mul3A_0, %add3A_40 : i32
      "tpu.region"() ({
        %run_scoped3A = tpu.sem_alloc : memref<!tpu.dma_semaphore, #tpu.memory_space<semaphore_mem>>
        %dma_start3A_721 = arith.constant 0 : i32
        %dma_start3A_722 = tpu.memref_slice %arg31[%add3A_41, %dma_start3A_721] : memref<16384x80xf32, #tpu.memory_space<vmem_shared>> -> memref<64x80xf32, #tpu.memory_space<vmem_shared>>
        %dma_start3A_723 = arith.constant 0 : i32
        %dma_start3A_724 = tpu.memref_slice %arg31[%add3A_41, %dma_start3A_723] : memref<16384x80xf32, #tpu.memory_space<vmem_shared>> -> memref<64x80xf32, #tpu.memory_space<vmem_shared>>
        tpu.enqueue_dma source(%arg29 : memref<64x80xf32, #tpu.memory_space<vmem>>) target(%dma_start3A_724 : memref<64x80xf32, #tpu.memory_space<vmem_shared>>) target_semaphore(%run_scoped3A : memref<!tpu.dma_semaphore, #tpu.memory_space<semaphore_mem>>)
        %dma_wait3A_725 = arith.constant 0 : i32
        %dma_wait3A_726 = tpu.memref_slice %arg31[%add3A_41, %dma_wait3A_725] : memref<16384x80xf32, #tpu.memory_space<vmem_shared>> -> memref<64x80xf32, #tpu.memory_space<vmem_shared>>
        %dma_wait3A_727 = arith.constant 0 : i32
        %dma_wait3A_728 = tpu.memref_slice %arg31[%add3A_41, %dma_wait3A_727] : memref<16384x80xf32, #tpu.memory_space<vmem_shared>> -> memref<64x80xf32, #tpu.memory_space<vmem_shared>>
        tpu.wait_dma2 semaphore(%run_scoped3A : memref<!tpu.dma_semaphore, #tpu.memory_space<semaphore_mem>>) src(%arg29 : memref<64x80xf32, #tpu.memory_space<vmem>>) dst(%dma_wait3A_728 : memref<64x80xf32, #tpu.memory_space<vmem_shared>>)
        tpu.yield
      }) : () -> ()
      %add3A_42 = arith.constant 256 : i32
      %add3A_43 = arith.addi %mul3A_0, %add3A_42 : i32
      "tpu.region"() ({
        %run_scoped3A = tpu.sem_alloc : memref<!tpu.dma_semaphore, #tpu.memory_space<semaphore_mem>>
        %dma_start3A_721 = arith.constant 0 : i32
        %dma_start3A_722 = tpu.memref_slice %arg31[%add3A_43, %dma_start3A_721] : memref<16384x80xf32, #tpu.memory_space<vmem_shared>> -> memref<64x80xf32, #tpu.memory_space<vmem_shared>>
        %dma_start3A_723 = arith.constant 0 : i32
        %dma_start3A_724 = tpu.memref_slice %arg31[%add3A_43, %dma_start3A_723] : memref<16384x80xf32, #tpu.memory_space<vmem_shared>> -> memref<64x80xf32, #tpu.memory_space<vmem_shared>>
        tpu.enqueue_dma source(%arg29 : memref<64x80xf32, #tpu.memory_space<vmem>>) target(%dma_start3A_724 : memref<64x80xf32, #tpu.memory_space<vmem_shared>>) target_semaphore(%run_scoped3A : memref<!tpu.dma_semaphore, #tpu.memory_space<semaphore_mem>>)
        %dma_wait3A_725 = arith.constant 0 : i32
        %dma_wait3A_726 = tpu.memref_slice %arg31[%add3A_43, %dma_wait3A_725] : memref<16384x80xf32, #tpu.memory_space<vmem_shared>> -> memref<64x80xf32, #tpu.memory_space<vmem_shared>>
        %dma_wait3A_727 = arith.constant 0 : i32
        %dma_wait3A_728 = tpu.memref_slice %arg31[%add3A_43, %dma_wait3A_727] : memref<16384x80xf32, #tpu.memory_space<vmem_shared>> -> memref<64x80xf32, #tpu.memory_space<vmem_shared>>
        tpu.wait_dma2 semaphore(%run_scoped3A : memref<!tpu.dma_semaphore, #tpu.memory_space<semaphore_mem>>) src(%arg29 : memref<64x80xf32, #tpu.memory_space<vmem>>) dst(%dma_wait3A_728 : memref<64x80xf32, #tpu.memory_space<vmem_shared>>)
        tpu.yield
      }) : () -> ()
      %add3A_44 = arith.constant 320 : i32
      %add3A_45 = arith.addi %mul3A_0, %add3A_44 : i32
      "tpu.region"() ({
        %run_scoped3A = tpu.sem_alloc : memref<!tpu.dma_semaphore, #tpu.memory_space<semaphore_mem>>
        %dma_start3A_721 = arith.constant 0 : i32
        %dma_start3A_722 = tpu.memref_slice %arg31[%add3A_45, %dma_start3A_721] : memref<16384x80xf32, #tpu.memory_space<vmem_shared>> -> memref<64x80xf32, #tpu.memory_space<vmem_shared>>
        %dma_start3A_723 = arith.constant 0 : i32
        %dma_start3A_724 = tpu.memref_slice %arg31[%add3A_45, %dma_start3A_723] : memref<16384x80xf32, #tpu.memory_space<vmem_shared>> -> memref<64x80xf32, #tpu.memory_space<vmem_shared>>
        tpu.enqueue_dma source(%arg29 : memref<64x80xf32, #tpu.memory_space<vmem>>) target(%dma_start3A_724 : memref<64x80xf32, #tpu.memory_space<vmem_shared>>) target_semaphore(%run_scoped3A : memref<!tpu.dma_semaphore, #tpu.memory_space<semaphore_mem>>)
        %dma_wait3A_725 = arith.constant 0 : i32
        %dma_wait3A_726 = tpu.memref_slice %arg31[%add3A_45, %dma_wait3A_725] : memref<16384x80xf32, #tpu.memory_space<vmem_shared>> -> memref<64x80xf32, #tpu.memory_space<vmem_shared>>
        %dma_wait3A_727 = arith.constant 0 : i32
        %dma_wait3A_728 = tpu.memref_slice %arg31[%add3A_45, %dma_wait3A_727] : memref<16384x80xf32, #tpu.memory_space<vmem_shared>> -> memref<64x80xf32, #tpu.memory_space<vmem_shared>>
        tpu.wait_dma2 semaphore(%run_scoped3A : memref<!tpu.dma_semaphore, #tpu.memory_space<semaphore_mem>>) src(%arg29 : memref<64x80xf32, #tpu.memory_space<vmem>>) dst(%dma_wait3A_728 : memref<64x80xf32, #tpu.memory_space<vmem_shared>>)
        tpu.yield
      }) : () -> ()
      %add3A_46 = arith.constant 384 : i32
      %add3A_47 = arith.addi %mul3A_0, %add3A_46 : i32
      "tpu.region"() ({
        %run_scoped3A = tpu.sem_alloc : memref<!tpu.dma_semaphore, #tpu.memory_space<semaphore_mem>>
        %dma_start3A_721 = arith.constant 0 : i32
        %dma_start3A_722 = tpu.memref_slice %arg31[%add3A_47, %dma_start3A_721] : memref<16384x80xf32, #tpu.memory_space<vmem_shared>> -> memref<64x80xf32, #tpu.memory_space<vmem_shared>>
        %dma_start3A_723 = arith.constant 0 : i32
        %dma_start3A_724 = tpu.memref_slice %arg31[%add3A_47, %dma_start3A_723] : memref<16384x80xf32, #tpu.memory_space<vmem_shared>> -> memref<64x80xf32, #tpu.memory_space<vmem_shared>>
        tpu.enqueue_dma source(%arg29 : memref<64x80xf32, #tpu.memory_space<vmem>>) target(%dma_start3A_724 : memref<64x80xf32, #tpu.memory_space<vmem_shared>>) target_semaphore(%run_scoped3A : memref<!tpu.dma_semaphore, #tpu.memory_space<semaphore_mem>>)
        %dma_wait3A_725 = arith.constant 0 : i32
        %dma_wait3A_726 = tpu.memref_slice %arg31[%add3A_47, %dma_wait3A_725] : memref<16384x80xf32, #tpu.memory_space<vmem_shared>> -> memref<64x80xf32, #tpu.memory_space<vmem_shared>>
        %dma_wait3A_727 = arith.constant 0 : i32
        %dma_wait3A_728 = tpu.memref_slice %arg31[%add3A_47, %dma_wait3A_727] : memref<16384x80xf32, #tpu.memory_space<vmem_shared>> -> memref<64x80xf32, #tpu.memory_space<vmem_shared>>
        tpu.wait_dma2 semaphore(%run_scoped3A : memref<!tpu.dma_semaphore, #tpu.memory_space<semaphore_mem>>) src(%arg29 : memref<64x80xf32, #tpu.memory_space<vmem>>) dst(%dma_wait3A_728 : memref<64x80xf32, #tpu.memory_space<vmem_shared>>)
        tpu.yield
      }) : () -> ()
      %add3A_48 = arith.constant 448 : i32
      %add3A_49 = arith.addi %mul3A_0, %add3A_48 : i32
      "tpu.region"() ({
        %run_scoped3A = tpu.sem_alloc : memref<!tpu.dma_semaphore, #tpu.memory_space<semaphore_mem>>
        %dma_start3A_721 = arith.constant 0 : i32
        %dma_start3A_722 = tpu.memref_slice %arg31[%add3A_49, %dma_start3A_721] : memref<16384x80xf32, #tpu.memory_space<vmem_shared>> -> memref<64x80xf32, #tpu.memory_space<vmem_shared>>
        %dma_start3A_723 = arith.constant 0 : i32
        %dma_start3A_724 = tpu.memref_slice %arg31[%add3A_49, %dma_start3A_723] : memref<16384x80xf32, #tpu.memory_space<vmem_shared>> -> memref<64x80xf32, #tpu.memory_space<vmem_shared>>
        tpu.enqueue_dma source(%arg29 : memref<64x80xf32, #tpu.memory_space<vmem>>) target(%dma_start3A_724 : memref<64x80xf32, #tpu.memory_space<vmem_shared>>) target_semaphore(%run_scoped3A : memref<!tpu.dma_semaphore, #tpu.memory_space<semaphore_mem>>)
        %dma_wait3A_725 = arith.constant 0 : i32
        %dma_wait3A_726 = tpu.memref_slice %arg31[%add3A_49, %dma_wait3A_725] : memref<16384x80xf32, #tpu.memory_space<vmem_shared>> -> memref<64x80xf32, #tpu.memory_space<vmem_shared>>
        %dma_wait3A_727 = arith.constant 0 : i32
        %dma_wait3A_728 = tpu.memref_slice %arg31[%add3A_49, %dma_wait3A_727] : memref<16384x80xf32, #tpu.memory_space<vmem_shared>> -> memref<64x80xf32, #tpu.memory_space<vmem_shared>>
        tpu.wait_dma2 semaphore(%run_scoped3A : memref<!tpu.dma_semaphore, #tpu.memory_space<semaphore_mem>>) src(%arg29 : memref<64x80xf32, #tpu.memory_space<vmem>>) dst(%dma_wait3A_728 : memref<64x80xf32, #tpu.memory_space<vmem_shared>>)
        tpu.yield
      }) : () -> ()
      %add3A_50 = arith.constant 512 : i32
      %add3A_51 = arith.addi %mul3A_0, %add3A_50 : i32
      "tpu.region"() ({
        %run_scoped3A = tpu.sem_alloc : memref<!tpu.dma_semaphore, #tpu.memory_space<semaphore_mem>>
        %dma_start3A_721 = arith.constant 0 : i32
        %dma_start3A_722 = tpu.memref_slice %arg31[%add3A_51, %dma_start3A_721] : memref<16384x80xf32, #tpu.memory_space<vmem_shared>> -> memref<64x80xf32, #tpu.memory_space<vmem_shared>>
        %dma_start3A_723 = arith.constant 0 : i32
        %dma_start3A_724 = tpu.memref_slice %arg31[%add3A_51, %dma_start3A_723] : memref<16384x80xf32, #tpu.memory_space<vmem_shared>> -> memref<64x80xf32, #tpu.memory_space<vmem_shared>>
        tpu.enqueue_dma source(%arg29 : memref<64x80xf32, #tpu.memory_space<vmem>>) target(%dma_start3A_724 : memref<64x80xf32, #tpu.memory_space<vmem_shared>>) target_semaphore(%run_scoped3A : memref<!tpu.dma_semaphore, #tpu.memory_space<semaphore_mem>>)
        %dma_wait3A_725 = arith.constant 0 : i32
        %dma_wait3A_726 = tpu.memref_slice %arg31[%add3A_51, %dma_wait3A_725] : memref<16384x80xf32, #tpu.memory_space<vmem_shared>> -> memref<64x80xf32, #tpu.memory_space<vmem_shared>>
        %dma_wait3A_727 = arith.constant 0 : i32
        %dma_wait3A_728 = tpu.memref_slice %arg31[%add3A_51, %dma_wait3A_727] : memref<16384x80xf32, #tpu.memory_space<vmem_shared>> -> memref<64x80xf32, #tpu.memory_space<vmem_shared>>
        tpu.wait_dma2 semaphore(%run_scoped3A : memref<!tpu.dma_semaphore, #tpu.memory_space<semaphore_mem>>) src(%arg29 : memref<64x80xf32, #tpu.memory_space<vmem>>) dst(%dma_wait3A_728 : memref<64x80xf32, #tpu.memory_space<vmem_shared>>)
        tpu.yield
      }) : () -> ()
      %add3A_52 = arith.constant 576 : i32
      %add3A_53 = arith.addi %mul3A_0, %add3A_52 : i32
      "tpu.region"() ({
        %run_scoped3A = tpu.sem_alloc : memref<!tpu.dma_semaphore, #tpu.memory_space<semaphore_mem>>
        %dma_start3A_721 = arith.constant 0 : i32
        %dma_start3A_722 = tpu.memref_slice %arg31[%add3A_53, %dma_start3A_721] : memref<16384x80xf32, #tpu.memory_space<vmem_shared>> -> memref<64x80xf32, #tpu.memory_space<vmem_shared>>
        %dma_start3A_723 = arith.constant 0 : i32
        %dma_start3A_724 = tpu.memref_slice %arg31[%add3A_53, %dma_start3A_723] : memref<16384x80xf32, #tpu.memory_space<vmem_shared>> -> memref<64x80xf32, #tpu.memory_space<vmem_shared>>
        tpu.enqueue_dma source(%arg29 : memref<64x80xf32, #tpu.memory_space<vmem>>) target(%dma_start3A_724 : memref<64x80xf32, #tpu.memory_space<vmem_shared>>) target_semaphore(%run_scoped3A : memref<!tpu.dma_semaphore, #tpu.memory_space<semaphore_mem>>)
        %dma_wait3A_725 = arith.constant 0 : i32
        %dma_wait3A_726 = tpu.memref_slice %arg31[%add3A_53, %dma_wait3A_725] : memref<16384x80xf32, #tpu.memory_space<vmem_shared>> -> memref<64x80xf32, #tpu.memory_space<vmem_shared>>
        %dma_wait3A_727 = arith.constant 0 : i32
        %dma_wait3A_728 = tpu.memref_slice %arg31[%add3A_53, %dma_wait3A_727] : memref<16384x80xf32, #tpu.memory_space<vmem_shared>> -> memref<64x80xf32, #tpu.memory_space<vmem_shared>>
        tpu.wait_dma2 semaphore(%run_scoped3A : memref<!tpu.dma_semaphore, #tpu.memory_space<semaphore_mem>>) src(%arg29 : memref<64x80xf32, #tpu.memory_space<vmem>>) dst(%dma_wait3A_728 : memref<64x80xf32, #tpu.memory_space<vmem_shared>>)
        tpu.yield
      }) : () -> ()
      %add3A_54 = arith.constant 640 : i32
      %add3A_55 = arith.addi %mul3A_0, %add3A_54 : i32
      "tpu.region"() ({
        %run_scoped3A = tpu.sem_alloc : memref<!tpu.dma_semaphore, #tpu.memory_space<semaphore_mem>>
        %dma_start3A_721 = arith.constant 0 : i32
        %dma_start3A_722 = tpu.memref_slice %arg31[%add3A_55, %dma_start3A_721] : memref<16384x80xf32, #tpu.memory_space<vmem_shared>> -> memref<64x80xf32, #tpu.memory_space<vmem_shared>>
        %dma_start3A_723 = arith.constant 0 : i32
        %dma_start3A_724 = tpu.memref_slice %arg31[%add3A_55, %dma_start3A_723] : memref<16384x80xf32, #tpu.memory_space<vmem_shared>> -> memref<64x80xf32, #tpu.memory_space<vmem_shared>>
        tpu.enqueue_dma source(%arg29 : memref<64x80xf32, #tpu.memory_space<vmem>>) target(%dma_start3A_724 : memref<64x80xf32, #tpu.memory_space<vmem_shared>>) target_semaphore(%run_scoped3A : memref<!tpu.dma_semaphore, #tpu.memory_space<semaphore_mem>>)
        %dma_wait3A_725 = arith.constant 0 : i32
        %dma_wait3A_726 = tpu.memref_slice %arg31[%add3A_55, %dma_wait3A_725] : memref<16384x80xf32, #tpu.memory_space<vmem_shared>> -> memref<64x80xf32, #tpu.memory_space<vmem_shared>>
        %dma_wait3A_727 = arith.constant 0 : i32
        %dma_wait3A_728 = tpu.memref_slice %arg31[%add3A_55, %dma_wait3A_727] : memref<16384x80xf32, #tpu.memory_space<vmem_shared>> -> memref<64x80xf32, #tpu.memory_space<vmem_shared>>
        tpu.wait_dma2 semaphore(%run_scoped3A : memref<!tpu.dma_semaphore, #tpu.memory_space<semaphore_mem>>) src(%arg29 : memref<64x80xf32, #tpu.memory_space<vmem>>) dst(%dma_wait3A_728 : memref<64x80xf32, #tpu.memory_space<vmem_shared>>)
        tpu.yield
      }) : () -> ()
      %add3A_56 = arith.constant 704 : i32
      %add3A_57 = arith.addi %mul3A_0, %add3A_56 : i32
      "tpu.region"() ({
        %run_scoped3A = tpu.sem_alloc : memref<!tpu.dma_semaphore, #tpu.memory_space<semaphore_mem>>
        %dma_start3A_721 = arith.constant 0 : i32
        %dma_start3A_722 = tpu.memref_slice %arg31[%add3A_57, %dma_start3A_721] : memref<16384x80xf32, #tpu.memory_space<vmem_shared>> -> memref<64x80xf32, #tpu.memory_space<vmem_shared>>
        %dma_start3A_723 = arith.constant 0 : i32
        %dma_start3A_724 = tpu.memref_slice %arg31[%add3A_57, %dma_start3A_723] : memref<16384x80xf32, #tpu.memory_space<vmem_shared>> -> memref<64x80xf32, #tpu.memory_space<vmem_shared>>
        tpu.enqueue_dma source(%arg29 : memref<64x80xf32, #tpu.memory_space<vmem>>) target(%dma_start3A_724 : memref<64x80xf32, #tpu.memory_space<vmem_shared>>) target_semaphore(%run_scoped3A : memref<!tpu.dma_semaphore, #tpu.memory_space<semaphore_mem>>)
        %dma_wait3A_725 = arith.constant 0 : i32
        %dma_wait3A_726 = tpu.memref_slice %arg31[%add3A_57, %dma_wait3A_725] : memref<16384x80xf32, #tpu.memory_space<vmem_shared>> -> memref<64x80xf32, #tpu.memory_space<vmem_shared>>
        %dma_wait3A_727 = arith.constant 0 : i32
        %dma_wait3A_728 = tpu.memref_slice %arg31[%add3A_57, %dma_wait3A_727] : memref<16384x80xf32, #tpu.memory_space<vmem_shared>> -> memref<64x80xf32, #tpu.memory_space<vmem_shared>>
        tpu.wait_dma2 semaphore(%run_scoped3A : memref<!tpu.dma_semaphore, #tpu.memory_space<semaphore_mem>>) src(%arg29 : memref<64x80xf32, #tpu.memory_space<vmem>>) dst(%dma_wait3A_728 : memref<64x80xf32, #tpu.memory_space<vmem_shared>>)
        tpu.yield
      }) : () -> ()
      %add3A_58 = arith.constant 768 : i32
      %add3A_59 = arith.addi %mul3A_0, %add3A_58 : i32
      "tpu.region"() ({
        %run_scoped3A = tpu.sem_alloc : memref<!tpu.dma_semaphore, #tpu.memory_space<semaphore_mem>>
        %dma_start3A_721 = arith.constant 0 : i32
        %dma_start3A_722 = tpu.memref_slice %arg31[%add3A_59, %dma_start3A_721] : memref<16384x80xf32, #tpu.memory_space<vmem_shared>> -> memref<64x80xf32, #tpu.memory_space<vmem_shared>>
        %dma_start3A_723 = arith.constant 0 : i32
        %dma_start3A_724 = tpu.memref_slice %arg31[%add3A_59, %dma_start3A_723] : memref<16384x80xf32, #tpu.memory_space<vmem_shared>> -> memref<64x80xf32, #tpu.memory_space<vmem_shared>>
        tpu.enqueue_dma source(%arg29 : memref<64x80xf32, #tpu.memory_space<vmem>>) target(%dma_start3A_724 : memref<64x80xf32, #tpu.memory_space<vmem_shared>>) target_semaphore(%run_scoped3A : memref<!tpu.dma_semaphore, #tpu.memory_space<semaphore_mem>>)
        %dma_wait3A_725 = arith.constant 0 : i32
        %dma_wait3A_726 = tpu.memref_slice %arg31[%add3A_59, %dma_wait3A_725] : memref<16384x80xf32, #tpu.memory_space<vmem_shared>> -> memref<64x80xf32, #tpu.memory_space<vmem_shared>>
        %dma_wait3A_727 = arith.constant 0 : i32
        %dma_wait3A_728 = tpu.memref_slice %arg31[%add3A_59, %dma_wait3A_727] : memref<16384x80xf32, #tpu.memory_space<vmem_shared>> -> memref<64x80xf32, #tpu.memory_space<vmem_shared>>
        tpu.wait_dma2 semaphore(%run_scoped3A : memref<!tpu.dma_semaphore, #tpu.memory_space<semaphore_mem>>) src(%arg29 : memref<64x80xf32, #tpu.memory_space<vmem>>) dst(%dma_wait3A_728 : memref<64x80xf32, #tpu.memory_space<vmem_shared>>)
        tpu.yield
      }) : () -> ()
      %add3A_60 = arith.constant 832 : i32
      %add3A_61 = arith.addi %mul3A_0, %add3A_60 : i32
      "tpu.region"() ({
        %run_scoped3A = tpu.sem_alloc : memref<!tpu.dma_semaphore, #tpu.memory_space<semaphore_mem>>
        %dma_start3A_721 = arith.constant 0 : i32
        %dma_start3A_722 = tpu.memref_slice %arg31[%add3A_61, %dma_start3A_721] : memref<16384x80xf32, #tpu.memory_space<vmem_shared>> -> memref<64x80xf32, #tpu.memory_space<vmem_shared>>
        %dma_start3A_723 = arith.constant 0 : i32
        %dma_start3A_724 = tpu.memref_slice %arg31[%add3A_61, %dma_start3A_723] : memref<16384x80xf32, #tpu.memory_space<vmem_shared>> -> memref<64x80xf32, #tpu.memory_space<vmem_shared>>
        tpu.enqueue_dma source(%arg29 : memref<64x80xf32, #tpu.memory_space<vmem>>) target(%dma_start3A_724 : memref<64x80xf32, #tpu.memory_space<vmem_shared>>) target_semaphore(%run_scoped3A : memref<!tpu.dma_semaphore, #tpu.memory_space<semaphore_mem>>)
        %dma_wait3A_725 = arith.constant 0 : i32
        %dma_wait3A_726 = tpu.memref_slice %arg31[%add3A_61, %dma_wait3A_725] : memref<16384x80xf32, #tpu.memory_space<vmem_shared>> -> memref<64x80xf32, #tpu.memory_space<vmem_shared>>
        %dma_wait3A_727 = arith.constant 0 : i32
        %dma_wait3A_728 = tpu.memref_slice %arg31[%add3A_61, %dma_wait3A_727] : memref<16384x80xf32, #tpu.memory_space<vmem_shared>> -> memref<64x80xf32, #tpu.memory_space<vmem_shared>>
        tpu.wait_dma2 semaphore(%run_scoped3A : memref<!tpu.dma_semaphore, #tpu.memory_space<semaphore_mem>>) src(%arg29 : memref<64x80xf32, #tpu.memory_space<vmem>>) dst(%dma_wait3A_728 : memref<64x80xf32, #tpu.memory_space<vmem_shared>>)
        tpu.yield
      }) : () -> ()
      %add3A_62 = arith.constant 896 : i32
      %add3A_63 = arith.addi %mul3A_0, %add3A_62 : i32
      "tpu.region"() ({
        %run_scoped3A = tpu.sem_alloc : memref<!tpu.dma_semaphore, #tpu.memory_space<semaphore_mem>>
        %dma_start3A_721 = arith.constant 0 : i32
        %dma_start3A_722 = tpu.memref_slice %arg31[%add3A_63, %dma_start3A_721] : memref<16384x80xf32, #tpu.memory_space<vmem_shared>> -> memref<64x80xf32, #tpu.memory_space<vmem_shared>>
        %dma_start3A_723 = arith.constant 0 : i32
        %dma_start3A_724 = tpu.memref_slice %arg31[%add3A_63, %dma_start3A_723] : memref<16384x80xf32, #tpu.memory_space<vmem_shared>> -> memref<64x80xf32, #tpu.memory_space<vmem_shared>>
        tpu.enqueue_dma source(%arg29 : memref<64x80xf32, #tpu.memory_space<vmem>>) target(%dma_start3A_724 : memref<64x80xf32, #tpu.memory_space<vmem_shared>>) target_semaphore(%run_scoped3A : memref<!tpu.dma_semaphore, #tpu.memory_space<semaphore_mem>>)
        %dma_wait3A_725 = arith.constant 0 : i32
        %dma_wait3A_726 = tpu.memref_slice %arg31[%add3A_63, %dma_wait3A_725] : memref<16384x80xf32, #tpu.memory_space<vmem_shared>> -> memref<64x80xf32, #tpu.memory_space<vmem_shared>>
        %dma_wait3A_727 = arith.constant 0 : i32
        %dma_wait3A_728 = tpu.memref_slice %arg31[%add3A_63, %dma_wait3A_727] : memref<16384x80xf32, #tpu.memory_space<vmem_shared>> -> memref<64x80xf32, #tpu.memory_space<vmem_shared>>
        tpu.wait_dma2 semaphore(%run_scoped3A : memref<!tpu.dma_semaphore, #tpu.memory_space<semaphore_mem>>) src(%arg29 : memref<64x80xf32, #tpu.memory_space<vmem>>) dst(%dma_wait3A_728 : memref<64x80xf32, #tpu.memory_space<vmem_shared>>)
        tpu.yield
      }) : () -> ()
      %add3A_64 = arith.constant 960 : i32
      %add3A_65 = arith.addi %mul3A_0, %add3A_64 : i32
      "tpu.region"() ({
        %run_scoped3A = tpu.sem_alloc : memref<!tpu.dma_semaphore, #tpu.memory_space<semaphore_mem>>
        %dma_start3A_721 = arith.constant 0 : i32
        %dma_start3A_722 = tpu.memref_slice %arg31[%add3A_65, %dma_start3A_721] : memref<16384x80xf32, #tpu.memory_space<vmem_shared>> -> memref<64x80xf32, #tpu.memory_space<vmem_shared>>
        %dma_start3A_723 = arith.constant 0 : i32
        %dma_start3A_724 = tpu.memref_slice %arg31[%add3A_65, %dma_start3A_723] : memref<16384x80xf32, #tpu.memory_space<vmem_shared>> -> memref<64x80xf32, #tpu.memory_space<vmem_shared>>
        tpu.enqueue_dma source(%arg29 : memref<64x80xf32, #tpu.memory_space<vmem>>) target(%dma_start3A_724 : memref<64x80xf32, #tpu.memory_space<vmem_shared>>) target_semaphore(%run_scoped3A : memref<!tpu.dma_semaphore, #tpu.memory_space<semaphore_mem>>)
        %dma_wait3A_725 = arith.constant 0 : i32
        %dma_wait3A_726 = tpu.memref_slice %arg31[%add3A_65, %dma_wait3A_725] : memref<16384x80xf32, #tpu.memory_space<vmem_shared>> -> memref<64x80xf32, #tpu.memory_space<vmem_shared>>
        %dma_wait3A_727 = arith.constant 0 : i32
        %dma_wait3A_728 = tpu.memref_slice %arg31[%add3A_65, %dma_wait3A_727] : memref<16384x80xf32, #tpu.memory_space<vmem_shared>> -> memref<64x80xf32, #tpu.memory_space<vmem_shared>>
        tpu.wait_dma2 semaphore(%run_scoped3A : memref<!tpu.dma_semaphore, #tpu.memory_space<semaphore_mem>>) src(%arg29 : memref<64x80xf32, #tpu.memory_space<vmem>>) dst(%dma_wait3A_728 : memref<64x80xf32, #tpu.memory_space<vmem_shared>>)
        tpu.yield
      }) : () -> ()
      %add3A_66 = arith.constant 0 : i32
      %add3A_67 = arith.addi %mul3A_0, %add3A_66 : i32
      "tpu.region"() ({
        %run_scoped3A = tpu.sem_alloc : memref<!tpu.dma_semaphore, #tpu.memory_space<semaphore_mem>>
        %dma_start3A_721 = tpu.memref_slice %arg3[%add3A_67] : memref<16384xi32, #tpu.memory_space<hbm>> -> memref<128xi32, #tpu.memory_space<hbm>>
        %dma_start3A_722 = tpu.memref_slice %arg3[%add3A_67] : memref<16384xi32, #tpu.memory_space<hbm>> -> memref<128xi32, #tpu.memory_space<hbm>>
        tpu.enqueue_dma source(%dma_start3A_722 : memref<128xi32, #tpu.memory_space<hbm>>) target(%arg7 : memref<128xi32, #tpu.memory_space<vmem>>) target_semaphore(%run_scoped3A : memref<!tpu.dma_semaphore, #tpu.memory_space<semaphore_mem>>)
        %dma_wait3A_723 = tpu.memref_slice %arg3[%add3A_67] : memref<16384xi32, #tpu.memory_space<hbm>> -> memref<128xi32, #tpu.memory_space<hbm>>
        %dma_wait3A_724 = tpu.memref_slice %arg3[%add3A_67] : memref<16384xi32, #tpu.memory_space<hbm>> -> memref<128xi32, #tpu.memory_space<hbm>>
        tpu.wait_dma2 semaphore(%run_scoped3A : memref<!tpu.dma_semaphore, #tpu.memory_space<semaphore_mem>>) src(%dma_wait3A_724 : memref<128xi32, #tpu.memory_space<hbm>>) dst(%arg7 : memref<128xi32, #tpu.memory_space<vmem>>)
        tpu.yield
      }) : () -> ()
      %add3A_68 = arith.constant 128 : i32
      %add3A_69 = arith.addi %mul3A_0, %add3A_68 : i32
      "tpu.region"() ({
        %run_scoped3A = tpu.sem_alloc : memref<!tpu.dma_semaphore, #tpu.memory_space<semaphore_mem>>
        %dma_start3A_721 = tpu.memref_slice %arg3[%add3A_69] : memref<16384xi32, #tpu.memory_space<hbm>> -> memref<128xi32, #tpu.memory_space<hbm>>
        %dma_start3A_722 = tpu.memref_slice %arg3[%add3A_69] : memref<16384xi32, #tpu.memory_space<hbm>> -> memref<128xi32, #tpu.memory_space<hbm>>
        tpu.enqueue_dma source(%dma_start3A_722 : memref<128xi32, #tpu.memory_space<hbm>>) target(%arg8 : memref<128xi32, #tpu.memory_space<vmem>>) target_semaphore(%run_scoped3A : memref<!tpu.dma_semaphore, #tpu.memory_space<semaphore_mem>>)
        %dma_wait3A_723 = tpu.memref_slice %arg3[%add3A_69] : memref<16384xi32, #tpu.memory_space<hbm>> -> memref<128xi32, #tpu.memory_space<hbm>>
        %dma_wait3A_724 = tpu.memref_slice %arg3[%add3A_69] : memref<16384xi32, #tpu.memory_space<hbm>> -> memref<128xi32, #tpu.memory_space<hbm>>
        tpu.wait_dma2 semaphore(%run_scoped3A : memref<!tpu.dma_semaphore, #tpu.memory_space<semaphore_mem>>) src(%dma_wait3A_724 : memref<128xi32, #tpu.memory_space<hbm>>) dst(%arg8 : memref<128xi32, #tpu.memory_space<vmem>>)
        tpu.yield
      }) : () -> ()
      %add3A_70 = arith.constant 256 : i32
      %add3A_71 = arith.addi %mul3A_0, %add3A_70 : i32
      "tpu.region"() ({
        %run_scoped3A = tpu.sem_alloc : memref<!tpu.dma_semaphore, #tpu.memory_space<semaphore_mem>>
        %dma_start3A_721 = tpu.memref_slice %arg3[%add3A_71] : memref<16384xi32, #tpu.memory_space<hbm>> -> memref<128xi32, #tpu.memory_space<hbm>>
        %dma_start3A_722 = tpu.memref_slice %arg3[%add3A_71] : memref<16384xi32, #tpu.memory_space<hbm>> -> memref<128xi32, #tpu.memory_space<hbm>>
        tpu.enqueue_dma source(%dma_start3A_722 : memref<128xi32, #tpu.memory_space<hbm>>) target(%arg9 : memref<128xi32, #tpu.memory_space<vmem>>) target_semaphore(%run_scoped3A : memref<!tpu.dma_semaphore, #tpu.memory_space<semaphore_mem>>)
        %dma_wait3A_723 = tpu.memref_slice %arg3[%add3A_71] : memref<16384xi32, #tpu.memory_space<hbm>> -> memref<128xi32, #tpu.memory_space<hbm>>
        %dma_wait3A_724 = tpu.memref_slice %arg3[%add3A_71] : memref<16384xi32, #tpu.memory_space<hbm>> -> memref<128xi32, #tpu.memory_space<hbm>>
        tpu.wait_dma2 semaphore(%run_scoped3A : memref<!tpu.dma_semaphore, #tpu.memory_space<semaphore_mem>>) src(%dma_wait3A_724 : memref<128xi32, #tpu.memory_space<hbm>>) dst(%arg9 : memref<128xi32, #tpu.memory_space<vmem>>)
        tpu.yield
      }) : () -> ()
      %add3A_72 = arith.constant 384 : i32
      %add3A_73 = arith.addi %mul3A_0, %add3A_72 : i32
      "tpu.region"() ({
        %run_scoped3A = tpu.sem_alloc : memref<!tpu.dma_semaphore, #tpu.memory_space<semaphore_mem>>
        %dma_start3A_721 = tpu.memref_slice %arg3[%add3A_73] : memref<16384xi32, #tpu.memory_space<hbm>> -> memref<128xi32, #tpu.memory_space<hbm>>
        %dma_start3A_722 = tpu.memref_slice %arg3[%add3A_73] : memref<16384xi32, #tpu.memory_space<hbm>> -> memref<128xi32, #tpu.memory_space<hbm>>
        tpu.enqueue_dma source(%dma_start3A_722 : memref<128xi32, #tpu.memory_space<hbm>>) target(%arg10 : memref<128xi32, #tpu.memory_space<vmem>>) target_semaphore(%run_scoped3A : memref<!tpu.dma_semaphore, #tpu.memory_space<semaphore_mem>>)
        %dma_wait3A_723 = tpu.memref_slice %arg3[%add3A_73] : memref<16384xi32, #tpu.memory_space<hbm>> -> memref<128xi32, #tpu.memory_space<hbm>>
        %dma_wait3A_724 = tpu.memref_slice %arg3[%add3A_73] : memref<16384xi32, #tpu.memory_space<hbm>> -> memref<128xi32, #tpu.memory_space<hbm>>
        tpu.wait_dma2 semaphore(%run_scoped3A : memref<!tpu.dma_semaphore, #tpu.memory_space<semaphore_mem>>) src(%dma_wait3A_724 : memref<128xi32, #tpu.memory_space<hbm>>) dst(%arg10 : memref<128xi32, #tpu.memory_space<vmem>>)
        tpu.yield
      }) : () -> ()
      %add3A_74 = arith.constant 512 : i32
      %add3A_75 = arith.addi %mul3A_0, %add3A_74 : i32
      "tpu.region"() ({
        %run_scoped3A = tpu.sem_alloc : memref<!tpu.dma_semaphore, #tpu.memory_space<semaphore_mem>>
        %dma_start3A_721 = tpu.memref_slice %arg3[%add3A_75] : memref<16384xi32, #tpu.memory_space<hbm>> -> memref<128xi32, #tpu.memory_space<hbm>>
        %dma_start3A_722 = tpu.memref_slice %arg3[%add3A_75] : memref<16384xi32, #tpu.memory_space<hbm>> -> memref<128xi32, #tpu.memory_space<hbm>>
        tpu.enqueue_dma source(%dma_start3A_722 : memref<128xi32, #tpu.memory_space<hbm>>) target(%arg11 : memref<128xi32, #tpu.memory_space<vmem>>) target_semaphore(%run_scoped3A : memref<!tpu.dma_semaphore, #tpu.memory_space<semaphore_mem>>)
        %dma_wait3A_723 = tpu.memref_slice %arg3[%add3A_75] : memref<16384xi32, #tpu.memory_space<hbm>> -> memref<128xi32, #tpu.memory_space<hbm>>
        %dma_wait3A_724 = tpu.memref_slice %arg3[%add3A_75] : memref<16384xi32, #tpu.memory_space<hbm>> -> memref<128xi32, #tpu.memory_space<hbm>>
        tpu.wait_dma2 semaphore(%run_scoped3A : memref<!tpu.dma_semaphore, #tpu.memory_space<semaphore_mem>>) src(%dma_wait3A_724 : memref<128xi32, #tpu.memory_space<hbm>>) dst(%arg11 : memref<128xi32, #tpu.memory_space<vmem>>)
        tpu.yield
      }) : () -> ()
      %add3A_76 = arith.constant 640 : i32
      %add3A_77 = arith.addi %mul3A_0, %add3A_76 : i32
      "tpu.region"() ({
        %run_scoped3A = tpu.sem_alloc : memref<!tpu.dma_semaphore, #tpu.memory_space<semaphore_mem>>
        %dma_start3A_721 = tpu.memref_slice %arg3[%add3A_77] : memref<16384xi32, #tpu.memory_space<hbm>> -> memref<128xi32, #tpu.memory_space<hbm>>
        %dma_start3A_722 = tpu.memref_slice %arg3[%add3A_77] : memref<16384xi32, #tpu.memory_space<hbm>> -> memref<128xi32, #tpu.memory_space<hbm>>
        tpu.enqueue_dma source(%dma_start3A_722 : memref<128xi32, #tpu.memory_space<hbm>>) target(%arg12 : memref<128xi32, #tpu.memory_space<vmem>>) target_semaphore(%run_scoped3A : memref<!tpu.dma_semaphore, #tpu.memory_space<semaphore_mem>>)
        %dma_wait3A_723 = tpu.memref_slice %arg3[%add3A_77] : memref<16384xi32, #tpu.memory_space<hbm>> -> memref<128xi32, #tpu.memory_space<hbm>>
        %dma_wait3A_724 = tpu.memref_slice %arg3[%add3A_77] : memref<16384xi32, #tpu.memory_space<hbm>> -> memref<128xi32, #tpu.memory_space<hbm>>
        tpu.wait_dma2 semaphore(%run_scoped3A : memref<!tpu.dma_semaphore, #tpu.memory_space<semaphore_mem>>) src(%dma_wait3A_724 : memref<128xi32, #tpu.memory_space<hbm>>) dst(%arg12 : memref<128xi32, #tpu.memory_space<vmem>>)
        tpu.yield
      }) : () -> ()
      %add3A_78 = arith.constant 768 : i32
      %add3A_79 = arith.addi %mul3A_0, %add3A_78 : i32
      "tpu.region"() ({
        %run_scoped3A = tpu.sem_alloc : memref<!tpu.dma_semaphore, #tpu.memory_space<semaphore_mem>>
        %dma_start3A_721 = tpu.memref_slice %arg3[%add3A_79] : memref<16384xi32, #tpu.memory_space<hbm>> -> memref<128xi32, #tpu.memory_space<hbm>>
        %dma_start3A_722 = tpu.memref_slice %arg3[%add3A_79] : memref<16384xi32, #tpu.memory_space<hbm>> -> memref<128xi32, #tpu.memory_space<hbm>>
        tpu.enqueue_dma source(%dma_start3A_722 : memref<128xi32, #tpu.memory_space<hbm>>) target(%arg13 : memref<128xi32, #tpu.memory_space<vmem>>) target_semaphore(%run_scoped3A : memref<!tpu.dma_semaphore, #tpu.memory_space<semaphore_mem>>)
        %dma_wait3A_723 = tpu.memref_slice %arg3[%add3A_79] : memref<16384xi32, #tpu.memory_space<hbm>> -> memref<128xi32, #tpu.memory_space<hbm>>
        %dma_wait3A_724 = tpu.memref_slice %arg3[%add3A_79] : memref<16384xi32, #tpu.memory_space<hbm>> -> memref<128xi32, #tpu.memory_space<hbm>>
        tpu.wait_dma2 semaphore(%run_scoped3A : memref<!tpu.dma_semaphore, #tpu.memory_space<semaphore_mem>>) src(%dma_wait3A_724 : memref<128xi32, #tpu.memory_space<hbm>>) dst(%arg13 : memref<128xi32, #tpu.memory_space<vmem>>)
        tpu.yield
      }) : () -> ()
      %add3A_80 = arith.constant 896 : i32
      %add3A_81 = arith.addi %mul3A_0, %add3A_80 : i32
      "tpu.region"() ({
        %run_scoped3A = tpu.sem_alloc : memref<!tpu.dma_semaphore, #tpu.memory_space<semaphore_mem>>
        %dma_start3A_721 = tpu.memref_slice %arg3[%add3A_81] : memref<16384xi32, #tpu.memory_space<hbm>> -> memref<128xi32, #tpu.memory_space<hbm>>
        %dma_start3A_722 = tpu.memref_slice %arg3[%add3A_81] : memref<16384xi32, #tpu.memory_space<hbm>> -> memref<128xi32, #tpu.memory_space<hbm>>
        tpu.enqueue_dma source(%dma_start3A_722 : memref<128xi32, #tpu.memory_space<hbm>>) target(%arg14 : memref<128xi32, #tpu.memory_space<vmem>>) target_semaphore(%run_scoped3A : memref<!tpu.dma_semaphore, #tpu.memory_space<semaphore_mem>>)
        %dma_wait3A_723 = tpu.memref_slice %arg3[%add3A_81] : memref<16384xi32, #tpu.memory_space<hbm>> -> memref<128xi32, #tpu.memory_space<hbm>>
        %dma_wait3A_724 = tpu.memref_slice %arg3[%add3A_81] : memref<16384xi32, #tpu.memory_space<hbm>> -> memref<128xi32, #tpu.memory_space<hbm>>
        tpu.wait_dma2 semaphore(%run_scoped3A : memref<!tpu.dma_semaphore, #tpu.memory_space<semaphore_mem>>) src(%dma_wait3A_724 : memref<128xi32, #tpu.memory_space<hbm>>) dst(%arg14 : memref<128xi32, #tpu.memory_space<vmem>>)
        tpu.yield
      }) : () -> ()
      %add3A_82 = arith.constant 0 : i32
      %add3A_83 = arith.addi %mul3A_0, %add3A_82 : i32
      %add3A_84 = arith.constant 0 : i32
      %add3A_85 = arith.addi %add3A_83, %add3A_84 : i32
      %add3A_86 = vector.broadcast %add3A_85 : i32 to vector<16xi32>
      %add3A_87 = arith.addi %iota3A, %add3A_86 : vector<16xi32>
      %swap3A = arith.constant 0 : index
      %swap3A_88 = tpu.vector_load %arg23[%swap3A] {strides = array<i32>} : memref<128xi32, #tpu.memory_space<vmem>>, vector<16xi32>,
      %swap3A_89 = vector.shape_cast %swap3A_88 : vector<16xi32> to vector<16xi32>
      %swap3A_90 = vector.shape_cast %add3A_87 : vector<16xi32> to vector<16xi32>
      tpu.vector_store %arg23[%swap3A], %swap3A_90 {strides = array<i32>} : memref<128xi32, #tpu.memory_space<vmem>>, vector<16xi32>,
      %add3A_91 = arith.constant 0 : i32
      %add3A_92 = arith.addi %mul3A_0, %add3A_91 : i32
      %add3A_93 = arith.constant 16 : i32
      %add3A_94 = arith.addi %add3A_92, %add3A_93 : i32
      %add3A_95 = vector.broadcast %add3A_94 : i32 to vector<16xi32>
      %add3A_96 = arith.addi %iota3A, %add3A_95 : vector<16xi32>
      %swap3A_97 = arith.constant 16 : index
      %swap3A_98 = tpu.vector_load %arg23[%swap3A_97] {strides = array<i32>} : memref<128xi32, #tpu.memory_space<vmem>>, vector<16xi32>,
      %swap3A_99 = vector.shape_cast %swap3A_98 : vector<16xi32> to vector<16xi32>
      %swap3A_100 = vector.shape_cast %add3A_96 : vector<16xi32> to vector<16xi32>
      tpu.vector_store %arg23[%swap3A_97], %swap3A_100 {strides = array<i32>} : memref<128xi32, #tpu.memory_space<vmem>>, vector<16xi32>,
      %add3A_101 = arith.constant 0 : i32
      %add3A_102 = arith.addi %mul3A_0, %add3A_101 : i32
      %add3A_103 = arith.constant 32 : i32
      %add3A_104 = arith.addi %add3A_102, %add3A_103 : i32
      %add3A_105 = vector.broadcast %add3A_104 : i32 to vector<16xi32>
      %add3A_106 = arith.addi %iota3A, %add3A_105 : vector<16xi32>
      %swap3A_107 = arith.constant 32 : index
      %swap3A_108 = tpu.vector_load %arg23[%swap3A_107] {strides = array<i32>} : memref<128xi32, #tpu.memory_space<vmem>>, vector<16xi32>,
      %swap3A_109 = vector.shape_cast %swap3A_108 : vector<16xi32> to vector<16xi32>
      %swap3A_110 = vector.shape_cast %add3A_106 : vector<16xi32> to vector<16xi32>
      tpu.vector_store %arg23[%swap3A_107], %swap3A_110 {strides = array<i32>} : memref<128xi32, #tpu.memory_space<vmem>>, vector<16xi32>,
      %add3A_111 = arith.constant 0 : i32
      %add3A_112 = arith.addi %mul3A_0, %add3A_111 : i32
      %add3A_113 = arith.constant 48 : i32
      %add3A_114 = arith.addi %add3A_112, %add3A_113 : i32
      %add3A_115 = vector.broadcast %add3A_114 : i32 to vector<16xi32>
      %add3A_116 = arith.addi %iota3A, %add3A_115 : vector<16xi32>
      %swap3A_117 = arith.constant 48 : index
      %swap3A_118 = tpu.vector_load %arg23[%swap3A_117] {strides = array<i32>} : memref<128xi32, #tpu.memory_space<vmem>>, vector<16xi32>,
      %swap3A_119 = vector.shape_cast %swap3A_118 : vector<16xi32> to vector<16xi32>
      %swap3A_120 = vector.shape_cast %add3A_116 : vector<16xi32> to vector<16xi32>
      tpu.vector_store %arg23[%swap3A_117], %swap3A_120 {strides = array<i32>} : memref<128xi32, #tpu.memory_space<vmem>>, vector<16xi32>,
      %add3A_121 = arith.constant 0 : i32
      %add3A_122 = arith.addi %mul3A_0, %add3A_121 : i32
      %add3A_123 = arith.constant 64 : i32
      %add3A_124 = arith.addi %add3A_122, %add3A_123 : i32
      %add3A_125 = vector.broadcast %add3A_124 : i32 to vector<16xi32>
      %add3A_126 = arith.addi %iota3A, %add3A_125 : vector<16xi32>
      %swap3A_127 = arith.constant 64 : index
      %swap3A_128 = tpu.vector_load %arg23[%swap3A_127] {strides = array<i32>} : memref<128xi32, #tpu.memory_space<vmem>>, vector<16xi32>,
      %swap3A_129 = vector.shape_cast %swap3A_128 : vector<16xi32> to vector<16xi32>
      %swap3A_130 = vector.shape_cast %add3A_126 : vector<16xi32> to vector<16xi32>
      tpu.vector_store %arg23[%swap3A_127], %swap3A_130 {strides = array<i32>} : memref<128xi32, #tpu.memory_space<vmem>>, vector<16xi32>,
      %add3A_131 = arith.constant 0 : i32
      %add3A_132 = arith.addi %mul3A_0, %add3A_131 : i32
      %add3A_133 = arith.constant 80 : i32
      %add3A_134 = arith.addi %add3A_132, %add3A_133 : i32
      %add3A_135 = vector.broadcast %add3A_134 : i32 to vector<16xi32>
      %add3A_136 = arith.addi %iota3A, %add3A_135 : vector<16xi32>
      %swap3A_137 = arith.constant 80 : index
      %swap3A_138 = tpu.vector_load %arg23[%swap3A_137] {strides = array<i32>} : memref<128xi32, #tpu.memory_space<vmem>>, vector<16xi32>,
      %swap3A_139 = vector.shape_cast %swap3A_138 : vector<16xi32> to vector<16xi32>
      %swap3A_140 = vector.shape_cast %add3A_136 : vector<16xi32> to vector<16xi32>
      tpu.vector_store %arg23[%swap3A_137], %swap3A_140 {strides = array<i32>} : memref<128xi32, #tpu.memory_space<vmem>>, vector<16xi32>,
      %add3A_141 = arith.constant 0 : i32
      %add3A_142 = arith.addi %mul3A_0, %add3A_141 : i32
      %add3A_143 = arith.constant 96 : i32
      %add3A_144 = arith.addi %add3A_142, %add3A_143 : i32
      %add3A_145 = vector.broadcast %add3A_144 : i32 to vector<16xi32>
      %add3A_146 = arith.addi %iota3A, %add3A_145 : vector<16xi32>
      %swap3A_147 = arith.constant 96 : index
      %swap3A_148 = tpu.vector_load %arg23[%swap3A_147] {strides = array<i32>} : memref<128xi32, #tpu.memory_space<vmem>>, vector<16xi32>,
      %swap3A_149 = vector.shape_cast %swap3A_148 : vector<16xi32> to vector<16xi32>
      %swap3A_150 = vector.shape_cast %add3A_146 : vector<16xi32> to vector<16xi32>
      tpu.vector_store %arg23[%swap3A_147], %swap3A_150 {strides = array<i32>} : memref<128xi32, #tpu.memory_space<vmem>>, vector<16xi32>,
      %add3A_151 = arith.constant 0 : i32
      %add3A_152 = arith.addi %mul3A_0, %add3A_151 : i32
      %add3A_153 = arith.constant 112 : i32
      %add3A_154 = arith.addi %add3A_152, %add3A_153 : i32
      %add3A_155 = vector.broadcast %add3A_154 : i32 to vector<16xi32>
      %add3A_156 = arith.addi %iota3A, %add3A_155 : vector<16xi32>
      %swap3A_157 = arith.constant 112 : index
      %swap3A_158 = tpu.vector_load %arg23[%swap3A_157] {strides = array<i32>} : memref<128xi32, #tpu.memory_space<vmem>>, vector<16xi32>,
      %swap3A_159 = vector.shape_cast %swap3A_158 : vector<16xi32> to vector<16xi32>
      %swap3A_160 = vector.shape_cast %add3A_156 : vector<16xi32> to vector<16xi32>
      tpu.vector_store %arg23[%swap3A_157], %swap3A_160 {strides = array<i32>} : memref<128xi32, #tpu.memory_space<vmem>>, vector<16xi32>,
      "tpu.region"() ({
        %run_scoped3A = tpu.sem_alloc : memref<!tpu.dma_semaphore, #tpu.memory_space<semaphore_mem>>
        %dma_start3A_721 = arith.constant 0 : i32
        %dma_start3A_722 = tpu.memref_slice %arg30[%dma_start3A_721] : memref<102400xi32, #tpu.memory_space<vmem_shared>> -> memref<102400xi32, #tpu.memory_space<vmem_shared>>
        tpu.enqueue_indirect_dma source(%arg23 : memref<128xi32, #tpu.memory_space<vmem>>) target(%dma_start3A_722 : memref<102400xi32, #tpu.memory_space<vmem_shared>>) offsets(%arg7 : memref<128xi32, #tpu.memory_space<vmem>>) semaphore(%run_scoped3A : memref<!tpu.dma_semaphore, #tpu.memory_space<semaphore_mem>>)
        %dma_wait3A_723 = arith.constant 0 : i32
        %dma_wait3A_724 = tpu.memref_slice %arg30[%dma_wait3A_723] : memref<102400xi32, #tpu.memory_space<vmem_shared>> -> memref<102400xi32, #tpu.memory_space<vmem_shared>>
        tpu.wait_indirect_dma semaphore(%run_scoped3A : memref<!tpu.dma_semaphore, #tpu.memory_space<semaphore_mem>>) src(%arg23 : memref<128xi32, #tpu.memory_space<vmem>>) dst(%dma_wait3A_724 : memref<102400xi32, #tpu.memory_space<vmem_shared>>)
        tpu.yield
      }) : () -> ()
      %add3A_161 = arith.constant 128 : i32
      %add3A_162 = arith.addi %mul3A_0, %add3A_161 : i32
      %add3A_163 = arith.constant 0 : i32
      %add3A_164 = arith.addi %add3A_162, %add3A_163 : i32
      %add3A_165 = vector.broadcast %add3A_164 : i32 to vector<16xi32>
      %add3A_166 = arith.addi %iota3A, %add3A_165 : vector<16xi32>
      %swap3A_167 = arith.constant 0 : index
      %swap3A_168 = tpu.vector_load %arg23[%swap3A_167] {strides = array<i32>} : memref<128xi32, #tpu.memory_space<vmem>>, vector<16xi32>,
      %swap3A_169 = vector.shape_cast %swap3A_168 : vector<16xi32> to vector<16xi32>
      %swap3A_170 = vector.shape_cast %add3A_166 : vector<16xi32> to vector<16xi32>
      tpu.vector_store %arg23[%swap3A_167], %swap3A_170 {strides = array<i32>} : memref<128xi32, #tpu.memory_space<vmem>>, vector<16xi32>,
      %add3A_171 = arith.constant 128 : i32
      %add3A_172 = arith.addi %mul3A_0, %add3A_171 : i32
      %add3A_173 = arith.constant 16 : i32
      %add3A_174 = arith.addi %add3A_172, %add3A_173 : i32
      %add3A_175 = vector.broadcast %add3A_174 : i32 to vector<16xi32>
      %add3A_176 = arith.addi %iota3A, %add3A_175 : vector<16xi32>
      %swap3A_177 = arith.constant 16 : index
      %swap3A_178 = tpu.vector_load %arg23[%swap3A_177] {strides = array<i32>} : memref<128xi32, #tpu.memory_space<vmem>>, vector<16xi32>,
      %swap3A_179 = vector.shape_cast %swap3A_178 : vector<16xi32> to vector<16xi32>
      %swap3A_180 = vector.shape_cast %add3A_176 : vector<16xi32> to vector<16xi32>
      tpu.vector_store %arg23[%swap3A_177], %swap3A_180 {strides = array<i32>} : memref<128xi32, #tpu.memory_space<vmem>>, vector<16xi32>,
      %add3A_181 = arith.constant 128 : i32
      %add3A_182 = arith.addi %mul3A_0, %add3A_181 : i32
      %add3A_183 = arith.constant 32 : i32
      %add3A_184 = arith.addi %add3A_182, %add3A_183 : i32
      %add3A_185 = vector.broadcast %add3A_184 : i32 to vector<16xi32>
      %add3A_186 = arith.addi %iota3A, %add3A_185 : vector<16xi32>
      %swap3A_187 = arith.constant 32 : index
      %swap3A_188 = tpu.vector_load %arg23[%swap3A_187] {strides = array<i32>} : memref<128xi32, #tpu.memory_space<vmem>>, vector<16xi32>,
      %swap3A_189 = vector.shape_cast %swap3A_188 : vector<16xi32> to vector<16xi32>
      %swap3A_190 = vector.shape_cast %add3A_186 : vector<16xi32> to vector<16xi32>
      tpu.vector_store %arg23[%swap3A_187], %swap3A_190 {strides = array<i32>} : memref<128xi32, #tpu.memory_space<vmem>>, vector<16xi32>,
      %add3A_191 = arith.constant 128 : i32
      %add3A_192 = arith.addi %mul3A_0, %add3A_191 : i32
      %add3A_193 = arith.constant 48 : i32
      %add3A_194 = arith.addi %add3A_192, %add3A_193 : i32
      %add3A_195 = vector.broadcast %add3A_194 : i32 to vector<16xi32>
      %add3A_196 = arith.addi %iota3A, %add3A_195 : vector<16xi32>
      %swap3A_197 = arith.constant 48 : index
      %swap3A_198 = tpu.vector_load %arg23[%swap3A_197] {strides = array<i32>} : memref<128xi32, #tpu.memory_space<vmem>>, vector<16xi32>,
      %swap3A_199 = vector.shape_cast %swap3A_198 : vector<16xi32> to vector<16xi32>
      %swap3A_200 = vector.shape_cast %add3A_196 : vector<16xi32> to vector<16xi32>
      tpu.vector_store %arg23[%swap3A_197], %swap3A_200 {strides = array<i32>} : memref<128xi32, #tpu.memory_space<vmem>>, vector<16xi32>,
      %add3A_201 = arith.constant 128 : i32
      %add3A_202 = arith.addi %mul3A_0, %add3A_201 : i32
      %add3A_203 = arith.constant 64 : i32
      %add3A_204 = arith.addi %add3A_202, %add3A_203 : i32
      %add3A_205 = vector.broadcast %add3A_204 : i32 to vector<16xi32>
      %add3A_206 = arith.addi %iota3A, %add3A_205 : vector<16xi32>
      %swap3A_207 = arith.constant 64 : index
      %swap3A_208 = tpu.vector_load %arg23[%swap3A_207] {strides = array<i32>} : memref<128xi32, #tpu.memory_space<vmem>>, vector<16xi32>,
      %swap3A_209 = vector.shape_cast %swap3A_208 : vector<16xi32> to vector<16xi32>
      %swap3A_210 = vector.shape_cast %add3A_206 : vector<16xi32> to vector<16xi32>
      tpu.vector_store %arg23[%swap3A_207], %swap3A_210 {strides = array<i32>} : memref<128xi32, #tpu.memory_space<vmem>>, vector<16xi32>,
      %add3A_211 = arith.constant 128 : i32
      %add3A_212 = arith.addi %mul3A_0, %add3A_211 : i32
      %add3A_213 = arith.constant 80 : i32
      %add3A_214 = arith.addi %add3A_212, %add3A_213 : i32
      %add3A_215 = vector.broadcast %add3A_214 : i32 to vector<16xi32>
      %add3A_216 = arith.addi %iota3A, %add3A_215 : vector<16xi32>
      %swap3A_217 = arith.constant 80 : index
      %swap3A_218 = tpu.vector_load %arg23[%swap3A_217] {strides = array<i32>} : memref<128xi32, #tpu.memory_space<vmem>>, vector<16xi32>,
      %swap3A_219 = vector.shape_cast %swap3A_218 : vector<16xi32> to vector<16xi32>
      %swap3A_220 = vector.shape_cast %add3A_216 : vector<16xi32> to vector<16xi32>
      tpu.vector_store %arg23[%swap3A_217], %swap3A_220 {strides = array<i32>} : memref<128xi32, #tpu.memory_space<vmem>>, vector<16xi32>,
      %add3A_221 = arith.constant 128 : i32
      %add3A_222 = arith.addi %mul3A_0, %add3A_221 : i32
      %add3A_223 = arith.constant 96 : i32
      %add3A_224 = arith.addi %add3A_222, %add3A_223 : i32
      %add3A_225 = vector.broadcast %add3A_224 : i32 to vector<16xi32>
      %add3A_226 = arith.addi %iota3A, %add3A_225 : vector<16xi32>
      %swap3A_227 = arith.constant 96 : index
      %swap3A_228 = tpu.vector_load %arg23[%swap3A_227] {strides = array<i32>} : memref<128xi32, #tpu.memory_space<vmem>>, vector<16xi32>,
      %swap3A_229 = vector.shape_cast %swap3A_228 : vector<16xi32> to vector<16xi32>
      %swap3A_230 = vector.shape_cast %add3A_226 : vector<16xi32> to vector<16xi32>
      tpu.vector_store %arg23[%swap3A_227], %swap3A_230 {strides = array<i32>} : memref<128xi32, #tpu.memory_space<vmem>>, vector<16xi32>,
      %add3A_231 = arith.constant 128 : i32
      %add3A_232 = arith.addi %mul3A_0, %add3A_231 : i32
      %add3A_233 = arith.constant 112 : i32
      %add3A_234 = arith.addi %add3A_232, %add3A_233 : i32
      %add3A_235 = vector.broadcast %add3A_234 : i32 to vector<16xi32>
      %add3A_236 = arith.addi %iota3A, %add3A_235 : vector<16xi32>
      %swap3A_237 = arith.constant 112 : index
      %swap3A_238 = tpu.vector_load %arg23[%swap3A_237] {strides = array<i32>} : memref<128xi32, #tpu.memory_space<vmem>>, vector<16xi32>,
      %swap3A_239 = vector.shape_cast %swap3A_238 : vector<16xi32> to vector<16xi32>
      %swap3A_240 = vector.shape_cast %add3A_236 : vector<16xi32> to vector<16xi32>
      tpu.vector_store %arg23[%swap3A_237], %swap3A_240 {strides = array<i32>} : memref<128xi32, #tpu.memory_space<vmem>>, vector<16xi32>,
      "tpu.region"() ({
        %run_scoped3A = tpu.sem_alloc : memref<!tpu.dma_semaphore, #tpu.memory_space<semaphore_mem>>
        %dma_start3A_721 = arith.constant 0 : i32
        %dma_start3A_722 = tpu.memref_slice %arg30[%dma_start3A_721] : memref<102400xi32, #tpu.memory_space<vmem_shared>> -> memref<102400xi32, #tpu.memory_space<vmem_shared>>
        tpu.enqueue_indirect_dma source(%arg23 : memref<128xi32, #tpu.memory_space<vmem>>) target(%dma_start3A_722 : memref<102400xi32, #tpu.memory_space<vmem_shared>>) offsets(%arg8 : memref<128xi32, #tpu.memory_space<vmem>>) semaphore(%run_scoped3A : memref<!tpu.dma_semaphore, #tpu.memory_space<semaphore_mem>>)
        %dma_wait3A_723 = arith.constant 0 : i32
        %dma_wait3A_724 = tpu.memref_slice %arg30[%dma_wait3A_723] : memref<102400xi32, #tpu.memory_space<vmem_shared>> -> memref<102400xi32, #tpu.memory_space<vmem_shared>>
        tpu.wait_indirect_dma semaphore(%run_scoped3A : memref<!tpu.dma_semaphore, #tpu.memory_space<semaphore_mem>>) src(%arg23 : memref<128xi32, #tpu.memory_space<vmem>>) dst(%dma_wait3A_724 : memref<102400xi32, #tpu.memory_space<vmem_shared>>)
        tpu.yield
      }) : () -> ()
      %add3A_241 = arith.constant 256 : i32
      %add3A_242 = arith.addi %mul3A_0, %add3A_241 : i32
      %add3A_243 = arith.constant 0 : i32
      %add3A_244 = arith.addi %add3A_242, %add3A_243 : i32
      %add3A_245 = vector.broadcast %add3A_244 : i32 to vector<16xi32>
      %add3A_246 = arith.addi %iota3A, %add3A_245 : vector<16xi32>
      %swap3A_247 = arith.constant 0 : index
      %swap3A_248 = tpu.vector_load %arg23[%swap3A_247] {strides = array<i32>} : memref<128xi32, #tpu.memory_space<vmem>>, vector<16xi32>,
      %swap3A_249 = vector.shape_cast %swap3A_248 : vector<16xi32> to vector<16xi32>
      %swap3A_250 = vector.shape_cast %add3A_246 : vector<16xi32> to vector<16xi32>
      tpu.vector_store %arg23[%swap3A_247], %swap3A_250 {strides = array<i32>} : memref<128xi32, #tpu.memory_space<vmem>>, vector<16xi32>,
      %add3A_251 = arith.constant 256 : i32
      %add3A_252 = arith.addi %mul3A_0, %add3A_251 : i32
      %add3A_253 = arith.constant 16 : i32
      %add3A_254 = arith.addi %add3A_252, %add3A_253 : i32
      %add3A_255 = vector.broadcast %add3A_254 : i32 to vector<16xi32>
      %add3A_256 = arith.addi %iota3A, %add3A_255 : vector<16xi32>
      %swap3A_257 = arith.constant 16 : index
      %swap3A_258 = tpu.vector_load %arg23[%swap3A_257] {strides = array<i32>} : memref<128xi32, #tpu.memory_space<vmem>>, vector<16xi32>,
      %swap3A_259 = vector.shape_cast %swap3A_258 : vector<16xi32> to vector<16xi32>
      %swap3A_260 = vector.shape_cast %add3A_256 : vector<16xi32> to vector<16xi32>
      tpu.vector_store %arg23[%swap3A_257], %swap3A_260 {strides = array<i32>} : memref<128xi32, #tpu.memory_space<vmem>>, vector<16xi32>,
      %add3A_261 = arith.constant 256 : i32
      %add3A_262 = arith.addi %mul3A_0, %add3A_261 : i32
      %add3A_263 = arith.constant 32 : i32
      %add3A_264 = arith.addi %add3A_262, %add3A_263 : i32
      %add3A_265 = vector.broadcast %add3A_264 : i32 to vector<16xi32>
      %add3A_266 = arith.addi %iota3A, %add3A_265 : vector<16xi32>
      %swap3A_267 = arith.constant 32 : index
      %swap3A_268 = tpu.vector_load %arg23[%swap3A_267] {strides = array<i32>} : memref<128xi32, #tpu.memory_space<vmem>>, vector<16xi32>,
      %swap3A_269 = vector.shape_cast %swap3A_268 : vector<16xi32> to vector<16xi32>
      %swap3A_270 = vector.shape_cast %add3A_266 : vector<16xi32> to vector<16xi32>
      tpu.vector_store %arg23[%swap3A_267], %swap3A_270 {strides = array<i32>} : memref<128xi32, #tpu.memory_space<vmem>>, vector<16xi32>,
      %add3A_271 = arith.constant 256 : i32
      %add3A_272 = arith.addi %mul3A_0, %add3A_271 : i32
      %add3A_273 = arith.constant 48 : i32
      %add3A_274 = arith.addi %add3A_272, %add3A_273 : i32
      %add3A_275 = vector.broadcast %add3A_274 : i32 to vector<16xi32>
      %add3A_276 = arith.addi %iota3A, %add3A_275 : vector<16xi32>
      %swap3A_277 = arith.constant 48 : index
      %swap3A_278 = tpu.vector_load %arg23[%swap3A_277] {strides = array<i32>} : memref<128xi32, #tpu.memory_space<vmem>>, vector<16xi32>,
      %swap3A_279 = vector.shape_cast %swap3A_278 : vector<16xi32> to vector<16xi32>
      %swap3A_280 = vector.shape_cast %add3A_276 : vector<16xi32> to vector<16xi32>
      tpu.vector_store %arg23[%swap3A_277], %swap3A_280 {strides = array<i32>} : memref<128xi32, #tpu.memory_space<vmem>>, vector<16xi32>,
      %add3A_281 = arith.constant 256 : i32
      %add3A_282 = arith.addi %mul3A_0, %add3A_281 : i32
      %add3A_283 = arith.constant 64 : i32
      %add3A_284 = arith.addi %add3A_282, %add3A_283 : i32
      %add3A_285 = vector.broadcast %add3A_284 : i32 to vector<16xi32>
      %add3A_286 = arith.addi %iota3A, %add3A_285 : vector<16xi32>
      %swap3A_287 = arith.constant 64 : index
      %swap3A_288 = tpu.vector_load %arg23[%swap3A_287] {strides = array<i32>} : memref<128xi32, #tpu.memory_space<vmem>>, vector<16xi32>,
      %swap3A_289 = vector.shape_cast %swap3A_288 : vector<16xi32> to vector<16xi32>
      %swap3A_290 = vector.shape_cast %add3A_286 : vector<16xi32> to vector<16xi32>
      tpu.vector_store %arg23[%swap3A_287], %swap3A_290 {strides = array<i32>} : memref<128xi32, #tpu.memory_space<vmem>>, vector<16xi32>,
      %add3A_291 = arith.constant 256 : i32
      %add3A_292 = arith.addi %mul3A_0, %add3A_291 : i32
      %add3A_293 = arith.constant 80 : i32
      %add3A_294 = arith.addi %add3A_292, %add3A_293 : i32
      %add3A_295 = vector.broadcast %add3A_294 : i32 to vector<16xi32>
      %add3A_296 = arith.addi %iota3A, %add3A_295 : vector<16xi32>
      %swap3A_297 = arith.constant 80 : index
      %swap3A_298 = tpu.vector_load %arg23[%swap3A_297] {strides = array<i32>} : memref<128xi32, #tpu.memory_space<vmem>>, vector<16xi32>,
      %swap3A_299 = vector.shape_cast %swap3A_298 : vector<16xi32> to vector<16xi32>
      %swap3A_300 = vector.shape_cast %add3A_296 : vector<16xi32> to vector<16xi32>
      tpu.vector_store %arg23[%swap3A_297], %swap3A_300 {strides = array<i32>} : memref<128xi32, #tpu.memory_space<vmem>>, vector<16xi32>,
      %add3A_301 = arith.constant 256 : i32
      %add3A_302 = arith.addi %mul3A_0, %add3A_301 : i32
      %add3A_303 = arith.constant 96 : i32
      %add3A_304 = arith.addi %add3A_302, %add3A_303 : i32
      %add3A_305 = vector.broadcast %add3A_304 : i32 to vector<16xi32>
      %add3A_306 = arith.addi %iota3A, %add3A_305 : vector<16xi32>
      %swap3A_307 = arith.constant 96 : index
      %swap3A_308 = tpu.vector_load %arg23[%swap3A_307] {strides = array<i32>} : memref<128xi32, #tpu.memory_space<vmem>>, vector<16xi32>,
      %swap3A_309 = vector.shape_cast %swap3A_308 : vector<16xi32> to vector<16xi32>
      %swap3A_310 = vector.shape_cast %add3A_306 : vector<16xi32> to vector<16xi32>
      tpu.vector_store %arg23[%swap3A_307], %swap3A_310 {strides = array<i32>} : memref<128xi32, #tpu.memory_space<vmem>>, vector<16xi32>,
      %add3A_311 = arith.constant 256 : i32
      %add3A_312 = arith.addi %mul3A_0, %add3A_311 : i32
      %add3A_313 = arith.constant 112 : i32
      %add3A_314 = arith.addi %add3A_312, %add3A_313 : i32
      %add3A_315 = vector.broadcast %add3A_314 : i32 to vector<16xi32>
      %add3A_316 = arith.addi %iota3A, %add3A_315 : vector<16xi32>
      %swap3A_317 = arith.constant 112 : index
      %swap3A_318 = tpu.vector_load %arg23[%swap3A_317] {strides = array<i32>} : memref<128xi32, #tpu.memory_space<vmem>>, vector<16xi32>,
      %swap3A_319 = vector.shape_cast %swap3A_318 : vector<16xi32> to vector<16xi32>
      %swap3A_320 = vector.shape_cast %add3A_316 : vector<16xi32> to vector<16xi32>
      tpu.vector_store %arg23[%swap3A_317], %swap3A_320 {strides = array<i32>} : memref<128xi32, #tpu.memory_space<vmem>>, vector<16xi32>,
      "tpu.region"() ({
        %run_scoped3A = tpu.sem_alloc : memref<!tpu.dma_semaphore, #tpu.memory_space<semaphore_mem>>
        %dma_start3A_721 = arith.constant 0 : i32
        %dma_start3A_722 = tpu.memref_slice %arg30[%dma_start3A_721] : memref<102400xi32, #tpu.memory_space<vmem_shared>> -> memref<102400xi32, #tpu.memory_space<vmem_shared>>
        tpu.enqueue_indirect_dma source(%arg23 : memref<128xi32, #tpu.memory_space<vmem>>) target(%dma_start3A_722 : memref<102400xi32, #tpu.memory_space<vmem_shared>>) offsets(%arg9 : memref<128xi32, #tpu.memory_space<vmem>>) semaphore(%run_scoped3A : memref<!tpu.dma_semaphore, #tpu.memory_space<semaphore_mem>>)
        %dma_wait3A_723 = arith.constant 0 : i32
        %dma_wait3A_724 = tpu.memref_slice %arg30[%dma_wait3A_723] : memref<102400xi32, #tpu.memory_space<vmem_shared>> -> memref<102400xi32, #tpu.memory_space<vmem_shared>>
        tpu.wait_indirect_dma semaphore(%run_scoped3A : memref<!tpu.dma_semaphore, #tpu.memory_space<semaphore_mem>>) src(%arg23 : memref<128xi32, #tpu.memory_space<vmem>>) dst(%dma_wait3A_724 : memref<102400xi32, #tpu.memory_space<vmem_shared>>)
        tpu.yield
      }) : () -> ()
      %add3A_321 = arith.constant 384 : i32
      %add3A_322 = arith.addi %mul3A_0, %add3A_321 : i32
      %add3A_323 = arith.constant 0 : i32
      %add3A_324 = arith.addi %add3A_322, %add3A_323 : i32
      %add3A_325 = vector.broadcast %add3A_324 : i32 to vector<16xi32>
      %add3A_326 = arith.addi %iota3A, %add3A_325 : vector<16xi32>
      %swap3A_327 = arith.constant 0 : index
      %swap3A_328 = tpu.vector_load %arg23[%swap3A_327] {strides = array<i32>} : memref<128xi32, #tpu.memory_space<vmem>>, vector<16xi32>,
      %swap3A_329 = vector.shape_cast %swap3A_328 : vector<16xi32> to vector<16xi32>
      %swap3A_330 = vector.shape_cast %add3A_326 : vector<16xi32> to vector<16xi32>
      tpu.vector_store %arg23[%swap3A_327], %swap3A_330 {strides = array<i32>} : memref<128xi32, #tpu.memory_space<vmem>>, vector<16xi32>,
      %add3A_331 = arith.constant 384 : i32
      %add3A_332 = arith.addi %mul3A_0, %add3A_331 : i32
      %add3A_333 = arith.constant 16 : i32
      %add3A_334 = arith.addi %add3A_332, %add3A_333 : i32
      %add3A_335 = vector.broadcast %add3A_334 : i32 to vector<16xi32>
      %add3A_336 = arith.addi %iota3A, %add3A_335 : vector<16xi32>
      %swap3A_337 = arith.constant 16 : index
      %swap3A_338 = tpu.vector_load %arg23[%swap3A_337] {strides = array<i32>} : memref<128xi32, #tpu.memory_space<vmem>>, vector<16xi32>,
      %swap3A_339 = vector.shape_cast %swap3A_338 : vector<16xi32> to vector<16xi32>
      %swap3A_340 = vector.shape_cast %add3A_336 : vector<16xi32> to vector<16xi32>
      tpu.vector_store %arg23[%swap3A_337], %swap3A_340 {strides = array<i32>} : memref<128xi32, #tpu.memory_space<vmem>>, vector<16xi32>,
      %add3A_341 = arith.constant 384 : i32
      %add3A_342 = arith.addi %mul3A_0, %add3A_341 : i32
      %add3A_343 = arith.constant 32 : i32
      %add3A_344 = arith.addi %add3A_342, %add3A_343 : i32
      %add3A_345 = vector.broadcast %add3A_344 : i32 to vector<16xi32>
      %add3A_346 = arith.addi %iota3A, %add3A_345 : vector<16xi32>
      %swap3A_347 = arith.constant 32 : index
      %swap3A_348 = tpu.vector_load %arg23[%swap3A_347] {strides = array<i32>} : memref<128xi32, #tpu.memory_space<vmem>>, vector<16xi32>,
      %swap3A_349 = vector.shape_cast %swap3A_348 : vector<16xi32> to vector<16xi32>
      %swap3A_350 = vector.shape_cast %add3A_346 : vector<16xi32> to vector<16xi32>
      tpu.vector_store %arg23[%swap3A_347], %swap3A_350 {strides = array<i32>} : memref<128xi32, #tpu.memory_space<vmem>>, vector<16xi32>,
      %add3A_351 = arith.constant 384 : i32
      %add3A_352 = arith.addi %mul3A_0, %add3A_351 : i32
      %add3A_353 = arith.constant 48 : i32
      %add3A_354 = arith.addi %add3A_352, %add3A_353 : i32
      %add3A_355 = vector.broadcast %add3A_354 : i32 to vector<16xi32>
      %add3A_356 = arith.addi %iota3A, %add3A_355 : vector<16xi32>
      %swap3A_357 = arith.constant 48 : index
      %swap3A_358 = tpu.vector_load %arg23[%swap3A_357] {strides = array<i32>} : memref<128xi32, #tpu.memory_space<vmem>>, vector<16xi32>,
      %swap3A_359 = vector.shape_cast %swap3A_358 : vector<16xi32> to vector<16xi32>
      %swap3A_360 = vector.shape_cast %add3A_356 : vector<16xi32> to vector<16xi32>
      tpu.vector_store %arg23[%swap3A_357], %swap3A_360 {strides = array<i32>} : memref<128xi32, #tpu.memory_space<vmem>>, vector<16xi32>,
      %add3A_361 = arith.constant 384 : i32
      %add3A_362 = arith.addi %mul3A_0, %add3A_361 : i32
      %add3A_363 = arith.constant 64 : i32
      %add3A_364 = arith.addi %add3A_362, %add3A_363 : i32
      %add3A_365 = vector.broadcast %add3A_364 : i32 to vector<16xi32>
      %add3A_366 = arith.addi %iota3A, %add3A_365 : vector<16xi32>
      %swap3A_367 = arith.constant 64 : index
      %swap3A_368 = tpu.vector_load %arg23[%swap3A_367] {strides = array<i32>} : memref<128xi32, #tpu.memory_space<vmem>>, vector<16xi32>,
      %swap3A_369 = vector.shape_cast %swap3A_368 : vector<16xi32> to vector<16xi32>
      %swap3A_370 = vector.shape_cast %add3A_366 : vector<16xi32> to vector<16xi32>
      tpu.vector_store %arg23[%swap3A_367], %swap3A_370 {strides = array<i32>} : memref<128xi32, #tpu.memory_space<vmem>>, vector<16xi32>,
      %add3A_371 = arith.constant 384 : i32
      %add3A_372 = arith.addi %mul3A_0, %add3A_371 : i32
      %add3A_373 = arith.constant 80 : i32
      %add3A_374 = arith.addi %add3A_372, %add3A_373 : i32
      %add3A_375 = vector.broadcast %add3A_374 : i32 to vector<16xi32>
      %add3A_376 = arith.addi %iota3A, %add3A_375 : vector<16xi32>
      %swap3A_377 = arith.constant 80 : index
      %swap3A_378 = tpu.vector_load %arg23[%swap3A_377] {strides = array<i32>} : memref<128xi32, #tpu.memory_space<vmem>>, vector<16xi32>,
      %swap3A_379 = vector.shape_cast %swap3A_378 : vector<16xi32> to vector<16xi32>
      %swap3A_380 = vector.shape_cast %add3A_376 : vector<16xi32> to vector<16xi32>
      tpu.vector_store %arg23[%swap3A_377], %swap3A_380 {strides = array<i32>} : memref<128xi32, #tpu.memory_space<vmem>>, vector<16xi32>,
      %add3A_381 = arith.constant 384 : i32
      %add3A_382 = arith.addi %mul3A_0, %add3A_381 : i32
      %add3A_383 = arith.constant 96 : i32
      %add3A_384 = arith.addi %add3A_382, %add3A_383 : i32
      %add3A_385 = vector.broadcast %add3A_384 : i32 to vector<16xi32>
      %add3A_386 = arith.addi %iota3A, %add3A_385 : vector<16xi32>
      %swap3A_387 = arith.constant 96 : index
      %swap3A_388 = tpu.vector_load %arg23[%swap3A_387] {strides = array<i32>} : memref<128xi32, #tpu.memory_space<vmem>>, vector<16xi32>,
      %swap3A_389 = vector.shape_cast %swap3A_388 : vector<16xi32> to vector<16xi32>
      %swap3A_390 = vector.shape_cast %add3A_386 : vector<16xi32> to vector<16xi32>
      tpu.vector_store %arg23[%swap3A_387], %swap3A_390 {strides = array<i32>} : memref<128xi32, #tpu.memory_space<vmem>>, vector<16xi32>,
      %add3A_391 = arith.constant 384 : i32
      %add3A_392 = arith.addi %mul3A_0, %add3A_391 : i32
      %add3A_393 = arith.constant 112 : i32
      %add3A_394 = arith.addi %add3A_392, %add3A_393 : i32
      %add3A_395 = vector.broadcast %add3A_394 : i32 to vector<16xi32>
      %add3A_396 = arith.addi %iota3A, %add3A_395 : vector<16xi32>
      %swap3A_397 = arith.constant 112 : index
      %swap3A_398 = tpu.vector_load %arg23[%swap3A_397] {strides = array<i32>} : memref<128xi32, #tpu.memory_space<vmem>>, vector<16xi32>,
      %swap3A_399 = vector.shape_cast %swap3A_398 : vector<16xi32> to vector<16xi32>
      %swap3A_400 = vector.shape_cast %add3A_396 : vector<16xi32> to vector<16xi32>
      tpu.vector_store %arg23[%swap3A_397], %swap3A_400 {strides = array<i32>} : memref<128xi32, #tpu.memory_space<vmem>>, vector<16xi32>,
      "tpu.region"() ({
        %run_scoped3A = tpu.sem_alloc : memref<!tpu.dma_semaphore, #tpu.memory_space<semaphore_mem>>
        %dma_start3A_721 = arith.constant 0 : i32
        %dma_start3A_722 = tpu.memref_slice %arg30[%dma_start3A_721] : memref<102400xi32, #tpu.memory_space<vmem_shared>> -> memref<102400xi32, #tpu.memory_space<vmem_shared>>
        tpu.enqueue_indirect_dma source(%arg23 : memref<128xi32, #tpu.memory_space<vmem>>) target(%dma_start3A_722 : memref<102400xi32, #tpu.memory_space<vmem_shared>>) offsets(%arg10 : memref<128xi32, #tpu.memory_space<vmem>>) semaphore(%run_scoped3A : memref<!tpu.dma_semaphore, #tpu.memory_space<semaphore_mem>>)
        %dma_wait3A_723 = arith.constant 0 : i32
        %dma_wait3A_724 = tpu.memref_slice %arg30[%dma_wait3A_723] : memref<102400xi32, #tpu.memory_space<vmem_shared>> -> memref<102400xi32, #tpu.memory_space<vmem_shared>>
        tpu.wait_indirect_dma semaphore(%run_scoped3A : memref<!tpu.dma_semaphore, #tpu.memory_space<semaphore_mem>>) src(%arg23 : memref<128xi32, #tpu.memory_space<vmem>>) dst(%dma_wait3A_724 : memref<102400xi32, #tpu.memory_space<vmem_shared>>)
        tpu.yield
      }) : () -> ()
      %add3A_401 = arith.constant 512 : i32
      %add3A_402 = arith.addi %mul3A_0, %add3A_401 : i32
      %add3A_403 = arith.constant 0 : i32
      %add3A_404 = arith.addi %add3A_402, %add3A_403 : i32
      %add3A_405 = vector.broadcast %add3A_404 : i32 to vector<16xi32>
      %add3A_406 = arith.addi %iota3A, %add3A_405 : vector<16xi32>
      %swap3A_407 = arith.constant 0 : index
      %swap3A_408 = tpu.vector_load %arg23[%swap3A_407] {strides = array<i32>} : memref<128xi32, #tpu.memory_space<vmem>>, vector<16xi32>,
      %swap3A_409 = vector.shape_cast %swap3A_408 : vector<16xi32> to vector<16xi32>
      %swap3A_410 = vector.shape_cast %add3A_406 : vector<16xi32> to vector<16xi32>
      tpu.vector_store %arg23[%swap3A_407], %swap3A_410 {strides = array<i32>} : memref<128xi32, #tpu.memory_space<vmem>>, vector<16xi32>,
      %add3A_411 = arith.constant 512 : i32
      %add3A_412 = arith.addi %mul3A_0, %add3A_411 : i32
      %add3A_413 = arith.constant 16 : i32
      %add3A_414 = arith.addi %add3A_412, %add3A_413 : i32
      %add3A_415 = vector.broadcast %add3A_414 : i32 to vector<16xi32>
      %add3A_416 = arith.addi %iota3A, %add3A_415 : vector<16xi32>
      %swap3A_417 = arith.constant 16 : index
      %swap3A_418 = tpu.vector_load %arg23[%swap3A_417] {strides = array<i32>} : memref<128xi32, #tpu.memory_space<vmem>>, vector<16xi32>,
      %swap3A_419 = vector.shape_cast %swap3A_418 : vector<16xi32> to vector<16xi32>
      %swap3A_420 = vector.shape_cast %add3A_416 : vector<16xi32> to vector<16xi32>
      tpu.vector_store %arg23[%swap3A_417], %swap3A_420 {strides = array<i32>} : memref<128xi32, #tpu.memory_space<vmem>>, vector<16xi32>,
      %add3A_421 = arith.constant 512 : i32
      %add3A_422 = arith.addi %mul3A_0, %add3A_421 : i32
      %add3A_423 = arith.constant 32 : i32
      %add3A_424 = arith.addi %add3A_422, %add3A_423 : i32
      %add3A_425 = vector.broadcast %add3A_424 : i32 to vector<16xi32>
      %add3A_426 = arith.addi %iota3A, %add3A_425 : vector<16xi32>
      %swap3A_427 = arith.constant 32 : index
      %swap3A_428 = tpu.vector_load %arg23[%swap3A_427] {strides = array<i32>} : memref<128xi32, #tpu.memory_space<vmem>>, vector<16xi32>,
      %swap3A_429 = vector.shape_cast %swap3A_428 : vector<16xi32> to vector<16xi32>
      %swap3A_430 = vector.shape_cast %add3A_426 : vector<16xi32> to vector<16xi32>
      tpu.vector_store %arg23[%swap3A_427], %swap3A_430 {strides = array<i32>} : memref<128xi32, #tpu.memory_space<vmem>>, vector<16xi32>,
      %add3A_431 = arith.constant 512 : i32
      %add3A_432 = arith.addi %mul3A_0, %add3A_431 : i32
      %add3A_433 = arith.constant 48 : i32
      %add3A_434 = arith.addi %add3A_432, %add3A_433 : i32
      %add3A_435 = vector.broadcast %add3A_434 : i32 to vector<16xi32>
      %add3A_436 = arith.addi %iota3A, %add3A_435 : vector<16xi32>
      %swap3A_437 = arith.constant 48 : index
      %swap3A_438 = tpu.vector_load %arg23[%swap3A_437] {strides = array<i32>} : memref<128xi32, #tpu.memory_space<vmem>>, vector<16xi32>,
      %swap3A_439 = vector.shape_cast %swap3A_438 : vector<16xi32> to vector<16xi32>
      %swap3A_440 = vector.shape_cast %add3A_436 : vector<16xi32> to vector<16xi32>
      tpu.vector_store %arg23[%swap3A_437], %swap3A_440 {strides = array<i32>} : memref<128xi32, #tpu.memory_space<vmem>>, vector<16xi32>,
      %add3A_441 = arith.constant 512 : i32
      %add3A_442 = arith.addi %mul3A_0, %add3A_441 : i32
      %add3A_443 = arith.constant 64 : i32
      %add3A_444 = arith.addi %add3A_442, %add3A_443 : i32
      %add3A_445 = vector.broadcast %add3A_444 : i32 to vector<16xi32>
      %add3A_446 = arith.addi %iota3A, %add3A_445 : vector<16xi32>
      %swap3A_447 = arith.constant 64 : index
      %swap3A_448 = tpu.vector_load %arg23[%swap3A_447] {strides = array<i32>} : memref<128xi32, #tpu.memory_space<vmem>>, vector<16xi32>,
      %swap3A_449 = vector.shape_cast %swap3A_448 : vector<16xi32> to vector<16xi32>
      %swap3A_450 = vector.shape_cast %add3A_446 : vector<16xi32> to vector<16xi32>
      tpu.vector_store %arg23[%swap3A_447], %swap3A_450 {strides = array<i32>} : memref<128xi32, #tpu.memory_space<vmem>>, vector<16xi32>,
      %add3A_451 = arith.constant 512 : i32
      %add3A_452 = arith.addi %mul3A_0, %add3A_451 : i32
      %add3A_453 = arith.constant 80 : i32
      %add3A_454 = arith.addi %add3A_452, %add3A_453 : i32
      %add3A_455 = vector.broadcast %add3A_454 : i32 to vector<16xi32>
      %add3A_456 = arith.addi %iota3A, %add3A_455 : vector<16xi32>
      %swap3A_457 = arith.constant 80 : index
      %swap3A_458 = tpu.vector_load %arg23[%swap3A_457] {strides = array<i32>} : memref<128xi32, #tpu.memory_space<vmem>>, vector<16xi32>,
      %swap3A_459 = vector.shape_cast %swap3A_458 : vector<16xi32> to vector<16xi32>
      %swap3A_460 = vector.shape_cast %add3A_456 : vector<16xi32> to vector<16xi32>
      tpu.vector_store %arg23[%swap3A_457], %swap3A_460 {strides = array<i32>} : memref<128xi32, #tpu.memory_space<vmem>>, vector<16xi32>,
      %add3A_461 = arith.constant 512 : i32
      %add3A_462 = arith.addi %mul3A_0, %add3A_461 : i32
      %add3A_463 = arith.constant 96 : i32
      %add3A_464 = arith.addi %add3A_462, %add3A_463 : i32
      %add3A_465 = vector.broadcast %add3A_464 : i32 to vector<16xi32>
      %add3A_466 = arith.addi %iota3A, %add3A_465 : vector<16xi32>
      %swap3A_467 = arith.constant 96 : index
      %swap3A_468 = tpu.vector_load %arg23[%swap3A_467] {strides = array<i32>} : memref<128xi32, #tpu.memory_space<vmem>>, vector<16xi32>,
      %swap3A_469 = vector.shape_cast %swap3A_468 : vector<16xi32> to vector<16xi32>
      %swap3A_470 = vector.shape_cast %add3A_466 : vector<16xi32> to vector<16xi32>
      tpu.vector_store %arg23[%swap3A_467], %swap3A_470 {strides = array<i32>} : memref<128xi32, #tpu.memory_space<vmem>>, vector<16xi32>,
      %add3A_471 = arith.constant 512 : i32
      %add3A_472 = arith.addi %mul3A_0, %add3A_471 : i32
      %add3A_473 = arith.constant 112 : i32
      %add3A_474 = arith.addi %add3A_472, %add3A_473 : i32
      %add3A_475 = vector.broadcast %add3A_474 : i32 to vector<16xi32>
      %add3A_476 = arith.addi %iota3A, %add3A_475 : vector<16xi32>
      %swap3A_477 = arith.constant 112 : index
      %swap3A_478 = tpu.vector_load %arg23[%swap3A_477] {strides = array<i32>} : memref<128xi32, #tpu.memory_space<vmem>>, vector<16xi32>,
      %swap3A_479 = vector.shape_cast %swap3A_478 : vector<16xi32> to vector<16xi32>
      %swap3A_480 = vector.shape_cast %add3A_476 : vector<16xi32> to vector<16xi32>
      tpu.vector_store %arg23[%swap3A_477], %swap3A_480 {strides = array<i32>} : memref<128xi32, #tpu.memory_space<vmem>>, vector<16xi32>,
      "tpu.region"() ({
        %run_scoped3A = tpu.sem_alloc : memref<!tpu.dma_semaphore, #tpu.memory_space<semaphore_mem>>
        %dma_start3A_721 = arith.constant 0 : i32
        %dma_start3A_722 = tpu.memref_slice %arg30[%dma_start3A_721] : memref<102400xi32, #tpu.memory_space<vmem_shared>> -> memref<102400xi32, #tpu.memory_space<vmem_shared>>
        tpu.enqueue_indirect_dma source(%arg23 : memref<128xi32, #tpu.memory_space<vmem>>) target(%dma_start3A_722 : memref<102400xi32, #tpu.memory_space<vmem_shared>>) offsets(%arg11 : memref<128xi32, #tpu.memory_space<vmem>>) semaphore(%run_scoped3A : memref<!tpu.dma_semaphore, #tpu.memory_space<semaphore_mem>>)
        %dma_wait3A_723 = arith.constant 0 : i32
        %dma_wait3A_724 = tpu.memref_slice %arg30[%dma_wait3A_723] : memref<102400xi32, #tpu.memory_space<vmem_shared>> -> memref<102400xi32, #tpu.memory_space<vmem_shared>>
        tpu.wait_indirect_dma semaphore(%run_scoped3A : memref<!tpu.dma_semaphore, #tpu.memory_space<semaphore_mem>>) src(%arg23 : memref<128xi32, #tpu.memory_space<vmem>>) dst(%dma_wait3A_724 : memref<102400xi32, #tpu.memory_space<vmem_shared>>)
        tpu.yield
      }) : () -> ()
      %add3A_481 = arith.constant 640 : i32
      %add3A_482 = arith.addi %mul3A_0, %add3A_481 : i32
      %add3A_483 = arith.constant 0 : i32
      %add3A_484 = arith.addi %add3A_482, %add3A_483 : i32
      %add3A_485 = vector.broadcast %add3A_484 : i32 to vector<16xi32>
      %add3A_486 = arith.addi %iota3A, %add3A_485 : vector<16xi32>
      %swap3A_487 = arith.constant 0 : index
      %swap3A_488 = tpu.vector_load %arg23[%swap3A_487] {strides = array<i32>} : memref<128xi32, #tpu.memory_space<vmem>>, vector<16xi32>,
      %swap3A_489 = vector.shape_cast %swap3A_488 : vector<16xi32> to vector<16xi32>
      %swap3A_490 = vector.shape_cast %add3A_486 : vector<16xi32> to vector<16xi32>
      tpu.vector_store %arg23[%swap3A_487], %swap3A_490 {strides = array<i32>} : memref<128xi32, #tpu.memory_space<vmem>>, vector<16xi32>,
      %add3A_491 = arith.constant 640 : i32
      %add3A_492 = arith.addi %mul3A_0, %add3A_491 : i32
      %add3A_493 = arith.constant 16 : i32
      %add3A_494 = arith.addi %add3A_492, %add3A_493 : i32
      %add3A_495 = vector.broadcast %add3A_494 : i32 to vector<16xi32>
      %add3A_496 = arith.addi %iota3A, %add3A_495 : vector<16xi32>
      %swap3A_497 = arith.constant 16 : index
      %swap3A_498 = tpu.vector_load %arg23[%swap3A_497] {strides = array<i32>} : memref<128xi32, #tpu.memory_space<vmem>>, vector<16xi32>,
      %swap3A_499 = vector.shape_cast %swap3A_498 : vector<16xi32> to vector<16xi32>
      %swap3A_500 = vector.shape_cast %add3A_496 : vector<16xi32> to vector<16xi32>
      tpu.vector_store %arg23[%swap3A_497], %swap3A_500 {strides = array<i32>} : memref<128xi32, #tpu.memory_space<vmem>>, vector<16xi32>,
      %add3A_501 = arith.constant 640 : i32
      %add3A_502 = arith.addi %mul3A_0, %add3A_501 : i32
      %add3A_503 = arith.constant 32 : i32
      %add3A_504 = arith.addi %add3A_502, %add3A_503 : i32
      %add3A_505 = vector.broadcast %add3A_504 : i32 to vector<16xi32>
      %add3A_506 = arith.addi %iota3A, %add3A_505 : vector<16xi32>
      %swap3A_507 = arith.constant 32 : index
      %swap3A_508 = tpu.vector_load %arg23[%swap3A_507] {strides = array<i32>} : memref<128xi32, #tpu.memory_space<vmem>>, vector<16xi32>,
      %swap3A_509 = vector.shape_cast %swap3A_508 : vector<16xi32> to vector<16xi32>
      %swap3A_510 = vector.shape_cast %add3A_506 : vector<16xi32> to vector<16xi32>
      tpu.vector_store %arg23[%swap3A_507], %swap3A_510 {strides = array<i32>} : memref<128xi32, #tpu.memory_space<vmem>>, vector<16xi32>,
      %add3A_511 = arith.constant 640 : i32
      %add3A_512 = arith.addi %mul3A_0, %add3A_511 : i32
      %add3A_513 = arith.constant 48 : i32
      %add3A_514 = arith.addi %add3A_512, %add3A_513 : i32
      %add3A_515 = vector.broadcast %add3A_514 : i32 to vector<16xi32>
      %add3A_516 = arith.addi %iota3A, %add3A_515 : vector<16xi32>
      %swap3A_517 = arith.constant 48 : index
      %swap3A_518 = tpu.vector_load %arg23[%swap3A_517] {strides = array<i32>} : memref<128xi32, #tpu.memory_space<vmem>>, vector<16xi32>,
      %swap3A_519 = vector.shape_cast %swap3A_518 : vector<16xi32> to vector<16xi32>
      %swap3A_520 = vector.shape_cast %add3A_516 : vector<16xi32> to vector<16xi32>
      tpu.vector_store %arg23[%swap3A_517], %swap3A_520 {strides = array<i32>} : memref<128xi32, #tpu.memory_space<vmem>>, vector<16xi32>,
      %add3A_521 = arith.constant 640 : i32
      %add3A_522 = arith.addi %mul3A_0, %add3A_521 : i32
      %add3A_523 = arith.constant 64 : i32
      %add3A_524 = arith.addi %add3A_522, %add3A_523 : i32
      %add3A_525 = vector.broadcast %add3A_524 : i32 to vector<16xi32>
      %add3A_526 = arith.addi %iota3A, %add3A_525 : vector<16xi32>
      %swap3A_527 = arith.constant 64 : index
      %swap3A_528 = tpu.vector_load %arg23[%swap3A_527] {strides = array<i32>} : memref<128xi32, #tpu.memory_space<vmem>>, vector<16xi32>,
      %swap3A_529 = vector.shape_cast %swap3A_528 : vector<16xi32> to vector<16xi32>
      %swap3A_530 = vector.shape_cast %add3A_526 : vector<16xi32> to vector<16xi32>
      tpu.vector_store %arg23[%swap3A_527], %swap3A_530 {strides = array<i32>} : memref<128xi32, #tpu.memory_space<vmem>>, vector<16xi32>,
      %add3A_531 = arith.constant 640 : i32
      %add3A_532 = arith.addi %mul3A_0, %add3A_531 : i32
      %add3A_533 = arith.constant 80 : i32
      %add3A_534 = arith.addi %add3A_532, %add3A_533 : i32
      %add3A_535 = vector.broadcast %add3A_534 : i32 to vector<16xi32>
      %add3A_536 = arith.addi %iota3A, %add3A_535 : vector<16xi32>
      %swap3A_537 = arith.constant 80 : index
      %swap3A_538 = tpu.vector_load %arg23[%swap3A_537] {strides = array<i32>} : memref<128xi32, #tpu.memory_space<vmem>>, vector<16xi32>,
      %swap3A_539 = vector.shape_cast %swap3A_538 : vector<16xi32> to vector<16xi32>
      %swap3A_540 = vector.shape_cast %add3A_536 : vector<16xi32> to vector<16xi32>
      tpu.vector_store %arg23[%swap3A_537], %swap3A_540 {strides = array<i32>} : memref<128xi32, #tpu.memory_space<vmem>>, vector<16xi32>,
      %add3A_541 = arith.constant 640 : i32
      %add3A_542 = arith.addi %mul3A_0, %add3A_541 : i32
      %add3A_543 = arith.constant 96 : i32
      %add3A_544 = arith.addi %add3A_542, %add3A_543 : i32
      %add3A_545 = vector.broadcast %add3A_544 : i32 to vector<16xi32>
      %add3A_546 = arith.addi %iota3A, %add3A_545 : vector<16xi32>
      %swap3A_547 = arith.constant 96 : index
      %swap3A_548 = tpu.vector_load %arg23[%swap3A_547] {strides = array<i32>} : memref<128xi32, #tpu.memory_space<vmem>>, vector<16xi32>,
      %swap3A_549 = vector.shape_cast %swap3A_548 : vector<16xi32> to vector<16xi32>
      %swap3A_550 = vector.shape_cast %add3A_546 : vector<16xi32> to vector<16xi32>
      tpu.vector_store %arg23[%swap3A_547], %swap3A_550 {strides = array<i32>} : memref<128xi32, #tpu.memory_space<vmem>>, vector<16xi32>,
      %add3A_551 = arith.constant 640 : i32
      %add3A_552 = arith.addi %mul3A_0, %add3A_551 : i32
      %add3A_553 = arith.constant 112 : i32
      %add3A_554 = arith.addi %add3A_552, %add3A_553 : i32
      %add3A_555 = vector.broadcast %add3A_554 : i32 to vector<16xi32>
      %add3A_556 = arith.addi %iota3A, %add3A_555 : vector<16xi32>
      %swap3A_557 = arith.constant 112 : index
      %swap3A_558 = tpu.vector_load %arg23[%swap3A_557] {strides = array<i32>} : memref<128xi32, #tpu.memory_space<vmem>>, vector<16xi32>,
      %swap3A_559 = vector.shape_cast %swap3A_558 : vector<16xi32> to vector<16xi32>
      %swap3A_560 = vector.shape_cast %add3A_556 : vector<16xi32> to vector<16xi32>
      tpu.vector_store %arg23[%swap3A_557], %swap3A_560 {strides = array<i32>} : memref<128xi32, #tpu.memory_space<vmem>>, vector<16xi32>,
      "tpu.region"() ({
        %run_scoped3A = tpu.sem_alloc : memref<!tpu.dma_semaphore, #tpu.memory_space<semaphore_mem>>
        %dma_start3A_721 = arith.constant 0 : i32
        %dma_start3A_722 = tpu.memref_slice %arg30[%dma_start3A_721] : memref<102400xi32, #tpu.memory_space<vmem_shared>> -> memref<102400xi32, #tpu.memory_space<vmem_shared>>
        tpu.enqueue_indirect_dma source(%arg23 : memref<128xi32, #tpu.memory_space<vmem>>) target(%dma_start3A_722 : memref<102400xi32, #tpu.memory_space<vmem_shared>>) offsets(%arg12 : memref<128xi32, #tpu.memory_space<vmem>>) semaphore(%run_scoped3A : memref<!tpu.dma_semaphore, #tpu.memory_space<semaphore_mem>>)
        %dma_wait3A_723 = arith.constant 0 : i32
        %dma_wait3A_724 = tpu.memref_slice %arg30[%dma_wait3A_723] : memref<102400xi32, #tpu.memory_space<vmem_shared>> -> memref<102400xi32, #tpu.memory_space<vmem_shared>>
        tpu.wait_indirect_dma semaphore(%run_scoped3A : memref<!tpu.dma_semaphore, #tpu.memory_space<semaphore_mem>>) src(%arg23 : memref<128xi32, #tpu.memory_space<vmem>>) dst(%dma_wait3A_724 : memref<102400xi32, #tpu.memory_space<vmem_shared>>)
        tpu.yield
      }) : () -> ()
      %add3A_561 = arith.constant 768 : i32
      %add3A_562 = arith.addi %mul3A_0, %add3A_561 : i32
      %add3A_563 = arith.constant 0 : i32
      %add3A_564 = arith.addi %add3A_562, %add3A_563 : i32
      %add3A_565 = vector.broadcast %add3A_564 : i32 to vector<16xi32>
      %add3A_566 = arith.addi %iota3A, %add3A_565 : vector<16xi32>
      %swap3A_567 = arith.constant 0 : index
      %swap3A_568 = tpu.vector_load %arg23[%swap3A_567] {strides = array<i32>} : memref<128xi32, #tpu.memory_space<vmem>>, vector<16xi32>,
      %swap3A_569 = vector.shape_cast %swap3A_568 : vector<16xi32> to vector<16xi32>
      %swap3A_570 = vector.shape_cast %add3A_566 : vector<16xi32> to vector<16xi32>
      tpu.vector_store %arg23[%swap3A_567], %swap3A_570 {strides = array<i32>} : memref<128xi32, #tpu.memory_space<vmem>>, vector<16xi32>,
      %add3A_571 = arith.constant 768 : i32
      %add3A_572 = arith.addi %mul3A_0, %add3A_571 : i32
      %add3A_573 = arith.constant 16 : i32
      %add3A_574 = arith.addi %add3A_572, %add3A_573 : i32
      %add3A_575 = vector.broadcast %add3A_574 : i32 to vector<16xi32>
      %add3A_576 = arith.addi %iota3A, %add3A_575 : vector<16xi32>
      %swap3A_577 = arith.constant 16 : index
      %swap3A_578 = tpu.vector_load %arg23[%swap3A_577] {strides = array<i32>} : memref<128xi32, #tpu.memory_space<vmem>>, vector<16xi32>,
      %swap3A_579 = vector.shape_cast %swap3A_578 : vector<16xi32> to vector<16xi32>
      %swap3A_580 = vector.shape_cast %add3A_576 : vector<16xi32> to vector<16xi32>
      tpu.vector_store %arg23[%swap3A_577], %swap3A_580 {strides = array<i32>} : memref<128xi32, #tpu.memory_space<vmem>>, vector<16xi32>,
      %add3A_581 = arith.constant 768 : i32
      %add3A_582 = arith.addi %mul3A_0, %add3A_581 : i32
      %add3A_583 = arith.constant 32 : i32
      %add3A_584 = arith.addi %add3A_582, %add3A_583 : i32
      %add3A_585 = vector.broadcast %add3A_584 : i32 to vector<16xi32>
      %add3A_586 = arith.addi %iota3A, %add3A_585 : vector<16xi32>
      %swap3A_587 = arith.constant 32 : index
      %swap3A_588 = tpu.vector_load %arg23[%swap3A_587] {strides = array<i32>} : memref<128xi32, #tpu.memory_space<vmem>>, vector<16xi32>,
      %swap3A_589 = vector.shape_cast %swap3A_588 : vector<16xi32> to vector<16xi32>
      %swap3A_590 = vector.shape_cast %add3A_586 : vector<16xi32> to vector<16xi32>
      tpu.vector_store %arg23[%swap3A_587], %swap3A_590 {strides = array<i32>} : memref<128xi32, #tpu.memory_space<vmem>>, vector<16xi32>,
      %add3A_591 = arith.constant 768 : i32
      %add3A_592 = arith.addi %mul3A_0, %add3A_591 : i32
      %add3A_593 = arith.constant 48 : i32
      %add3A_594 = arith.addi %add3A_592, %add3A_593 : i32
      %add3A_595 = vector.broadcast %add3A_594 : i32 to vector<16xi32>
      %add3A_596 = arith.addi %iota3A, %add3A_595 : vector<16xi32>
      %swap3A_597 = arith.constant 48 : index
      %swap3A_598 = tpu.vector_load %arg23[%swap3A_597] {strides = array<i32>} : memref<128xi32, #tpu.memory_space<vmem>>, vector<16xi32>,
      %swap3A_599 = vector.shape_cast %swap3A_598 : vector<16xi32> to vector<16xi32>
      %swap3A_600 = vector.shape_cast %add3A_596 : vector<16xi32> to vector<16xi32>
      tpu.vector_store %arg23[%swap3A_597], %swap3A_600 {strides = array<i32>} : memref<128xi32, #tpu.memory_space<vmem>>, vector<16xi32>,
      %add3A_601 = arith.constant 768 : i32
      %add3A_602 = arith.addi %mul3A_0, %add3A_601 : i32
      %add3A_603 = arith.constant 64 : i32
      %add3A_604 = arith.addi %add3A_602, %add3A_603 : i32
      %add3A_605 = vector.broadcast %add3A_604 : i32 to vector<16xi32>
      %add3A_606 = arith.addi %iota3A, %add3A_605 : vector<16xi32>
      %swap3A_607 = arith.constant 64 : index
      %swap3A_608 = tpu.vector_load %arg23[%swap3A_607] {strides = array<i32>} : memref<128xi32, #tpu.memory_space<vmem>>, vector<16xi32>,
      %swap3A_609 = vector.shape_cast %swap3A_608 : vector<16xi32> to vector<16xi32>
      %swap3A_610 = vector.shape_cast %add3A_606 : vector<16xi32> to vector<16xi32>
      tpu.vector_store %arg23[%swap3A_607], %swap3A_610 {strides = array<i32>} : memref<128xi32, #tpu.memory_space<vmem>>, vector<16xi32>,
      %add3A_611 = arith.constant 768 : i32
      %add3A_612 = arith.addi %mul3A_0, %add3A_611 : i32
      %add3A_613 = arith.constant 80 : i32
      %add3A_614 = arith.addi %add3A_612, %add3A_613 : i32
      %add3A_615 = vector.broadcast %add3A_614 : i32 to vector<16xi32>
      %add3A_616 = arith.addi %iota3A, %add3A_615 : vector<16xi32>
      %swap3A_617 = arith.constant 80 : index
      %swap3A_618 = tpu.vector_load %arg23[%swap3A_617] {strides = array<i32>} : memref<128xi32, #tpu.memory_space<vmem>>, vector<16xi32>,
      %swap3A_619 = vector.shape_cast %swap3A_618 : vector<16xi32> to vector<16xi32>
      %swap3A_620 = vector.shape_cast %add3A_616 : vector<16xi32> to vector<16xi32>
      tpu.vector_store %arg23[%swap3A_617], %swap3A_620 {strides = array<i32>} : memref<128xi32, #tpu.memory_space<vmem>>, vector<16xi32>,
      %add3A_621 = arith.constant 768 : i32
      %add3A_622 = arith.addi %mul3A_0, %add3A_621 : i32
      %add3A_623 = arith.constant 96 : i32
      %add3A_624 = arith.addi %add3A_622, %add3A_623 : i32
      %add3A_625 = vector.broadcast %add3A_624 : i32 to vector<16xi32>
      %add3A_626 = arith.addi %iota3A, %add3A_625 : vector<16xi32>
      %swap3A_627 = arith.constant 96 : index
      %swap3A_628 = tpu.vector_load %arg23[%swap3A_627] {strides = array<i32>} : memref<128xi32, #tpu.memory_space<vmem>>, vector<16xi32>,
      %swap3A_629 = vector.shape_cast %swap3A_628 : vector<16xi32> to vector<16xi32>
      %swap3A_630 = vector.shape_cast %add3A_626 : vector<16xi32> to vector<16xi32>
      tpu.vector_store %arg23[%swap3A_627], %swap3A_630 {strides = array<i32>} : memref<128xi32, #tpu.memory_space<vmem>>, vector<16xi32>,
      %add3A_631 = arith.constant 768 : i32
      %add3A_632 = arith.addi %mul3A_0, %add3A_631 : i32
      %add3A_633 = arith.constant 112 : i32
      %add3A_634 = arith.addi %add3A_632, %add3A_633 : i32
      %add3A_635 = vector.broadcast %add3A_634 : i32 to vector<16xi32>
      %add3A_636 = arith.addi %iota3A, %add3A_635 : vector<16xi32>
      %swap3A_637 = arith.constant 112 : index
      %swap3A_638 = tpu.vector_load %arg23[%swap3A_637] {strides = array<i32>} : memref<128xi32, #tpu.memory_space<vmem>>, vector<16xi32>,
      %swap3A_639 = vector.shape_cast %swap3A_638 : vector<16xi32> to vector<16xi32>
      %swap3A_640 = vector.shape_cast %add3A_636 : vector<16xi32> to vector<16xi32>
      tpu.vector_store %arg23[%swap3A_637], %swap3A_640 {strides = array<i32>} : memref<128xi32, #tpu.memory_space<vmem>>, vector<16xi32>,
      "tpu.region"() ({
        %run_scoped3A = tpu.sem_alloc : memref<!tpu.dma_semaphore, #tpu.memory_space<semaphore_mem>>
        %dma_start3A_721 = arith.constant 0 : i32
        %dma_start3A_722 = tpu.memref_slice %arg30[%dma_start3A_721] : memref<102400xi32, #tpu.memory_space<vmem_shared>> -> memref<102400xi32, #tpu.memory_space<vmem_shared>>
        tpu.enqueue_indirect_dma source(%arg23 : memref<128xi32, #tpu.memory_space<vmem>>) target(%dma_start3A_722 : memref<102400xi32, #tpu.memory_space<vmem_shared>>) offsets(%arg13 : memref<128xi32, #tpu.memory_space<vmem>>) semaphore(%run_scoped3A : memref<!tpu.dma_semaphore, #tpu.memory_space<semaphore_mem>>)
        %dma_wait3A_723 = arith.constant 0 : i32
        %dma_wait3A_724 = tpu.memref_slice %arg30[%dma_wait3A_723] : memref<102400xi32, #tpu.memory_space<vmem_shared>> -> memref<102400xi32, #tpu.memory_space<vmem_shared>>
        tpu.wait_indirect_dma semaphore(%run_scoped3A : memref<!tpu.dma_semaphore, #tpu.memory_space<semaphore_mem>>) src(%arg23 : memref<128xi32, #tpu.memory_space<vmem>>) dst(%dma_wait3A_724 : memref<102400xi32, #tpu.memory_space<vmem_shared>>)
        tpu.yield
      }) : () -> ()
      %add3A_641 = arith.constant 896 : i32
      %add3A_642 = arith.addi %mul3A_0, %add3A_641 : i32
      %add3A_643 = arith.constant 0 : i32
      %add3A_644 = arith.addi %add3A_642, %add3A_643 : i32
      %add3A_645 = vector.broadcast %add3A_644 : i32 to vector<16xi32>
      %add3A_646 = arith.addi %iota3A, %add3A_645 : vector<16xi32>
      %swap3A_647 = arith.constant 0 : index
      %swap3A_648 = tpu.vector_load %arg23[%swap3A_647] {strides = array<i32>} : memref<128xi32, #tpu.memory_space<vmem>>, vector<16xi32>,
      %swap3A_649 = vector.shape_cast %swap3A_648 : vector<16xi32> to vector<16xi32>
      %swap3A_650 = vector.shape_cast %add3A_646 : vector<16xi32> to vector<16xi32>
      tpu.vector_store %arg23[%swap3A_647], %swap3A_650 {strides = array<i32>} : memref<128xi32, #tpu.memory_space<vmem>>, vector<16xi32>,
      %add3A_651 = arith.constant 896 : i32
      %add3A_652 = arith.addi %mul3A_0, %add3A_651 : i32
      %add3A_653 = arith.constant 16 : i32
      %add3A_654 = arith.addi %add3A_652, %add3A_653 : i32
      %add3A_655 = vector.broadcast %add3A_654 : i32 to vector<16xi32>
      %add3A_656 = arith.addi %iota3A, %add3A_655 : vector<16xi32>
      %swap3A_657 = arith.constant 16 : index
      %swap3A_658 = tpu.vector_load %arg23[%swap3A_657] {strides = array<i32>} : memref<128xi32, #tpu.memory_space<vmem>>, vector<16xi32>,
      %swap3A_659 = vector.shape_cast %swap3A_658 : vector<16xi32> to vector<16xi32>
      %swap3A_660 = vector.shape_cast %add3A_656 : vector<16xi32> to vector<16xi32>
      tpu.vector_store %arg23[%swap3A_657], %swap3A_660 {strides = array<i32>} : memref<128xi32, #tpu.memory_space<vmem>>, vector<16xi32>,
      %add3A_661 = arith.constant 896 : i32
      %add3A_662 = arith.addi %mul3A_0, %add3A_661 : i32
      %add3A_663 = arith.constant 32 : i32
      %add3A_664 = arith.addi %add3A_662, %add3A_663 : i32
      %add3A_665 = vector.broadcast %add3A_664 : i32 to vector<16xi32>
      %add3A_666 = arith.addi %iota3A, %add3A_665 : vector<16xi32>
      %swap3A_667 = arith.constant 32 : index
      %swap3A_668 = tpu.vector_load %arg23[%swap3A_667] {strides = array<i32>} : memref<128xi32, #tpu.memory_space<vmem>>, vector<16xi32>,
      %swap3A_669 = vector.shape_cast %swap3A_668 : vector<16xi32> to vector<16xi32>
      %swap3A_670 = vector.shape_cast %add3A_666 : vector<16xi32> to vector<16xi32>
      tpu.vector_store %arg23[%swap3A_667], %swap3A_670 {strides = array<i32>} : memref<128xi32, #tpu.memory_space<vmem>>, vector<16xi32>,
      %add3A_671 = arith.constant 896 : i32
      %add3A_672 = arith.addi %mul3A_0, %add3A_671 : i32
      %add3A_673 = arith.constant 48 : i32
      %add3A_674 = arith.addi %add3A_672, %add3A_673 : i32
      %add3A_675 = vector.broadcast %add3A_674 : i32 to vector<16xi32>
      %add3A_676 = arith.addi %iota3A, %add3A_675 : vector<16xi32>
      %swap3A_677 = arith.constant 48 : index
      %swap3A_678 = tpu.vector_load %arg23[%swap3A_677] {strides = array<i32>} : memref<128xi32, #tpu.memory_space<vmem>>, vector<16xi32>,
      %swap3A_679 = vector.shape_cast %swap3A_678 : vector<16xi32> to vector<16xi32>
      %swap3A_680 = vector.shape_cast %add3A_676 : vector<16xi32> to vector<16xi32>
      tpu.vector_store %arg23[%swap3A_677], %swap3A_680 {strides = array<i32>} : memref<128xi32, #tpu.memory_space<vmem>>, vector<16xi32>,
      %add3A_681 = arith.constant 896 : i32
      %add3A_682 = arith.addi %mul3A_0, %add3A_681 : i32
      %add3A_683 = arith.constant 64 : i32
      %add3A_684 = arith.addi %add3A_682, %add3A_683 : i32
      %add3A_685 = vector.broadcast %add3A_684 : i32 to vector<16xi32>
      %add3A_686 = arith.addi %iota3A, %add3A_685 : vector<16xi32>
      %swap3A_687 = arith.constant 64 : index
      %swap3A_688 = tpu.vector_load %arg23[%swap3A_687] {strides = array<i32>} : memref<128xi32, #tpu.memory_space<vmem>>, vector<16xi32>,
      %swap3A_689 = vector.shape_cast %swap3A_688 : vector<16xi32> to vector<16xi32>
      %swap3A_690 = vector.shape_cast %add3A_686 : vector<16xi32> to vector<16xi32>
      tpu.vector_store %arg23[%swap3A_687], %swap3A_690 {strides = array<i32>} : memref<128xi32, #tpu.memory_space<vmem>>, vector<16xi32>,
      %add3A_691 = arith.constant 896 : i32
      %add3A_692 = arith.addi %mul3A_0, %add3A_691 : i32
      %add3A_693 = arith.constant 80 : i32
      %add3A_694 = arith.addi %add3A_692, %add3A_693 : i32
      %add3A_695 = vector.broadcast %add3A_694 : i32 to vector<16xi32>
      %add3A_696 = arith.addi %iota3A, %add3A_695 : vector<16xi32>
      %swap3A_697 = arith.constant 80 : index
      %swap3A_698 = tpu.vector_load %arg23[%swap3A_697] {strides = array<i32>} : memref<128xi32, #tpu.memory_space<vmem>>, vector<16xi32>,
      %swap3A_699 = vector.shape_cast %swap3A_698 : vector<16xi32> to vector<16xi32>
      %swap3A_700 = vector.shape_cast %add3A_696 : vector<16xi32> to vector<16xi32>
      tpu.vector_store %arg23[%swap3A_697], %swap3A_700 {strides = array<i32>} : memref<128xi32, #tpu.memory_space<vmem>>, vector<16xi32>,
      %add3A_701 = arith.constant 896 : i32
      %add3A_702 = arith.addi %mul3A_0, %add3A_701 : i32
      %add3A_703 = arith.constant 96 : i32
      %add3A_704 = arith.addi %add3A_702, %add3A_703 : i32
      %add3A_705 = vector.broadcast %add3A_704 : i32 to vector<16xi32>
      %add3A_706 = arith.addi %iota3A, %add3A_705 : vector<16xi32>
      %swap3A_707 = arith.constant 96 : index
      %swap3A_708 = tpu.vector_load %arg23[%swap3A_707] {strides = array<i32>} : memref<128xi32, #tpu.memory_space<vmem>>, vector<16xi32>,
      %swap3A_709 = vector.shape_cast %swap3A_708 : vector<16xi32> to vector<16xi32>
      %swap3A_710 = vector.shape_cast %add3A_706 : vector<16xi32> to vector<16xi32>
      tpu.vector_store %arg23[%swap3A_707], %swap3A_710 {strides = array<i32>} : memref<128xi32, #tpu.memory_space<vmem>>, vector<16xi32>,
      %add3A_711 = arith.constant 896 : i32
      %add3A_712 = arith.addi %mul3A_0, %add3A_711 : i32
      %add3A_713 = arith.constant 112 : i32
      %add3A_714 = arith.addi %add3A_712, %add3A_713 : i32
      %add3A_715 = vector.broadcast %add3A_714 : i32 to vector<16xi32>
      %add3A_716 = arith.addi %iota3A, %add3A_715 : vector<16xi32>
      %swap3A_717 = arith.constant 112 : index
      %swap3A_718 = tpu.vector_load %arg23[%swap3A_717] {strides = array<i32>} : memref<128xi32, #tpu.memory_space<vmem>>, vector<16xi32>,
      %swap3A_719 = vector.shape_cast %swap3A_718 : vector<16xi32> to vector<16xi32>
      %swap3A_720 = vector.shape_cast %add3A_716 : vector<16xi32> to vector<16xi32>
      tpu.vector_store %arg23[%swap3A_717], %swap3A_720 {strides = array<i32>} : memref<128xi32, #tpu.memory_space<vmem>>, vector<16xi32>,
      "tpu.region"() ({
        %run_scoped3A = tpu.sem_alloc : memref<!tpu.dma_semaphore, #tpu.memory_space<semaphore_mem>>
        %dma_start3A_721 = arith.constant 0 : i32
        %dma_start3A_722 = tpu.memref_slice %arg30[%dma_start3A_721] : memref<102400xi32, #tpu.memory_space<vmem_shared>> -> memref<102400xi32, #tpu.memory_space<vmem_shared>>
        tpu.enqueue_indirect_dma source(%arg23 : memref<128xi32, #tpu.memory_space<vmem>>) target(%dma_start3A_722 : memref<102400xi32, #tpu.memory_space<vmem_shared>>) offsets(%arg14 : memref<128xi32, #tpu.memory_space<vmem>>) semaphore(%run_scoped3A : memref<!tpu.dma_semaphore, #tpu.memory_space<semaphore_mem>>)
        %dma_wait3A_723 = arith.constant 0 : i32
        %dma_wait3A_724 = tpu.memref_slice %arg30[%dma_wait3A_723] : memref<102400xi32, #tpu.memory_space<vmem_shared>> -> memref<102400xi32, #tpu.memory_space<vmem_shared>>
        tpu.wait_indirect_dma semaphore(%run_scoped3A : memref<!tpu.dma_semaphore, #tpu.memory_space<semaphore_mem>>) src(%arg23 : memref<128xi32, #tpu.memory_space<vmem>>) dst(%dma_wait3A_724 : memref<102400xi32, #tpu.memory_space<vmem_shared>>)
        tpu.yield
      }) : () -> ()
    } else {
    }
    %barrier3A = arith.constant 0 : index
    tpu.barrier barrier_id(%barrier3A)
    %eq3A_14 = arith.constant 0 : i32
    %eq3A_15 = arith.cmpi eq, %arg0, %eq3A_14 : i32
    %convert_element_type3A_16 = arith.extui %eq3A_15 : i1 to i32
    %cond3A_17 = arith.constant 0 : i32
    %cond3A_18 = arith.cmpi ne, %convert_element_type3A_16, %cond3A_17 : i32
    scf.if %cond3A_18 {
      %broadcast_in_dim3A_28 = arith.constant 0.000000e+00 : f32
      %broadcast_in_dim3A_29 = vector.broadcast %broadcast_in_dim3A_28 : f32 to vector<16xf32>
      "tpu.region"() ({
        %run_scoped3A = tpu.sem_alloc : memref<!tpu.dma_semaphore, #tpu.memory_space<semaphore_mem>>
        %dma_start3A_99 = arith.constant 0 : i32
        %dma_start3A_100 = arith.constant 0 : i32
        %dma_start3A_101 = tpu.memref_slice %arg4[%dma_start3A_99, %dma_start3A_100] : memref<100000x64xf32, #tpu.memory_space<hbm>> -> memref<100000x64xf32, #tpu.memory_space<hbm>>
        tpu.enqueue_indirect_dma source(%dma_start3A_101 : memref<100000x64xf32, #tpu.memory_space<hbm>>) target(%arg24 : memref<128x64xf32, #tpu.memory_space<vmem>>) offsets(%arg7 : memref<128xi32, #tpu.memory_space<vmem>>) semaphore(%run_scoped3A : memref<!tpu.dma_semaphore, #tpu.memory_space<semaphore_mem>>)
        %dma_wait3A_102 = arith.constant 0 : i32
        %dma_wait3A_103 = arith.constant 0 : i32
        %dma_wait3A_104 = tpu.memref_slice %arg4[%dma_wait3A_102, %dma_wait3A_103] : memref<100000x64xf32, #tpu.memory_space<hbm>> -> memref<100000x64xf32, #tpu.memory_space<hbm>>
        tpu.wait_indirect_dma semaphore(%run_scoped3A : memref<!tpu.dma_semaphore, #tpu.memory_space<semaphore_mem>>) src(%dma_wait3A_104 : memref<100000x64xf32, #tpu.memory_space<hbm>>) dst(%arg24 : memref<128x64xf32, #tpu.memory_space<vmem>>)
        tpu.yield
      }) : () -> ()
      %add3A_30 = arith.constant 0 : i32
      %add3A_31 = arith.addi %mul3A_0, %add3A_30 : i32
      "tpu.region"() ({
        %run_scoped3A = tpu.sem_alloc : memref<!tpu.dma_semaphore, #tpu.memory_space<semaphore_mem>>
        %dma_start3A_99 = arith.constant 0 : i32
        %dma_start3A_100 = tpu.memref_slice %arg2[%add3A_31, %dma_start3A_99] : memref<16384x64xf32, #tpu.memory_space<hbm>> -> memref<128x64xf32, #tpu.memory_space<hbm>>
        %dma_start3A_101 = arith.constant 0 : i32
        %dma_start3A_102 = tpu.memref_slice %arg2[%add3A_31, %dma_start3A_101] : memref<16384x64xf32, #tpu.memory_space<hbm>> -> memref<128x64xf32, #tpu.memory_space<hbm>>
        tpu.enqueue_dma source(%dma_start3A_102 : memref<128x64xf32, #tpu.memory_space<hbm>>) target(%arg25 : memref<128x64xf32, #tpu.memory_space<vmem>>) target_semaphore(%run_scoped3A : memref<!tpu.dma_semaphore, #tpu.memory_space<semaphore_mem>>)
        %dma_wait3A_103 = arith.constant 0 : i32
        %dma_wait3A_104 = tpu.memref_slice %arg2[%add3A_31, %dma_wait3A_103] : memref<16384x64xf32, #tpu.memory_space<hbm>> -> memref<128x64xf32, #tpu.memory_space<hbm>>
        %dma_wait3A_105 = arith.constant 0 : i32
        %dma_wait3A_106 = tpu.memref_slice %arg2[%add3A_31, %dma_wait3A_105] : memref<16384x64xf32, #tpu.memory_space<hbm>> -> memref<128x64xf32, #tpu.memory_space<hbm>>
        tpu.wait_dma2 semaphore(%run_scoped3A : memref<!tpu.dma_semaphore, #tpu.memory_space<semaphore_mem>>) src(%dma_wait3A_106 : memref<128x64xf32, #tpu.memory_space<hbm>>) dst(%arg25 : memref<128x64xf32, #tpu.memory_space<vmem>>)
        tpu.yield
      }) : () -> ()
      "tpu.region"() ({
        %run_scoped3A = tpu.sem_alloc : memref<!tpu.dma_semaphore, #tpu.memory_space<semaphore_mem>>
        %dma_start3A_99 = arith.constant 0 : i32
        %dma_start3A_100 = tpu.memref_slice %arg30[%dma_start3A_99] : memref<102400xi32, #tpu.memory_space<vmem_shared>> -> memref<102400xi32, #tpu.memory_space<vmem_shared>>
        tpu.enqueue_indirect_dma source(%dma_start3A_100 : memref<102400xi32, #tpu.memory_space<vmem_shared>>) target(%arg15 : memref<128xi32, #tpu.memory_space<vmem>>) offsets(%arg7 : memref<128xi32, #tpu.memory_space<vmem>>) semaphore(%run_scoped3A : memref<!tpu.dma_semaphore, #tpu.memory_space<semaphore_mem>>)
        %dma_wait3A_101 = arith.constant 0 : i32
        %dma_wait3A_102 = tpu.memref_slice %arg30[%dma_wait3A_101] : memref<102400xi32, #tpu.memory_space<vmem_shared>> -> memref<102400xi32, #tpu.memory_space<vmem_shared>>
        tpu.wait_indirect_dma semaphore(%run_scoped3A : memref<!tpu.dma_semaphore, #tpu.memory_space<semaphore_mem>>) src(%dma_wait3A_102 : memref<102400xi32, #tpu.memory_space<vmem_shared>>) dst(%arg15 : memref<128xi32, #tpu.memory_space<vmem>>)
        tpu.yield
      }) : () -> ()
      %scan3A = arith.constant 0 : i32
      %scan3A_32 = arith.constant 128 : i32
      %scan3A_33 = arith.addi %scan3A, %scan3A_32 : i32
      %scan3A_34 = arith.constant 1 : i32
      %scan3A_35 = scf.for %scan3A_99 = %scan3A to %scan3A_33 step %scan3A_34 iter_args(%scan3A_100 = %broadcast_in_dim3A_29) -> (vector<16xf32>)  : i32 {
        %get3A = arith.index_cast %scan3A_99 : i32 to index
        %get3A_101 = arith.constant 0 : index
        %get3A_102 = tpu.vector_load %arg25[%get3A, %get3A_101] {strides = array<i32>} : memref<128x64xf32, #tpu.memory_space<vmem>>, vector<1x16xf32>,
        %get3A_103 = vector.shape_cast %get3A_102 : vector<1x16xf32> to vector<16xf32>
        %get3A_104 = arith.index_cast %scan3A_99 : i32 to index
        %get3A_105 = arith.constant 0 : index
        %get3A_106 = tpu.vector_load %arg24[%get3A_104, %get3A_105] {strides = array<i32>} : memref<128x64xf32, #tpu.memory_space<vmem>>, vector<1x16xf32>,
        %get3A_107 = vector.shape_cast %get3A_106 : vector<1x16xf32> to vector<16xf32>
        %sub3A = arith.subf %get3A_107, %get3A_103 : vector<16xf32>
        %mul3A_108 = arith.mulf %sub3A, %sub3A : vector<16xf32>
        %add3A_109 = arith.addf %scan3A_100, %mul3A_108 : vector<16xf32>
        %swap3A_110 = arith.index_cast %scan3A_99 : i32 to index
        %swap3A_111 = arith.constant 0 : index
        %swap3A_112 = tpu.vector_load %arg26[%swap3A_110, %swap3A_111] {strides = array<i32>} : memref<128x80xf32, #tpu.memory_space<vmem>>, vector<1x16xf32>,
        %swap3A_113 = vector.shape_cast %swap3A_112 : vector<1x16xf32> to vector<16xf32>
        %swap3A_114 = vector.shape_cast %sub3A : vector<16xf32> to vector<1x16xf32>
        tpu.vector_store %arg26[%swap3A_110, %swap3A_111], %swap3A_114 {strides = array<i32>} : memref<128x80xf32, #tpu.memory_space<vmem>>, vector<1x16xf32>,
        %get3A_115 = arith.index_cast %scan3A_99 : i32 to index
        %get3A_116 = arith.constant 16 : index
        %get3A_117 = tpu.vector_load %arg25[%get3A_115, %get3A_116] {strides = array<i32>} : memref<128x64xf32, #tpu.memory_space<vmem>>, vector<1x16xf32>,
        %get3A_118 = vector.shape_cast %get3A_117 : vector<1x16xf32> to vector<16xf32>
        %get3A_119 = arith.index_cast %scan3A_99 : i32 to index
        %get3A_120 = arith.constant 16 : index
        %get3A_121 = tpu.vector_load %arg24[%get3A_119, %get3A_120] {strides = array<i32>} : memref<128x64xf32, #tpu.memory_space<vmem>>, vector<1x16xf32>,
        %get3A_122 = vector.shape_cast %get3A_121 : vector<1x16xf32> to vector<16xf32>
        %sub3A_123 = arith.subf %get3A_122, %get3A_118 : vector<16xf32>
        %mul3A_124 = arith.mulf %sub3A_123, %sub3A_123 : vector<16xf32>
        %add3A_125 = arith.addf %add3A_109, %mul3A_124 : vector<16xf32>
        %swap3A_126 = arith.index_cast %scan3A_99 : i32 to index
        %swap3A_127 = arith.constant 16 : index
        %swap3A_128 = tpu.vector_load %arg26[%swap3A_126, %swap3A_127] {strides = array<i32>} : memref<128x80xf32, #tpu.memory_space<vmem>>, vector<1x16xf32>,
        %swap3A_129 = vector.shape_cast %swap3A_128 : vector<1x16xf32> to vector<16xf32>
        %swap3A_130 = vector.shape_cast %sub3A_123 : vector<16xf32> to vector<1x16xf32>
        tpu.vector_store %arg26[%swap3A_126, %swap3A_127], %swap3A_130 {strides = array<i32>} : memref<128x80xf32, #tpu.memory_space<vmem>>, vector<1x16xf32>,
        %get3A_131 = arith.index_cast %scan3A_99 : i32 to index
        %get3A_132 = arith.constant 32 : index
        %get3A_133 = tpu.vector_load %arg25[%get3A_131, %get3A_132] {strides = array<i32>} : memref<128x64xf32, #tpu.memory_space<vmem>>, vector<1x16xf32>,
        %get3A_134 = vector.shape_cast %get3A_133 : vector<1x16xf32> to vector<16xf32>
        %get3A_135 = arith.index_cast %scan3A_99 : i32 to index
        %get3A_136 = arith.constant 32 : index
        %get3A_137 = tpu.vector_load %arg24[%get3A_135, %get3A_136] {strides = array<i32>} : memref<128x64xf32, #tpu.memory_space<vmem>>, vector<1x16xf32>,
        %get3A_138 = vector.shape_cast %get3A_137 : vector<1x16xf32> to vector<16xf32>
        %sub3A_139 = arith.subf %get3A_138, %get3A_134 : vector<16xf32>
        %mul3A_140 = arith.mulf %sub3A_139, %sub3A_139 : vector<16xf32>
        %add3A_141 = arith.addf %add3A_125, %mul3A_140 : vector<16xf32>
        %swap3A_142 = arith.index_cast %scan3A_99 : i32 to index
        %swap3A_143 = arith.constant 32 : index
        %swap3A_144 = tpu.vector_load %arg26[%swap3A_142, %swap3A_143] {strides = array<i32>} : memref<128x80xf32, #tpu.memory_space<vmem>>, vector<1x16xf32>,
        %swap3A_145 = vector.shape_cast %swap3A_144 : vector<1x16xf32> to vector<16xf32>
        %swap3A_146 = vector.shape_cast %sub3A_139 : vector<16xf32> to vector<1x16xf32>
        tpu.vector_store %arg26[%swap3A_142, %swap3A_143], %swap3A_146 {strides = array<i32>} : memref<128x80xf32, #tpu.memory_space<vmem>>, vector<1x16xf32>,
        %get3A_147 = arith.index_cast %scan3A_99 : i32 to index
        %get3A_148 = arith.constant 48 : index
        %get3A_149 = tpu.vector_load %arg25[%get3A_147, %get3A_148] {strides = array<i32>} : memref<128x64xf32, #tpu.memory_space<vmem>>, vector<1x16xf32>,
        %get3A_150 = vector.shape_cast %get3A_149 : vector<1x16xf32> to vector<16xf32>
        %get3A_151 = arith.index_cast %scan3A_99 : i32 to index
        %get3A_152 = arith.constant 48 : index
        %get3A_153 = tpu.vector_load %arg24[%get3A_151, %get3A_152] {strides = array<i32>} : memref<128x64xf32, #tpu.memory_space<vmem>>, vector<1x16xf32>,
        %get3A_154 = vector.shape_cast %get3A_153 : vector<1x16xf32> to vector<16xf32>
        %sub3A_155 = arith.subf %get3A_154, %get3A_150 : vector<16xf32>
        %mul3A_156 = arith.mulf %sub3A_155, %sub3A_155 : vector<16xf32>
        %add3A_157 = arith.addf %add3A_141, %mul3A_156 : vector<16xf32>
        %swap3A_158 = arith.index_cast %scan3A_99 : i32 to index
        %swap3A_159 = arith.constant 48 : index
        %swap3A_160 = tpu.vector_load %arg26[%swap3A_158, %swap3A_159] {strides = array<i32>} : memref<128x80xf32, #tpu.memory_space<vmem>>, vector<1x16xf32>,
        %swap3A_161 = vector.shape_cast %swap3A_160 : vector<1x16xf32> to vector<16xf32>
        %swap3A_162 = vector.shape_cast %sub3A_155 : vector<16xf32> to vector<1x16xf32>
        tpu.vector_store %arg26[%swap3A_158, %swap3A_159], %swap3A_162 {strides = array<i32>} : memref<128x80xf32, #tpu.memory_space<vmem>>, vector<1x16xf32>,
        %swap3A_163 = arith.index_cast %scan3A_99 : i32 to index
        %swap3A_164 = arith.constant 64 : index
        %swap3A_165 = tpu.vector_load %arg26[%swap3A_163, %swap3A_164] {strides = array<i32>} : memref<128x80xf32, #tpu.memory_space<vmem>>, vector<1x16xf32>,
        %swap3A_166 = vector.shape_cast %swap3A_165 : vector<1x16xf32> to vector<16xf32>
        %swap3A_167 = vector.shape_cast %broadcast_in_dim3A_11 : vector<16xf32> to vector<1x16xf32>
        tpu.vector_store %arg26[%swap3A_163, %swap3A_164], %swap3A_167 {strides = array<i32>} : memref<128x80xf32, #tpu.memory_space<vmem>>, vector<1x16xf32>,
        scf.yield %add3A_157 : vector<16xf32>
      }
      %scan3A_36 = arith.constant 128 : i32
      "tpu.region"() ({
        %run_scoped3A = tpu.sem_alloc : memref<!tpu.dma_semaphore, #tpu.memory_space<semaphore_mem>>
        %dma_start3A_99 = arith.constant 0 : i32
        %dma_start3A_100 = arith.constant 0 : i32
        %dma_start3A_101 = tpu.memref_slice %arg31[%dma_start3A_99, %dma_start3A_100] : memref<16384x80xf32, #tpu.memory_space<vmem_shared>> -> memref<16384x80xf32, #tpu.memory_space<vmem_shared>>
        tpu.enqueue_indirect_dma source(%arg26 : memref<128x80xf32, #tpu.memory_space<vmem>>) target(%dma_start3A_101 : memref<16384x80xf32, #tpu.memory_space<vmem_shared>>) offsets(%arg15 : memref<128xi32, #tpu.memory_space<vmem>>) semaphore(%run_scoped3A : memref<!tpu.dma_semaphore, #tpu.memory_space<semaphore_mem>>) {add = true}
        %dma_wait3A_102 = arith.constant 0 : i32
        %dma_wait3A_103 = arith.constant 0 : i32
        %dma_wait3A_104 = tpu.memref_slice %arg31[%dma_wait3A_102, %dma_wait3A_103] : memref<16384x80xf32, #tpu.memory_space<vmem_shared>> -> memref<16384x80xf32, #tpu.memory_space<vmem_shared>>
        tpu.wait_indirect_dma semaphore(%run_scoped3A : memref<!tpu.dma_semaphore, #tpu.memory_space<semaphore_mem>>) src(%arg26 : memref<128x80xf32, #tpu.memory_space<vmem>>) dst(%dma_wait3A_104 : memref<16384x80xf32, #tpu.memory_space<vmem_shared>>)
        tpu.yield
      }) : () -> ()
      "tpu.region"() ({
        %run_scoped3A = tpu.sem_alloc : memref<!tpu.dma_semaphore, #tpu.memory_space<semaphore_mem>>
        %dma_start3A_99 = arith.constant 0 : i32
        %dma_start3A_100 = arith.constant 0 : i32
        %dma_start3A_101 = tpu.memref_slice %arg4[%dma_start3A_99, %dma_start3A_100] : memref<100000x64xf32, #tpu.memory_space<hbm>> -> memref<100000x64xf32, #tpu.memory_space<hbm>>
        tpu.enqueue_indirect_dma source(%dma_start3A_101 : memref<100000x64xf32, #tpu.memory_space<hbm>>) target(%arg24 : memref<128x64xf32, #tpu.memory_space<vmem>>) offsets(%arg8 : memref<128xi32, #tpu.memory_space<vmem>>) semaphore(%run_scoped3A : memref<!tpu.dma_semaphore, #tpu.memory_space<semaphore_mem>>)
        %dma_wait3A_102 = arith.constant 0 : i32
        %dma_wait3A_103 = arith.constant 0 : i32
        %dma_wait3A_104 = tpu.memref_slice %arg4[%dma_wait3A_102, %dma_wait3A_103] : memref<100000x64xf32, #tpu.memory_space<hbm>> -> memref<100000x64xf32, #tpu.memory_space<hbm>>
        tpu.wait_indirect_dma semaphore(%run_scoped3A : memref<!tpu.dma_semaphore, #tpu.memory_space<semaphore_mem>>) src(%dma_wait3A_104 : memref<100000x64xf32, #tpu.memory_space<hbm>>) dst(%arg24 : memref<128x64xf32, #tpu.memory_space<vmem>>)
        tpu.yield
      }) : () -> ()
      %add3A_37 = arith.constant 128 : i32
      %add3A_38 = arith.addi %mul3A_0, %add3A_37 : i32
      "tpu.region"() ({
        %run_scoped3A = tpu.sem_alloc : memref<!tpu.dma_semaphore, #tpu.memory_space<semaphore_mem>>
        %dma_start3A_99 = arith.constant 0 : i32
        %dma_start3A_100 = tpu.memref_slice %arg2[%add3A_38, %dma_start3A_99] : memref<16384x64xf32, #tpu.memory_space<hbm>> -> memref<128x64xf32, #tpu.memory_space<hbm>>
        %dma_start3A_101 = arith.constant 0 : i32
        %dma_start3A_102 = tpu.memref_slice %arg2[%add3A_38, %dma_start3A_101] : memref<16384x64xf32, #tpu.memory_space<hbm>> -> memref<128x64xf32, #tpu.memory_space<hbm>>
        tpu.enqueue_dma source(%dma_start3A_102 : memref<128x64xf32, #tpu.memory_space<hbm>>) target(%arg25 : memref<128x64xf32, #tpu.memory_space<vmem>>) target_semaphore(%run_scoped3A : memref<!tpu.dma_semaphore, #tpu.memory_space<semaphore_mem>>)
        %dma_wait3A_103 = arith.constant 0 : i32
        %dma_wait3A_104 = tpu.memref_slice %arg2[%add3A_38, %dma_wait3A_103] : memref<16384x64xf32, #tpu.memory_space<hbm>> -> memref<128x64xf32, #tpu.memory_space<hbm>>
        %dma_wait3A_105 = arith.constant 0 : i32
        %dma_wait3A_106 = tpu.memref_slice %arg2[%add3A_38, %dma_wait3A_105] : memref<16384x64xf32, #tpu.memory_space<hbm>> -> memref<128x64xf32, #tpu.memory_space<hbm>>
        tpu.wait_dma2 semaphore(%run_scoped3A : memref<!tpu.dma_semaphore, #tpu.memory_space<semaphore_mem>>) src(%dma_wait3A_106 : memref<128x64xf32, #tpu.memory_space<hbm>>) dst(%arg25 : memref<128x64xf32, #tpu.memory_space<vmem>>)
        tpu.yield
      }) : () -> ()
      "tpu.region"() ({
        %run_scoped3A = tpu.sem_alloc : memref<!tpu.dma_semaphore, #tpu.memory_space<semaphore_mem>>
        %dma_start3A_99 = arith.constant 0 : i32
        %dma_start3A_100 = tpu.memref_slice %arg30[%dma_start3A_99] : memref<102400xi32, #tpu.memory_space<vmem_shared>> -> memref<102400xi32, #tpu.memory_space<vmem_shared>>
        tpu.enqueue_indirect_dma source(%dma_start3A_100 : memref<102400xi32, #tpu.memory_space<vmem_shared>>) target(%arg16 : memref<128xi32, #tpu.memory_space<vmem>>) offsets(%arg8 : memref<128xi32, #tpu.memory_space<vmem>>) semaphore(%run_scoped3A : memref<!tpu.dma_semaphore, #tpu.memory_space<semaphore_mem>>)
        %dma_wait3A_101 = arith.constant 0 : i32
        %dma_wait3A_102 = tpu.memref_slice %arg30[%dma_wait3A_101] : memref<102400xi32, #tpu.memory_space<vmem_shared>> -> memref<102400xi32, #tpu.memory_space<vmem_shared>>
        tpu.wait_indirect_dma semaphore(%run_scoped3A : memref<!tpu.dma_semaphore, #tpu.memory_space<semaphore_mem>>) src(%dma_wait3A_102 : memref<102400xi32, #tpu.memory_space<vmem_shared>>) dst(%arg16 : memref<128xi32, #tpu.memory_space<vmem>>)
        tpu.yield
      }) : () -> ()
      %scan3A_39 = arith.constant 0 : i32
      %scan3A_40 = arith.constant 128 : i32
      %scan3A_41 = arith.addi %scan3A_39, %scan3A_40 : i32
      %scan3A_42 = arith.constant 1 : i32
      %scan3A_43 = scf.for %scan3A_99 = %scan3A_39 to %scan3A_41 step %scan3A_42 iter_args(%scan3A_100 = %scan3A_35) -> (vector<16xf32>)  : i32 {
        %get3A = arith.index_cast %scan3A_99 : i32 to index
        %get3A_101 = arith.constant 0 : index
        %get3A_102 = tpu.vector_load %arg25[%get3A, %get3A_101] {strides = array<i32>} : memref<128x64xf32, #tpu.memory_space<vmem>>, vector<1x16xf32>,
        %get3A_103 = vector.shape_cast %get3A_102 : vector<1x16xf32> to vector<16xf32>
        %get3A_104 = arith.index_cast %scan3A_99 : i32 to index
        %get3A_105 = arith.constant 0 : index
        %get3A_106 = tpu.vector_load %arg24[%get3A_104, %get3A_105] {strides = array<i32>} : memref<128x64xf32, #tpu.memory_space<vmem>>, vector<1x16xf32>,
        %get3A_107 = vector.shape_cast %get3A_106 : vector<1x16xf32> to vector<16xf32>
        %sub3A = arith.subf %get3A_107, %get3A_103 : vector<16xf32>
        %mul3A_108 = arith.mulf %sub3A, %sub3A : vector<16xf32>
        %add3A_109 = arith.addf %scan3A_100, %mul3A_108 : vector<16xf32>
        %swap3A_110 = arith.index_cast %scan3A_99 : i32 to index
        %swap3A_111 = arith.constant 0 : index
        %swap3A_112 = tpu.vector_load %arg26[%swap3A_110, %swap3A_111] {strides = array<i32>} : memref<128x80xf32, #tpu.memory_space<vmem>>, vector<1x16xf32>,
        %swap3A_113 = vector.shape_cast %swap3A_112 : vector<1x16xf32> to vector<16xf32>
        %swap3A_114 = vector.shape_cast %sub3A : vector<16xf32> to vector<1x16xf32>
        tpu.vector_store %arg26[%swap3A_110, %swap3A_111], %swap3A_114 {strides = array<i32>} : memref<128x80xf32, #tpu.memory_space<vmem>>, vector<1x16xf32>,
        %get3A_115 = arith.index_cast %scan3A_99 : i32 to index
        %get3A_116 = arith.constant 16 : index
        %get3A_117 = tpu.vector_load %arg25[%get3A_115, %get3A_116] {strides = array<i32>} : memref<128x64xf32, #tpu.memory_space<vmem>>, vector<1x16xf32>,
        %get3A_118 = vector.shape_cast %get3A_117 : vector<1x16xf32> to vector<16xf32>
        %get3A_119 = arith.index_cast %scan3A_99 : i32 to index
        %get3A_120 = arith.constant 16 : index
        %get3A_121 = tpu.vector_load %arg24[%get3A_119, %get3A_120] {strides = array<i32>} : memref<128x64xf32, #tpu.memory_space<vmem>>, vector<1x16xf32>,
        %get3A_122 = vector.shape_cast %get3A_121 : vector<1x16xf32> to vector<16xf32>
        %sub3A_123 = arith.subf %get3A_122, %get3A_118 : vector<16xf32>
        %mul3A_124 = arith.mulf %sub3A_123, %sub3A_123 : vector<16xf32>
        %add3A_125 = arith.addf %add3A_109, %mul3A_124 : vector<16xf32>
        %swap3A_126 = arith.index_cast %scan3A_99 : i32 to index
        %swap3A_127 = arith.constant 16 : index
        %swap3A_128 = tpu.vector_load %arg26[%swap3A_126, %swap3A_127] {strides = array<i32>} : memref<128x80xf32, #tpu.memory_space<vmem>>, vector<1x16xf32>,
        %swap3A_129 = vector.shape_cast %swap3A_128 : vector<1x16xf32> to vector<16xf32>
        %swap3A_130 = vector.shape_cast %sub3A_123 : vector<16xf32> to vector<1x16xf32>
        tpu.vector_store %arg26[%swap3A_126, %swap3A_127], %swap3A_130 {strides = array<i32>} : memref<128x80xf32, #tpu.memory_space<vmem>>, vector<1x16xf32>,
        %get3A_131 = arith.index_cast %scan3A_99 : i32 to index
        %get3A_132 = arith.constant 32 : index
        %get3A_133 = tpu.vector_load %arg25[%get3A_131, %get3A_132] {strides = array<i32>} : memref<128x64xf32, #tpu.memory_space<vmem>>, vector<1x16xf32>,
        %get3A_134 = vector.shape_cast %get3A_133 : vector<1x16xf32> to vector<16xf32>
        %get3A_135 = arith.index_cast %scan3A_99 : i32 to index
        %get3A_136 = arith.constant 32 : index
        %get3A_137 = tpu.vector_load %arg24[%get3A_135, %get3A_136] {strides = array<i32>} : memref<128x64xf32, #tpu.memory_space<vmem>>, vector<1x16xf32>,
        %get3A_138 = vector.shape_cast %get3A_137 : vector<1x16xf32> to vector<16xf32>
        %sub3A_139 = arith.subf %get3A_138, %get3A_134 : vector<16xf32>
        %mul3A_140 = arith.mulf %sub3A_139, %sub3A_139 : vector<16xf32>
        %add3A_141 = arith.addf %add3A_125, %mul3A_140 : vector<16xf32>
        %swap3A_142 = arith.index_cast %scan3A_99 : i32 to index
        %swap3A_143 = arith.constant 32 : index
        %swap3A_144 = tpu.vector_load %arg26[%swap3A_142, %swap3A_143] {strides = array<i32>} : memref<128x80xf32, #tpu.memory_space<vmem>>, vector<1x16xf32>,
        %swap3A_145 = vector.shape_cast %swap3A_144 : vector<1x16xf32> to vector<16xf32>
        %swap3A_146 = vector.shape_cast %sub3A_139 : vector<16xf32> to vector<1x16xf32>
        tpu.vector_store %arg26[%swap3A_142, %swap3A_143], %swap3A_146 {strides = array<i32>} : memref<128x80xf32, #tpu.memory_space<vmem>>, vector<1x16xf32>,
        %get3A_147 = arith.index_cast %scan3A_99 : i32 to index
        %get3A_148 = arith.constant 48 : index
        %get3A_149 = tpu.vector_load %arg25[%get3A_147, %get3A_148] {strides = array<i32>} : memref<128x64xf32, #tpu.memory_space<vmem>>, vector<1x16xf32>,
        %get3A_150 = vector.shape_cast %get3A_149 : vector<1x16xf32> to vector<16xf32>
        %get3A_151 = arith.index_cast %scan3A_99 : i32 to index
        %get3A_152 = arith.constant 48 : index
        %get3A_153 = tpu.vector_load %arg24[%get3A_151, %get3A_152] {strides = array<i32>} : memref<128x64xf32, #tpu.memory_space<vmem>>, vector<1x16xf32>,
        %get3A_154 = vector.shape_cast %get3A_153 : vector<1x16xf32> to vector<16xf32>
        %sub3A_155 = arith.subf %get3A_154, %get3A_150 : vector<16xf32>
        %mul3A_156 = arith.mulf %sub3A_155, %sub3A_155 : vector<16xf32>
        %add3A_157 = arith.addf %add3A_141, %mul3A_156 : vector<16xf32>
        %swap3A_158 = arith.index_cast %scan3A_99 : i32 to index
        %swap3A_159 = arith.constant 48 : index
        %swap3A_160 = tpu.vector_load %arg26[%swap3A_158, %swap3A_159] {strides = array<i32>} : memref<128x80xf32, #tpu.memory_space<vmem>>, vector<1x16xf32>,
        %swap3A_161 = vector.shape_cast %swap3A_160 : vector<1x16xf32> to vector<16xf32>
        %swap3A_162 = vector.shape_cast %sub3A_155 : vector<16xf32> to vector<1x16xf32>
        tpu.vector_store %arg26[%swap3A_158, %swap3A_159], %swap3A_162 {strides = array<i32>} : memref<128x80xf32, #tpu.memory_space<vmem>>, vector<1x16xf32>,
        %swap3A_163 = arith.index_cast %scan3A_99 : i32 to index
        %swap3A_164 = arith.constant 64 : index
        %swap3A_165 = tpu.vector_load %arg26[%swap3A_163, %swap3A_164] {strides = array<i32>} : memref<128x80xf32, #tpu.memory_space<vmem>>, vector<1x16xf32>,
        %swap3A_166 = vector.shape_cast %swap3A_165 : vector<1x16xf32> to vector<16xf32>
        %swap3A_167 = vector.shape_cast %broadcast_in_dim3A_11 : vector<16xf32> to vector<1x16xf32>
        tpu.vector_store %arg26[%swap3A_163, %swap3A_164], %swap3A_167 {strides = array<i32>} : memref<128x80xf32, #tpu.memory_space<vmem>>, vector<1x16xf32>,
        scf.yield %add3A_157 : vector<16xf32>
      }
      %scan3A_44 = arith.constant 128 : i32
      "tpu.region"() ({
        %run_scoped3A = tpu.sem_alloc : memref<!tpu.dma_semaphore, #tpu.memory_space<semaphore_mem>>
        %dma_start3A_99 = arith.constant 0 : i32
        %dma_start3A_100 = arith.constant 0 : i32
        %dma_start3A_101 = tpu.memref_slice %arg31[%dma_start3A_99, %dma_start3A_100] : memref<16384x80xf32, #tpu.memory_space<vmem_shared>> -> memref<16384x80xf32, #tpu.memory_space<vmem_shared>>
        tpu.enqueue_indirect_dma source(%arg26 : memref<128x80xf32, #tpu.memory_space<vmem>>) target(%dma_start3A_101 : memref<16384x80xf32, #tpu.memory_space<vmem_shared>>) offsets(%arg16 : memref<128xi32, #tpu.memory_space<vmem>>) semaphore(%run_scoped3A : memref<!tpu.dma_semaphore, #tpu.memory_space<semaphore_mem>>) {add = true}
        %dma_wait3A_102 = arith.constant 0 : i32
        %dma_wait3A_103 = arith.constant 0 : i32
        %dma_wait3A_104 = tpu.memref_slice %arg31[%dma_wait3A_102, %dma_wait3A_103] : memref<16384x80xf32, #tpu.memory_space<vmem_shared>> -> memref<16384x80xf32, #tpu.memory_space<vmem_shared>>
        tpu.wait_indirect_dma semaphore(%run_scoped3A : memref<!tpu.dma_semaphore, #tpu.memory_space<semaphore_mem>>) src(%arg26 : memref<128x80xf32, #tpu.memory_space<vmem>>) dst(%dma_wait3A_104 : memref<16384x80xf32, #tpu.memory_space<vmem_shared>>)
        tpu.yield
      }) : () -> ()
      "tpu.region"() ({
        %run_scoped3A = tpu.sem_alloc : memref<!tpu.dma_semaphore, #tpu.memory_space<semaphore_mem>>
        %dma_start3A_99 = arith.constant 0 : i32
        %dma_start3A_100 = arith.constant 0 : i32
        %dma_start3A_101 = tpu.memref_slice %arg4[%dma_start3A_99, %dma_start3A_100] : memref<100000x64xf32, #tpu.memory_space<hbm>> -> memref<100000x64xf32, #tpu.memory_space<hbm>>
        tpu.enqueue_indirect_dma source(%dma_start3A_101 : memref<100000x64xf32, #tpu.memory_space<hbm>>) target(%arg24 : memref<128x64xf32, #tpu.memory_space<vmem>>) offsets(%arg9 : memref<128xi32, #tpu.memory_space<vmem>>) semaphore(%run_scoped3A : memref<!tpu.dma_semaphore, #tpu.memory_space<semaphore_mem>>)
        %dma_wait3A_102 = arith.constant 0 : i32
        %dma_wait3A_103 = arith.constant 0 : i32
        %dma_wait3A_104 = tpu.memref_slice %arg4[%dma_wait3A_102, %dma_wait3A_103] : memref<100000x64xf32, #tpu.memory_space<hbm>> -> memref<100000x64xf32, #tpu.memory_space<hbm>>
        tpu.wait_indirect_dma semaphore(%run_scoped3A : memref<!tpu.dma_semaphore, #tpu.memory_space<semaphore_mem>>) src(%dma_wait3A_104 : memref<100000x64xf32, #tpu.memory_space<hbm>>) dst(%arg24 : memref<128x64xf32, #tpu.memory_space<vmem>>)
        tpu.yield
      }) : () -> ()
      %add3A_45 = arith.constant 256 : i32
      %add3A_46 = arith.addi %mul3A_0, %add3A_45 : i32
      "tpu.region"() ({
        %run_scoped3A = tpu.sem_alloc : memref<!tpu.dma_semaphore, #tpu.memory_space<semaphore_mem>>
        %dma_start3A_99 = arith.constant 0 : i32
        %dma_start3A_100 = tpu.memref_slice %arg2[%add3A_46, %dma_start3A_99] : memref<16384x64xf32, #tpu.memory_space<hbm>> -> memref<128x64xf32, #tpu.memory_space<hbm>>
        %dma_start3A_101 = arith.constant 0 : i32
        %dma_start3A_102 = tpu.memref_slice %arg2[%add3A_46, %dma_start3A_101] : memref<16384x64xf32, #tpu.memory_space<hbm>> -> memref<128x64xf32, #tpu.memory_space<hbm>>
        tpu.enqueue_dma source(%dma_start3A_102 : memref<128x64xf32, #tpu.memory_space<hbm>>) target(%arg25 : memref<128x64xf32, #tpu.memory_space<vmem>>) target_semaphore(%run_scoped3A : memref<!tpu.dma_semaphore, #tpu.memory_space<semaphore_mem>>)
        %dma_wait3A_103 = arith.constant 0 : i32
        %dma_wait3A_104 = tpu.memref_slice %arg2[%add3A_46, %dma_wait3A_103] : memref<16384x64xf32, #tpu.memory_space<hbm>> -> memref<128x64xf32, #tpu.memory_space<hbm>>
        %dma_wait3A_105 = arith.constant 0 : i32
        %dma_wait3A_106 = tpu.memref_slice %arg2[%add3A_46, %dma_wait3A_105] : memref<16384x64xf32, #tpu.memory_space<hbm>> -> memref<128x64xf32, #tpu.memory_space<hbm>>
        tpu.wait_dma2 semaphore(%run_scoped3A : memref<!tpu.dma_semaphore, #tpu.memory_space<semaphore_mem>>) src(%dma_wait3A_106 : memref<128x64xf32, #tpu.memory_space<hbm>>) dst(%arg25 : memref<128x64xf32, #tpu.memory_space<vmem>>)
        tpu.yield
      }) : () -> ()
      "tpu.region"() ({
        %run_scoped3A = tpu.sem_alloc : memref<!tpu.dma_semaphore, #tpu.memory_space<semaphore_mem>>
        %dma_start3A_99 = arith.constant 0 : i32
        %dma_start3A_100 = tpu.memref_slice %arg30[%dma_start3A_99] : memref<102400xi32, #tpu.memory_space<vmem_shared>> -> memref<102400xi32, #tpu.memory_space<vmem_shared>>
        tpu.enqueue_indirect_dma source(%dma_start3A_100 : memref<102400xi32, #tpu.memory_space<vmem_shared>>) target(%arg17 : memref<128xi32, #tpu.memory_space<vmem>>) offsets(%arg9 : memref<128xi32, #tpu.memory_space<vmem>>) semaphore(%run_scoped3A : memref<!tpu.dma_semaphore, #tpu.memory_space<semaphore_mem>>)
        %dma_wait3A_101 = arith.constant 0 : i32
        %dma_wait3A_102 = tpu.memref_slice %arg30[%dma_wait3A_101] : memref<102400xi32, #tpu.memory_space<vmem_shared>> -> memref<102400xi32, #tpu.memory_space<vmem_shared>>
        tpu.wait_indirect_dma semaphore(%run_scoped3A : memref<!tpu.dma_semaphore, #tpu.memory_space<semaphore_mem>>) src(%dma_wait3A_102 : memref<102400xi32, #tpu.memory_space<vmem_shared>>) dst(%arg17 : memref<128xi32, #tpu.memory_space<vmem>>)
        tpu.yield
      }) : () -> ()
      %scan3A_47 = arith.constant 0 : i32
      %scan3A_48 = arith.constant 128 : i32
      %scan3A_49 = arith.addi %scan3A_47, %scan3A_48 : i32
      %scan3A_50 = arith.constant 1 : i32
      %scan3A_51 = scf.for %scan3A_99 = %scan3A_47 to %scan3A_49 step %scan3A_50 iter_args(%scan3A_100 = %scan3A_43) -> (vector<16xf32>)  : i32 {
        %get3A = arith.index_cast %scan3A_99 : i32 to index
        %get3A_101 = arith.constant 0 : index
        %get3A_102 = tpu.vector_load %arg25[%get3A, %get3A_101] {strides = array<i32>} : memref<128x64xf32, #tpu.memory_space<vmem>>, vector<1x16xf32>,
        %get3A_103 = vector.shape_cast %get3A_102 : vector<1x16xf32> to vector<16xf32>
        %get3A_104 = arith.index_cast %scan3A_99 : i32 to index
        %get3A_105 = arith.constant 0 : index
        %get3A_106 = tpu.vector_load %arg24[%get3A_104, %get3A_105] {strides = array<i32>} : memref<128x64xf32, #tpu.memory_space<vmem>>, vector<1x16xf32>,
        %get3A_107 = vector.shape_cast %get3A_106 : vector<1x16xf32> to vector<16xf32>
        %sub3A = arith.subf %get3A_107, %get3A_103 : vector<16xf32>
        %mul3A_108 = arith.mulf %sub3A, %sub3A : vector<16xf32>
        %add3A_109 = arith.addf %scan3A_100, %mul3A_108 : vector<16xf32>
        %swap3A_110 = arith.index_cast %scan3A_99 : i32 to index
        %swap3A_111 = arith.constant 0 : index
        %swap3A_112 = tpu.vector_load %arg26[%swap3A_110, %swap3A_111] {strides = array<i32>} : memref<128x80xf32, #tpu.memory_space<vmem>>, vector<1x16xf32>,
        %swap3A_113 = vector.shape_cast %swap3A_112 : vector<1x16xf32> to vector<16xf32>
        %swap3A_114 = vector.shape_cast %sub3A : vector<16xf32> to vector<1x16xf32>
        tpu.vector_store %arg26[%swap3A_110, %swap3A_111], %swap3A_114 {strides = array<i32>} : memref<128x80xf32, #tpu.memory_space<vmem>>, vector<1x16xf32>,
        %get3A_115 = arith.index_cast %scan3A_99 : i32 to index
        %get3A_116 = arith.constant 16 : index
        %get3A_117 = tpu.vector_load %arg25[%get3A_115, %get3A_116] {strides = array<i32>} : memref<128x64xf32, #tpu.memory_space<vmem>>, vector<1x16xf32>,
        %get3A_118 = vector.shape_cast %get3A_117 : vector<1x16xf32> to vector<16xf32>
        %get3A_119 = arith.index_cast %scan3A_99 : i32 to index
        %get3A_120 = arith.constant 16 : index
        %get3A_121 = tpu.vector_load %arg24[%get3A_119, %get3A_120] {strides = array<i32>} : memref<128x64xf32, #tpu.memory_space<vmem>>, vector<1x16xf32>,
        %get3A_122 = vector.shape_cast %get3A_121 : vector<1x16xf32> to vector<16xf32>
        %sub3A_123 = arith.subf %get3A_122, %get3A_118 : vector<16xf32>
        %mul3A_124 = arith.mulf %sub3A_123, %sub3A_123 : vector<16xf32>
        %add3A_125 = arith.addf %add3A_109, %mul3A_124 : vector<16xf32>
        %swap3A_126 = arith.index_cast %scan3A_99 : i32 to index
        %swap3A_127 = arith.constant 16 : index
        %swap3A_128 = tpu.vector_load %arg26[%swap3A_126, %swap3A_127] {strides = array<i32>} : memref<128x80xf32, #tpu.memory_space<vmem>>, vector<1x16xf32>,
        %swap3A_129 = vector.shape_cast %swap3A_128 : vector<1x16xf32> to vector<16xf32>
        %swap3A_130 = vector.shape_cast %sub3A_123 : vector<16xf32> to vector<1x16xf32>
        tpu.vector_store %arg26[%swap3A_126, %swap3A_127], %swap3A_130 {strides = array<i32>} : memref<128x80xf32, #tpu.memory_space<vmem>>, vector<1x16xf32>,
        %get3A_131 = arith.index_cast %scan3A_99 : i32 to index
        %get3A_132 = arith.constant 32 : index
        %get3A_133 = tpu.vector_load %arg25[%get3A_131, %get3A_132] {strides = array<i32>} : memref<128x64xf32, #tpu.memory_space<vmem>>, vector<1x16xf32>,
        %get3A_134 = vector.shape_cast %get3A_133 : vector<1x16xf32> to vector<16xf32>
        %get3A_135 = arith.index_cast %scan3A_99 : i32 to index
        %get3A_136 = arith.constant 32 : index
        %get3A_137 = tpu.vector_load %arg24[%get3A_135, %get3A_136] {strides = array<i32>} : memref<128x64xf32, #tpu.memory_space<vmem>>, vector<1x16xf32>,
        %get3A_138 = vector.shape_cast %get3A_137 : vector<1x16xf32> to vector<16xf32>
        %sub3A_139 = arith.subf %get3A_138, %get3A_134 : vector<16xf32>
        %mul3A_140 = arith.mulf %sub3A_139, %sub3A_139 : vector<16xf32>
        %add3A_141 = arith.addf %add3A_125, %mul3A_140 : vector<16xf32>
        %swap3A_142 = arith.index_cast %scan3A_99 : i32 to index
        %swap3A_143 = arith.constant 32 : index
        %swap3A_144 = tpu.vector_load %arg26[%swap3A_142, %swap3A_143] {strides = array<i32>} : memref<128x80xf32, #tpu.memory_space<vmem>>, vector<1x16xf32>,
        %swap3A_145 = vector.shape_cast %swap3A_144 : vector<1x16xf32> to vector<16xf32>
        %swap3A_146 = vector.shape_cast %sub3A_139 : vector<16xf32> to vector<1x16xf32>
        tpu.vector_store %arg26[%swap3A_142, %swap3A_143], %swap3A_146 {strides = array<i32>} : memref<128x80xf32, #tpu.memory_space<vmem>>, vector<1x16xf32>,
        %get3A_147 = arith.index_cast %scan3A_99 : i32 to index
        %get3A_148 = arith.constant 48 : index
        %get3A_149 = tpu.vector_load %arg25[%get3A_147, %get3A_148] {strides = array<i32>} : memref<128x64xf32, #tpu.memory_space<vmem>>, vector<1x16xf32>,
        %get3A_150 = vector.shape_cast %get3A_149 : vector<1x16xf32> to vector<16xf32>
        %get3A_151 = arith.index_cast %scan3A_99 : i32 to index
        %get3A_152 = arith.constant 48 : index
        %get3A_153 = tpu.vector_load %arg24[%get3A_151, %get3A_152] {strides = array<i32>} : memref<128x64xf32, #tpu.memory_space<vmem>>, vector<1x16xf32>,
        %get3A_154 = vector.shape_cast %get3A_153 : vector<1x16xf32> to vector<16xf32>
        %sub3A_155 = arith.subf %get3A_154, %get3A_150 : vector<16xf32>
        %mul3A_156 = arith.mulf %sub3A_155, %sub3A_155 : vector<16xf32>
        %add3A_157 = arith.addf %add3A_141, %mul3A_156 : vector<16xf32>
        %swap3A_158 = arith.index_cast %scan3A_99 : i32 to index
        %swap3A_159 = arith.constant 48 : index
        %swap3A_160 = tpu.vector_load %arg26[%swap3A_158, %swap3A_159] {strides = array<i32>} : memref<128x80xf32, #tpu.memory_space<vmem>>, vector<1x16xf32>,
        %swap3A_161 = vector.shape_cast %swap3A_160 : vector<1x16xf32> to vector<16xf32>
        %swap3A_162 = vector.shape_cast %sub3A_155 : vector<16xf32> to vector<1x16xf32>
        tpu.vector_store %arg26[%swap3A_158, %swap3A_159], %swap3A_162 {strides = array<i32>} : memref<128x80xf32, #tpu.memory_space<vmem>>, vector<1x16xf32>,
        %swap3A_163 = arith.index_cast %scan3A_99 : i32 to index
        %swap3A_164 = arith.constant 64 : index
        %swap3A_165 = tpu.vector_load %arg26[%swap3A_163, %swap3A_164] {strides = array<i32>} : memref<128x80xf32, #tpu.memory_space<vmem>>, vector<1x16xf32>,
        %swap3A_166 = vector.shape_cast %swap3A_165 : vector<1x16xf32> to vector<16xf32>
        %swap3A_167 = vector.shape_cast %broadcast_in_dim3A_11 : vector<16xf32> to vector<1x16xf32>
        tpu.vector_store %arg26[%swap3A_163, %swap3A_164], %swap3A_167 {strides = array<i32>} : memref<128x80xf32, #tpu.memory_space<vmem>>, vector<1x16xf32>,
        scf.yield %add3A_157 : vector<16xf32>
      }
      %scan3A_52 = arith.constant 128 : i32
      "tpu.region"() ({
        %run_scoped3A = tpu.sem_alloc : memref<!tpu.dma_semaphore, #tpu.memory_space<semaphore_mem>>
        %dma_start3A_99 = arith.constant 0 : i32
        %dma_start3A_100 = arith.constant 0 : i32
        %dma_start3A_101 = tpu.memref_slice %arg31[%dma_start3A_99, %dma_start3A_100] : memref<16384x80xf32, #tpu.memory_space<vmem_shared>> -> memref<16384x80xf32, #tpu.memory_space<vmem_shared>>
        tpu.enqueue_indirect_dma source(%arg26 : memref<128x80xf32, #tpu.memory_space<vmem>>) target(%dma_start3A_101 : memref<16384x80xf32, #tpu.memory_space<vmem_shared>>) offsets(%arg17 : memref<128xi32, #tpu.memory_space<vmem>>) semaphore(%run_scoped3A : memref<!tpu.dma_semaphore, #tpu.memory_space<semaphore_mem>>) {add = true}
        %dma_wait3A_102 = arith.constant 0 : i32
        %dma_wait3A_103 = arith.constant 0 : i32
        %dma_wait3A_104 = tpu.memref_slice %arg31[%dma_wait3A_102, %dma_wait3A_103] : memref<16384x80xf32, #tpu.memory_space<vmem_shared>> -> memref<16384x80xf32, #tpu.memory_space<vmem_shared>>
        tpu.wait_indirect_dma semaphore(%run_scoped3A : memref<!tpu.dma_semaphore, #tpu.memory_space<semaphore_mem>>) src(%arg26 : memref<128x80xf32, #tpu.memory_space<vmem>>) dst(%dma_wait3A_104 : memref<16384x80xf32, #tpu.memory_space<vmem_shared>>)
        tpu.yield
      }) : () -> ()
      "tpu.region"() ({
        %run_scoped3A = tpu.sem_alloc : memref<!tpu.dma_semaphore, #tpu.memory_space<semaphore_mem>>
        %dma_start3A_99 = arith.constant 0 : i32
        %dma_start3A_100 = arith.constant 0 : i32
        %dma_start3A_101 = tpu.memref_slice %arg4[%dma_start3A_99, %dma_start3A_100] : memref<100000x64xf32, #tpu.memory_space<hbm>> -> memref<100000x64xf32, #tpu.memory_space<hbm>>
        tpu.enqueue_indirect_dma source(%dma_start3A_101 : memref<100000x64xf32, #tpu.memory_space<hbm>>) target(%arg24 : memref<128x64xf32, #tpu.memory_space<vmem>>) offsets(%arg10 : memref<128xi32, #tpu.memory_space<vmem>>) semaphore(%run_scoped3A : memref<!tpu.dma_semaphore, #tpu.memory_space<semaphore_mem>>)
        %dma_wait3A_102 = arith.constant 0 : i32
        %dma_wait3A_103 = arith.constant 0 : i32
        %dma_wait3A_104 = tpu.memref_slice %arg4[%dma_wait3A_102, %dma_wait3A_103] : memref<100000x64xf32, #tpu.memory_space<hbm>> -> memref<100000x64xf32, #tpu.memory_space<hbm>>
        tpu.wait_indirect_dma semaphore(%run_scoped3A : memref<!tpu.dma_semaphore, #tpu.memory_space<semaphore_mem>>) src(%dma_wait3A_104 : memref<100000x64xf32, #tpu.memory_space<hbm>>) dst(%arg24 : memref<128x64xf32, #tpu.memory_space<vmem>>)
        tpu.yield
      }) : () -> ()
      %add3A_53 = arith.constant 384 : i32
      %add3A_54 = arith.addi %mul3A_0, %add3A_53 : i32
      "tpu.region"() ({
        %run_scoped3A = tpu.sem_alloc : memref<!tpu.dma_semaphore, #tpu.memory_space<semaphore_mem>>
        %dma_start3A_99 = arith.constant 0 : i32
        %dma_start3A_100 = tpu.memref_slice %arg2[%add3A_54, %dma_start3A_99] : memref<16384x64xf32, #tpu.memory_space<hbm>> -> memref<128x64xf32, #tpu.memory_space<hbm>>
        %dma_start3A_101 = arith.constant 0 : i32
        %dma_start3A_102 = tpu.memref_slice %arg2[%add3A_54, %dma_start3A_101] : memref<16384x64xf32, #tpu.memory_space<hbm>> -> memref<128x64xf32, #tpu.memory_space<hbm>>
        tpu.enqueue_dma source(%dma_start3A_102 : memref<128x64xf32, #tpu.memory_space<hbm>>) target(%arg25 : memref<128x64xf32, #tpu.memory_space<vmem>>) target_semaphore(%run_scoped3A : memref<!tpu.dma_semaphore, #tpu.memory_space<semaphore_mem>>)
        %dma_wait3A_103 = arith.constant 0 : i32
        %dma_wait3A_104 = tpu.memref_slice %arg2[%add3A_54, %dma_wait3A_103] : memref<16384x64xf32, #tpu.memory_space<hbm>> -> memref<128x64xf32, #tpu.memory_space<hbm>>
        %dma_wait3A_105 = arith.constant 0 : i32
        %dma_wait3A_106 = tpu.memref_slice %arg2[%add3A_54, %dma_wait3A_105] : memref<16384x64xf32, #tpu.memory_space<hbm>> -> memref<128x64xf32, #tpu.memory_space<hbm>>
        tpu.wait_dma2 semaphore(%run_scoped3A : memref<!tpu.dma_semaphore, #tpu.memory_space<semaphore_mem>>) src(%dma_wait3A_106 : memref<128x64xf32, #tpu.memory_space<hbm>>) dst(%arg25 : memref<128x64xf32, #tpu.memory_space<vmem>>)
        tpu.yield
      }) : () -> ()
      "tpu.region"() ({
        %run_scoped3A = tpu.sem_alloc : memref<!tpu.dma_semaphore, #tpu.memory_space<semaphore_mem>>
        %dma_start3A_99 = arith.constant 0 : i32
        %dma_start3A_100 = tpu.memref_slice %arg30[%dma_start3A_99] : memref<102400xi32, #tpu.memory_space<vmem_shared>> -> memref<102400xi32, #tpu.memory_space<vmem_shared>>
        tpu.enqueue_indirect_dma source(%dma_start3A_100 : memref<102400xi32, #tpu.memory_space<vmem_shared>>) target(%arg18 : memref<128xi32, #tpu.memory_space<vmem>>) offsets(%arg10 : memref<128xi32, #tpu.memory_space<vmem>>) semaphore(%run_scoped3A : memref<!tpu.dma_semaphore, #tpu.memory_space<semaphore_mem>>)
        %dma_wait3A_101 = arith.constant 0 : i32
        %dma_wait3A_102 = tpu.memref_slice %arg30[%dma_wait3A_101] : memref<102400xi32, #tpu.memory_space<vmem_shared>> -> memref<102400xi32, #tpu.memory_space<vmem_shared>>
        tpu.wait_indirect_dma semaphore(%run_scoped3A : memref<!tpu.dma_semaphore, #tpu.memory_space<semaphore_mem>>) src(%dma_wait3A_102 : memref<102400xi32, #tpu.memory_space<vmem_shared>>) dst(%arg18 : memref<128xi32, #tpu.memory_space<vmem>>)
        tpu.yield
      }) : () -> ()
      %scan3A_55 = arith.constant 0 : i32
      %scan3A_56 = arith.constant 128 : i32
      %scan3A_57 = arith.addi %scan3A_55, %scan3A_56 : i32
      %scan3A_58 = arith.constant 1 : i32
      %scan3A_59 = scf.for %scan3A_99 = %scan3A_55 to %scan3A_57 step %scan3A_58 iter_args(%scan3A_100 = %scan3A_51) -> (vector<16xf32>)  : i32 {
        %get3A = arith.index_cast %scan3A_99 : i32 to index
        %get3A_101 = arith.constant 0 : index
        %get3A_102 = tpu.vector_load %arg25[%get3A, %get3A_101] {strides = array<i32>} : memref<128x64xf32, #tpu.memory_space<vmem>>, vector<1x16xf32>,
        %get3A_103 = vector.shape_cast %get3A_102 : vector<1x16xf32> to vector<16xf32>
        %get3A_104 = arith.index_cast %scan3A_99 : i32 to index
        %get3A_105 = arith.constant 0 : index
        %get3A_106 = tpu.vector_load %arg24[%get3A_104, %get3A_105] {strides = array<i32>} : memref<128x64xf32, #tpu.memory_space<vmem>>, vector<1x16xf32>,
        %get3A_107 = vector.shape_cast %get3A_106 : vector<1x16xf32> to vector<16xf32>
        %sub3A = arith.subf %get3A_107, %get3A_103 : vector<16xf32>
        %mul3A_108 = arith.mulf %sub3A, %sub3A : vector<16xf32>
        %add3A_109 = arith.addf %scan3A_100, %mul3A_108 : vector<16xf32>
        %swap3A_110 = arith.index_cast %scan3A_99 : i32 to index
        %swap3A_111 = arith.constant 0 : index
        %swap3A_112 = tpu.vector_load %arg26[%swap3A_110, %swap3A_111] {strides = array<i32>} : memref<128x80xf32, #tpu.memory_space<vmem>>, vector<1x16xf32>,
        %swap3A_113 = vector.shape_cast %swap3A_112 : vector<1x16xf32> to vector<16xf32>
        %swap3A_114 = vector.shape_cast %sub3A : vector<16xf32> to vector<1x16xf32>
        tpu.vector_store %arg26[%swap3A_110, %swap3A_111], %swap3A_114 {strides = array<i32>} : memref<128x80xf32, #tpu.memory_space<vmem>>, vector<1x16xf32>,
        %get3A_115 = arith.index_cast %scan3A_99 : i32 to index
        %get3A_116 = arith.constant 16 : index
        %get3A_117 = tpu.vector_load %arg25[%get3A_115, %get3A_116] {strides = array<i32>} : memref<128x64xf32, #tpu.memory_space<vmem>>, vector<1x16xf32>,
        %get3A_118 = vector.shape_cast %get3A_117 : vector<1x16xf32> to vector<16xf32>
        %get3A_119 = arith.index_cast %scan3A_99 : i32 to index
        %get3A_120 = arith.constant 16 : index
        %get3A_121 = tpu.vector_load %arg24[%get3A_119, %get3A_120] {strides = array<i32>} : memref<128x64xf32, #tpu.memory_space<vmem>>, vector<1x16xf32>,
        %get3A_122 = vector.shape_cast %get3A_121 : vector<1x16xf32> to vector<16xf32>
        %sub3A_123 = arith.subf %get3A_122, %get3A_118 : vector<16xf32>
        %mul3A_124 = arith.mulf %sub3A_123, %sub3A_123 : vector<16xf32>
        %add3A_125 = arith.addf %add3A_109, %mul3A_124 : vector<16xf32>
        %swap3A_126 = arith.index_cast %scan3A_99 : i32 to index
        %swap3A_127 = arith.constant 16 : index
        %swap3A_128 = tpu.vector_load %arg26[%swap3A_126, %swap3A_127] {strides = array<i32>} : memref<128x80xf32, #tpu.memory_space<vmem>>, vector<1x16xf32>,
        %swap3A_129 = vector.shape_cast %swap3A_128 : vector<1x16xf32> to vector<16xf32>
        %swap3A_130 = vector.shape_cast %sub3A_123 : vector<16xf32> to vector<1x16xf32>
        tpu.vector_store %arg26[%swap3A_126, %swap3A_127], %swap3A_130 {strides = array<i32>} : memref<128x80xf32, #tpu.memory_space<vmem>>, vector<1x16xf32>,
        %get3A_131 = arith.index_cast %scan3A_99 : i32 to index
        %get3A_132 = arith.constant 32 : index
        %get3A_133 = tpu.vector_load %arg25[%get3A_131, %get3A_132] {strides = array<i32>} : memref<128x64xf32, #tpu.memory_space<vmem>>, vector<1x16xf32>,
        %get3A_134 = vector.shape_cast %get3A_133 : vector<1x16xf32> to vector<16xf32>
        %get3A_135 = arith.index_cast %scan3A_99 : i32 to index
        %get3A_136 = arith.constant 32 : index
        %get3A_137 = tpu.vector_load %arg24[%get3A_135, %get3A_136] {strides = array<i32>} : memref<128x64xf32, #tpu.memory_space<vmem>>, vector<1x16xf32>,
        %get3A_138 = vector.shape_cast %get3A_137 : vector<1x16xf32> to vector<16xf32>
        %sub3A_139 = arith.subf %get3A_138, %get3A_134 : vector<16xf32>
        %mul3A_140 = arith.mulf %sub3A_139, %sub3A_139 : vector<16xf32>
        %add3A_141 = arith.addf %add3A_125, %mul3A_140 : vector<16xf32>
        %swap3A_142 = arith.index_cast %scan3A_99 : i32 to index
        %swap3A_143 = arith.constant 32 : index
        %swap3A_144 = tpu.vector_load %arg26[%swap3A_142, %swap3A_143] {strides = array<i32>} : memref<128x80xf32, #tpu.memory_space<vmem>>, vector<1x16xf32>,
        %swap3A_145 = vector.shape_cast %swap3A_144 : vector<1x16xf32> to vector<16xf32>
        %swap3A_146 = vector.shape_cast %sub3A_139 : vector<16xf32> to vector<1x16xf32>
        tpu.vector_store %arg26[%swap3A_142, %swap3A_143], %swap3A_146 {strides = array<i32>} : memref<128x80xf32, #tpu.memory_space<vmem>>, vector<1x16xf32>,
        %get3A_147 = arith.index_cast %scan3A_99 : i32 to index
        %get3A_148 = arith.constant 48 : index
        %get3A_149 = tpu.vector_load %arg25[%get3A_147, %get3A_148] {strides = array<i32>} : memref<128x64xf32, #tpu.memory_space<vmem>>, vector<1x16xf32>,
        %get3A_150 = vector.shape_cast %get3A_149 : vector<1x16xf32> to vector<16xf32>
        %get3A_151 = arith.index_cast %scan3A_99 : i32 to index
        %get3A_152 = arith.constant 48 : index
        %get3A_153 = tpu.vector_load %arg24[%get3A_151, %get3A_152] {strides = array<i32>} : memref<128x64xf32, #tpu.memory_space<vmem>>, vector<1x16xf32>,
        %get3A_154 = vector.shape_cast %get3A_153 : vector<1x16xf32> to vector<16xf32>
        %sub3A_155 = arith.subf %get3A_154, %get3A_150 : vector<16xf32>
        %mul3A_156 = arith.mulf %sub3A_155, %sub3A_155 : vector<16xf32>
        %add3A_157 = arith.addf %add3A_141, %mul3A_156 : vector<16xf32>
        %swap3A_158 = arith.index_cast %scan3A_99 : i32 to index
        %swap3A_159 = arith.constant 48 : index
        %swap3A_160 = tpu.vector_load %arg26[%swap3A_158, %swap3A_159] {strides = array<i32>} : memref<128x80xf32, #tpu.memory_space<vmem>>, vector<1x16xf32>,
        %swap3A_161 = vector.shape_cast %swap3A_160 : vector<1x16xf32> to vector<16xf32>
        %swap3A_162 = vector.shape_cast %sub3A_155 : vector<16xf32> to vector<1x16xf32>
        tpu.vector_store %arg26[%swap3A_158, %swap3A_159], %swap3A_162 {strides = array<i32>} : memref<128x80xf32, #tpu.memory_space<vmem>>, vector<1x16xf32>,
        %swap3A_163 = arith.index_cast %scan3A_99 : i32 to index
        %swap3A_164 = arith.constant 64 : index
        %swap3A_165 = tpu.vector_load %arg26[%swap3A_163, %swap3A_164] {strides = array<i32>} : memref<128x80xf32, #tpu.memory_space<vmem>>, vector<1x16xf32>,
        %swap3A_166 = vector.shape_cast %swap3A_165 : vector<1x16xf32> to vector<16xf32>
        %swap3A_167 = vector.shape_cast %broadcast_in_dim3A_11 : vector<16xf32> to vector<1x16xf32>
        tpu.vector_store %arg26[%swap3A_163, %swap3A_164], %swap3A_167 {strides = array<i32>} : memref<128x80xf32, #tpu.memory_space<vmem>>, vector<1x16xf32>,
        scf.yield %add3A_157 : vector<16xf32>
      }
      %scan3A_60 = arith.constant 128 : i32
      "tpu.region"() ({
        %run_scoped3A = tpu.sem_alloc : memref<!tpu.dma_semaphore, #tpu.memory_space<semaphore_mem>>
        %dma_start3A_99 = arith.constant 0 : i32
        %dma_start3A_100 = arith.constant 0 : i32
        %dma_start3A_101 = tpu.memref_slice %arg31[%dma_start3A_99, %dma_start3A_100] : memref<16384x80xf32, #tpu.memory_space<vmem_shared>> -> memref<16384x80xf32, #tpu.memory_space<vmem_shared>>
        tpu.enqueue_indirect_dma source(%arg26 : memref<128x80xf32, #tpu.memory_space<vmem>>) target(%dma_start3A_101 : memref<16384x80xf32, #tpu.memory_space<vmem_shared>>) offsets(%arg18 : memref<128xi32, #tpu.memory_space<vmem>>) semaphore(%run_scoped3A : memref<!tpu.dma_semaphore, #tpu.memory_space<semaphore_mem>>) {add = true}
        %dma_wait3A_102 = arith.constant 0 : i32
        %dma_wait3A_103 = arith.constant 0 : i32
        %dma_wait3A_104 = tpu.memref_slice %arg31[%dma_wait3A_102, %dma_wait3A_103] : memref<16384x80xf32, #tpu.memory_space<vmem_shared>> -> memref<16384x80xf32, #tpu.memory_space<vmem_shared>>
        tpu.wait_indirect_dma semaphore(%run_scoped3A : memref<!tpu.dma_semaphore, #tpu.memory_space<semaphore_mem>>) src(%arg26 : memref<128x80xf32, #tpu.memory_space<vmem>>) dst(%dma_wait3A_104 : memref<16384x80xf32, #tpu.memory_space<vmem_shared>>)
        tpu.yield
      }) : () -> ()
      "tpu.region"() ({
        %run_scoped3A = tpu.sem_alloc : memref<!tpu.dma_semaphore, #tpu.memory_space<semaphore_mem>>
        %dma_start3A_99 = arith.constant 0 : i32
        %dma_start3A_100 = arith.constant 0 : i32
        %dma_start3A_101 = tpu.memref_slice %arg4[%dma_start3A_99, %dma_start3A_100] : memref<100000x64xf32, #tpu.memory_space<hbm>> -> memref<100000x64xf32, #tpu.memory_space<hbm>>
        tpu.enqueue_indirect_dma source(%dma_start3A_101 : memref<100000x64xf32, #tpu.memory_space<hbm>>) target(%arg24 : memref<128x64xf32, #tpu.memory_space<vmem>>) offsets(%arg11 : memref<128xi32, #tpu.memory_space<vmem>>) semaphore(%run_scoped3A : memref<!tpu.dma_semaphore, #tpu.memory_space<semaphore_mem>>)
        %dma_wait3A_102 = arith.constant 0 : i32
        %dma_wait3A_103 = arith.constant 0 : i32
        %dma_wait3A_104 = tpu.memref_slice %arg4[%dma_wait3A_102, %dma_wait3A_103] : memref<100000x64xf32, #tpu.memory_space<hbm>> -> memref<100000x64xf32, #tpu.memory_space<hbm>>
        tpu.wait_indirect_dma semaphore(%run_scoped3A : memref<!tpu.dma_semaphore, #tpu.memory_space<semaphore_mem>>) src(%dma_wait3A_104 : memref<100000x64xf32, #tpu.memory_space<hbm>>) dst(%arg24 : memref<128x64xf32, #tpu.memory_space<vmem>>)
        tpu.yield
      }) : () -> ()
      %add3A_61 = arith.constant 512 : i32
      %add3A_62 = arith.addi %mul3A_0, %add3A_61 : i32
      "tpu.region"() ({
        %run_scoped3A = tpu.sem_alloc : memref<!tpu.dma_semaphore, #tpu.memory_space<semaphore_mem>>
        %dma_start3A_99 = arith.constant 0 : i32
        %dma_start3A_100 = tpu.memref_slice %arg2[%add3A_62, %dma_start3A_99] : memref<16384x64xf32, #tpu.memory_space<hbm>> -> memref<128x64xf32, #tpu.memory_space<hbm>>
        %dma_start3A_101 = arith.constant 0 : i32
        %dma_start3A_102 = tpu.memref_slice %arg2[%add3A_62, %dma_start3A_101] : memref<16384x64xf32, #tpu.memory_space<hbm>> -> memref<128x64xf32, #tpu.memory_space<hbm>>
        tpu.enqueue_dma source(%dma_start3A_102 : memref<128x64xf32, #tpu.memory_space<hbm>>) target(%arg25 : memref<128x64xf32, #tpu.memory_space<vmem>>) target_semaphore(%run_scoped3A : memref<!tpu.dma_semaphore, #tpu.memory_space<semaphore_mem>>)
        %dma_wait3A_103 = arith.constant 0 : i32
        %dma_wait3A_104 = tpu.memref_slice %arg2[%add3A_62, %dma_wait3A_103] : memref<16384x64xf32, #tpu.memory_space<hbm>> -> memref<128x64xf32, #tpu.memory_space<hbm>>
        %dma_wait3A_105 = arith.constant 0 : i32
        %dma_wait3A_106 = tpu.memref_slice %arg2[%add3A_62, %dma_wait3A_105] : memref<16384x64xf32, #tpu.memory_space<hbm>> -> memref<128x64xf32, #tpu.memory_space<hbm>>
        tpu.wait_dma2 semaphore(%run_scoped3A : memref<!tpu.dma_semaphore, #tpu.memory_space<semaphore_mem>>) src(%dma_wait3A_106 : memref<128x64xf32, #tpu.memory_space<hbm>>) dst(%arg25 : memref<128x64xf32, #tpu.memory_space<vmem>>)
        tpu.yield
      }) : () -> ()
      "tpu.region"() ({
        %run_scoped3A = tpu.sem_alloc : memref<!tpu.dma_semaphore, #tpu.memory_space<semaphore_mem>>
        %dma_start3A_99 = arith.constant 0 : i32
        %dma_start3A_100 = tpu.memref_slice %arg30[%dma_start3A_99] : memref<102400xi32, #tpu.memory_space<vmem_shared>> -> memref<102400xi32, #tpu.memory_space<vmem_shared>>
        tpu.enqueue_indirect_dma source(%dma_start3A_100 : memref<102400xi32, #tpu.memory_space<vmem_shared>>) target(%arg19 : memref<128xi32, #tpu.memory_space<vmem>>) offsets(%arg11 : memref<128xi32, #tpu.memory_space<vmem>>) semaphore(%run_scoped3A : memref<!tpu.dma_semaphore, #tpu.memory_space<semaphore_mem>>)
        %dma_wait3A_101 = arith.constant 0 : i32
        %dma_wait3A_102 = tpu.memref_slice %arg30[%dma_wait3A_101] : memref<102400xi32, #tpu.memory_space<vmem_shared>> -> memref<102400xi32, #tpu.memory_space<vmem_shared>>
        tpu.wait_indirect_dma semaphore(%run_scoped3A : memref<!tpu.dma_semaphore, #tpu.memory_space<semaphore_mem>>) src(%dma_wait3A_102 : memref<102400xi32, #tpu.memory_space<vmem_shared>>) dst(%arg19 : memref<128xi32, #tpu.memory_space<vmem>>)
        tpu.yield
      }) : () -> ()
      %scan3A_63 = arith.constant 0 : i32
      %scan3A_64 = arith.constant 128 : i32
      %scan3A_65 = arith.addi %scan3A_63, %scan3A_64 : i32
      %scan3A_66 = arith.constant 1 : i32
      %scan3A_67 = scf.for %scan3A_99 = %scan3A_63 to %scan3A_65 step %scan3A_66 iter_args(%scan3A_100 = %scan3A_59) -> (vector<16xf32>)  : i32 {
        %get3A = arith.index_cast %scan3A_99 : i32 to index
        %get3A_101 = arith.constant 0 : index
        %get3A_102 = tpu.vector_load %arg25[%get3A, %get3A_101] {strides = array<i32>} : memref<128x64xf32, #tpu.memory_space<vmem>>, vector<1x16xf32>,
        %get3A_103 = vector.shape_cast %get3A_102 : vector<1x16xf32> to vector<16xf32>
        %get3A_104 = arith.index_cast %scan3A_99 : i32 to index
        %get3A_105 = arith.constant 0 : index
        %get3A_106 = tpu.vector_load %arg24[%get3A_104, %get3A_105] {strides = array<i32>} : memref<128x64xf32, #tpu.memory_space<vmem>>, vector<1x16xf32>,
        %get3A_107 = vector.shape_cast %get3A_106 : vector<1x16xf32> to vector<16xf32>
        %sub3A = arith.subf %get3A_107, %get3A_103 : vector<16xf32>
        %mul3A_108 = arith.mulf %sub3A, %sub3A : vector<16xf32>
        %add3A_109 = arith.addf %scan3A_100, %mul3A_108 : vector<16xf32>
        %swap3A_110 = arith.index_cast %scan3A_99 : i32 to index
        %swap3A_111 = arith.constant 0 : index
        %swap3A_112 = tpu.vector_load %arg26[%swap3A_110, %swap3A_111] {strides = array<i32>} : memref<128x80xf32, #tpu.memory_space<vmem>>, vector<1x16xf32>,
        %swap3A_113 = vector.shape_cast %swap3A_112 : vector<1x16xf32> to vector<16xf32>
        %swap3A_114 = vector.shape_cast %sub3A : vector<16xf32> to vector<1x16xf32>
        tpu.vector_store %arg26[%swap3A_110, %swap3A_111], %swap3A_114 {strides = array<i32>} : memref<128x80xf32, #tpu.memory_space<vmem>>, vector<1x16xf32>,
        %get3A_115 = arith.index_cast %scan3A_99 : i32 to index
        %get3A_116 = arith.constant 16 : index
        %get3A_117 = tpu.vector_load %arg25[%get3A_115, %get3A_116] {strides = array<i32>} : memref<128x64xf32, #tpu.memory_space<vmem>>, vector<1x16xf32>,
        %get3A_118 = vector.shape_cast %get3A_117 : vector<1x16xf32> to vector<16xf32>
        %get3A_119 = arith.index_cast %scan3A_99 : i32 to index
        %get3A_120 = arith.constant 16 : index
        %get3A_121 = tpu.vector_load %arg24[%get3A_119, %get3A_120] {strides = array<i32>} : memref<128x64xf32, #tpu.memory_space<vmem>>, vector<1x16xf32>,
        %get3A_122 = vector.shape_cast %get3A_121 : vector<1x16xf32> to vector<16xf32>
        %sub3A_123 = arith.subf %get3A_122, %get3A_118 : vector<16xf32>
        %mul3A_124 = arith.mulf %sub3A_123, %sub3A_123 : vector<16xf32>
        %add3A_125 = arith.addf %add3A_109, %mul3A_124 : vector<16xf32>
        %swap3A_126 = arith.index_cast %scan3A_99 : i32 to index
        %swap3A_127 = arith.constant 16 : index
        %swap3A_128 = tpu.vector_load %arg26[%swap3A_126, %swap3A_127] {strides = array<i32>} : memref<128x80xf32, #tpu.memory_space<vmem>>, vector<1x16xf32>,
        %swap3A_129 = vector.shape_cast %swap3A_128 : vector<1x16xf32> to vector<16xf32>
        %swap3A_130 = vector.shape_cast %sub3A_123 : vector<16xf32> to vector<1x16xf32>
        tpu.vector_store %arg26[%swap3A_126, %swap3A_127], %swap3A_130 {strides = array<i32>} : memref<128x80xf32, #tpu.memory_space<vmem>>, vector<1x16xf32>,
        %get3A_131 = arith.index_cast %scan3A_99 : i32 to index
        %get3A_132 = arith.constant 32 : index
        %get3A_133 = tpu.vector_load %arg25[%get3A_131, %get3A_132] {strides = array<i32>} : memref<128x64xf32, #tpu.memory_space<vmem>>, vector<1x16xf32>,
        %get3A_134 = vector.shape_cast %get3A_133 : vector<1x16xf32> to vector<16xf32>
        %get3A_135 = arith.index_cast %scan3A_99 : i32 to index
        %get3A_136 = arith.constant 32 : index
        %get3A_137 = tpu.vector_load %arg24[%get3A_135, %get3A_136] {strides = array<i32>} : memref<128x64xf32, #tpu.memory_space<vmem>>, vector<1x16xf32>,
        %get3A_138 = vector.shape_cast %get3A_137 : vector<1x16xf32> to vector<16xf32>
        %sub3A_139 = arith.subf %get3A_138, %get3A_134 : vector<16xf32>
        %mul3A_140 = arith.mulf %sub3A_139, %sub3A_139 : vector<16xf32>
        %add3A_141 = arith.addf %add3A_125, %mul3A_140 : vector<16xf32>
        %swap3A_142 = arith.index_cast %scan3A_99 : i32 to index
        %swap3A_143 = arith.constant 32 : index
        %swap3A_144 = tpu.vector_load %arg26[%swap3A_142, %swap3A_143] {strides = array<i32>} : memref<128x80xf32, #tpu.memory_space<vmem>>, vector<1x16xf32>,
        %swap3A_145 = vector.shape_cast %swap3A_144 : vector<1x16xf32> to vector<16xf32>
        %swap3A_146 = vector.shape_cast %sub3A_139 : vector<16xf32> to vector<1x16xf32>
        tpu.vector_store %arg26[%swap3A_142, %swap3A_143], %swap3A_146 {strides = array<i32>} : memref<128x80xf32, #tpu.memory_space<vmem>>, vector<1x16xf32>,
        %get3A_147 = arith.index_cast %scan3A_99 : i32 to index
        %get3A_148 = arith.constant 48 : index
        %get3A_149 = tpu.vector_load %arg25[%get3A_147, %get3A_148] {strides = array<i32>} : memref<128x64xf32, #tpu.memory_space<vmem>>, vector<1x16xf32>,
        %get3A_150 = vector.shape_cast %get3A_149 : vector<1x16xf32> to vector<16xf32>
        %get3A_151 = arith.index_cast %scan3A_99 : i32 to index
        %get3A_152 = arith.constant 48 : index
        %get3A_153 = tpu.vector_load %arg24[%get3A_151, %get3A_152] {strides = array<i32>} : memref<128x64xf32, #tpu.memory_space<vmem>>, vector<1x16xf32>,
        %get3A_154 = vector.shape_cast %get3A_153 : vector<1x16xf32> to vector<16xf32>
        %sub3A_155 = arith.subf %get3A_154, %get3A_150 : vector<16xf32>
        %mul3A_156 = arith.mulf %sub3A_155, %sub3A_155 : vector<16xf32>
        %add3A_157 = arith.addf %add3A_141, %mul3A_156 : vector<16xf32>
        %swap3A_158 = arith.index_cast %scan3A_99 : i32 to index
        %swap3A_159 = arith.constant 48 : index
        %swap3A_160 = tpu.vector_load %arg26[%swap3A_158, %swap3A_159] {strides = array<i32>} : memref<128x80xf32, #tpu.memory_space<vmem>>, vector<1x16xf32>,
        %swap3A_161 = vector.shape_cast %swap3A_160 : vector<1x16xf32> to vector<16xf32>
        %swap3A_162 = vector.shape_cast %sub3A_155 : vector<16xf32> to vector<1x16xf32>
        tpu.vector_store %arg26[%swap3A_158, %swap3A_159], %swap3A_162 {strides = array<i32>} : memref<128x80xf32, #tpu.memory_space<vmem>>, vector<1x16xf32>,
        %swap3A_163 = arith.index_cast %scan3A_99 : i32 to index
        %swap3A_164 = arith.constant 64 : index
        %swap3A_165 = tpu.vector_load %arg26[%swap3A_163, %swap3A_164] {strides = array<i32>} : memref<128x80xf32, #tpu.memory_space<vmem>>, vector<1x16xf32>,
        %swap3A_166 = vector.shape_cast %swap3A_165 : vector<1x16xf32> to vector<16xf32>
        %swap3A_167 = vector.shape_cast %broadcast_in_dim3A_11 : vector<16xf32> to vector<1x16xf32>
        tpu.vector_store %arg26[%swap3A_163, %swap3A_164], %swap3A_167 {strides = array<i32>} : memref<128x80xf32, #tpu.memory_space<vmem>>, vector<1x16xf32>,
        scf.yield %add3A_157 : vector<16xf32>
      }
      %scan3A_68 = arith.constant 128 : i32
      "tpu.region"() ({
        %run_scoped3A = tpu.sem_alloc : memref<!tpu.dma_semaphore, #tpu.memory_space<semaphore_mem>>
        %dma_start3A_99 = arith.constant 0 : i32
        %dma_start3A_100 = arith.constant 0 : i32
        %dma_start3A_101 = tpu.memref_slice %arg31[%dma_start3A_99, %dma_start3A_100] : memref<16384x80xf32, #tpu.memory_space<vmem_shared>> -> memref<16384x80xf32, #tpu.memory_space<vmem_shared>>
        tpu.enqueue_indirect_dma source(%arg26 : memref<128x80xf32, #tpu.memory_space<vmem>>) target(%dma_start3A_101 : memref<16384x80xf32, #tpu.memory_space<vmem_shared>>) offsets(%arg19 : memref<128xi32, #tpu.memory_space<vmem>>) semaphore(%run_scoped3A : memref<!tpu.dma_semaphore, #tpu.memory_space<semaphore_mem>>) {add = true}
        %dma_wait3A_102 = arith.constant 0 : i32
        %dma_wait3A_103 = arith.constant 0 : i32
        %dma_wait3A_104 = tpu.memref_slice %arg31[%dma_wait3A_102, %dma_wait3A_103] : memref<16384x80xf32, #tpu.memory_space<vmem_shared>> -> memref<16384x80xf32, #tpu.memory_space<vmem_shared>>
        tpu.wait_indirect_dma semaphore(%run_scoped3A : memref<!tpu.dma_semaphore, #tpu.memory_space<semaphore_mem>>) src(%arg26 : memref<128x80xf32, #tpu.memory_space<vmem>>) dst(%dma_wait3A_104 : memref<16384x80xf32, #tpu.memory_space<vmem_shared>>)
        tpu.yield
      }) : () -> ()
      "tpu.region"() ({
        %run_scoped3A = tpu.sem_alloc : memref<!tpu.dma_semaphore, #tpu.memory_space<semaphore_mem>>
        %dma_start3A_99 = arith.constant 0 : i32
        %dma_start3A_100 = arith.constant 0 : i32
        %dma_start3A_101 = tpu.memref_slice %arg4[%dma_start3A_99, %dma_start3A_100] : memref<100000x64xf32, #tpu.memory_space<hbm>> -> memref<100000x64xf32, #tpu.memory_space<hbm>>
        tpu.enqueue_indirect_dma source(%dma_start3A_101 : memref<100000x64xf32, #tpu.memory_space<hbm>>) target(%arg24 : memref<128x64xf32, #tpu.memory_space<vmem>>) offsets(%arg12 : memref<128xi32, #tpu.memory_space<vmem>>) semaphore(%run_scoped3A : memref<!tpu.dma_semaphore, #tpu.memory_space<semaphore_mem>>)
        %dma_wait3A_102 = arith.constant 0 : i32
        %dma_wait3A_103 = arith.constant 0 : i32
        %dma_wait3A_104 = tpu.memref_slice %arg4[%dma_wait3A_102, %dma_wait3A_103] : memref<100000x64xf32, #tpu.memory_space<hbm>> -> memref<100000x64xf32, #tpu.memory_space<hbm>>
        tpu.wait_indirect_dma semaphore(%run_scoped3A : memref<!tpu.dma_semaphore, #tpu.memory_space<semaphore_mem>>) src(%dma_wait3A_104 : memref<100000x64xf32, #tpu.memory_space<hbm>>) dst(%arg24 : memref<128x64xf32, #tpu.memory_space<vmem>>)
        tpu.yield
      }) : () -> ()
      %add3A_69 = arith.constant 640 : i32
      %add3A_70 = arith.addi %mul3A_0, %add3A_69 : i32
      "tpu.region"() ({
        %run_scoped3A = tpu.sem_alloc : memref<!tpu.dma_semaphore, #tpu.memory_space<semaphore_mem>>
        %dma_start3A_99 = arith.constant 0 : i32
        %dma_start3A_100 = tpu.memref_slice %arg2[%add3A_70, %dma_start3A_99] : memref<16384x64xf32, #tpu.memory_space<hbm>> -> memref<128x64xf32, #tpu.memory_space<hbm>>
        %dma_start3A_101 = arith.constant 0 : i32
        %dma_start3A_102 = tpu.memref_slice %arg2[%add3A_70, %dma_start3A_101] : memref<16384x64xf32, #tpu.memory_space<hbm>> -> memref<128x64xf32, #tpu.memory_space<hbm>>
        tpu.enqueue_dma source(%dma_start3A_102 : memref<128x64xf32, #tpu.memory_space<hbm>>) target(%arg25 : memref<128x64xf32, #tpu.memory_space<vmem>>) target_semaphore(%run_scoped3A : memref<!tpu.dma_semaphore, #tpu.memory_space<semaphore_mem>>)
        %dma_wait3A_103 = arith.constant 0 : i32
        %dma_wait3A_104 = tpu.memref_slice %arg2[%add3A_70, %dma_wait3A_103] : memref<16384x64xf32, #tpu.memory_space<hbm>> -> memref<128x64xf32, #tpu.memory_space<hbm>>
        %dma_wait3A_105 = arith.constant 0 : i32
        %dma_wait3A_106 = tpu.memref_slice %arg2[%add3A_70, %dma_wait3A_105] : memref<16384x64xf32, #tpu.memory_space<hbm>> -> memref<128x64xf32, #tpu.memory_space<hbm>>
        tpu.wait_dma2 semaphore(%run_scoped3A : memref<!tpu.dma_semaphore, #tpu.memory_space<semaphore_mem>>) src(%dma_wait3A_106 : memref<128x64xf32, #tpu.memory_space<hbm>>) dst(%arg25 : memref<128x64xf32, #tpu.memory_space<vmem>>)
        tpu.yield
      }) : () -> ()
      "tpu.region"() ({
        %run_scoped3A = tpu.sem_alloc : memref<!tpu.dma_semaphore, #tpu.memory_space<semaphore_mem>>
        %dma_start3A_99 = arith.constant 0 : i32
        %dma_start3A_100 = tpu.memref_slice %arg30[%dma_start3A_99] : memref<102400xi32, #tpu.memory_space<vmem_shared>> -> memref<102400xi32, #tpu.memory_space<vmem_shared>>
        tpu.enqueue_indirect_dma source(%dma_start3A_100 : memref<102400xi32, #tpu.memory_space<vmem_shared>>) target(%arg20 : memref<128xi32, #tpu.memory_space<vmem>>) offsets(%arg12 : memref<128xi32, #tpu.memory_space<vmem>>) semaphore(%run_scoped3A : memref<!tpu.dma_semaphore, #tpu.memory_space<semaphore_mem>>)
        %dma_wait3A_101 = arith.constant 0 : i32
        %dma_wait3A_102 = tpu.memref_slice %arg30[%dma_wait3A_101] : memref<102400xi32, #tpu.memory_space<vmem_shared>> -> memref<102400xi32, #tpu.memory_space<vmem_shared>>
        tpu.wait_indirect_dma semaphore(%run_scoped3A : memref<!tpu.dma_semaphore, #tpu.memory_space<semaphore_mem>>) src(%dma_wait3A_102 : memref<102400xi32, #tpu.memory_space<vmem_shared>>) dst(%arg20 : memref<128xi32, #tpu.memory_space<vmem>>)
        tpu.yield
      }) : () -> ()
      %scan3A_71 = arith.constant 0 : i32
      %scan3A_72 = arith.constant 128 : i32
      %scan3A_73 = arith.addi %scan3A_71, %scan3A_72 : i32
      %scan3A_74 = arith.constant 1 : i32
      %scan3A_75 = scf.for %scan3A_99 = %scan3A_71 to %scan3A_73 step %scan3A_74 iter_args(%scan3A_100 = %scan3A_67) -> (vector<16xf32>)  : i32 {
        %get3A = arith.index_cast %scan3A_99 : i32 to index
        %get3A_101 = arith.constant 0 : index
        %get3A_102 = tpu.vector_load %arg25[%get3A, %get3A_101] {strides = array<i32>} : memref<128x64xf32, #tpu.memory_space<vmem>>, vector<1x16xf32>,
        %get3A_103 = vector.shape_cast %get3A_102 : vector<1x16xf32> to vector<16xf32>
        %get3A_104 = arith.index_cast %scan3A_99 : i32 to index
        %get3A_105 = arith.constant 0 : index
        %get3A_106 = tpu.vector_load %arg24[%get3A_104, %get3A_105] {strides = array<i32>} : memref<128x64xf32, #tpu.memory_space<vmem>>, vector<1x16xf32>,
        %get3A_107 = vector.shape_cast %get3A_106 : vector<1x16xf32> to vector<16xf32>
        %sub3A = arith.subf %get3A_107, %get3A_103 : vector<16xf32>
        %mul3A_108 = arith.mulf %sub3A, %sub3A : vector<16xf32>
        %add3A_109 = arith.addf %scan3A_100, %mul3A_108 : vector<16xf32>
        %swap3A_110 = arith.index_cast %scan3A_99 : i32 to index
        %swap3A_111 = arith.constant 0 : index
        %swap3A_112 = tpu.vector_load %arg26[%swap3A_110, %swap3A_111] {strides = array<i32>} : memref<128x80xf32, #tpu.memory_space<vmem>>, vector<1x16xf32>,
        %swap3A_113 = vector.shape_cast %swap3A_112 : vector<1x16xf32> to vector<16xf32>
        %swap3A_114 = vector.shape_cast %sub3A : vector<16xf32> to vector<1x16xf32>
        tpu.vector_store %arg26[%swap3A_110, %swap3A_111], %swap3A_114 {strides = array<i32>} : memref<128x80xf32, #tpu.memory_space<vmem>>, vector<1x16xf32>,
        %get3A_115 = arith.index_cast %scan3A_99 : i32 to index
        %get3A_116 = arith.constant 16 : index
        %get3A_117 = tpu.vector_load %arg25[%get3A_115, %get3A_116] {strides = array<i32>} : memref<128x64xf32, #tpu.memory_space<vmem>>, vector<1x16xf32>,
        %get3A_118 = vector.shape_cast %get3A_117 : vector<1x16xf32> to vector<16xf32>
        %get3A_119 = arith.index_cast %scan3A_99 : i32 to index
        %get3A_120 = arith.constant 16 : index
        %get3A_121 = tpu.vector_load %arg24[%get3A_119, %get3A_120] {strides = array<i32>} : memref<128x64xf32, #tpu.memory_space<vmem>>, vector<1x16xf32>,
        %get3A_122 = vector.shape_cast %get3A_121 : vector<1x16xf32> to vector<16xf32>
        %sub3A_123 = arith.subf %get3A_122, %get3A_118 : vector<16xf32>
        %mul3A_124 = arith.mulf %sub3A_123, %sub3A_123 : vector<16xf32>
        %add3A_125 = arith.addf %add3A_109, %mul3A_124 : vector<16xf32>
        %swap3A_126 = arith.index_cast %scan3A_99 : i32 to index
        %swap3A_127 = arith.constant 16 : index
        %swap3A_128 = tpu.vector_load %arg26[%swap3A_126, %swap3A_127] {strides = array<i32>} : memref<128x80xf32, #tpu.memory_space<vmem>>, vector<1x16xf32>,
        %swap3A_129 = vector.shape_cast %swap3A_128 : vector<1x16xf32> to vector<16xf32>
        %swap3A_130 = vector.shape_cast %sub3A_123 : vector<16xf32> to vector<1x16xf32>
        tpu.vector_store %arg26[%swap3A_126, %swap3A_127], %swap3A_130 {strides = array<i32>} : memref<128x80xf32, #tpu.memory_space<vmem>>, vector<1x16xf32>,
        %get3A_131 = arith.index_cast %scan3A_99 : i32 to index
        %get3A_132 = arith.constant 32 : index
        %get3A_133 = tpu.vector_load %arg25[%get3A_131, %get3A_132] {strides = array<i32>} : memref<128x64xf32, #tpu.memory_space<vmem>>, vector<1x16xf32>,
        %get3A_134 = vector.shape_cast %get3A_133 : vector<1x16xf32> to vector<16xf32>
        %get3A_135 = arith.index_cast %scan3A_99 : i32 to index
        %get3A_136 = arith.constant 32 : index
        %get3A_137 = tpu.vector_load %arg24[%get3A_135, %get3A_136] {strides = array<i32>} : memref<128x64xf32, #tpu.memory_space<vmem>>, vector<1x16xf32>,
        %get3A_138 = vector.shape_cast %get3A_137 : vector<1x16xf32> to vector<16xf32>
        %sub3A_139 = arith.subf %get3A_138, %get3A_134 : vector<16xf32>
        %mul3A_140 = arith.mulf %sub3A_139, %sub3A_139 : vector<16xf32>
        %add3A_141 = arith.addf %add3A_125, %mul3A_140 : vector<16xf32>
        %swap3A_142 = arith.index_cast %scan3A_99 : i32 to index
        %swap3A_143 = arith.constant 32 : index
        %swap3A_144 = tpu.vector_load %arg26[%swap3A_142, %swap3A_143] {strides = array<i32>} : memref<128x80xf32, #tpu.memory_space<vmem>>, vector<1x16xf32>,
        %swap3A_145 = vector.shape_cast %swap3A_144 : vector<1x16xf32> to vector<16xf32>
        %swap3A_146 = vector.shape_cast %sub3A_139 : vector<16xf32> to vector<1x16xf32>
        tpu.vector_store %arg26[%swap3A_142, %swap3A_143], %swap3A_146 {strides = array<i32>} : memref<128x80xf32, #tpu.memory_space<vmem>>, vector<1x16xf32>,
        %get3A_147 = arith.index_cast %scan3A_99 : i32 to index
        %get3A_148 = arith.constant 48 : index
        %get3A_149 = tpu.vector_load %arg25[%get3A_147, %get3A_148] {strides = array<i32>} : memref<128x64xf32, #tpu.memory_space<vmem>>, vector<1x16xf32>,
        %get3A_150 = vector.shape_cast %get3A_149 : vector<1x16xf32> to vector<16xf32>
        %get3A_151 = arith.index_cast %scan3A_99 : i32 to index
        %get3A_152 = arith.constant 48 : index
        %get3A_153 = tpu.vector_load %arg24[%get3A_151, %get3A_152] {strides = array<i32>} : memref<128x64xf32, #tpu.memory_space<vmem>>, vector<1x16xf32>,
        %get3A_154 = vector.shape_cast %get3A_153 : vector<1x16xf32> to vector<16xf32>
        %sub3A_155 = arith.subf %get3A_154, %get3A_150 : vector<16xf32>
        %mul3A_156 = arith.mulf %sub3A_155, %sub3A_155 : vector<16xf32>
        %add3A_157 = arith.addf %add3A_141, %mul3A_156 : vector<16xf32>
        %swap3A_158 = arith.index_cast %scan3A_99 : i32 to index
        %swap3A_159 = arith.constant 48 : index
        %swap3A_160 = tpu.vector_load %arg26[%swap3A_158, %swap3A_159] {strides = array<i32>} : memref<128x80xf32, #tpu.memory_space<vmem>>, vector<1x16xf32>,
        %swap3A_161 = vector.shape_cast %swap3A_160 : vector<1x16xf32> to vector<16xf32>
        %swap3A_162 = vector.shape_cast %sub3A_155 : vector<16xf32> to vector<1x16xf32>
        tpu.vector_store %arg26[%swap3A_158, %swap3A_159], %swap3A_162 {strides = array<i32>} : memref<128x80xf32, #tpu.memory_space<vmem>>, vector<1x16xf32>,
        %swap3A_163 = arith.index_cast %scan3A_99 : i32 to index
        %swap3A_164 = arith.constant 64 : index
        %swap3A_165 = tpu.vector_load %arg26[%swap3A_163, %swap3A_164] {strides = array<i32>} : memref<128x80xf32, #tpu.memory_space<vmem>>, vector<1x16xf32>,
        %swap3A_166 = vector.shape_cast %swap3A_165 : vector<1x16xf32> to vector<16xf32>
        %swap3A_167 = vector.shape_cast %broadcast_in_dim3A_11 : vector<16xf32> to vector<1x16xf32>
        tpu.vector_store %arg26[%swap3A_163, %swap3A_164], %swap3A_167 {strides = array<i32>} : memref<128x80xf32, #tpu.memory_space<vmem>>, vector<1x16xf32>,
        scf.yield %add3A_157 : vector<16xf32>
      }
      %scan3A_76 = arith.constant 128 : i32
      "tpu.region"() ({
        %run_scoped3A = tpu.sem_alloc : memref<!tpu.dma_semaphore, #tpu.memory_space<semaphore_mem>>
        %dma_start3A_99 = arith.constant 0 : i32
        %dma_start3A_100 = arith.constant 0 : i32
        %dma_start3A_101 = tpu.memref_slice %arg31[%dma_start3A_99, %dma_start3A_100] : memref<16384x80xf32, #tpu.memory_space<vmem_shared>> -> memref<16384x80xf32, #tpu.memory_space<vmem_shared>>
        tpu.enqueue_indirect_dma source(%arg26 : memref<128x80xf32, #tpu.memory_space<vmem>>) target(%dma_start3A_101 : memref<16384x80xf32, #tpu.memory_space<vmem_shared>>) offsets(%arg20 : memref<128xi32, #tpu.memory_space<vmem>>) semaphore(%run_scoped3A : memref<!tpu.dma_semaphore, #tpu.memory_space<semaphore_mem>>) {add = true}
        %dma_wait3A_102 = arith.constant 0 : i32
        %dma_wait3A_103 = arith.constant 0 : i32
        %dma_wait3A_104 = tpu.memref_slice %arg31[%dma_wait3A_102, %dma_wait3A_103] : memref<16384x80xf32, #tpu.memory_space<vmem_shared>> -> memref<16384x80xf32, #tpu.memory_space<vmem_shared>>
        tpu.wait_indirect_dma semaphore(%run_scoped3A : memref<!tpu.dma_semaphore, #tpu.memory_space<semaphore_mem>>) src(%arg26 : memref<128x80xf32, #tpu.memory_space<vmem>>) dst(%dma_wait3A_104 : memref<16384x80xf32, #tpu.memory_space<vmem_shared>>)
        tpu.yield
      }) : () -> ()
      "tpu.region"() ({
        %run_scoped3A = tpu.sem_alloc : memref<!tpu.dma_semaphore, #tpu.memory_space<semaphore_mem>>
        %dma_start3A_99 = arith.constant 0 : i32
        %dma_start3A_100 = arith.constant 0 : i32
        %dma_start3A_101 = tpu.memref_slice %arg4[%dma_start3A_99, %dma_start3A_100] : memref<100000x64xf32, #tpu.memory_space<hbm>> -> memref<100000x64xf32, #tpu.memory_space<hbm>>
        tpu.enqueue_indirect_dma source(%dma_start3A_101 : memref<100000x64xf32, #tpu.memory_space<hbm>>) target(%arg24 : memref<128x64xf32, #tpu.memory_space<vmem>>) offsets(%arg13 : memref<128xi32, #tpu.memory_space<vmem>>) semaphore(%run_scoped3A : memref<!tpu.dma_semaphore, #tpu.memory_space<semaphore_mem>>)
        %dma_wait3A_102 = arith.constant 0 : i32
        %dma_wait3A_103 = arith.constant 0 : i32
        %dma_wait3A_104 = tpu.memref_slice %arg4[%dma_wait3A_102, %dma_wait3A_103] : memref<100000x64xf32, #tpu.memory_space<hbm>> -> memref<100000x64xf32, #tpu.memory_space<hbm>>
        tpu.wait_indirect_dma semaphore(%run_scoped3A : memref<!tpu.dma_semaphore, #tpu.memory_space<semaphore_mem>>) src(%dma_wait3A_104 : memref<100000x64xf32, #tpu.memory_space<hbm>>) dst(%arg24 : memref<128x64xf32, #tpu.memory_space<vmem>>)
        tpu.yield
      }) : () -> ()
      %add3A_77 = arith.constant 768 : i32
      %add3A_78 = arith.addi %mul3A_0, %add3A_77 : i32
      "tpu.region"() ({
        %run_scoped3A = tpu.sem_alloc : memref<!tpu.dma_semaphore, #tpu.memory_space<semaphore_mem>>
        %dma_start3A_99 = arith.constant 0 : i32
        %dma_start3A_100 = tpu.memref_slice %arg2[%add3A_78, %dma_start3A_99] : memref<16384x64xf32, #tpu.memory_space<hbm>> -> memref<128x64xf32, #tpu.memory_space<hbm>>
        %dma_start3A_101 = arith.constant 0 : i32
        %dma_start3A_102 = tpu.memref_slice %arg2[%add3A_78, %dma_start3A_101] : memref<16384x64xf32, #tpu.memory_space<hbm>> -> memref<128x64xf32, #tpu.memory_space<hbm>>
        tpu.enqueue_dma source(%dma_start3A_102 : memref<128x64xf32, #tpu.memory_space<hbm>>) target(%arg25 : memref<128x64xf32, #tpu.memory_space<vmem>>) target_semaphore(%run_scoped3A : memref<!tpu.dma_semaphore, #tpu.memory_space<semaphore_mem>>)
        %dma_wait3A_103 = arith.constant 0 : i32
        %dma_wait3A_104 = tpu.memref_slice %arg2[%add3A_78, %dma_wait3A_103] : memref<16384x64xf32, #tpu.memory_space<hbm>> -> memref<128x64xf32, #tpu.memory_space<hbm>>
        %dma_wait3A_105 = arith.constant 0 : i32
        %dma_wait3A_106 = tpu.memref_slice %arg2[%add3A_78, %dma_wait3A_105] : memref<16384x64xf32, #tpu.memory_space<hbm>> -> memref<128x64xf32, #tpu.memory_space<hbm>>
        tpu.wait_dma2 semaphore(%run_scoped3A : memref<!tpu.dma_semaphore, #tpu.memory_space<semaphore_mem>>) src(%dma_wait3A_106 : memref<128x64xf32, #tpu.memory_space<hbm>>) dst(%arg25 : memref<128x64xf32, #tpu.memory_space<vmem>>)
        tpu.yield
      }) : () -> ()
      "tpu.region"() ({
        %run_scoped3A = tpu.sem_alloc : memref<!tpu.dma_semaphore, #tpu.memory_space<semaphore_mem>>
        %dma_start3A_99 = arith.constant 0 : i32
        %dma_start3A_100 = tpu.memref_slice %arg30[%dma_start3A_99] : memref<102400xi32, #tpu.memory_space<vmem_shared>> -> memref<102400xi32, #tpu.memory_space<vmem_shared>>
        tpu.enqueue_indirect_dma source(%dma_start3A_100 : memref<102400xi32, #tpu.memory_space<vmem_shared>>) target(%arg21 : memref<128xi32, #tpu.memory_space<vmem>>) offsets(%arg13 : memref<128xi32, #tpu.memory_space<vmem>>) semaphore(%run_scoped3A : memref<!tpu.dma_semaphore, #tpu.memory_space<semaphore_mem>>)
        %dma_wait3A_101 = arith.constant 0 : i32
        %dma_wait3A_102 = tpu.memref_slice %arg30[%dma_wait3A_101] : memref<102400xi32, #tpu.memory_space<vmem_shared>> -> memref<102400xi32, #tpu.memory_space<vmem_shared>>
        tpu.wait_indirect_dma semaphore(%run_scoped3A : memref<!tpu.dma_semaphore, #tpu.memory_space<semaphore_mem>>) src(%dma_wait3A_102 : memref<102400xi32, #tpu.memory_space<vmem_shared>>) dst(%arg21 : memref<128xi32, #tpu.memory_space<vmem>>)
        tpu.yield
      }) : () -> ()
      %scan3A_79 = arith.constant 0 : i32
      %scan3A_80 = arith.constant 128 : i32
      %scan3A_81 = arith.addi %scan3A_79, %scan3A_80 : i32
      %scan3A_82 = arith.constant 1 : i32
      %scan3A_83 = scf.for %scan3A_99 = %scan3A_79 to %scan3A_81 step %scan3A_82 iter_args(%scan3A_100 = %scan3A_75) -> (vector<16xf32>)  : i32 {
        %get3A = arith.index_cast %scan3A_99 : i32 to index
        %get3A_101 = arith.constant 0 : index
        %get3A_102 = tpu.vector_load %arg25[%get3A, %get3A_101] {strides = array<i32>} : memref<128x64xf32, #tpu.memory_space<vmem>>, vector<1x16xf32>,
        %get3A_103 = vector.shape_cast %get3A_102 : vector<1x16xf32> to vector<16xf32>
        %get3A_104 = arith.index_cast %scan3A_99 : i32 to index
        %get3A_105 = arith.constant 0 : index
        %get3A_106 = tpu.vector_load %arg24[%get3A_104, %get3A_105] {strides = array<i32>} : memref<128x64xf32, #tpu.memory_space<vmem>>, vector<1x16xf32>,
        %get3A_107 = vector.shape_cast %get3A_106 : vector<1x16xf32> to vector<16xf32>
        %sub3A = arith.subf %get3A_107, %get3A_103 : vector<16xf32>
        %mul3A_108 = arith.mulf %sub3A, %sub3A : vector<16xf32>
        %add3A_109 = arith.addf %scan3A_100, %mul3A_108 : vector<16xf32>
        %swap3A_110 = arith.index_cast %scan3A_99 : i32 to index
        %swap3A_111 = arith.constant 0 : index
        %swap3A_112 = tpu.vector_load %arg26[%swap3A_110, %swap3A_111] {strides = array<i32>} : memref<128x80xf32, #tpu.memory_space<vmem>>, vector<1x16xf32>,
        %swap3A_113 = vector.shape_cast %swap3A_112 : vector<1x16xf32> to vector<16xf32>
        %swap3A_114 = vector.shape_cast %sub3A : vector<16xf32> to vector<1x16xf32>
        tpu.vector_store %arg26[%swap3A_110, %swap3A_111], %swap3A_114 {strides = array<i32>} : memref<128x80xf32, #tpu.memory_space<vmem>>, vector<1x16xf32>,
        %get3A_115 = arith.index_cast %scan3A_99 : i32 to index
        %get3A_116 = arith.constant 16 : index
        %get3A_117 = tpu.vector_load %arg25[%get3A_115, %get3A_116] {strides = array<i32>} : memref<128x64xf32, #tpu.memory_space<vmem>>, vector<1x16xf32>,
        %get3A_118 = vector.shape_cast %get3A_117 : vector<1x16xf32> to vector<16xf32>
        %get3A_119 = arith.index_cast %scan3A_99 : i32 to index
        %get3A_120 = arith.constant 16 : index
        %get3A_121 = tpu.vector_load %arg24[%get3A_119, %get3A_120] {strides = array<i32>} : memref<128x64xf32, #tpu.memory_space<vmem>>, vector<1x16xf32>,
        %get3A_122 = vector.shape_cast %get3A_121 : vector<1x16xf32> to vector<16xf32>
        %sub3A_123 = arith.subf %get3A_122, %get3A_118 : vector<16xf32>
        %mul3A_124 = arith.mulf %sub3A_123, %sub3A_123 : vector<16xf32>
        %add3A_125 = arith.addf %add3A_109, %mul3A_124 : vector<16xf32>
        %swap3A_126 = arith.index_cast %scan3A_99 : i32 to index
        %swap3A_127 = arith.constant 16 : index
        %swap3A_128 = tpu.vector_load %arg26[%swap3A_126, %swap3A_127] {strides = array<i32>} : memref<128x80xf32, #tpu.memory_space<vmem>>, vector<1x16xf32>,
        %swap3A_129 = vector.shape_cast %swap3A_128 : vector<1x16xf32> to vector<16xf32>
        %swap3A_130 = vector.shape_cast %sub3A_123 : vector<16xf32> to vector<1x16xf32>
        tpu.vector_store %arg26[%swap3A_126, %swap3A_127], %swap3A_130 {strides = array<i32>} : memref<128x80xf32, #tpu.memory_space<vmem>>, vector<1x16xf32>,
        %get3A_131 = arith.index_cast %scan3A_99 : i32 to index
        %get3A_132 = arith.constant 32 : index
        %get3A_133 = tpu.vector_load %arg25[%get3A_131, %get3A_132] {strides = array<i32>} : memref<128x64xf32, #tpu.memory_space<vmem>>, vector<1x16xf32>,
        %get3A_134 = vector.shape_cast %get3A_133 : vector<1x16xf32> to vector<16xf32>
        %get3A_135 = arith.index_cast %scan3A_99 : i32 to index
        %get3A_136 = arith.constant 32 : index
        %get3A_137 = tpu.vector_load %arg24[%get3A_135, %get3A_136] {strides = array<i32>} : memref<128x64xf32, #tpu.memory_space<vmem>>, vector<1x16xf32>,
        %get3A_138 = vector.shape_cast %get3A_137 : vector<1x16xf32> to vector<16xf32>
        %sub3A_139 = arith.subf %get3A_138, %get3A_134 : vector<16xf32>
        %mul3A_140 = arith.mulf %sub3A_139, %sub3A_139 : vector<16xf32>
        %add3A_141 = arith.addf %add3A_125, %mul3A_140 : vector<16xf32>
        %swap3A_142 = arith.index_cast %scan3A_99 : i32 to index
        %swap3A_143 = arith.constant 32 : index
        %swap3A_144 = tpu.vector_load %arg26[%swap3A_142, %swap3A_143] {strides = array<i32>} : memref<128x80xf32, #tpu.memory_space<vmem>>, vector<1x16xf32>,
        %swap3A_145 = vector.shape_cast %swap3A_144 : vector<1x16xf32> to vector<16xf32>
        %swap3A_146 = vector.shape_cast %sub3A_139 : vector<16xf32> to vector<1x16xf32>
        tpu.vector_store %arg26[%swap3A_142, %swap3A_143], %swap3A_146 {strides = array<i32>} : memref<128x80xf32, #tpu.memory_space<vmem>>, vector<1x16xf32>,
        %get3A_147 = arith.index_cast %scan3A_99 : i32 to index
        %get3A_148 = arith.constant 48 : index
        %get3A_149 = tpu.vector_load %arg25[%get3A_147, %get3A_148] {strides = array<i32>} : memref<128x64xf32, #tpu.memory_space<vmem>>, vector<1x16xf32>,
        %get3A_150 = vector.shape_cast %get3A_149 : vector<1x16xf32> to vector<16xf32>
        %get3A_151 = arith.index_cast %scan3A_99 : i32 to index
        %get3A_152 = arith.constant 48 : index
        %get3A_153 = tpu.vector_load %arg24[%get3A_151, %get3A_152] {strides = array<i32>} : memref<128x64xf32, #tpu.memory_space<vmem>>, vector<1x16xf32>,
        %get3A_154 = vector.shape_cast %get3A_153 : vector<1x16xf32> to vector<16xf32>
        %sub3A_155 = arith.subf %get3A_154, %get3A_150 : vector<16xf32>
        %mul3A_156 = arith.mulf %sub3A_155, %sub3A_155 : vector<16xf32>
        %add3A_157 = arith.addf %add3A_141, %mul3A_156 : vector<16xf32>
        %swap3A_158 = arith.index_cast %scan3A_99 : i32 to index
        %swap3A_159 = arith.constant 48 : index
        %swap3A_160 = tpu.vector_load %arg26[%swap3A_158, %swap3A_159] {strides = array<i32>} : memref<128x80xf32, #tpu.memory_space<vmem>>, vector<1x16xf32>,
        %swap3A_161 = vector.shape_cast %swap3A_160 : vector<1x16xf32> to vector<16xf32>
        %swap3A_162 = vector.shape_cast %sub3A_155 : vector<16xf32> to vector<1x16xf32>
        tpu.vector_store %arg26[%swap3A_158, %swap3A_159], %swap3A_162 {strides = array<i32>} : memref<128x80xf32, #tpu.memory_space<vmem>>, vector<1x16xf32>,
        %swap3A_163 = arith.index_cast %scan3A_99 : i32 to index
        %swap3A_164 = arith.constant 64 : index
        %swap3A_165 = tpu.vector_load %arg26[%swap3A_163, %swap3A_164] {strides = array<i32>} : memref<128x80xf32, #tpu.memory_space<vmem>>, vector<1x16xf32>,
        %swap3A_166 = vector.shape_cast %swap3A_165 : vector<1x16xf32> to vector<16xf32>
        %swap3A_167 = vector.shape_cast %broadcast_in_dim3A_11 : vector<16xf32> to vector<1x16xf32>
        tpu.vector_store %arg26[%swap3A_163, %swap3A_164], %swap3A_167 {strides = array<i32>} : memref<128x80xf32, #tpu.memory_space<vmem>>, vector<1x16xf32>,
        scf.yield %add3A_157 : vector<16xf32>
      }
      %scan3A_84 = arith.constant 128 : i32
      "tpu.region"() ({
        %run_scoped3A = tpu.sem_alloc : memref<!tpu.dma_semaphore, #tpu.memory_space<semaphore_mem>>
        %dma_start3A_99 = arith.constant 0 : i32
        %dma_start3A_100 = arith.constant 0 : i32
        %dma_start3A_101 = tpu.memref_slice %arg31[%dma_start3A_99, %dma_start3A_100] : memref<16384x80xf32, #tpu.memory_space<vmem_shared>> -> memref<16384x80xf32, #tpu.memory_space<vmem_shared>>
        tpu.enqueue_indirect_dma source(%arg26 : memref<128x80xf32, #tpu.memory_space<vmem>>) target(%dma_start3A_101 : memref<16384x80xf32, #tpu.memory_space<vmem_shared>>) offsets(%arg21 : memref<128xi32, #tpu.memory_space<vmem>>) semaphore(%run_scoped3A : memref<!tpu.dma_semaphore, #tpu.memory_space<semaphore_mem>>) {add = true}
        %dma_wait3A_102 = arith.constant 0 : i32
        %dma_wait3A_103 = arith.constant 0 : i32
        %dma_wait3A_104 = tpu.memref_slice %arg31[%dma_wait3A_102, %dma_wait3A_103] : memref<16384x80xf32, #tpu.memory_space<vmem_shared>> -> memref<16384x80xf32, #tpu.memory_space<vmem_shared>>
        tpu.wait_indirect_dma semaphore(%run_scoped3A : memref<!tpu.dma_semaphore, #tpu.memory_space<semaphore_mem>>) src(%arg26 : memref<128x80xf32, #tpu.memory_space<vmem>>) dst(%dma_wait3A_104 : memref<16384x80xf32, #tpu.memory_space<vmem_shared>>)
        tpu.yield
      }) : () -> ()
      "tpu.region"() ({
        %run_scoped3A = tpu.sem_alloc : memref<!tpu.dma_semaphore, #tpu.memory_space<semaphore_mem>>
        %dma_start3A_99 = arith.constant 0 : i32
        %dma_start3A_100 = arith.constant 0 : i32
        %dma_start3A_101 = tpu.memref_slice %arg4[%dma_start3A_99, %dma_start3A_100] : memref<100000x64xf32, #tpu.memory_space<hbm>> -> memref<100000x64xf32, #tpu.memory_space<hbm>>
        tpu.enqueue_indirect_dma source(%dma_start3A_101 : memref<100000x64xf32, #tpu.memory_space<hbm>>) target(%arg24 : memref<128x64xf32, #tpu.memory_space<vmem>>) offsets(%arg14 : memref<128xi32, #tpu.memory_space<vmem>>) semaphore(%run_scoped3A : memref<!tpu.dma_semaphore, #tpu.memory_space<semaphore_mem>>)
        %dma_wait3A_102 = arith.constant 0 : i32
        %dma_wait3A_103 = arith.constant 0 : i32
        %dma_wait3A_104 = tpu.memref_slice %arg4[%dma_wait3A_102, %dma_wait3A_103] : memref<100000x64xf32, #tpu.memory_space<hbm>> -> memref<100000x64xf32, #tpu.memory_space<hbm>>
        tpu.wait_indirect_dma semaphore(%run_scoped3A : memref<!tpu.dma_semaphore, #tpu.memory_space<semaphore_mem>>) src(%dma_wait3A_104 : memref<100000x64xf32, #tpu.memory_space<hbm>>) dst(%arg24 : memref<128x64xf32, #tpu.memory_space<vmem>>)
        tpu.yield
      }) : () -> ()
      %add3A_85 = arith.constant 896 : i32
      %add3A_86 = arith.addi %mul3A_0, %add3A_85 : i32
      "tpu.region"() ({
        %run_scoped3A = tpu.sem_alloc : memref<!tpu.dma_semaphore, #tpu.memory_space<semaphore_mem>>
        %dma_start3A_99 = arith.constant 0 : i32
        %dma_start3A_100 = tpu.memref_slice %arg2[%add3A_86, %dma_start3A_99] : memref<16384x64xf32, #tpu.memory_space<hbm>> -> memref<128x64xf32, #tpu.memory_space<hbm>>
        %dma_start3A_101 = arith.constant 0 : i32
        %dma_start3A_102 = tpu.memref_slice %arg2[%add3A_86, %dma_start3A_101] : memref<16384x64xf32, #tpu.memory_space<hbm>> -> memref<128x64xf32, #tpu.memory_space<hbm>>
        tpu.enqueue_dma source(%dma_start3A_102 : memref<128x64xf32, #tpu.memory_space<hbm>>) target(%arg25 : memref<128x64xf32, #tpu.memory_space<vmem>>) target_semaphore(%run_scoped3A : memref<!tpu.dma_semaphore, #tpu.memory_space<semaphore_mem>>)
        %dma_wait3A_103 = arith.constant 0 : i32
        %dma_wait3A_104 = tpu.memref_slice %arg2[%add3A_86, %dma_wait3A_103] : memref<16384x64xf32, #tpu.memory_space<hbm>> -> memref<128x64xf32, #tpu.memory_space<hbm>>
        %dma_wait3A_105 = arith.constant 0 : i32
        %dma_wait3A_106 = tpu.memref_slice %arg2[%add3A_86, %dma_wait3A_105] : memref<16384x64xf32, #tpu.memory_space<hbm>> -> memref<128x64xf32, #tpu.memory_space<hbm>>
        tpu.wait_dma2 semaphore(%run_scoped3A : memref<!tpu.dma_semaphore, #tpu.memory_space<semaphore_mem>>) src(%dma_wait3A_106 : memref<128x64xf32, #tpu.memory_space<hbm>>) dst(%arg25 : memref<128x64xf32, #tpu.memory_space<vmem>>)
        tpu.yield
      }) : () -> ()
      "tpu.region"() ({
        %run_scoped3A = tpu.sem_alloc : memref<!tpu.dma_semaphore, #tpu.memory_space<semaphore_mem>>
        %dma_start3A_99 = arith.constant 0 : i32
        %dma_start3A_100 = tpu.memref_slice %arg30[%dma_start3A_99] : memref<102400xi32, #tpu.memory_space<vmem_shared>> -> memref<102400xi32, #tpu.memory_space<vmem_shared>>
        tpu.enqueue_indirect_dma source(%dma_start3A_100 : memref<102400xi32, #tpu.memory_space<vmem_shared>>) target(%arg22 : memref<128xi32, #tpu.memory_space<vmem>>) offsets(%arg14 : memref<128xi32, #tpu.memory_space<vmem>>) semaphore(%run_scoped3A : memref<!tpu.dma_semaphore, #tpu.memory_space<semaphore_mem>>)
        %dma_wait3A_101 = arith.constant 0 : i32
        %dma_wait3A_102 = tpu.memref_slice %arg30[%dma_wait3A_101] : memref<102400xi32, #tpu.memory_space<vmem_shared>> -> memref<102400xi32, #tpu.memory_space<vmem_shared>>
        tpu.wait_indirect_dma semaphore(%run_scoped3A : memref<!tpu.dma_semaphore, #tpu.memory_space<semaphore_mem>>) src(%dma_wait3A_102 : memref<102400xi32, #tpu.memory_space<vmem_shared>>) dst(%arg22 : memref<128xi32, #tpu.memory_space<vmem>>)
        tpu.yield
      }) : () -> ()
      %scan3A_87 = arith.constant 0 : i32
      %scan3A_88 = arith.constant 128 : i32
      %scan3A_89 = arith.addi %scan3A_87, %scan3A_88 : i32
      %scan3A_90 = arith.constant 1 : i32
      %scan3A_91 = scf.for %scan3A_99 = %scan3A_87 to %scan3A_89 step %scan3A_90 iter_args(%scan3A_100 = %scan3A_83) -> (vector<16xf32>)  : i32 {
        %get3A = arith.index_cast %scan3A_99 : i32 to index
        %get3A_101 = arith.constant 0 : index
        %get3A_102 = tpu.vector_load %arg25[%get3A, %get3A_101] {strides = array<i32>} : memref<128x64xf32, #tpu.memory_space<vmem>>, vector<1x16xf32>,
        %get3A_103 = vector.shape_cast %get3A_102 : vector<1x16xf32> to vector<16xf32>
        %get3A_104 = arith.index_cast %scan3A_99 : i32 to index
        %get3A_105 = arith.constant 0 : index
        %get3A_106 = tpu.vector_load %arg24[%get3A_104, %get3A_105] {strides = array<i32>} : memref<128x64xf32, #tpu.memory_space<vmem>>, vector<1x16xf32>,
        %get3A_107 = vector.shape_cast %get3A_106 : vector<1x16xf32> to vector<16xf32>
        %sub3A = arith.subf %get3A_107, %get3A_103 : vector<16xf32>
        %mul3A_108 = arith.mulf %sub3A, %sub3A : vector<16xf32>
        %add3A_109 = arith.addf %scan3A_100, %mul3A_108 : vector<16xf32>
        %swap3A_110 = arith.index_cast %scan3A_99 : i32 to index
        %swap3A_111 = arith.constant 0 : index
        %swap3A_112 = tpu.vector_load %arg26[%swap3A_110, %swap3A_111] {strides = array<i32>} : memref<128x80xf32, #tpu.memory_space<vmem>>, vector<1x16xf32>,
        %swap3A_113 = vector.shape_cast %swap3A_112 : vector<1x16xf32> to vector<16xf32>
        %swap3A_114 = vector.shape_cast %sub3A : vector<16xf32> to vector<1x16xf32>
        tpu.vector_store %arg26[%swap3A_110, %swap3A_111], %swap3A_114 {strides = array<i32>} : memref<128x80xf32, #tpu.memory_space<vmem>>, vector<1x16xf32>,
        %get3A_115 = arith.index_cast %scan3A_99 : i32 to index
        %get3A_116 = arith.constant 16 : index
        %get3A_117 = tpu.vector_load %arg25[%get3A_115, %get3A_116] {strides = array<i32>} : memref<128x64xf32, #tpu.memory_space<vmem>>, vector<1x16xf32>,
        %get3A_118 = vector.shape_cast %get3A_117 : vector<1x16xf32> to vector<16xf32>
        %get3A_119 = arith.index_cast %scan3A_99 : i32 to index
        %get3A_120 = arith.constant 16 : index
        %get3A_121 = tpu.vector_load %arg24[%get3A_119, %get3A_120] {strides = array<i32>} : memref<128x64xf32, #tpu.memory_space<vmem>>, vector<1x16xf32>,
        %get3A_122 = vector.shape_cast %get3A_121 : vector<1x16xf32> to vector<16xf32>
        %sub3A_123 = arith.subf %get3A_122, %get3A_118 : vector<16xf32>
        %mul3A_124 = arith.mulf %sub3A_123, %sub3A_123 : vector<16xf32>
        %add3A_125 = arith.addf %add3A_109, %mul3A_124 : vector<16xf32>
        %swap3A_126 = arith.index_cast %scan3A_99 : i32 to index
        %swap3A_127 = arith.constant 16 : index
        %swap3A_128 = tpu.vector_load %arg26[%swap3A_126, %swap3A_127] {strides = array<i32>} : memref<128x80xf32, #tpu.memory_space<vmem>>, vector<1x16xf32>,
        %swap3A_129 = vector.shape_cast %swap3A_128 : vector<1x16xf32> to vector<16xf32>
        %swap3A_130 = vector.shape_cast %sub3A_123 : vector<16xf32> to vector<1x16xf32>
        tpu.vector_store %arg26[%swap3A_126, %swap3A_127], %swap3A_130 {strides = array<i32>} : memref<128x80xf32, #tpu.memory_space<vmem>>, vector<1x16xf32>,
        %get3A_131 = arith.index_cast %scan3A_99 : i32 to index
        %get3A_132 = arith.constant 32 : index
        %get3A_133 = tpu.vector_load %arg25[%get3A_131, %get3A_132] {strides = array<i32>} : memref<128x64xf32, #tpu.memory_space<vmem>>, vector<1x16xf32>,
        %get3A_134 = vector.shape_cast %get3A_133 : vector<1x16xf32> to vector<16xf32>
        %get3A_135 = arith.index_cast %scan3A_99 : i32 to index
        %get3A_136 = arith.constant 32 : index
        %get3A_137 = tpu.vector_load %arg24[%get3A_135, %get3A_136] {strides = array<i32>} : memref<128x64xf32, #tpu.memory_space<vmem>>, vector<1x16xf32>,
        %get3A_138 = vector.shape_cast %get3A_137 : vector<1x16xf32> to vector<16xf32>
        %sub3A_139 = arith.subf %get3A_138, %get3A_134 : vector<16xf32>
        %mul3A_140 = arith.mulf %sub3A_139, %sub3A_139 : vector<16xf32>
        %add3A_141 = arith.addf %add3A_125, %mul3A_140 : vector<16xf32>
        %swap3A_142 = arith.index_cast %scan3A_99 : i32 to index
        %swap3A_143 = arith.constant 32 : index
        %swap3A_144 = tpu.vector_load %arg26[%swap3A_142, %swap3A_143] {strides = array<i32>} : memref<128x80xf32, #tpu.memory_space<vmem>>, vector<1x16xf32>,
        %swap3A_145 = vector.shape_cast %swap3A_144 : vector<1x16xf32> to vector<16xf32>
        %swap3A_146 = vector.shape_cast %sub3A_139 : vector<16xf32> to vector<1x16xf32>
        tpu.vector_store %arg26[%swap3A_142, %swap3A_143], %swap3A_146 {strides = array<i32>} : memref<128x80xf32, #tpu.memory_space<vmem>>, vector<1x16xf32>,
        %get3A_147 = arith.index_cast %scan3A_99 : i32 to index
        %get3A_148 = arith.constant 48 : index
        %get3A_149 = tpu.vector_load %arg25[%get3A_147, %get3A_148] {strides = array<i32>} : memref<128x64xf32, #tpu.memory_space<vmem>>, vector<1x16xf32>,
        %get3A_150 = vector.shape_cast %get3A_149 : vector<1x16xf32> to vector<16xf32>
        %get3A_151 = arith.index_cast %scan3A_99 : i32 to index
        %get3A_152 = arith.constant 48 : index
        %get3A_153 = tpu.vector_load %arg24[%get3A_151, %get3A_152] {strides = array<i32>} : memref<128x64xf32, #tpu.memory_space<vmem>>, vector<1x16xf32>,
        %get3A_154 = vector.shape_cast %get3A_153 : vector<1x16xf32> to vector<16xf32>
        %sub3A_155 = arith.subf %get3A_154, %get3A_150 : vector<16xf32>
        %mul3A_156 = arith.mulf %sub3A_155, %sub3A_155 : vector<16xf32>
        %add3A_157 = arith.addf %add3A_141, %mul3A_156 : vector<16xf32>
        %swap3A_158 = arith.index_cast %scan3A_99 : i32 to index
        %swap3A_159 = arith.constant 48 : index
        %swap3A_160 = tpu.vector_load %arg26[%swap3A_158, %swap3A_159] {strides = array<i32>} : memref<128x80xf32, #tpu.memory_space<vmem>>, vector<1x16xf32>,
        %swap3A_161 = vector.shape_cast %swap3A_160 : vector<1x16xf32> to vector<16xf32>
        %swap3A_162 = vector.shape_cast %sub3A_155 : vector<16xf32> to vector<1x16xf32>
        tpu.vector_store %arg26[%swap3A_158, %swap3A_159], %swap3A_162 {strides = array<i32>} : memref<128x80xf32, #tpu.memory_space<vmem>>, vector<1x16xf32>,
        %swap3A_163 = arith.index_cast %scan3A_99 : i32 to index
        %swap3A_164 = arith.constant 64 : index
        %swap3A_165 = tpu.vector_load %arg26[%swap3A_163, %swap3A_164] {strides = array<i32>} : memref<128x80xf32, #tpu.memory_space<vmem>>, vector<1x16xf32>,
        %swap3A_166 = vector.shape_cast %swap3A_165 : vector<1x16xf32> to vector<16xf32>
        %swap3A_167 = vector.shape_cast %broadcast_in_dim3A_11 : vector<16xf32> to vector<1x16xf32>
        tpu.vector_store %arg26[%swap3A_163, %swap3A_164], %swap3A_167 {strides = array<i32>} : memref<128x80xf32, #tpu.memory_space<vmem>>, vector<1x16xf32>,
        scf.yield %add3A_157 : vector<16xf32>
      }
      %scan3A_92 = arith.constant 128 : i32
      "tpu.region"() ({
        %run_scoped3A = tpu.sem_alloc : memref<!tpu.dma_semaphore, #tpu.memory_space<semaphore_mem>>
        %dma_start3A_99 = arith.constant 0 : i32
        %dma_start3A_100 = arith.constant 0 : i32
        %dma_start3A_101 = tpu.memref_slice %arg31[%dma_start3A_99, %dma_start3A_100] : memref<16384x80xf32, #tpu.memory_space<vmem_shared>> -> memref<16384x80xf32, #tpu.memory_space<vmem_shared>>
        tpu.enqueue_indirect_dma source(%arg26 : memref<128x80xf32, #tpu.memory_space<vmem>>) target(%dma_start3A_101 : memref<16384x80xf32, #tpu.memory_space<vmem_shared>>) offsets(%arg22 : memref<128xi32, #tpu.memory_space<vmem>>) semaphore(%run_scoped3A : memref<!tpu.dma_semaphore, #tpu.memory_space<semaphore_mem>>) {add = true}
        %dma_wait3A_102 = arith.constant 0 : i32
        %dma_wait3A_103 = arith.constant 0 : i32
        %dma_wait3A_104 = tpu.memref_slice %arg31[%dma_wait3A_102, %dma_wait3A_103] : memref<16384x80xf32, #tpu.memory_space<vmem_shared>> -> memref<16384x80xf32, #tpu.memory_space<vmem_shared>>
        tpu.wait_indirect_dma semaphore(%run_scoped3A : memref<!tpu.dma_semaphore, #tpu.memory_space<semaphore_mem>>) src(%arg26 : memref<128x80xf32, #tpu.memory_space<vmem>>) dst(%dma_wait3A_104 : memref<16384x80xf32, #tpu.memory_space<vmem_shared>>)
        tpu.yield
      }) : () -> ()
      %mul3A_93 = arith.constant 5.000000e-01 : f32
      %mul3A_94 = vector.broadcast %mul3A_93 : f32 to vector<16xf32>
      %mul3A_95 = arith.mulf %scan3A_91, %mul3A_94 : vector<16xf32>
      %swap3A = arith.constant 0 : index
      %swap3A_96 = tpu.vector_load %arg27[%swap3A] {strides = array<i32>} : memref<16xf32, #tpu.memory_space<vmem>>, vector<16xf32>,
      %swap3A_97 = vector.shape_cast %swap3A_96 : vector<16xf32> to vector<16xf32>
      %swap3A_98 = vector.shape_cast %mul3A_95 : vector<16xf32> to vector<16xf32>
      tpu.vector_store %arg27[%swap3A], %swap3A_98 {strides = array<i32>} : memref<16xf32, #tpu.memory_space<vmem>>, vector<16xf32>,
      "tpu.region"() ({
        %run_scoped3A = tpu.sem_alloc : memref<!tpu.dma_semaphore, #tpu.memory_space<semaphore_mem>>
        %dma_start3A_99 = arith.constant 0 : i32
        %dma_start3A_100 = tpu.memref_slice %arg32[%arg1, %dma_start3A_99] : memref<16x16xf32, #tpu.memory_space<vmem_shared>> -> memref<1x16xf32, #tpu.memory_space<vmem_shared>>
        %dma_start3A_101 = tpu.memref_squeeze %dma_start3A_100 : memref<1x16xf32, #tpu.memory_space<vmem_shared>> -> memref<16xf32, #tpu.memory_space<vmem_shared>>
        %dma_start3A_102 = arith.constant 0 : i32
        %dma_start3A_103 = tpu.memref_slice %arg32[%arg1, %dma_start3A_102] : memref<16x16xf32, #tpu.memory_space<vmem_shared>> -> memref<1x16xf32, #tpu.memory_space<vmem_shared>>
        %dma_start3A_104 = tpu.memref_squeeze %dma_start3A_103 : memref<1x16xf32, #tpu.memory_space<vmem_shared>> -> memref<16xf32, #tpu.memory_space<vmem_shared>>
        tpu.enqueue_dma source(%arg27 : memref<16xf32, #tpu.memory_space<vmem>>) target(%dma_start3A_104 : memref<16xf32, #tpu.memory_space<vmem_shared>>) target_semaphore(%run_scoped3A : memref<!tpu.dma_semaphore, #tpu.memory_space<semaphore_mem>>)
        %dma_wait3A_105 = arith.constant 0 : i32
        %dma_wait3A_106 = tpu.memref_slice %arg32[%arg1, %dma_wait3A_105] : memref<16x16xf32, #tpu.memory_space<vmem_shared>> -> memref<1x16xf32, #tpu.memory_space<vmem_shared>>
        %dma_wait3A_107 = tpu.memref_squeeze %dma_wait3A_106 : memref<1x16xf32, #tpu.memory_space<vmem_shared>> -> memref<16xf32, #tpu.memory_space<vmem_shared>>
        %dma_wait3A_108 = arith.constant 0 : i32
        %dma_wait3A_109 = tpu.memref_slice %arg32[%arg1, %dma_wait3A_108] : memref<16x16xf32, #tpu.memory_space<vmem_shared>> -> memref<1x16xf32, #tpu.memory_space<vmem_shared>>
        %dma_wait3A_110 = tpu.memref_squeeze %dma_wait3A_109 : memref<1x16xf32, #tpu.memory_space<vmem_shared>> -> memref<16xf32, #tpu.memory_space<vmem_shared>>
        tpu.wait_dma2 semaphore(%run_scoped3A : memref<!tpu.dma_semaphore, #tpu.memory_space<semaphore_mem>>) src(%arg27 : memref<16xf32, #tpu.memory_space<vmem>>) dst(%dma_wait3A_110 : memref<16xf32, #tpu.memory_space<vmem_shared>>)
        tpu.yield
      }) : () -> ()
    } else {
    }
    %dma_wait3A = arith.constant 0 : i32
    %dma_wait3A_19 = tpu.memref_slice %arg6[%min3A_5, %dma_wait3A] : memref<100000x64xf32, #tpu.memory_space<hbm>> -> memref<3128x64xf32, #tpu.memory_space<hbm>>
    %dma_wait3A_20 = arith.constant 0 : i32
    %dma_wait3A_21 = tpu.memref_slice %arg4[%min3A_5, %dma_wait3A_20] : memref<100000x64xf32, #tpu.memory_space<hbm>> -> memref<3128x64xf32, #tpu.memory_space<hbm>>
    tpu.wait_dma2 semaphore(%arg33 : memref<!tpu.dma_semaphore, #tpu.memory_space<semaphore_mem>>) src(%dma_wait3A_21 : memref<3128x64xf32, #tpu.memory_space<hbm>>) dst(%dma_wait3A_19 : memref<3128x64xf32, #tpu.memory_space<hbm>>)
    %barrier3A_22 = arith.constant 0 : index
    tpu.barrier barrier_id(%barrier3A_22)
    %eq3A_23 = arith.constant 0 : i32
    %eq3A_24 = arith.cmpi eq, %arg0, %eq3A_23 : i32
    %convert_element_type3A_25 = arith.extui %eq3A_24 : i1 to i32
    %cond3A_26 = arith.constant 0 : i32
    %cond3A_27 = arith.cmpi ne, %convert_element_type3A_25, %cond3A_26 : i32
    scf.if %cond3A_27 {
      %eq3A_28 = arith.constant 0 : i32
      %eq3A_29 = arith.cmpi eq, %arg1, %eq3A_28 : i32
      %convert_element_type3A_30 = arith.extui %eq3A_29 : i1 to i32
      %cond3A_31 = arith.constant 0 : i32
      %cond3A_32 = arith.cmpi ne, %convert_element_type3A_30, %cond3A_31 : i32
      scf.if %cond3A_32 {
        "tpu.region"() ({
          %run_scoped3A = tpu.sem_alloc : memref<!tpu.dma_semaphore, #tpu.memory_space<semaphore_mem>>
          tpu.enqueue_dma source(%arg32 : memref<16x16xf32, #tpu.memory_space<vmem_shared>>) target(%arg28 : memref<16x16xf32, #tpu.memory_space<vmem>>) target_semaphore(%run_scoped3A : memref<!tpu.dma_semaphore, #tpu.memory_space<semaphore_mem>>)
          tpu.wait_dma2 semaphore(%run_scoped3A : memref<!tpu.dma_semaphore, #tpu.memory_space<semaphore_mem>>) src(%arg32 : memref<16x16xf32, #tpu.memory_space<vmem_shared>>) dst(%arg28 : memref<16x16xf32, #tpu.memory_space<vmem>>)
          tpu.yield
        }) : () -> ()
        %broadcast_in_dim3A_88 = arith.constant 0.000000e+00 : f32
        %broadcast_in_dim3A_89 = vector.broadcast %broadcast_in_dim3A_88 : f32 to vector<16xf32>
        %get3A = arith.constant 0 : i32
        %get3A_90 = arith.index_cast %get3A : i32 to index
        %get3A_91 = arith.constant 0 : index
        %get3A_92 = tpu.vector_load %arg28[%get3A_90, %get3A_91] {strides = array<i32>} : memref<16x16xf32, #tpu.memory_space<vmem>>, vector<1x16xf32>,
        %get3A_93 = vector.shape_cast %get3A_92 : vector<1x16xf32> to vector<16xf32>
        %add3A_94 = arith.addf %broadcast_in_dim3A_89, %get3A_93 : vector<16xf32>
        %get3A_95 = arith.constant 1 : i32
        %get3A_96 = arith.index_cast %get3A_95 : i32 to index
        %get3A_97 = arith.constant 0 : index
        %get3A_98 = tpu.vector_load %arg28[%get3A_96, %get3A_97] {strides = array<i32>} : memref<16x16xf32, #tpu.memory_space<vmem>>, vector<1x16xf32>,
        %get3A_99 = vector.shape_cast %get3A_98 : vector<1x16xf32> to vector<16xf32>
        %add3A_100 = arith.addf %add3A_94, %get3A_99 : vector<16xf32>
        %get3A_101 = arith.constant 2 : i32
        %get3A_102 = arith.index_cast %get3A_101 : i32 to index
        %get3A_103 = arith.constant 0 : index
        %get3A_104 = tpu.vector_load %arg28[%get3A_102, %get3A_103] {strides = array<i32>} : memref<16x16xf32, #tpu.memory_space<vmem>>, vector<1x16xf32>,
        %get3A_105 = vector.shape_cast %get3A_104 : vector<1x16xf32> to vector<16xf32>
        %add3A_106 = arith.addf %add3A_100, %get3A_105 : vector<16xf32>
        %get3A_107 = arith.constant 3 : i32
        %get3A_108 = arith.index_cast %get3A_107 : i32 to index
        %get3A_109 = arith.constant 0 : index
        %get3A_110 = tpu.vector_load %arg28[%get3A_108, %get3A_109] {strides = array<i32>} : memref<16x16xf32, #tpu.memory_space<vmem>>, vector<1x16xf32>,
        %get3A_111 = vector.shape_cast %get3A_110 : vector<1x16xf32> to vector<16xf32>
        %add3A_112 = arith.addf %add3A_106, %get3A_111 : vector<16xf32>
        %get3A_113 = arith.constant 4 : i32
        %get3A_114 = arith.index_cast %get3A_113 : i32 to index
        %get3A_115 = arith.constant 0 : index
        %get3A_116 = tpu.vector_load %arg28[%get3A_114, %get3A_115] {strides = array<i32>} : memref<16x16xf32, #tpu.memory_space<vmem>>, vector<1x16xf32>,
        %get3A_117 = vector.shape_cast %get3A_116 : vector<1x16xf32> to vector<16xf32>
        %add3A_118 = arith.addf %add3A_112, %get3A_117 : vector<16xf32>
        %get3A_119 = arith.constant 5 : i32
        %get3A_120 = arith.index_cast %get3A_119 : i32 to index
        %get3A_121 = arith.constant 0 : index
        %get3A_122 = tpu.vector_load %arg28[%get3A_120, %get3A_121] {strides = array<i32>} : memref<16x16xf32, #tpu.memory_space<vmem>>, vector<1x16xf32>,
        %get3A_123 = vector.shape_cast %get3A_122 : vector<1x16xf32> to vector<16xf32>
        %add3A_124 = arith.addf %add3A_118, %get3A_123 : vector<16xf32>
        %get3A_125 = arith.constant 6 : i32
        %get3A_126 = arith.index_cast %get3A_125 : i32 to index
        %get3A_127 = arith.constant 0 : index
        %get3A_128 = tpu.vector_load %arg28[%get3A_126, %get3A_127] {strides = array<i32>} : memref<16x16xf32, #tpu.memory_space<vmem>>, vector<1x16xf32>,
        %get3A_129 = vector.shape_cast %get3A_128 : vector<1x16xf32> to vector<16xf32>
        %add3A_130 = arith.addf %add3A_124, %get3A_129 : vector<16xf32>
        %get3A_131 = arith.constant 7 : i32
        %get3A_132 = arith.index_cast %get3A_131 : i32 to index
        %get3A_133 = arith.constant 0 : index
        %get3A_134 = tpu.vector_load %arg28[%get3A_132, %get3A_133] {strides = array<i32>} : memref<16x16xf32, #tpu.memory_space<vmem>>, vector<1x16xf32>,
        %get3A_135 = vector.shape_cast %get3A_134 : vector<1x16xf32> to vector<16xf32>
        %add3A_136 = arith.addf %add3A_130, %get3A_135 : vector<16xf32>
        %get3A_137 = arith.constant 8 : i32
        %get3A_138 = arith.index_cast %get3A_137 : i32 to index
        %get3A_139 = arith.constant 0 : index
        %get3A_140 = tpu.vector_load %arg28[%get3A_138, %get3A_139] {strides = array<i32>} : memref<16x16xf32, #tpu.memory_space<vmem>>, vector<1x16xf32>,
        %get3A_141 = vector.shape_cast %get3A_140 : vector<1x16xf32> to vector<16xf32>
        %add3A_142 = arith.addf %add3A_136, %get3A_141 : vector<16xf32>
        %get3A_143 = arith.constant 9 : i32
        %get3A_144 = arith.index_cast %get3A_143 : i32 to index
        %get3A_145 = arith.constant 0 : index
        %get3A_146 = tpu.vector_load %arg28[%get3A_144, %get3A_145] {strides = array<i32>} : memref<16x16xf32, #tpu.memory_space<vmem>>, vector<1x16xf32>,
        %get3A_147 = vector.shape_cast %get3A_146 : vector<1x16xf32> to vector<16xf32>
        %add3A_148 = arith.addf %add3A_142, %get3A_147 : vector<16xf32>
        %get3A_149 = arith.constant 10 : i32
        %get3A_150 = arith.index_cast %get3A_149 : i32 to index
        %get3A_151 = arith.constant 0 : index
        %get3A_152 = tpu.vector_load %arg28[%get3A_150, %get3A_151] {strides = array<i32>} : memref<16x16xf32, #tpu.memory_space<vmem>>, vector<1x16xf32>,
        %get3A_153 = vector.shape_cast %get3A_152 : vector<1x16xf32> to vector<16xf32>
        %add3A_154 = arith.addf %add3A_148, %get3A_153 : vector<16xf32>
        %get3A_155 = arith.constant 11 : i32
        %get3A_156 = arith.index_cast %get3A_155 : i32 to index
        %get3A_157 = arith.constant 0 : index
        %get3A_158 = tpu.vector_load %arg28[%get3A_156, %get3A_157] {strides = array<i32>} : memref<16x16xf32, #tpu.memory_space<vmem>>, vector<1x16xf32>,
        %get3A_159 = vector.shape_cast %get3A_158 : vector<1x16xf32> to vector<16xf32>
        %add3A_160 = arith.addf %add3A_154, %get3A_159 : vector<16xf32>
        %get3A_161 = arith.constant 12 : i32
        %get3A_162 = arith.index_cast %get3A_161 : i32 to index
        %get3A_163 = arith.constant 0 : index
        %get3A_164 = tpu.vector_load %arg28[%get3A_162, %get3A_163] {strides = array<i32>} : memref<16x16xf32, #tpu.memory_space<vmem>>, vector<1x16xf32>,
        %get3A_165 = vector.shape_cast %get3A_164 : vector<1x16xf32> to vector<16xf32>
        %add3A_166 = arith.addf %add3A_160, %get3A_165 : vector<16xf32>
        %get3A_167 = arith.constant 13 : i32
        %get3A_168 = arith.index_cast %get3A_167 : i32 to index
        %get3A_169 = arith.constant 0 : index
        %get3A_170 = tpu.vector_load %arg28[%get3A_168, %get3A_169] {strides = array<i32>} : memref<16x16xf32, #tpu.memory_space<vmem>>, vector<1x16xf32>,
        %get3A_171 = vector.shape_cast %get3A_170 : vector<1x16xf32> to vector<16xf32>
        %add3A_172 = arith.addf %add3A_166, %get3A_171 : vector<16xf32>
        %get3A_173 = arith.constant 14 : i32
        %get3A_174 = arith.index_cast %get3A_173 : i32 to index
        %get3A_175 = arith.constant 0 : index
        %get3A_176 = tpu.vector_load %arg28[%get3A_174, %get3A_175] {strides = array<i32>} : memref<16x16xf32, #tpu.memory_space<vmem>>, vector<1x16xf32>,
        %get3A_177 = vector.shape_cast %get3A_176 : vector<1x16xf32> to vector<16xf32>
        %add3A_178 = arith.addf %add3A_172, %get3A_177 : vector<16xf32>
        %get3A_179 = arith.constant 15 : i32
        %get3A_180 = arith.index_cast %get3A_179 : i32 to index
        %get3A_181 = arith.constant 0 : index
        %get3A_182 = tpu.vector_load %arg28[%get3A_180, %get3A_181] {strides = array<i32>} : memref<16x16xf32, #tpu.memory_space<vmem>>, vector<1x16xf32>,
        %get3A_183 = vector.shape_cast %get3A_182 : vector<1x16xf32> to vector<16xf32>
        %add3A_184 = arith.addf %add3A_178, %get3A_183 : vector<16xf32>
        %swap3A = arith.constant 0 : index
        %swap3A_185 = tpu.vector_load %arg27[%swap3A] {strides = array<i32>} : memref<16xf32, #tpu.memory_space<vmem>>, vector<16xf32>,
        %swap3A_186 = vector.shape_cast %swap3A_185 : vector<16xf32> to vector<16xf32>
        %swap3A_187 = vector.shape_cast %add3A_184 : vector<16xf32> to vector<16xf32>
        tpu.vector_store %arg27[%swap3A], %swap3A_187 {strides = array<i32>} : memref<16xf32, #tpu.memory_space<vmem>>, vector<16xf32>,
        "tpu.region"() ({
          %run_scoped3A = tpu.sem_alloc : memref<!tpu.dma_semaphore, #tpu.memory_space<semaphore_mem>>
          tpu.enqueue_dma source(%arg27 : memref<16xf32, #tpu.memory_space<vmem>>) target(%arg5 : memref<16xf32, #tpu.memory_space<hbm>>) target_semaphore(%run_scoped3A : memref<!tpu.dma_semaphore, #tpu.memory_space<semaphore_mem>>)
          tpu.wait_dma2 semaphore(%run_scoped3A : memref<!tpu.dma_semaphore, #tpu.memory_space<semaphore_mem>>) src(%arg27 : memref<16xf32, #tpu.memory_space<vmem>>) dst(%arg5 : memref<16xf32, #tpu.memory_space<hbm>>)
          tpu.yield
        }) : () -> ()
      } else {
      }
      "tpu.region"() ({
        %run_scoped3A = tpu.sem_alloc : memref<!tpu.dma_semaphore, #tpu.memory_space<semaphore_mem>>
        %dma_start3A_88 = arith.constant 0 : i32
        %dma_start3A_89 = arith.constant 0 : i32
        %dma_start3A_90 = tpu.memref_slice %arg31[%dma_start3A_88, %dma_start3A_89] : memref<16384x80xf32, #tpu.memory_space<vmem_shared>> -> memref<16384x80xf32, #tpu.memory_space<vmem_shared>>
        tpu.enqueue_indirect_dma source(%dma_start3A_90 : memref<16384x80xf32, #tpu.memory_space<vmem_shared>>) target(%arg26 : memref<128x80xf32, #tpu.memory_space<vmem>>) offsets(%arg15 : memref<128xi32, #tpu.memory_space<vmem>>) semaphore(%run_scoped3A : memref<!tpu.dma_semaphore, #tpu.memory_space<semaphore_mem>>)
        %dma_wait3A_91 = arith.constant 0 : i32
        %dma_wait3A_92 = arith.constant 0 : i32
        %dma_wait3A_93 = tpu.memref_slice %arg31[%dma_wait3A_91, %dma_wait3A_92] : memref<16384x80xf32, #tpu.memory_space<vmem_shared>> -> memref<16384x80xf32, #tpu.memory_space<vmem_shared>>
        tpu.wait_indirect_dma semaphore(%run_scoped3A : memref<!tpu.dma_semaphore, #tpu.memory_space<semaphore_mem>>) src(%dma_wait3A_93 : memref<16384x80xf32, #tpu.memory_space<vmem_shared>>) dst(%arg26 : memref<128x80xf32, #tpu.memory_space<vmem>>)
        tpu.yield
      }) : () -> ()
      "tpu.region"() ({
        %run_scoped3A = tpu.sem_alloc : memref<!tpu.dma_semaphore, #tpu.memory_space<semaphore_mem>>
        %dma_start3A_88 = arith.constant 0 : i32
        %dma_start3A_89 = arith.constant 0 : i32
        %dma_start3A_90 = tpu.memref_slice %arg4[%dma_start3A_88, %dma_start3A_89] : memref<100000x64xf32, #tpu.memory_space<hbm>> -> memref<100000x64xf32, #tpu.memory_space<hbm>>
        tpu.enqueue_indirect_dma source(%dma_start3A_90 : memref<100000x64xf32, #tpu.memory_space<hbm>>) target(%arg24 : memref<128x64xf32, #tpu.memory_space<vmem>>) offsets(%arg7 : memref<128xi32, #tpu.memory_space<vmem>>) semaphore(%run_scoped3A : memref<!tpu.dma_semaphore, #tpu.memory_space<semaphore_mem>>)
        %dma_wait3A_91 = arith.constant 0 : i32
        %dma_wait3A_92 = arith.constant 0 : i32
        %dma_wait3A_93 = tpu.memref_slice %arg4[%dma_wait3A_91, %dma_wait3A_92] : memref<100000x64xf32, #tpu.memory_space<hbm>> -> memref<100000x64xf32, #tpu.memory_space<hbm>>
        tpu.wait_indirect_dma semaphore(%run_scoped3A : memref<!tpu.dma_semaphore, #tpu.memory_space<semaphore_mem>>) src(%dma_wait3A_93 : memref<100000x64xf32, #tpu.memory_space<hbm>>) dst(%arg24 : memref<128x64xf32, #tpu.memory_space<vmem>>)
        tpu.yield
      }) : () -> ()
      %scan3A = arith.constant 0 : i32
      %scan3A_33 = arith.constant 0 : i32
      %scan3A_34 = arith.constant 128 : i32
      %scan3A_35 = arith.addi %scan3A_33, %scan3A_34 : i32
      %scan3A_36 = arith.constant 1 : i32
      %scan3A_37 = scf.for %scan3A_88 = %scan3A_33 to %scan3A_35 step %scan3A_36 iter_args(%scan3A_89 = %scan3A) -> (i32)  : i32 {
        %get3A = arith.index_cast %scan3A_88 : i32 to index
        %get3A_90 = arith.constant 64 : index
        %get3A_91 = tpu.vector_load %arg26[%get3A, %get3A_90] {strides = array<i32>} : memref<128x80xf32, #tpu.memory_space<vmem>>, vector<1x16xf32>,
        %get3A_92 = vector.shape_cast %get3A_91 : vector<1x16xf32> to vector<16xf32>
        %add3A_93 = arith.constant 1.000000e+00 : f32
        %add3A_94 = vector.broadcast %add3A_93 : f32 to vector<16xf32>
        %add3A_95 = arith.addf %add3A_94, %get3A_92 : vector<16xf32>
        %div3A = arith.constant 5.000000e-01 : f32
        %div3A_96 = vector.broadcast %div3A : f32 to vector<16xf32>
        %div3A_97 = arith.divf %div3A_96, %add3A_95 : vector<16xf32>
        %get3A_98 = arith.index_cast %scan3A_88 : i32 to index
        %get3A_99 = arith.constant 0 : index
        %get3A_100 = tpu.vector_load %arg24[%get3A_98, %get3A_99] {strides = array<i32>} : memref<128x64xf32, #tpu.memory_space<vmem>>, vector<1x16xf32>,
        %get3A_101 = vector.shape_cast %get3A_100 : vector<1x16xf32> to vector<16xf32>
        %get3A_102 = arith.index_cast %scan3A_88 : i32 to index
        %get3A_103 = arith.constant 0 : index
        %get3A_104 = tpu.vector_load %arg26[%get3A_102, %get3A_103] {strides = array<i32>} : memref<128x80xf32, #tpu.memory_space<vmem>>, vector<1x16xf32>,
        %get3A_105 = vector.shape_cast %get3A_104 : vector<1x16xf32> to vector<16xf32>
        %mul3A_106 = arith.mulf %div3A_97, %get3A_105 : vector<16xf32>
        %sub3A = arith.subf %get3A_101, %mul3A_106 : vector<16xf32>
        %swap3A = arith.index_cast %scan3A_88 : i32 to index
        %swap3A_107 = arith.constant 0 : index
        %swap3A_108 = tpu.vector_load %arg25[%swap3A, %swap3A_107] {strides = array<i32>} : memref<128x64xf32, #tpu.memory_space<vmem>>, vector<1x16xf32>,
        %swap3A_109 = vector.shape_cast %swap3A_108 : vector<1x16xf32> to vector<16xf32>
        %swap3A_110 = vector.shape_cast %sub3A : vector<16xf32> to vector<1x16xf32>
        tpu.vector_store %arg25[%swap3A, %swap3A_107], %swap3A_110 {strides = array<i32>} : memref<128x64xf32, #tpu.memory_space<vmem>>, vector<1x16xf32>,
        %get3A_111 = arith.index_cast %scan3A_88 : i32 to index
        %get3A_112 = arith.constant 16 : index
        %get3A_113 = tpu.vector_load %arg24[%get3A_111, %get3A_112] {strides = array<i32>} : memref<128x64xf32, #tpu.memory_space<vmem>>, vector<1x16xf32>,
        %get3A_114 = vector.shape_cast %get3A_113 : vector<1x16xf32> to vector<16xf32>
        %get3A_115 = arith.index_cast %scan3A_88 : i32 to index
        %get3A_116 = arith.constant 16 : index
        %get3A_117 = tpu.vector_load %arg26[%get3A_115, %get3A_116] {strides = array<i32>} : memref<128x80xf32, #tpu.memory_space<vmem>>, vector<1x16xf32>,
        %get3A_118 = vector.shape_cast %get3A_117 : vector<1x16xf32> to vector<16xf32>
        %mul3A_119 = arith.mulf %div3A_97, %get3A_118 : vector<16xf32>
        %sub3A_120 = arith.subf %get3A_114, %mul3A_119 : vector<16xf32>
        %swap3A_121 = arith.index_cast %scan3A_88 : i32 to index
        %swap3A_122 = arith.constant 16 : index
        %swap3A_123 = tpu.vector_load %arg25[%swap3A_121, %swap3A_122] {strides = array<i32>} : memref<128x64xf32, #tpu.memory_space<vmem>>, vector<1x16xf32>,
        %swap3A_124 = vector.shape_cast %swap3A_123 : vector<1x16xf32> to vector<16xf32>
        %swap3A_125 = vector.shape_cast %sub3A_120 : vector<16xf32> to vector<1x16xf32>
        tpu.vector_store %arg25[%swap3A_121, %swap3A_122], %swap3A_125 {strides = array<i32>} : memref<128x64xf32, #tpu.memory_space<vmem>>, vector<1x16xf32>,
        %get3A_126 = arith.index_cast %scan3A_88 : i32 to index
        %get3A_127 = arith.constant 32 : index
        %get3A_128 = tpu.vector_load %arg24[%get3A_126, %get3A_127] {strides = array<i32>} : memref<128x64xf32, #tpu.memory_space<vmem>>, vector<1x16xf32>,
        %get3A_129 = vector.shape_cast %get3A_128 : vector<1x16xf32> to vector<16xf32>
        %get3A_130 = arith.index_cast %scan3A_88 : i32 to index
        %get3A_131 = arith.constant 32 : index
        %get3A_132 = tpu.vector_load %arg26[%get3A_130, %get3A_131] {strides = array<i32>} : memref<128x80xf32, #tpu.memory_space<vmem>>, vector<1x16xf32>,
        %get3A_133 = vector.shape_cast %get3A_132 : vector<1x16xf32> to vector<16xf32>
        %mul3A_134 = arith.mulf %div3A_97, %get3A_133 : vector<16xf32>
        %sub3A_135 = arith.subf %get3A_129, %mul3A_134 : vector<16xf32>
        %swap3A_136 = arith.index_cast %scan3A_88 : i32 to index
        %swap3A_137 = arith.constant 32 : index
        %swap3A_138 = tpu.vector_load %arg25[%swap3A_136, %swap3A_137] {strides = array<i32>} : memref<128x64xf32, #tpu.memory_space<vmem>>, vector<1x16xf32>,
        %swap3A_139 = vector.shape_cast %swap3A_138 : vector<1x16xf32> to vector<16xf32>
        %swap3A_140 = vector.shape_cast %sub3A_135 : vector<16xf32> to vector<1x16xf32>
        tpu.vector_store %arg25[%swap3A_136, %swap3A_137], %swap3A_140 {strides = array<i32>} : memref<128x64xf32, #tpu.memory_space<vmem>>, vector<1x16xf32>,
        %get3A_141 = arith.index_cast %scan3A_88 : i32 to index
        %get3A_142 = arith.constant 48 : index
        %get3A_143 = tpu.vector_load %arg24[%get3A_141, %get3A_142] {strides = array<i32>} : memref<128x64xf32, #tpu.memory_space<vmem>>, vector<1x16xf32>,
        %get3A_144 = vector.shape_cast %get3A_143 : vector<1x16xf32> to vector<16xf32>
        %get3A_145 = arith.index_cast %scan3A_88 : i32 to index
        %get3A_146 = arith.constant 48 : index
        %get3A_147 = tpu.vector_load %arg26[%get3A_145, %get3A_146] {strides = array<i32>} : memref<128x80xf32, #tpu.memory_space<vmem>>, vector<1x16xf32>,
        %get3A_148 = vector.shape_cast %get3A_147 : vector<1x16xf32> to vector<16xf32>
        %mul3A_149 = arith.mulf %div3A_97, %get3A_148 : vector<16xf32>
        %sub3A_150 = arith.subf %get3A_144, %mul3A_149 : vector<16xf32>
        %swap3A_151 = arith.index_cast %scan3A_88 : i32 to index
        %swap3A_152 = arith.constant 48 : index
        %swap3A_153 = tpu.vector_load %arg25[%swap3A_151, %swap3A_152] {strides = array<i32>} : memref<128x64xf32, #tpu.memory_space<vmem>>, vector<1x16xf32>,
        %swap3A_154 = vector.shape_cast %swap3A_153 : vector<1x16xf32> to vector<16xf32>
        %swap3A_155 = vector.shape_cast %sub3A_150 : vector<16xf32> to vector<1x16xf32>
        tpu.vector_store %arg25[%swap3A_151, %swap3A_152], %swap3A_155 {strides = array<i32>} : memref<128x64xf32, #tpu.memory_space<vmem>>, vector<1x16xf32>,
        %scan3A_156 = arith.constant 0 : i32
        scf.yield %scan3A_156 : i32
      }
      %scan3A_38 = arith.constant 128 : i32
      "tpu.region"() ({
        %run_scoped3A = tpu.sem_alloc : memref<!tpu.dma_semaphore, #tpu.memory_space<semaphore_mem>>
        %dma_start3A_88 = arith.constant 0 : i32
        %dma_start3A_89 = arith.constant 0 : i32
        %dma_start3A_90 = tpu.memref_slice %arg6[%dma_start3A_88, %dma_start3A_89] : memref<100000x64xf32, #tpu.memory_space<hbm>> -> memref<100000x64xf32, #tpu.memory_space<hbm>>
        tpu.enqueue_indirect_dma source(%arg25 : memref<128x64xf32, #tpu.memory_space<vmem>>) target(%dma_start3A_90 : memref<100000x64xf32, #tpu.memory_space<hbm>>) offsets(%arg7 : memref<128xi32, #tpu.memory_space<vmem>>) semaphore(%run_scoped3A : memref<!tpu.dma_semaphore, #tpu.memory_space<semaphore_mem>>)
        %dma_wait3A_91 = arith.constant 0 : i32
        %dma_wait3A_92 = arith.constant 0 : i32
        %dma_wait3A_93 = tpu.memref_slice %arg6[%dma_wait3A_91, %dma_wait3A_92] : memref<100000x64xf32, #tpu.memory_space<hbm>> -> memref<100000x64xf32, #tpu.memory_space<hbm>>
        tpu.wait_indirect_dma semaphore(%run_scoped3A : memref<!tpu.dma_semaphore, #tpu.memory_space<semaphore_mem>>) src(%arg25 : memref<128x64xf32, #tpu.memory_space<vmem>>) dst(%dma_wait3A_93 : memref<100000x64xf32, #tpu.memory_space<hbm>>)
        tpu.yield
      }) : () -> ()
      "tpu.region"() ({
        %run_scoped3A = tpu.sem_alloc : memref<!tpu.dma_semaphore, #tpu.memory_space<semaphore_mem>>
        %dma_start3A_88 = arith.constant 0 : i32
        %dma_start3A_89 = arith.constant 0 : i32
        %dma_start3A_90 = tpu.memref_slice %arg31[%dma_start3A_88, %dma_start3A_89] : memref<16384x80xf32, #tpu.memory_space<vmem_shared>> -> memref<16384x80xf32, #tpu.memory_space<vmem_shared>>
        tpu.enqueue_indirect_dma source(%dma_start3A_90 : memref<16384x80xf32, #tpu.memory_space<vmem_shared>>) target(%arg26 : memref<128x80xf32, #tpu.memory_space<vmem>>) offsets(%arg16 : memref<128xi32, #tpu.memory_space<vmem>>) semaphore(%run_scoped3A : memref<!tpu.dma_semaphore, #tpu.memory_space<semaphore_mem>>)
        %dma_wait3A_91 = arith.constant 0 : i32
        %dma_wait3A_92 = arith.constant 0 : i32
        %dma_wait3A_93 = tpu.memref_slice %arg31[%dma_wait3A_91, %dma_wait3A_92] : memref<16384x80xf32, #tpu.memory_space<vmem_shared>> -> memref<16384x80xf32, #tpu.memory_space<vmem_shared>>
        tpu.wait_indirect_dma semaphore(%run_scoped3A : memref<!tpu.dma_semaphore, #tpu.memory_space<semaphore_mem>>) src(%dma_wait3A_93 : memref<16384x80xf32, #tpu.memory_space<vmem_shared>>) dst(%arg26 : memref<128x80xf32, #tpu.memory_space<vmem>>)
        tpu.yield
      }) : () -> ()
      "tpu.region"() ({
        %run_scoped3A = tpu.sem_alloc : memref<!tpu.dma_semaphore, #tpu.memory_space<semaphore_mem>>
        %dma_start3A_88 = arith.constant 0 : i32
        %dma_start3A_89 = arith.constant 0 : i32
        %dma_start3A_90 = tpu.memref_slice %arg4[%dma_start3A_88, %dma_start3A_89] : memref<100000x64xf32, #tpu.memory_space<hbm>> -> memref<100000x64xf32, #tpu.memory_space<hbm>>
        tpu.enqueue_indirect_dma source(%dma_start3A_90 : memref<100000x64xf32, #tpu.memory_space<hbm>>) target(%arg24 : memref<128x64xf32, #tpu.memory_space<vmem>>) offsets(%arg8 : memref<128xi32, #tpu.memory_space<vmem>>) semaphore(%run_scoped3A : memref<!tpu.dma_semaphore, #tpu.memory_space<semaphore_mem>>)
        %dma_wait3A_91 = arith.constant 0 : i32
        %dma_wait3A_92 = arith.constant 0 : i32
        %dma_wait3A_93 = tpu.memref_slice %arg4[%dma_wait3A_91, %dma_wait3A_92] : memref<100000x64xf32, #tpu.memory_space<hbm>> -> memref<100000x64xf32, #tpu.memory_space<hbm>>
        tpu.wait_indirect_dma semaphore(%run_scoped3A : memref<!tpu.dma_semaphore, #tpu.memory_space<semaphore_mem>>) src(%dma_wait3A_93 : memref<100000x64xf32, #tpu.memory_space<hbm>>) dst(%arg24 : memref<128x64xf32, #tpu.memory_space<vmem>>)
        tpu.yield
      }) : () -> ()
      %scan3A_39 = arith.constant 0 : i32
      %scan3A_40 = arith.constant 0 : i32
      %scan3A_41 = arith.constant 128 : i32
      %scan3A_42 = arith.addi %scan3A_40, %scan3A_41 : i32
      %scan3A_43 = arith.constant 1 : i32
      %scan3A_44 = scf.for %scan3A_88 = %scan3A_40 to %scan3A_42 step %scan3A_43 iter_args(%scan3A_89 = %scan3A_39) -> (i32)  : i32 {
        %get3A = arith.index_cast %scan3A_88 : i32 to index
        %get3A_90 = arith.constant 64 : index
        %get3A_91 = tpu.vector_load %arg26[%get3A, %get3A_90] {strides = array<i32>} : memref<128x80xf32, #tpu.memory_space<vmem>>, vector<1x16xf32>,
        %get3A_92 = vector.shape_cast %get3A_91 : vector<1x16xf32> to vector<16xf32>
        %add3A_93 = arith.constant 1.000000e+00 : f32
        %add3A_94 = vector.broadcast %add3A_93 : f32 to vector<16xf32>
        %add3A_95 = arith.addf %add3A_94, %get3A_92 : vector<16xf32>
        %div3A = arith.constant 5.000000e-01 : f32
        %div3A_96 = vector.broadcast %div3A : f32 to vector<16xf32>
        %div3A_97 = arith.divf %div3A_96, %add3A_95 : vector<16xf32>
        %get3A_98 = arith.index_cast %scan3A_88 : i32 to index
        %get3A_99 = arith.constant 0 : index
        %get3A_100 = tpu.vector_load %arg24[%get3A_98, %get3A_99] {strides = array<i32>} : memref<128x64xf32, #tpu.memory_space<vmem>>, vector<1x16xf32>,
        %get3A_101 = vector.shape_cast %get3A_100 : vector<1x16xf32> to vector<16xf32>
        %get3A_102 = arith.index_cast %scan3A_88 : i32 to index
        %get3A_103 = arith.constant 0 : index
        %get3A_104 = tpu.vector_load %arg26[%get3A_102, %get3A_103] {strides = array<i32>} : memref<128x80xf32, #tpu.memory_space<vmem>>, vector<1x16xf32>,
        %get3A_105 = vector.shape_cast %get3A_104 : vector<1x16xf32> to vector<16xf32>
        %mul3A_106 = arith.mulf %div3A_97, %get3A_105 : vector<16xf32>
        %sub3A = arith.subf %get3A_101, %mul3A_106 : vector<16xf32>
        %swap3A = arith.index_cast %scan3A_88 : i32 to index
        %swap3A_107 = arith.constant 0 : index
        %swap3A_108 = tpu.vector_load %arg25[%swap3A, %swap3A_107] {strides = array<i32>} : memref<128x64xf32, #tpu.memory_space<vmem>>, vector<1x16xf32>,
        %swap3A_109 = vector.shape_cast %swap3A_108 : vector<1x16xf32> to vector<16xf32>
        %swap3A_110 = vector.shape_cast %sub3A : vector<16xf32> to vector<1x16xf32>
        tpu.vector_store %arg25[%swap3A, %swap3A_107], %swap3A_110 {strides = array<i32>} : memref<128x64xf32, #tpu.memory_space<vmem>>, vector<1x16xf32>,
        %get3A_111 = arith.index_cast %scan3A_88 : i32 to index
        %get3A_112 = arith.constant 16 : index
        %get3A_113 = tpu.vector_load %arg24[%get3A_111, %get3A_112] {strides = array<i32>} : memref<128x64xf32, #tpu.memory_space<vmem>>, vector<1x16xf32>,
        %get3A_114 = vector.shape_cast %get3A_113 : vector<1x16xf32> to vector<16xf32>
        %get3A_115 = arith.index_cast %scan3A_88 : i32 to index
        %get3A_116 = arith.constant 16 : index
        %get3A_117 = tpu.vector_load %arg26[%get3A_115, %get3A_116] {strides = array<i32>} : memref<128x80xf32, #tpu.memory_space<vmem>>, vector<1x16xf32>,
        %get3A_118 = vector.shape_cast %get3A_117 : vector<1x16xf32> to vector<16xf32>
        %mul3A_119 = arith.mulf %div3A_97, %get3A_118 : vector<16xf32>
        %sub3A_120 = arith.subf %get3A_114, %mul3A_119 : vector<16xf32>
        %swap3A_121 = arith.index_cast %scan3A_88 : i32 to index
        %swap3A_122 = arith.constant 16 : index
        %swap3A_123 = tpu.vector_load %arg25[%swap3A_121, %swap3A_122] {strides = array<i32>} : memref<128x64xf32, #tpu.memory_space<vmem>>, vector<1x16xf32>,
        %swap3A_124 = vector.shape_cast %swap3A_123 : vector<1x16xf32> to vector<16xf32>
        %swap3A_125 = vector.shape_cast %sub3A_120 : vector<16xf32> to vector<1x16xf32>
        tpu.vector_store %arg25[%swap3A_121, %swap3A_122], %swap3A_125 {strides = array<i32>} : memref<128x64xf32, #tpu.memory_space<vmem>>, vector<1x16xf32>,
        %get3A_126 = arith.index_cast %scan3A_88 : i32 to index
        %get3A_127 = arith.constant 32 : index
        %get3A_128 = tpu.vector_load %arg24[%get3A_126, %get3A_127] {strides = array<i32>} : memref<128x64xf32, #tpu.memory_space<vmem>>, vector<1x16xf32>,
        %get3A_129 = vector.shape_cast %get3A_128 : vector<1x16xf32> to vector<16xf32>
        %get3A_130 = arith.index_cast %scan3A_88 : i32 to index
        %get3A_131 = arith.constant 32 : index
        %get3A_132 = tpu.vector_load %arg26[%get3A_130, %get3A_131] {strides = array<i32>} : memref<128x80xf32, #tpu.memory_space<vmem>>, vector<1x16xf32>,
        %get3A_133 = vector.shape_cast %get3A_132 : vector<1x16xf32> to vector<16xf32>
        %mul3A_134 = arith.mulf %div3A_97, %get3A_133 : vector<16xf32>
        %sub3A_135 = arith.subf %get3A_129, %mul3A_134 : vector<16xf32>
        %swap3A_136 = arith.index_cast %scan3A_88 : i32 to index
        %swap3A_137 = arith.constant 32 : index
        %swap3A_138 = tpu.vector_load %arg25[%swap3A_136, %swap3A_137] {strides = array<i32>} : memref<128x64xf32, #tpu.memory_space<vmem>>, vector<1x16xf32>,
        %swap3A_139 = vector.shape_cast %swap3A_138 : vector<1x16xf32> to vector<16xf32>
        %swap3A_140 = vector.shape_cast %sub3A_135 : vector<16xf32> to vector<1x16xf32>
        tpu.vector_store %arg25[%swap3A_136, %swap3A_137], %swap3A_140 {strides = array<i32>} : memref<128x64xf32, #tpu.memory_space<vmem>>, vector<1x16xf32>,
        %get3A_141 = arith.index_cast %scan3A_88 : i32 to index
        %get3A_142 = arith.constant 48 : index
        %get3A_143 = tpu.vector_load %arg24[%get3A_141, %get3A_142] {strides = array<i32>} : memref<128x64xf32, #tpu.memory_space<vmem>>, vector<1x16xf32>,
        %get3A_144 = vector.shape_cast %get3A_143 : vector<1x16xf32> to vector<16xf32>
        %get3A_145 = arith.index_cast %scan3A_88 : i32 to index
        %get3A_146 = arith.constant 48 : index
        %get3A_147 = tpu.vector_load %arg26[%get3A_145, %get3A_146] {strides = array<i32>} : memref<128x80xf32, #tpu.memory_space<vmem>>, vector<1x16xf32>,
        %get3A_148 = vector.shape_cast %get3A_147 : vector<1x16xf32> to vector<16xf32>
        %mul3A_149 = arith.mulf %div3A_97, %get3A_148 : vector<16xf32>
        %sub3A_150 = arith.subf %get3A_144, %mul3A_149 : vector<16xf32>
        %swap3A_151 = arith.index_cast %scan3A_88 : i32 to index
        %swap3A_152 = arith.constant 48 : index
        %swap3A_153 = tpu.vector_load %arg25[%swap3A_151, %swap3A_152] {strides = array<i32>} : memref<128x64xf32, #tpu.memory_space<vmem>>, vector<1x16xf32>,
        %swap3A_154 = vector.shape_cast %swap3A_153 : vector<1x16xf32> to vector<16xf32>
        %swap3A_155 = vector.shape_cast %sub3A_150 : vector<16xf32> to vector<1x16xf32>
        tpu.vector_store %arg25[%swap3A_151, %swap3A_152], %swap3A_155 {strides = array<i32>} : memref<128x64xf32, #tpu.memory_space<vmem>>, vector<1x16xf32>,
        %scan3A_156 = arith.constant 0 : i32
        scf.yield %scan3A_156 : i32
      }
      %scan3A_45 = arith.constant 128 : i32
      "tpu.region"() ({
        %run_scoped3A = tpu.sem_alloc : memref<!tpu.dma_semaphore, #tpu.memory_space<semaphore_mem>>
        %dma_start3A_88 = arith.constant 0 : i32
        %dma_start3A_89 = arith.constant 0 : i32
        %dma_start3A_90 = tpu.memref_slice %arg6[%dma_start3A_88, %dma_start3A_89] : memref<100000x64xf32, #tpu.memory_space<hbm>> -> memref<100000x64xf32, #tpu.memory_space<hbm>>
        tpu.enqueue_indirect_dma source(%arg25 : memref<128x64xf32, #tpu.memory_space<vmem>>) target(%dma_start3A_90 : memref<100000x64xf32, #tpu.memory_space<hbm>>) offsets(%arg8 : memref<128xi32, #tpu.memory_space<vmem>>) semaphore(%run_scoped3A : memref<!tpu.dma_semaphore, #tpu.memory_space<semaphore_mem>>)
        %dma_wait3A_91 = arith.constant 0 : i32
        %dma_wait3A_92 = arith.constant 0 : i32
        %dma_wait3A_93 = tpu.memref_slice %arg6[%dma_wait3A_91, %dma_wait3A_92] : memref<100000x64xf32, #tpu.memory_space<hbm>> -> memref<100000x64xf32, #tpu.memory_space<hbm>>
        tpu.wait_indirect_dma semaphore(%run_scoped3A : memref<!tpu.dma_semaphore, #tpu.memory_space<semaphore_mem>>) src(%arg25 : memref<128x64xf32, #tpu.memory_space<vmem>>) dst(%dma_wait3A_93 : memref<100000x64xf32, #tpu.memory_space<hbm>>)
        tpu.yield
      }) : () -> ()
      "tpu.region"() ({
        %run_scoped3A = tpu.sem_alloc : memref<!tpu.dma_semaphore, #tpu.memory_space<semaphore_mem>>
        %dma_start3A_88 = arith.constant 0 : i32
        %dma_start3A_89 = arith.constant 0 : i32
        %dma_start3A_90 = tpu.memref_slice %arg31[%dma_start3A_88, %dma_start3A_89] : memref<16384x80xf32, #tpu.memory_space<vmem_shared>> -> memref<16384x80xf32, #tpu.memory_space<vmem_shared>>
        tpu.enqueue_indirect_dma source(%dma_start3A_90 : memref<16384x80xf32, #tpu.memory_space<vmem_shared>>) target(%arg26 : memref<128x80xf32, #tpu.memory_space<vmem>>) offsets(%arg17 : memref<128xi32, #tpu.memory_space<vmem>>) semaphore(%run_scoped3A : memref<!tpu.dma_semaphore, #tpu.memory_space<semaphore_mem>>)
        %dma_wait3A_91 = arith.constant 0 : i32
        %dma_wait3A_92 = arith.constant 0 : i32
        %dma_wait3A_93 = tpu.memref_slice %arg31[%dma_wait3A_91, %dma_wait3A_92] : memref<16384x80xf32, #tpu.memory_space<vmem_shared>> -> memref<16384x80xf32, #tpu.memory_space<vmem_shared>>
        tpu.wait_indirect_dma semaphore(%run_scoped3A : memref<!tpu.dma_semaphore, #tpu.memory_space<semaphore_mem>>) src(%dma_wait3A_93 : memref<16384x80xf32, #tpu.memory_space<vmem_shared>>) dst(%arg26 : memref<128x80xf32, #tpu.memory_space<vmem>>)
        tpu.yield
      }) : () -> ()
      "tpu.region"() ({
        %run_scoped3A = tpu.sem_alloc : memref<!tpu.dma_semaphore, #tpu.memory_space<semaphore_mem>>
        %dma_start3A_88 = arith.constant 0 : i32
        %dma_start3A_89 = arith.constant 0 : i32
        %dma_start3A_90 = tpu.memref_slice %arg4[%dma_start3A_88, %dma_start3A_89] : memref<100000x64xf32, #tpu.memory_space<hbm>> -> memref<100000x64xf32, #tpu.memory_space<hbm>>
        tpu.enqueue_indirect_dma source(%dma_start3A_90 : memref<100000x64xf32, #tpu.memory_space<hbm>>) target(%arg24 : memref<128x64xf32, #tpu.memory_space<vmem>>) offsets(%arg9 : memref<128xi32, #tpu.memory_space<vmem>>) semaphore(%run_scoped3A : memref<!tpu.dma_semaphore, #tpu.memory_space<semaphore_mem>>)
        %dma_wait3A_91 = arith.constant 0 : i32
        %dma_wait3A_92 = arith.constant 0 : i32
        %dma_wait3A_93 = tpu.memref_slice %arg4[%dma_wait3A_91, %dma_wait3A_92] : memref<100000x64xf32, #tpu.memory_space<hbm>> -> memref<100000x64xf32, #tpu.memory_space<hbm>>
        tpu.wait_indirect_dma semaphore(%run_scoped3A : memref<!tpu.dma_semaphore, #tpu.memory_space<semaphore_mem>>) src(%dma_wait3A_93 : memref<100000x64xf32, #tpu.memory_space<hbm>>) dst(%arg24 : memref<128x64xf32, #tpu.memory_space<vmem>>)
        tpu.yield
      }) : () -> ()
      %scan3A_46 = arith.constant 0 : i32
      %scan3A_47 = arith.constant 0 : i32
      %scan3A_48 = arith.constant 128 : i32
      %scan3A_49 = arith.addi %scan3A_47, %scan3A_48 : i32
      %scan3A_50 = arith.constant 1 : i32
      %scan3A_51 = scf.for %scan3A_88 = %scan3A_47 to %scan3A_49 step %scan3A_50 iter_args(%scan3A_89 = %scan3A_46) -> (i32)  : i32 {
        %get3A = arith.index_cast %scan3A_88 : i32 to index
        %get3A_90 = arith.constant 64 : index
        %get3A_91 = tpu.vector_load %arg26[%get3A, %get3A_90] {strides = array<i32>} : memref<128x80xf32, #tpu.memory_space<vmem>>, vector<1x16xf32>,
        %get3A_92 = vector.shape_cast %get3A_91 : vector<1x16xf32> to vector<16xf32>
        %add3A_93 = arith.constant 1.000000e+00 : f32
        %add3A_94 = vector.broadcast %add3A_93 : f32 to vector<16xf32>
        %add3A_95 = arith.addf %add3A_94, %get3A_92 : vector<16xf32>
        %div3A = arith.constant 5.000000e-01 : f32
        %div3A_96 = vector.broadcast %div3A : f32 to vector<16xf32>
        %div3A_97 = arith.divf %div3A_96, %add3A_95 : vector<16xf32>
        %get3A_98 = arith.index_cast %scan3A_88 : i32 to index
        %get3A_99 = arith.constant 0 : index
        %get3A_100 = tpu.vector_load %arg24[%get3A_98, %get3A_99] {strides = array<i32>} : memref<128x64xf32, #tpu.memory_space<vmem>>, vector<1x16xf32>,
        %get3A_101 = vector.shape_cast %get3A_100 : vector<1x16xf32> to vector<16xf32>
        %get3A_102 = arith.index_cast %scan3A_88 : i32 to index
        %get3A_103 = arith.constant 0 : index
        %get3A_104 = tpu.vector_load %arg26[%get3A_102, %get3A_103] {strides = array<i32>} : memref<128x80xf32, #tpu.memory_space<vmem>>, vector<1x16xf32>,
        %get3A_105 = vector.shape_cast %get3A_104 : vector<1x16xf32> to vector<16xf32>
        %mul3A_106 = arith.mulf %div3A_97, %get3A_105 : vector<16xf32>
        %sub3A = arith.subf %get3A_101, %mul3A_106 : vector<16xf32>
        %swap3A = arith.index_cast %scan3A_88 : i32 to index
        %swap3A_107 = arith.constant 0 : index
        %swap3A_108 = tpu.vector_load %arg25[%swap3A, %swap3A_107] {strides = array<i32>} : memref<128x64xf32, #tpu.memory_space<vmem>>, vector<1x16xf32>,
        %swap3A_109 = vector.shape_cast %swap3A_108 : vector<1x16xf32> to vector<16xf32>
        %swap3A_110 = vector.shape_cast %sub3A : vector<16xf32> to vector<1x16xf32>
        tpu.vector_store %arg25[%swap3A, %swap3A_107], %swap3A_110 {strides = array<i32>} : memref<128x64xf32, #tpu.memory_space<vmem>>, vector<1x16xf32>,
        %get3A_111 = arith.index_cast %scan3A_88 : i32 to index
        %get3A_112 = arith.constant 16 : index
        %get3A_113 = tpu.vector_load %arg24[%get3A_111, %get3A_112] {strides = array<i32>} : memref<128x64xf32, #tpu.memory_space<vmem>>, vector<1x16xf32>,
        %get3A_114 = vector.shape_cast %get3A_113 : vector<1x16xf32> to vector<16xf32>
        %get3A_115 = arith.index_cast %scan3A_88 : i32 to index
        %get3A_116 = arith.constant 16 : index
        %get3A_117 = tpu.vector_load %arg26[%get3A_115, %get3A_116] {strides = array<i32>} : memref<128x80xf32, #tpu.memory_space<vmem>>, vector<1x16xf32>,
        %get3A_118 = vector.shape_cast %get3A_117 : vector<1x16xf32> to vector<16xf32>
        %mul3A_119 = arith.mulf %div3A_97, %get3A_118 : vector<16xf32>
        %sub3A_120 = arith.subf %get3A_114, %mul3A_119 : vector<16xf32>
        %swap3A_121 = arith.index_cast %scan3A_88 : i32 to index
        %swap3A_122 = arith.constant 16 : index
        %swap3A_123 = tpu.vector_load %arg25[%swap3A_121, %swap3A_122] {strides = array<i32>} : memref<128x64xf32, #tpu.memory_space<vmem>>, vector<1x16xf32>,
        %swap3A_124 = vector.shape_cast %swap3A_123 : vector<1x16xf32> to vector<16xf32>
        %swap3A_125 = vector.shape_cast %sub3A_120 : vector<16xf32> to vector<1x16xf32>
        tpu.vector_store %arg25[%swap3A_121, %swap3A_122], %swap3A_125 {strides = array<i32>} : memref<128x64xf32, #tpu.memory_space<vmem>>, vector<1x16xf32>,
        %get3A_126 = arith.index_cast %scan3A_88 : i32 to index
        %get3A_127 = arith.constant 32 : index
        %get3A_128 = tpu.vector_load %arg24[%get3A_126, %get3A_127] {strides = array<i32>} : memref<128x64xf32, #tpu.memory_space<vmem>>, vector<1x16xf32>,
        %get3A_129 = vector.shape_cast %get3A_128 : vector<1x16xf32> to vector<16xf32>
        %get3A_130 = arith.index_cast %scan3A_88 : i32 to index
        %get3A_131 = arith.constant 32 : index
        %get3A_132 = tpu.vector_load %arg26[%get3A_130, %get3A_131] {strides = array<i32>} : memref<128x80xf32, #tpu.memory_space<vmem>>, vector<1x16xf32>,
        %get3A_133 = vector.shape_cast %get3A_132 : vector<1x16xf32> to vector<16xf32>
        %mul3A_134 = arith.mulf %div3A_97, %get3A_133 : vector<16xf32>
        %sub3A_135 = arith.subf %get3A_129, %mul3A_134 : vector<16xf32>
        %swap3A_136 = arith.index_cast %scan3A_88 : i32 to index
        %swap3A_137 = arith.constant 32 : index
        %swap3A_138 = tpu.vector_load %arg25[%swap3A_136, %swap3A_137] {strides = array<i32>} : memref<128x64xf32, #tpu.memory_space<vmem>>, vector<1x16xf32>,
        %swap3A_139 = vector.shape_cast %swap3A_138 : vector<1x16xf32> to vector<16xf32>
        %swap3A_140 = vector.shape_cast %sub3A_135 : vector<16xf32> to vector<1x16xf32>
        tpu.vector_store %arg25[%swap3A_136, %swap3A_137], %swap3A_140 {strides = array<i32>} : memref<128x64xf32, #tpu.memory_space<vmem>>, vector<1x16xf32>,
        %get3A_141 = arith.index_cast %scan3A_88 : i32 to index
        %get3A_142 = arith.constant 48 : index
        %get3A_143 = tpu.vector_load %arg24[%get3A_141, %get3A_142] {strides = array<i32>} : memref<128x64xf32, #tpu.memory_space<vmem>>, vector<1x16xf32>,
        %get3A_144 = vector.shape_cast %get3A_143 : vector<1x16xf32> to vector<16xf32>
        %get3A_145 = arith.index_cast %scan3A_88 : i32 to index
        %get3A_146 = arith.constant 48 : index
        %get3A_147 = tpu.vector_load %arg26[%get3A_145, %get3A_146] {strides = array<i32>} : memref<128x80xf32, #tpu.memory_space<vmem>>, vector<1x16xf32>,
        %get3A_148 = vector.shape_cast %get3A_147 : vector<1x16xf32> to vector<16xf32>
        %mul3A_149 = arith.mulf %div3A_97, %get3A_148 : vector<16xf32>
        %sub3A_150 = arith.subf %get3A_144, %mul3A_149 : vector<16xf32>
        %swap3A_151 = arith.index_cast %scan3A_88 : i32 to index
        %swap3A_152 = arith.constant 48 : index
        %swap3A_153 = tpu.vector_load %arg25[%swap3A_151, %swap3A_152] {strides = array<i32>} : memref<128x64xf32, #tpu.memory_space<vmem>>, vector<1x16xf32>,
        %swap3A_154 = vector.shape_cast %swap3A_153 : vector<1x16xf32> to vector<16xf32>
        %swap3A_155 = vector.shape_cast %sub3A_150 : vector<16xf32> to vector<1x16xf32>
        tpu.vector_store %arg25[%swap3A_151, %swap3A_152], %swap3A_155 {strides = array<i32>} : memref<128x64xf32, #tpu.memory_space<vmem>>, vector<1x16xf32>,
        %scan3A_156 = arith.constant 0 : i32
        scf.yield %scan3A_156 : i32
      }
      %scan3A_52 = arith.constant 128 : i32
      "tpu.region"() ({
        %run_scoped3A = tpu.sem_alloc : memref<!tpu.dma_semaphore, #tpu.memory_space<semaphore_mem>>
        %dma_start3A_88 = arith.constant 0 : i32
        %dma_start3A_89 = arith.constant 0 : i32
        %dma_start3A_90 = tpu.memref_slice %arg6[%dma_start3A_88, %dma_start3A_89] : memref<100000x64xf32, #tpu.memory_space<hbm>> -> memref<100000x64xf32, #tpu.memory_space<hbm>>
        tpu.enqueue_indirect_dma source(%arg25 : memref<128x64xf32, #tpu.memory_space<vmem>>) target(%dma_start3A_90 : memref<100000x64xf32, #tpu.memory_space<hbm>>) offsets(%arg9 : memref<128xi32, #tpu.memory_space<vmem>>) semaphore(%run_scoped3A : memref<!tpu.dma_semaphore, #tpu.memory_space<semaphore_mem>>)
        %dma_wait3A_91 = arith.constant 0 : i32
        %dma_wait3A_92 = arith.constant 0 : i32
        %dma_wait3A_93 = tpu.memref_slice %arg6[%dma_wait3A_91, %dma_wait3A_92] : memref<100000x64xf32, #tpu.memory_space<hbm>> -> memref<100000x64xf32, #tpu.memory_space<hbm>>
        tpu.wait_indirect_dma semaphore(%run_scoped3A : memref<!tpu.dma_semaphore, #tpu.memory_space<semaphore_mem>>) src(%arg25 : memref<128x64xf32, #tpu.memory_space<vmem>>) dst(%dma_wait3A_93 : memref<100000x64xf32, #tpu.memory_space<hbm>>)
        tpu.yield
      }) : () -> ()
      "tpu.region"() ({
        %run_scoped3A = tpu.sem_alloc : memref<!tpu.dma_semaphore, #tpu.memory_space<semaphore_mem>>
        %dma_start3A_88 = arith.constant 0 : i32
        %dma_start3A_89 = arith.constant 0 : i32
        %dma_start3A_90 = tpu.memref_slice %arg31[%dma_start3A_88, %dma_start3A_89] : memref<16384x80xf32, #tpu.memory_space<vmem_shared>> -> memref<16384x80xf32, #tpu.memory_space<vmem_shared>>
        tpu.enqueue_indirect_dma source(%dma_start3A_90 : memref<16384x80xf32, #tpu.memory_space<vmem_shared>>) target(%arg26 : memref<128x80xf32, #tpu.memory_space<vmem>>) offsets(%arg18 : memref<128xi32, #tpu.memory_space<vmem>>) semaphore(%run_scoped3A : memref<!tpu.dma_semaphore, #tpu.memory_space<semaphore_mem>>)
        %dma_wait3A_91 = arith.constant 0 : i32
        %dma_wait3A_92 = arith.constant 0 : i32
        %dma_wait3A_93 = tpu.memref_slice %arg31[%dma_wait3A_91, %dma_wait3A_92] : memref<16384x80xf32, #tpu.memory_space<vmem_shared>> -> memref<16384x80xf32, #tpu.memory_space<vmem_shared>>
        tpu.wait_indirect_dma semaphore(%run_scoped3A : memref<!tpu.dma_semaphore, #tpu.memory_space<semaphore_mem>>) src(%dma_wait3A_93 : memref<16384x80xf32, #tpu.memory_space<vmem_shared>>) dst(%arg26 : memref<128x80xf32, #tpu.memory_space<vmem>>)
        tpu.yield
      }) : () -> ()
      "tpu.region"() ({
        %run_scoped3A = tpu.sem_alloc : memref<!tpu.dma_semaphore, #tpu.memory_space<semaphore_mem>>
        %dma_start3A_88 = arith.constant 0 : i32
        %dma_start3A_89 = arith.constant 0 : i32
        %dma_start3A_90 = tpu.memref_slice %arg4[%dma_start3A_88, %dma_start3A_89] : memref<100000x64xf32, #tpu.memory_space<hbm>> -> memref<100000x64xf32, #tpu.memory_space<hbm>>
        tpu.enqueue_indirect_dma source(%dma_start3A_90 : memref<100000x64xf32, #tpu.memory_space<hbm>>) target(%arg24 : memref<128x64xf32, #tpu.memory_space<vmem>>) offsets(%arg10 : memref<128xi32, #tpu.memory_space<vmem>>) semaphore(%run_scoped3A : memref<!tpu.dma_semaphore, #tpu.memory_space<semaphore_mem>>)
        %dma_wait3A_91 = arith.constant 0 : i32
        %dma_wait3A_92 = arith.constant 0 : i32
        %dma_wait3A_93 = tpu.memref_slice %arg4[%dma_wait3A_91, %dma_wait3A_92] : memref<100000x64xf32, #tpu.memory_space<hbm>> -> memref<100000x64xf32, #tpu.memory_space<hbm>>
        tpu.wait_indirect_dma semaphore(%run_scoped3A : memref<!tpu.dma_semaphore, #tpu.memory_space<semaphore_mem>>) src(%dma_wait3A_93 : memref<100000x64xf32, #tpu.memory_space<hbm>>) dst(%arg24 : memref<128x64xf32, #tpu.memory_space<vmem>>)
        tpu.yield
      }) : () -> ()
      %scan3A_53 = arith.constant 0 : i32
      %scan3A_54 = arith.constant 0 : i32
      %scan3A_55 = arith.constant 128 : i32
      %scan3A_56 = arith.addi %scan3A_54, %scan3A_55 : i32
      %scan3A_57 = arith.constant 1 : i32
      %scan3A_58 = scf.for %scan3A_88 = %scan3A_54 to %scan3A_56 step %scan3A_57 iter_args(%scan3A_89 = %scan3A_53) -> (i32)  : i32 {
        %get3A = arith.index_cast %scan3A_88 : i32 to index
        %get3A_90 = arith.constant 64 : index
        %get3A_91 = tpu.vector_load %arg26[%get3A, %get3A_90] {strides = array<i32>} : memref<128x80xf32, #tpu.memory_space<vmem>>, vector<1x16xf32>,
        %get3A_92 = vector.shape_cast %get3A_91 : vector<1x16xf32> to vector<16xf32>
        %add3A_93 = arith.constant 1.000000e+00 : f32
        %add3A_94 = vector.broadcast %add3A_93 : f32 to vector<16xf32>
        %add3A_95 = arith.addf %add3A_94, %get3A_92 : vector<16xf32>
        %div3A = arith.constant 5.000000e-01 : f32
        %div3A_96 = vector.broadcast %div3A : f32 to vector<16xf32>
        %div3A_97 = arith.divf %div3A_96, %add3A_95 : vector<16xf32>
        %get3A_98 = arith.index_cast %scan3A_88 : i32 to index
        %get3A_99 = arith.constant 0 : index
        %get3A_100 = tpu.vector_load %arg24[%get3A_98, %get3A_99] {strides = array<i32>} : memref<128x64xf32, #tpu.memory_space<vmem>>, vector<1x16xf32>,
        %get3A_101 = vector.shape_cast %get3A_100 : vector<1x16xf32> to vector<16xf32>
        %get3A_102 = arith.index_cast %scan3A_88 : i32 to index
        %get3A_103 = arith.constant 0 : index
        %get3A_104 = tpu.vector_load %arg26[%get3A_102, %get3A_103] {strides = array<i32>} : memref<128x80xf32, #tpu.memory_space<vmem>>, vector<1x16xf32>,
        %get3A_105 = vector.shape_cast %get3A_104 : vector<1x16xf32> to vector<16xf32>
        %mul3A_106 = arith.mulf %div3A_97, %get3A_105 : vector<16xf32>
        %sub3A = arith.subf %get3A_101, %mul3A_106 : vector<16xf32>
        %swap3A = arith.index_cast %scan3A_88 : i32 to index
        %swap3A_107 = arith.constant 0 : index
        %swap3A_108 = tpu.vector_load %arg25[%swap3A, %swap3A_107] {strides = array<i32>} : memref<128x64xf32, #tpu.memory_space<vmem>>, vector<1x16xf32>,
        %swap3A_109 = vector.shape_cast %swap3A_108 : vector<1x16xf32> to vector<16xf32>
        %swap3A_110 = vector.shape_cast %sub3A : vector<16xf32> to vector<1x16xf32>
        tpu.vector_store %arg25[%swap3A, %swap3A_107], %swap3A_110 {strides = array<i32>} : memref<128x64xf32, #tpu.memory_space<vmem>>, vector<1x16xf32>,
        %get3A_111 = arith.index_cast %scan3A_88 : i32 to index
        %get3A_112 = arith.constant 16 : index
        %get3A_113 = tpu.vector_load %arg24[%get3A_111, %get3A_112] {strides = array<i32>} : memref<128x64xf32, #tpu.memory_space<vmem>>, vector<1x16xf32>,
        %get3A_114 = vector.shape_cast %get3A_113 : vector<1x16xf32> to vector<16xf32>
        %get3A_115 = arith.index_cast %scan3A_88 : i32 to index
        %get3A_116 = arith.constant 16 : index
        %get3A_117 = tpu.vector_load %arg26[%get3A_115, %get3A_116] {strides = array<i32>} : memref<128x80xf32, #tpu.memory_space<vmem>>, vector<1x16xf32>,
        %get3A_118 = vector.shape_cast %get3A_117 : vector<1x16xf32> to vector<16xf32>
        %mul3A_119 = arith.mulf %div3A_97, %get3A_118 : vector<16xf32>
        %sub3A_120 = arith.subf %get3A_114, %mul3A_119 : vector<16xf32>
        %swap3A_121 = arith.index_cast %scan3A_88 : i32 to index
        %swap3A_122 = arith.constant 16 : index
        %swap3A_123 = tpu.vector_load %arg25[%swap3A_121, %swap3A_122] {strides = array<i32>} : memref<128x64xf32, #tpu.memory_space<vmem>>, vector<1x16xf32>,
        %swap3A_124 = vector.shape_cast %swap3A_123 : vector<1x16xf32> to vector<16xf32>
        %swap3A_125 = vector.shape_cast %sub3A_120 : vector<16xf32> to vector<1x16xf32>
        tpu.vector_store %arg25[%swap3A_121, %swap3A_122], %swap3A_125 {strides = array<i32>} : memref<128x64xf32, #tpu.memory_space<vmem>>, vector<1x16xf32>,
        %get3A_126 = arith.index_cast %scan3A_88 : i32 to index
        %get3A_127 = arith.constant 32 : index
        %get3A_128 = tpu.vector_load %arg24[%get3A_126, %get3A_127] {strides = array<i32>} : memref<128x64xf32, #tpu.memory_space<vmem>>, vector<1x16xf32>,
        %get3A_129 = vector.shape_cast %get3A_128 : vector<1x16xf32> to vector<16xf32>
        %get3A_130 = arith.index_cast %scan3A_88 : i32 to index
        %get3A_131 = arith.constant 32 : index
        %get3A_132 = tpu.vector_load %arg26[%get3A_130, %get3A_131] {strides = array<i32>} : memref<128x80xf32, #tpu.memory_space<vmem>>, vector<1x16xf32>,
        %get3A_133 = vector.shape_cast %get3A_132 : vector<1x16xf32> to vector<16xf32>
        %mul3A_134 = arith.mulf %div3A_97, %get3A_133 : vector<16xf32>
        %sub3A_135 = arith.subf %get3A_129, %mul3A_134 : vector<16xf32>
        %swap3A_136 = arith.index_cast %scan3A_88 : i32 to index
        %swap3A_137 = arith.constant 32 : index
        %swap3A_138 = tpu.vector_load %arg25[%swap3A_136, %swap3A_137] {strides = array<i32>} : memref<128x64xf32, #tpu.memory_space<vmem>>, vector<1x16xf32>,
        %swap3A_139 = vector.shape_cast %swap3A_138 : vector<1x16xf32> to vector<16xf32>
        %swap3A_140 = vector.shape_cast %sub3A_135 : vector<16xf32> to vector<1x16xf32>
        tpu.vector_store %arg25[%swap3A_136, %swap3A_137], %swap3A_140 {strides = array<i32>} : memref<128x64xf32, #tpu.memory_space<vmem>>, vector<1x16xf32>,
        %get3A_141 = arith.index_cast %scan3A_88 : i32 to index
        %get3A_142 = arith.constant 48 : index
        %get3A_143 = tpu.vector_load %arg24[%get3A_141, %get3A_142] {strides = array<i32>} : memref<128x64xf32, #tpu.memory_space<vmem>>, vector<1x16xf32>,
        %get3A_144 = vector.shape_cast %get3A_143 : vector<1x16xf32> to vector<16xf32>
        %get3A_145 = arith.index_cast %scan3A_88 : i32 to index
        %get3A_146 = arith.constant 48 : index
        %get3A_147 = tpu.vector_load %arg26[%get3A_145, %get3A_146] {strides = array<i32>} : memref<128x80xf32, #tpu.memory_space<vmem>>, vector<1x16xf32>,
        %get3A_148 = vector.shape_cast %get3A_147 : vector<1x16xf32> to vector<16xf32>
        %mul3A_149 = arith.mulf %div3A_97, %get3A_148 : vector<16xf32>
        %sub3A_150 = arith.subf %get3A_144, %mul3A_149 : vector<16xf32>
        %swap3A_151 = arith.index_cast %scan3A_88 : i32 to index
        %swap3A_152 = arith.constant 48 : index
        %swap3A_153 = tpu.vector_load %arg25[%swap3A_151, %swap3A_152] {strides = array<i32>} : memref<128x64xf32, #tpu.memory_space<vmem>>, vector<1x16xf32>,
        %swap3A_154 = vector.shape_cast %swap3A_153 : vector<1x16xf32> to vector<16xf32>
        %swap3A_155 = vector.shape_cast %sub3A_150 : vector<16xf32> to vector<1x16xf32>
        tpu.vector_store %arg25[%swap3A_151, %swap3A_152], %swap3A_155 {strides = array<i32>} : memref<128x64xf32, #tpu.memory_space<vmem>>, vector<1x16xf32>,
        %scan3A_156 = arith.constant 0 : i32
        scf.yield %scan3A_156 : i32
      }
      %scan3A_59 = arith.constant 128 : i32
      "tpu.region"() ({
        %run_scoped3A = tpu.sem_alloc : memref<!tpu.dma_semaphore, #tpu.memory_space<semaphore_mem>>
        %dma_start3A_88 = arith.constant 0 : i32
        %dma_start3A_89 = arith.constant 0 : i32
        %dma_start3A_90 = tpu.memref_slice %arg6[%dma_start3A_88, %dma_start3A_89] : memref<100000x64xf32, #tpu.memory_space<hbm>> -> memref<100000x64xf32, #tpu.memory_space<hbm>>
        tpu.enqueue_indirect_dma source(%arg25 : memref<128x64xf32, #tpu.memory_space<vmem>>) target(%dma_start3A_90 : memref<100000x64xf32, #tpu.memory_space<hbm>>) offsets(%arg10 : memref<128xi32, #tpu.memory_space<vmem>>) semaphore(%run_scoped3A : memref<!tpu.dma_semaphore, #tpu.memory_space<semaphore_mem>>)
        %dma_wait3A_91 = arith.constant 0 : i32
        %dma_wait3A_92 = arith.constant 0 : i32
        %dma_wait3A_93 = tpu.memref_slice %arg6[%dma_wait3A_91, %dma_wait3A_92] : memref<100000x64xf32, #tpu.memory_space<hbm>> -> memref<100000x64xf32, #tpu.memory_space<hbm>>
        tpu.wait_indirect_dma semaphore(%run_scoped3A : memref<!tpu.dma_semaphore, #tpu.memory_space<semaphore_mem>>) src(%arg25 : memref<128x64xf32, #tpu.memory_space<vmem>>) dst(%dma_wait3A_93 : memref<100000x64xf32, #tpu.memory_space<hbm>>)
        tpu.yield
      }) : () -> ()
      "tpu.region"() ({
        %run_scoped3A = tpu.sem_alloc : memref<!tpu.dma_semaphore, #tpu.memory_space<semaphore_mem>>
        %dma_start3A_88 = arith.constant 0 : i32
        %dma_start3A_89 = arith.constant 0 : i32
        %dma_start3A_90 = tpu.memref_slice %arg31[%dma_start3A_88, %dma_start3A_89] : memref<16384x80xf32, #tpu.memory_space<vmem_shared>> -> memref<16384x80xf32, #tpu.memory_space<vmem_shared>>
        tpu.enqueue_indirect_dma source(%dma_start3A_90 : memref<16384x80xf32, #tpu.memory_space<vmem_shared>>) target(%arg26 : memref<128x80xf32, #tpu.memory_space<vmem>>) offsets(%arg19 : memref<128xi32, #tpu.memory_space<vmem>>) semaphore(%run_scoped3A : memref<!tpu.dma_semaphore, #tpu.memory_space<semaphore_mem>>)
        %dma_wait3A_91 = arith.constant 0 : i32
        %dma_wait3A_92 = arith.constant 0 : i32
        %dma_wait3A_93 = tpu.memref_slice %arg31[%dma_wait3A_91, %dma_wait3A_92] : memref<16384x80xf32, #tpu.memory_space<vmem_shared>> -> memref<16384x80xf32, #tpu.memory_space<vmem_shared>>
        tpu.wait_indirect_dma semaphore(%run_scoped3A : memref<!tpu.dma_semaphore, #tpu.memory_space<semaphore_mem>>) src(%dma_wait3A_93 : memref<16384x80xf32, #tpu.memory_space<vmem_shared>>) dst(%arg26 : memref<128x80xf32, #tpu.memory_space<vmem>>)
        tpu.yield
      }) : () -> ()
      "tpu.region"() ({
        %run_scoped3A = tpu.sem_alloc : memref<!tpu.dma_semaphore, #tpu.memory_space<semaphore_mem>>
        %dma_start3A_88 = arith.constant 0 : i32
        %dma_start3A_89 = arith.constant 0 : i32
        %dma_start3A_90 = tpu.memref_slice %arg4[%dma_start3A_88, %dma_start3A_89] : memref<100000x64xf32, #tpu.memory_space<hbm>> -> memref<100000x64xf32, #tpu.memory_space<hbm>>
        tpu.enqueue_indirect_dma source(%dma_start3A_90 : memref<100000x64xf32, #tpu.memory_space<hbm>>) target(%arg24 : memref<128x64xf32, #tpu.memory_space<vmem>>) offsets(%arg11 : memref<128xi32, #tpu.memory_space<vmem>>) semaphore(%run_scoped3A : memref<!tpu.dma_semaphore, #tpu.memory_space<semaphore_mem>>)
        %dma_wait3A_91 = arith.constant 0 : i32
        %dma_wait3A_92 = arith.constant 0 : i32
        %dma_wait3A_93 = tpu.memref_slice %arg4[%dma_wait3A_91, %dma_wait3A_92] : memref<100000x64xf32, #tpu.memory_space<hbm>> -> memref<100000x64xf32, #tpu.memory_space<hbm>>
        tpu.wait_indirect_dma semaphore(%run_scoped3A : memref<!tpu.dma_semaphore, #tpu.memory_space<semaphore_mem>>) src(%dma_wait3A_93 : memref<100000x64xf32, #tpu.memory_space<hbm>>) dst(%arg24 : memref<128x64xf32, #tpu.memory_space<vmem>>)
        tpu.yield
      }) : () -> ()
      %scan3A_60 = arith.constant 0 : i32
      %scan3A_61 = arith.constant 0 : i32
      %scan3A_62 = arith.constant 128 : i32
      %scan3A_63 = arith.addi %scan3A_61, %scan3A_62 : i32
      %scan3A_64 = arith.constant 1 : i32
      %scan3A_65 = scf.for %scan3A_88 = %scan3A_61 to %scan3A_63 step %scan3A_64 iter_args(%scan3A_89 = %scan3A_60) -> (i32)  : i32 {
        %get3A = arith.index_cast %scan3A_88 : i32 to index
        %get3A_90 = arith.constant 64 : index
        %get3A_91 = tpu.vector_load %arg26[%get3A, %get3A_90] {strides = array<i32>} : memref<128x80xf32, #tpu.memory_space<vmem>>, vector<1x16xf32>,
        %get3A_92 = vector.shape_cast %get3A_91 : vector<1x16xf32> to vector<16xf32>
        %add3A_93 = arith.constant 1.000000e+00 : f32
        %add3A_94 = vector.broadcast %add3A_93 : f32 to vector<16xf32>
        %add3A_95 = arith.addf %add3A_94, %get3A_92 : vector<16xf32>
        %div3A = arith.constant 5.000000e-01 : f32
        %div3A_96 = vector.broadcast %div3A : f32 to vector<16xf32>
        %div3A_97 = arith.divf %div3A_96, %add3A_95 : vector<16xf32>
        %get3A_98 = arith.index_cast %scan3A_88 : i32 to index
        %get3A_99 = arith.constant 0 : index
        %get3A_100 = tpu.vector_load %arg24[%get3A_98, %get3A_99] {strides = array<i32>} : memref<128x64xf32, #tpu.memory_space<vmem>>, vector<1x16xf32>,
        %get3A_101 = vector.shape_cast %get3A_100 : vector<1x16xf32> to vector<16xf32>
        %get3A_102 = arith.index_cast %scan3A_88 : i32 to index
        %get3A_103 = arith.constant 0 : index
        %get3A_104 = tpu.vector_load %arg26[%get3A_102, %get3A_103] {strides = array<i32>} : memref<128x80xf32, #tpu.memory_space<vmem>>, vector<1x16xf32>,
        %get3A_105 = vector.shape_cast %get3A_104 : vector<1x16xf32> to vector<16xf32>
        %mul3A_106 = arith.mulf %div3A_97, %get3A_105 : vector<16xf32>
        %sub3A = arith.subf %get3A_101, %mul3A_106 : vector<16xf32>
        %swap3A = arith.index_cast %scan3A_88 : i32 to index
        %swap3A_107 = arith.constant 0 : index
        %swap3A_108 = tpu.vector_load %arg25[%swap3A, %swap3A_107] {strides = array<i32>} : memref<128x64xf32, #tpu.memory_space<vmem>>, vector<1x16xf32>,
        %swap3A_109 = vector.shape_cast %swap3A_108 : vector<1x16xf32> to vector<16xf32>
        %swap3A_110 = vector.shape_cast %sub3A : vector<16xf32> to vector<1x16xf32>
        tpu.vector_store %arg25[%swap3A, %swap3A_107], %swap3A_110 {strides = array<i32>} : memref<128x64xf32, #tpu.memory_space<vmem>>, vector<1x16xf32>,
        %get3A_111 = arith.index_cast %scan3A_88 : i32 to index
        %get3A_112 = arith.constant 16 : index
        %get3A_113 = tpu.vector_load %arg24[%get3A_111, %get3A_112] {strides = array<i32>} : memref<128x64xf32, #tpu.memory_space<vmem>>, vector<1x16xf32>,
        %get3A_114 = vector.shape_cast %get3A_113 : vector<1x16xf32> to vector<16xf32>
        %get3A_115 = arith.index_cast %scan3A_88 : i32 to index
        %get3A_116 = arith.constant 16 : index
        %get3A_117 = tpu.vector_load %arg26[%get3A_115, %get3A_116] {strides = array<i32>} : memref<128x80xf32, #tpu.memory_space<vmem>>, vector<1x16xf32>,
        %get3A_118 = vector.shape_cast %get3A_117 : vector<1x16xf32> to vector<16xf32>
        %mul3A_119 = arith.mulf %div3A_97, %get3A_118 : vector<16xf32>
        %sub3A_120 = arith.subf %get3A_114, %mul3A_119 : vector<16xf32>
        %swap3A_121 = arith.index_cast %scan3A_88 : i32 to index
        %swap3A_122 = arith.constant 16 : index
        %swap3A_123 = tpu.vector_load %arg25[%swap3A_121, %swap3A_122] {strides = array<i32>} : memref<128x64xf32, #tpu.memory_space<vmem>>, vector<1x16xf32>,
        %swap3A_124 = vector.shape_cast %swap3A_123 : vector<1x16xf32> to vector<16xf32>
        %swap3A_125 = vector.shape_cast %sub3A_120 : vector<16xf32> to vector<1x16xf32>
        tpu.vector_store %arg25[%swap3A_121, %swap3A_122], %swap3A_125 {strides = array<i32>} : memref<128x64xf32, #tpu.memory_space<vmem>>, vector<1x16xf32>,
        %get3A_126 = arith.index_cast %scan3A_88 : i32 to index
        %get3A_127 = arith.constant 32 : index
        %get3A_128 = tpu.vector_load %arg24[%get3A_126, %get3A_127] {strides = array<i32>} : memref<128x64xf32, #tpu.memory_space<vmem>>, vector<1x16xf32>,
        %get3A_129 = vector.shape_cast %get3A_128 : vector<1x16xf32> to vector<16xf32>
        %get3A_130 = arith.index_cast %scan3A_88 : i32 to index
        %get3A_131 = arith.constant 32 : index
        %get3A_132 = tpu.vector_load %arg26[%get3A_130, %get3A_131] {strides = array<i32>} : memref<128x80xf32, #tpu.memory_space<vmem>>, vector<1x16xf32>,
        %get3A_133 = vector.shape_cast %get3A_132 : vector<1x16xf32> to vector<16xf32>
        %mul3A_134 = arith.mulf %div3A_97, %get3A_133 : vector<16xf32>
        %sub3A_135 = arith.subf %get3A_129, %mul3A_134 : vector<16xf32>
        %swap3A_136 = arith.index_cast %scan3A_88 : i32 to index
        %swap3A_137 = arith.constant 32 : index
        %swap3A_138 = tpu.vector_load %arg25[%swap3A_136, %swap3A_137] {strides = array<i32>} : memref<128x64xf32, #tpu.memory_space<vmem>>, vector<1x16xf32>,
        %swap3A_139 = vector.shape_cast %swap3A_138 : vector<1x16xf32> to vector<16xf32>
        %swap3A_140 = vector.shape_cast %sub3A_135 : vector<16xf32> to vector<1x16xf32>
        tpu.vector_store %arg25[%swap3A_136, %swap3A_137], %swap3A_140 {strides = array<i32>} : memref<128x64xf32, #tpu.memory_space<vmem>>, vector<1x16xf32>,
        %get3A_141 = arith.index_cast %scan3A_88 : i32 to index
        %get3A_142 = arith.constant 48 : index
        %get3A_143 = tpu.vector_load %arg24[%get3A_141, %get3A_142] {strides = array<i32>} : memref<128x64xf32, #tpu.memory_space<vmem>>, vector<1x16xf32>,
        %get3A_144 = vector.shape_cast %get3A_143 : vector<1x16xf32> to vector<16xf32>
        %get3A_145 = arith.index_cast %scan3A_88 : i32 to index
        %get3A_146 = arith.constant 48 : index
        %get3A_147 = tpu.vector_load %arg26[%get3A_145, %get3A_146] {strides = array<i32>} : memref<128x80xf32, #tpu.memory_space<vmem>>, vector<1x16xf32>,
        %get3A_148 = vector.shape_cast %get3A_147 : vector<1x16xf32> to vector<16xf32>
        %mul3A_149 = arith.mulf %div3A_97, %get3A_148 : vector<16xf32>
        %sub3A_150 = arith.subf %get3A_144, %mul3A_149 : vector<16xf32>
        %swap3A_151 = arith.index_cast %scan3A_88 : i32 to index
        %swap3A_152 = arith.constant 48 : index
        %swap3A_153 = tpu.vector_load %arg25[%swap3A_151, %swap3A_152] {strides = array<i32>} : memref<128x64xf32, #tpu.memory_space<vmem>>, vector<1x16xf32>,
        %swap3A_154 = vector.shape_cast %swap3A_153 : vector<1x16xf32> to vector<16xf32>
        %swap3A_155 = vector.shape_cast %sub3A_150 : vector<16xf32> to vector<1x16xf32>
        tpu.vector_store %arg25[%swap3A_151, %swap3A_152], %swap3A_155 {strides = array<i32>} : memref<128x64xf32, #tpu.memory_space<vmem>>, vector<1x16xf32>,
        %scan3A_156 = arith.constant 0 : i32
        scf.yield %scan3A_156 : i32
      }
      %scan3A_66 = arith.constant 128 : i32
      "tpu.region"() ({
        %run_scoped3A = tpu.sem_alloc : memref<!tpu.dma_semaphore, #tpu.memory_space<semaphore_mem>>
        %dma_start3A_88 = arith.constant 0 : i32
        %dma_start3A_89 = arith.constant 0 : i32
        %dma_start3A_90 = tpu.memref_slice %arg6[%dma_start3A_88, %dma_start3A_89] : memref<100000x64xf32, #tpu.memory_space<hbm>> -> memref<100000x64xf32, #tpu.memory_space<hbm>>
        tpu.enqueue_indirect_dma source(%arg25 : memref<128x64xf32, #tpu.memory_space<vmem>>) target(%dma_start3A_90 : memref<100000x64xf32, #tpu.memory_space<hbm>>) offsets(%arg11 : memref<128xi32, #tpu.memory_space<vmem>>) semaphore(%run_scoped3A : memref<!tpu.dma_semaphore, #tpu.memory_space<semaphore_mem>>)
        %dma_wait3A_91 = arith.constant 0 : i32
        %dma_wait3A_92 = arith.constant 0 : i32
        %dma_wait3A_93 = tpu.memref_slice %arg6[%dma_wait3A_91, %dma_wait3A_92] : memref<100000x64xf32, #tpu.memory_space<hbm>> -> memref<100000x64xf32, #tpu.memory_space<hbm>>
        tpu.wait_indirect_dma semaphore(%run_scoped3A : memref<!tpu.dma_semaphore, #tpu.memory_space<semaphore_mem>>) src(%arg25 : memref<128x64xf32, #tpu.memory_space<vmem>>) dst(%dma_wait3A_93 : memref<100000x64xf32, #tpu.memory_space<hbm>>)
        tpu.yield
      }) : () -> ()
      "tpu.region"() ({
        %run_scoped3A = tpu.sem_alloc : memref<!tpu.dma_semaphore, #tpu.memory_space<semaphore_mem>>
        %dma_start3A_88 = arith.constant 0 : i32
        %dma_start3A_89 = arith.constant 0 : i32
        %dma_start3A_90 = tpu.memref_slice %arg31[%dma_start3A_88, %dma_start3A_89] : memref<16384x80xf32, #tpu.memory_space<vmem_shared>> -> memref<16384x80xf32, #tpu.memory_space<vmem_shared>>
        tpu.enqueue_indirect_dma source(%dma_start3A_90 : memref<16384x80xf32, #tpu.memory_space<vmem_shared>>) target(%arg26 : memref<128x80xf32, #tpu.memory_space<vmem>>) offsets(%arg20 : memref<128xi32, #tpu.memory_space<vmem>>) semaphore(%run_scoped3A : memref<!tpu.dma_semaphore, #tpu.memory_space<semaphore_mem>>)
        %dma_wait3A_91 = arith.constant 0 : i32
        %dma_wait3A_92 = arith.constant 0 : i32
        %dma_wait3A_93 = tpu.memref_slice %arg31[%dma_wait3A_91, %dma_wait3A_92] : memref<16384x80xf32, #tpu.memory_space<vmem_shared>> -> memref<16384x80xf32, #tpu.memory_space<vmem_shared>>
        tpu.wait_indirect_dma semaphore(%run_scoped3A : memref<!tpu.dma_semaphore, #tpu.memory_space<semaphore_mem>>) src(%dma_wait3A_93 : memref<16384x80xf32, #tpu.memory_space<vmem_shared>>) dst(%arg26 : memref<128x80xf32, #tpu.memory_space<vmem>>)
        tpu.yield
      }) : () -> ()
      "tpu.region"() ({
        %run_scoped3A = tpu.sem_alloc : memref<!tpu.dma_semaphore, #tpu.memory_space<semaphore_mem>>
        %dma_start3A_88 = arith.constant 0 : i32
        %dma_start3A_89 = arith.constant 0 : i32
        %dma_start3A_90 = tpu.memref_slice %arg4[%dma_start3A_88, %dma_start3A_89] : memref<100000x64xf32, #tpu.memory_space<hbm>> -> memref<100000x64xf32, #tpu.memory_space<hbm>>
        tpu.enqueue_indirect_dma source(%dma_start3A_90 : memref<100000x64xf32, #tpu.memory_space<hbm>>) target(%arg24 : memref<128x64xf32, #tpu.memory_space<vmem>>) offsets(%arg12 : memref<128xi32, #tpu.memory_space<vmem>>) semaphore(%run_scoped3A : memref<!tpu.dma_semaphore, #tpu.memory_space<semaphore_mem>>)
        %dma_wait3A_91 = arith.constant 0 : i32
        %dma_wait3A_92 = arith.constant 0 : i32
        %dma_wait3A_93 = tpu.memref_slice %arg4[%dma_wait3A_91, %dma_wait3A_92] : memref<100000x64xf32, #tpu.memory_space<hbm>> -> memref<100000x64xf32, #tpu.memory_space<hbm>>
        tpu.wait_indirect_dma semaphore(%run_scoped3A : memref<!tpu.dma_semaphore, #tpu.memory_space<semaphore_mem>>) src(%dma_wait3A_93 : memref<100000x64xf32, #tpu.memory_space<hbm>>) dst(%arg24 : memref<128x64xf32, #tpu.memory_space<vmem>>)
        tpu.yield
      }) : () -> ()
      %scan3A_67 = arith.constant 0 : i32
      %scan3A_68 = arith.constant 0 : i32
      %scan3A_69 = arith.constant 128 : i32
      %scan3A_70 = arith.addi %scan3A_68, %scan3A_69 : i32
      %scan3A_71 = arith.constant 1 : i32
      %scan3A_72 = scf.for %scan3A_88 = %scan3A_68 to %scan3A_70 step %scan3A_71 iter_args(%scan3A_89 = %scan3A_67) -> (i32)  : i32 {
        %get3A = arith.index_cast %scan3A_88 : i32 to index
        %get3A_90 = arith.constant 64 : index
        %get3A_91 = tpu.vector_load %arg26[%get3A, %get3A_90] {strides = array<i32>} : memref<128x80xf32, #tpu.memory_space<vmem>>, vector<1x16xf32>,
        %get3A_92 = vector.shape_cast %get3A_91 : vector<1x16xf32> to vector<16xf32>
        %add3A_93 = arith.constant 1.000000e+00 : f32
        %add3A_94 = vector.broadcast %add3A_93 : f32 to vector<16xf32>
        %add3A_95 = arith.addf %add3A_94, %get3A_92 : vector<16xf32>
        %div3A = arith.constant 5.000000e-01 : f32
        %div3A_96 = vector.broadcast %div3A : f32 to vector<16xf32>
        %div3A_97 = arith.divf %div3A_96, %add3A_95 : vector<16xf32>
        %get3A_98 = arith.index_cast %scan3A_88 : i32 to index
        %get3A_99 = arith.constant 0 : index
        %get3A_100 = tpu.vector_load %arg24[%get3A_98, %get3A_99] {strides = array<i32>} : memref<128x64xf32, #tpu.memory_space<vmem>>, vector<1x16xf32>,
        %get3A_101 = vector.shape_cast %get3A_100 : vector<1x16xf32> to vector<16xf32>
        %get3A_102 = arith.index_cast %scan3A_88 : i32 to index
        %get3A_103 = arith.constant 0 : index
        %get3A_104 = tpu.vector_load %arg26[%get3A_102, %get3A_103] {strides = array<i32>} : memref<128x80xf32, #tpu.memory_space<vmem>>, vector<1x16xf32>,
        %get3A_105 = vector.shape_cast %get3A_104 : vector<1x16xf32> to vector<16xf32>
        %mul3A_106 = arith.mulf %div3A_97, %get3A_105 : vector<16xf32>
        %sub3A = arith.subf %get3A_101, %mul3A_106 : vector<16xf32>
        %swap3A = arith.index_cast %scan3A_88 : i32 to index
        %swap3A_107 = arith.constant 0 : index
        %swap3A_108 = tpu.vector_load %arg25[%swap3A, %swap3A_107] {strides = array<i32>} : memref<128x64xf32, #tpu.memory_space<vmem>>, vector<1x16xf32>,
        %swap3A_109 = vector.shape_cast %swap3A_108 : vector<1x16xf32> to vector<16xf32>
        %swap3A_110 = vector.shape_cast %sub3A : vector<16xf32> to vector<1x16xf32>
        tpu.vector_store %arg25[%swap3A, %swap3A_107], %swap3A_110 {strides = array<i32>} : memref<128x64xf32, #tpu.memory_space<vmem>>, vector<1x16xf32>,
        %get3A_111 = arith.index_cast %scan3A_88 : i32 to index
        %get3A_112 = arith.constant 16 : index
        %get3A_113 = tpu.vector_load %arg24[%get3A_111, %get3A_112] {strides = array<i32>} : memref<128x64xf32, #tpu.memory_space<vmem>>, vector<1x16xf32>,
        %get3A_114 = vector.shape_cast %get3A_113 : vector<1x16xf32> to vector<16xf32>
        %get3A_115 = arith.index_cast %scan3A_88 : i32 to index
        %get3A_116 = arith.constant 16 : index
        %get3A_117 = tpu.vector_load %arg26[%get3A_115, %get3A_116] {strides = array<i32>} : memref<128x80xf32, #tpu.memory_space<vmem>>, vector<1x16xf32>,
        %get3A_118 = vector.shape_cast %get3A_117 : vector<1x16xf32> to vector<16xf32>
        %mul3A_119 = arith.mulf %div3A_97, %get3A_118 : vector<16xf32>
        %sub3A_120 = arith.subf %get3A_114, %mul3A_119 : vector<16xf32>
        %swap3A_121 = arith.index_cast %scan3A_88 : i32 to index
        %swap3A_122 = arith.constant 16 : index
        %swap3A_123 = tpu.vector_load %arg25[%swap3A_121, %swap3A_122] {strides = array<i32>} : memref<128x64xf32, #tpu.memory_space<vmem>>, vector<1x16xf32>,
        %swap3A_124 = vector.shape_cast %swap3A_123 : vector<1x16xf32> to vector<16xf32>
        %swap3A_125 = vector.shape_cast %sub3A_120 : vector<16xf32> to vector<1x16xf32>
        tpu.vector_store %arg25[%swap3A_121, %swap3A_122], %swap3A_125 {strides = array<i32>} : memref<128x64xf32, #tpu.memory_space<vmem>>, vector<1x16xf32>,
        %get3A_126 = arith.index_cast %scan3A_88 : i32 to index
        %get3A_127 = arith.constant 32 : index
        %get3A_128 = tpu.vector_load %arg24[%get3A_126, %get3A_127] {strides = array<i32>} : memref<128x64xf32, #tpu.memory_space<vmem>>, vector<1x16xf32>,
        %get3A_129 = vector.shape_cast %get3A_128 : vector<1x16xf32> to vector<16xf32>
        %get3A_130 = arith.index_cast %scan3A_88 : i32 to index
        %get3A_131 = arith.constant 32 : index
        %get3A_132 = tpu.vector_load %arg26[%get3A_130, %get3A_131] {strides = array<i32>} : memref<128x80xf32, #tpu.memory_space<vmem>>, vector<1x16xf32>,
        %get3A_133 = vector.shape_cast %get3A_132 : vector<1x16xf32> to vector<16xf32>
        %mul3A_134 = arith.mulf %div3A_97, %get3A_133 : vector<16xf32>
        %sub3A_135 = arith.subf %get3A_129, %mul3A_134 : vector<16xf32>
        %swap3A_136 = arith.index_cast %scan3A_88 : i32 to index
        %swap3A_137 = arith.constant 32 : index
        %swap3A_138 = tpu.vector_load %arg25[%swap3A_136, %swap3A_137] {strides = array<i32>} : memref<128x64xf32, #tpu.memory_space<vmem>>, vector<1x16xf32>,
        %swap3A_139 = vector.shape_cast %swap3A_138 : vector<1x16xf32> to vector<16xf32>
        %swap3A_140 = vector.shape_cast %sub3A_135 : vector<16xf32> to vector<1x16xf32>
        tpu.vector_store %arg25[%swap3A_136, %swap3A_137], %swap3A_140 {strides = array<i32>} : memref<128x64xf32, #tpu.memory_space<vmem>>, vector<1x16xf32>,
        %get3A_141 = arith.index_cast %scan3A_88 : i32 to index
        %get3A_142 = arith.constant 48 : index
        %get3A_143 = tpu.vector_load %arg24[%get3A_141, %get3A_142] {strides = array<i32>} : memref<128x64xf32, #tpu.memory_space<vmem>>, vector<1x16xf32>,
        %get3A_144 = vector.shape_cast %get3A_143 : vector<1x16xf32> to vector<16xf32>
        %get3A_145 = arith.index_cast %scan3A_88 : i32 to index
        %get3A_146 = arith.constant 48 : index
        %get3A_147 = tpu.vector_load %arg26[%get3A_145, %get3A_146] {strides = array<i32>} : memref<128x80xf32, #tpu.memory_space<vmem>>, vector<1x16xf32>,
        %get3A_148 = vector.shape_cast %get3A_147 : vector<1x16xf32> to vector<16xf32>
        %mul3A_149 = arith.mulf %div3A_97, %get3A_148 : vector<16xf32>
        %sub3A_150 = arith.subf %get3A_144, %mul3A_149 : vector<16xf32>
        %swap3A_151 = arith.index_cast %scan3A_88 : i32 to index
        %swap3A_152 = arith.constant 48 : index
        %swap3A_153 = tpu.vector_load %arg25[%swap3A_151, %swap3A_152] {strides = array<i32>} : memref<128x64xf32, #tpu.memory_space<vmem>>, vector<1x16xf32>,
        %swap3A_154 = vector.shape_cast %swap3A_153 : vector<1x16xf32> to vector<16xf32>
        %swap3A_155 = vector.shape_cast %sub3A_150 : vector<16xf32> to vector<1x16xf32>
        tpu.vector_store %arg25[%swap3A_151, %swap3A_152], %swap3A_155 {strides = array<i32>} : memref<128x64xf32, #tpu.memory_space<vmem>>, vector<1x16xf32>,
        %scan3A_156 = arith.constant 0 : i32
        scf.yield %scan3A_156 : i32
      }
      %scan3A_73 = arith.constant 128 : i32
      "tpu.region"() ({
        %run_scoped3A = tpu.sem_alloc : memref<!tpu.dma_semaphore, #tpu.memory_space<semaphore_mem>>
        %dma_start3A_88 = arith.constant 0 : i32
        %dma_start3A_89 = arith.constant 0 : i32
        %dma_start3A_90 = tpu.memref_slice %arg6[%dma_start3A_88, %dma_start3A_89] : memref<100000x64xf32, #tpu.memory_space<hbm>> -> memref<100000x64xf32, #tpu.memory_space<hbm>>
        tpu.enqueue_indirect_dma source(%arg25 : memref<128x64xf32, #tpu.memory_space<vmem>>) target(%dma_start3A_90 : memref<100000x64xf32, #tpu.memory_space<hbm>>) offsets(%arg12 : memref<128xi32, #tpu.memory_space<vmem>>) semaphore(%run_scoped3A : memref<!tpu.dma_semaphore, #tpu.memory_space<semaphore_mem>>)
        %dma_wait3A_91 = arith.constant 0 : i32
        %dma_wait3A_92 = arith.constant 0 : i32
        %dma_wait3A_93 = tpu.memref_slice %arg6[%dma_wait3A_91, %dma_wait3A_92] : memref<100000x64xf32, #tpu.memory_space<hbm>> -> memref<100000x64xf32, #tpu.memory_space<hbm>>
        tpu.wait_indirect_dma semaphore(%run_scoped3A : memref<!tpu.dma_semaphore, #tpu.memory_space<semaphore_mem>>) src(%arg25 : memref<128x64xf32, #tpu.memory_space<vmem>>) dst(%dma_wait3A_93 : memref<100000x64xf32, #tpu.memory_space<hbm>>)
        tpu.yield
      }) : () -> ()
      "tpu.region"() ({
        %run_scoped3A = tpu.sem_alloc : memref<!tpu.dma_semaphore, #tpu.memory_space<semaphore_mem>>
        %dma_start3A_88 = arith.constant 0 : i32
        %dma_start3A_89 = arith.constant 0 : i32
        %dma_start3A_90 = tpu.memref_slice %arg31[%dma_start3A_88, %dma_start3A_89] : memref<16384x80xf32, #tpu.memory_space<vmem_shared>> -> memref<16384x80xf32, #tpu.memory_space<vmem_shared>>
        tpu.enqueue_indirect_dma source(%dma_start3A_90 : memref<16384x80xf32, #tpu.memory_space<vmem_shared>>) target(%arg26 : memref<128x80xf32, #tpu.memory_space<vmem>>) offsets(%arg21 : memref<128xi32, #tpu.memory_space<vmem>>) semaphore(%run_scoped3A : memref<!tpu.dma_semaphore, #tpu.memory_space<semaphore_mem>>)
        %dma_wait3A_91 = arith.constant 0 : i32
        %dma_wait3A_92 = arith.constant 0 : i32
        %dma_wait3A_93 = tpu.memref_slice %arg31[%dma_wait3A_91, %dma_wait3A_92] : memref<16384x80xf32, #tpu.memory_space<vmem_shared>> -> memref<16384x80xf32, #tpu.memory_space<vmem_shared>>
        tpu.wait_indirect_dma semaphore(%run_scoped3A : memref<!tpu.dma_semaphore, #tpu.memory_space<semaphore_mem>>) src(%dma_wait3A_93 : memref<16384x80xf32, #tpu.memory_space<vmem_shared>>) dst(%arg26 : memref<128x80xf32, #tpu.memory_space<vmem>>)
        tpu.yield
      }) : () -> ()
      "tpu.region"() ({
        %run_scoped3A = tpu.sem_alloc : memref<!tpu.dma_semaphore, #tpu.memory_space<semaphore_mem>>
        %dma_start3A_88 = arith.constant 0 : i32
        %dma_start3A_89 = arith.constant 0 : i32
        %dma_start3A_90 = tpu.memref_slice %arg4[%dma_start3A_88, %dma_start3A_89] : memref<100000x64xf32, #tpu.memory_space<hbm>> -> memref<100000x64xf32, #tpu.memory_space<hbm>>
        tpu.enqueue_indirect_dma source(%dma_start3A_90 : memref<100000x64xf32, #tpu.memory_space<hbm>>) target(%arg24 : memref<128x64xf32, #tpu.memory_space<vmem>>) offsets(%arg13 : memref<128xi32, #tpu.memory_space<vmem>>) semaphore(%run_scoped3A : memref<!tpu.dma_semaphore, #tpu.memory_space<semaphore_mem>>)
        %dma_wait3A_91 = arith.constant 0 : i32
        %dma_wait3A_92 = arith.constant 0 : i32
        %dma_wait3A_93 = tpu.memref_slice %arg4[%dma_wait3A_91, %dma_wait3A_92] : memref<100000x64xf32, #tpu.memory_space<hbm>> -> memref<100000x64xf32, #tpu.memory_space<hbm>>
        tpu.wait_indirect_dma semaphore(%run_scoped3A : memref<!tpu.dma_semaphore, #tpu.memory_space<semaphore_mem>>) src(%dma_wait3A_93 : memref<100000x64xf32, #tpu.memory_space<hbm>>) dst(%arg24 : memref<128x64xf32, #tpu.memory_space<vmem>>)
        tpu.yield
      }) : () -> ()
      %scan3A_74 = arith.constant 0 : i32
      %scan3A_75 = arith.constant 0 : i32
      %scan3A_76 = arith.constant 128 : i32
      %scan3A_77 = arith.addi %scan3A_75, %scan3A_76 : i32
      %scan3A_78 = arith.constant 1 : i32
      %scan3A_79 = scf.for %scan3A_88 = %scan3A_75 to %scan3A_77 step %scan3A_78 iter_args(%scan3A_89 = %scan3A_74) -> (i32)  : i32 {
        %get3A = arith.index_cast %scan3A_88 : i32 to index
        %get3A_90 = arith.constant 64 : index
        %get3A_91 = tpu.vector_load %arg26[%get3A, %get3A_90] {strides = array<i32>} : memref<128x80xf32, #tpu.memory_space<vmem>>, vector<1x16xf32>,
        %get3A_92 = vector.shape_cast %get3A_91 : vector<1x16xf32> to vector<16xf32>
        %add3A_93 = arith.constant 1.000000e+00 : f32
        %add3A_94 = vector.broadcast %add3A_93 : f32 to vector<16xf32>
        %add3A_95 = arith.addf %add3A_94, %get3A_92 : vector<16xf32>
        %div3A = arith.constant 5.000000e-01 : f32
        %div3A_96 = vector.broadcast %div3A : f32 to vector<16xf32>
        %div3A_97 = arith.divf %div3A_96, %add3A_95 : vector<16xf32>
        %get3A_98 = arith.index_cast %scan3A_88 : i32 to index
        %get3A_99 = arith.constant 0 : index
        %get3A_100 = tpu.vector_load %arg24[%get3A_98, %get3A_99] {strides = array<i32>} : memref<128x64xf32, #tpu.memory_space<vmem>>, vector<1x16xf32>,
        %get3A_101 = vector.shape_cast %get3A_100 : vector<1x16xf32> to vector<16xf32>
        %get3A_102 = arith.index_cast %scan3A_88 : i32 to index
        %get3A_103 = arith.constant 0 : index
        %get3A_104 = tpu.vector_load %arg26[%get3A_102, %get3A_103] {strides = array<i32>} : memref<128x80xf32, #tpu.memory_space<vmem>>, vector<1x16xf32>,
        %get3A_105 = vector.shape_cast %get3A_104 : vector<1x16xf32> to vector<16xf32>
        %mul3A_106 = arith.mulf %div3A_97, %get3A_105 : vector<16xf32>
        %sub3A = arith.subf %get3A_101, %mul3A_106 : vector<16xf32>
        %swap3A = arith.index_cast %scan3A_88 : i32 to index
        %swap3A_107 = arith.constant 0 : index
        %swap3A_108 = tpu.vector_load %arg25[%swap3A, %swap3A_107] {strides = array<i32>} : memref<128x64xf32, #tpu.memory_space<vmem>>, vector<1x16xf32>,
        %swap3A_109 = vector.shape_cast %swap3A_108 : vector<1x16xf32> to vector<16xf32>
        %swap3A_110 = vector.shape_cast %sub3A : vector<16xf32> to vector<1x16xf32>
        tpu.vector_store %arg25[%swap3A, %swap3A_107], %swap3A_110 {strides = array<i32>} : memref<128x64xf32, #tpu.memory_space<vmem>>, vector<1x16xf32>,
        %get3A_111 = arith.index_cast %scan3A_88 : i32 to index
        %get3A_112 = arith.constant 16 : index
        %get3A_113 = tpu.vector_load %arg24[%get3A_111, %get3A_112] {strides = array<i32>} : memref<128x64xf32, #tpu.memory_space<vmem>>, vector<1x16xf32>,
        %get3A_114 = vector.shape_cast %get3A_113 : vector<1x16xf32> to vector<16xf32>
        %get3A_115 = arith.index_cast %scan3A_88 : i32 to index
        %get3A_116 = arith.constant 16 : index
        %get3A_117 = tpu.vector_load %arg26[%get3A_115, %get3A_116] {strides = array<i32>} : memref<128x80xf32, #tpu.memory_space<vmem>>, vector<1x16xf32>,
        %get3A_118 = vector.shape_cast %get3A_117 : vector<1x16xf32> to vector<16xf32>
        %mul3A_119 = arith.mulf %div3A_97, %get3A_118 : vector<16xf32>
        %sub3A_120 = arith.subf %get3A_114, %mul3A_119 : vector<16xf32>
        %swap3A_121 = arith.index_cast %scan3A_88 : i32 to index
        %swap3A_122 = arith.constant 16 : index
        %swap3A_123 = tpu.vector_load %arg25[%swap3A_121, %swap3A_122] {strides = array<i32>} : memref<128x64xf32, #tpu.memory_space<vmem>>, vector<1x16xf32>,
        %swap3A_124 = vector.shape_cast %swap3A_123 : vector<1x16xf32> to vector<16xf32>
        %swap3A_125 = vector.shape_cast %sub3A_120 : vector<16xf32> to vector<1x16xf32>
        tpu.vector_store %arg25[%swap3A_121, %swap3A_122], %swap3A_125 {strides = array<i32>} : memref<128x64xf32, #tpu.memory_space<vmem>>, vector<1x16xf32>,
        %get3A_126 = arith.index_cast %scan3A_88 : i32 to index
        %get3A_127 = arith.constant 32 : index
        %get3A_128 = tpu.vector_load %arg24[%get3A_126, %get3A_127] {strides = array<i32>} : memref<128x64xf32, #tpu.memory_space<vmem>>, vector<1x16xf32>,
        %get3A_129 = vector.shape_cast %get3A_128 : vector<1x16xf32> to vector<16xf32>
        %get3A_130 = arith.index_cast %scan3A_88 : i32 to index
        %get3A_131 = arith.constant 32 : index
        %get3A_132 = tpu.vector_load %arg26[%get3A_130, %get3A_131] {strides = array<i32>} : memref<128x80xf32, #tpu.memory_space<vmem>>, vector<1x16xf32>,
        %get3A_133 = vector.shape_cast %get3A_132 : vector<1x16xf32> to vector<16xf32>
        %mul3A_134 = arith.mulf %div3A_97, %get3A_133 : vector<16xf32>
        %sub3A_135 = arith.subf %get3A_129, %mul3A_134 : vector<16xf32>
        %swap3A_136 = arith.index_cast %scan3A_88 : i32 to index
        %swap3A_137 = arith.constant 32 : index
        %swap3A_138 = tpu.vector_load %arg25[%swap3A_136, %swap3A_137] {strides = array<i32>} : memref<128x64xf32, #tpu.memory_space<vmem>>, vector<1x16xf32>,
        %swap3A_139 = vector.shape_cast %swap3A_138 : vector<1x16xf32> to vector<16xf32>
        %swap3A_140 = vector.shape_cast %sub3A_135 : vector<16xf32> to vector<1x16xf32>
        tpu.vector_store %arg25[%swap3A_136, %swap3A_137], %swap3A_140 {strides = array<i32>} : memref<128x64xf32, #tpu.memory_space<vmem>>, vector<1x16xf32>,
        %get3A_141 = arith.index_cast %scan3A_88 : i32 to index
        %get3A_142 = arith.constant 48 : index
        %get3A_143 = tpu.vector_load %arg24[%get3A_141, %get3A_142] {strides = array<i32>} : memref<128x64xf32, #tpu.memory_space<vmem>>, vector<1x16xf32>,
        %get3A_144 = vector.shape_cast %get3A_143 : vector<1x16xf32> to vector<16xf32>
        %get3A_145 = arith.index_cast %scan3A_88 : i32 to index
        %get3A_146 = arith.constant 48 : index
        %get3A_147 = tpu.vector_load %arg26[%get3A_145, %get3A_146] {strides = array<i32>} : memref<128x80xf32, #tpu.memory_space<vmem>>, vector<1x16xf32>,
        %get3A_148 = vector.shape_cast %get3A_147 : vector<1x16xf32> to vector<16xf32>
        %mul3A_149 = arith.mulf %div3A_97, %get3A_148 : vector<16xf32>
        %sub3A_150 = arith.subf %get3A_144, %mul3A_149 : vector<16xf32>
        %swap3A_151 = arith.index_cast %scan3A_88 : i32 to index
        %swap3A_152 = arith.constant 48 : index
        %swap3A_153 = tpu.vector_load %arg25[%swap3A_151, %swap3A_152] {strides = array<i32>} : memref<128x64xf32, #tpu.memory_space<vmem>>, vector<1x16xf32>,
        %swap3A_154 = vector.shape_cast %swap3A_153 : vector<1x16xf32> to vector<16xf32>
        %swap3A_155 = vector.shape_cast %sub3A_150 : vector<16xf32> to vector<1x16xf32>
        tpu.vector_store %arg25[%swap3A_151, %swap3A_152], %swap3A_155 {strides = array<i32>} : memref<128x64xf32, #tpu.memory_space<vmem>>, vector<1x16xf32>,
        %scan3A_156 = arith.constant 0 : i32
        scf.yield %scan3A_156 : i32
      }
      %scan3A_80 = arith.constant 128 : i32
      "tpu.region"() ({
        %run_scoped3A = tpu.sem_alloc : memref<!tpu.dma_semaphore, #tpu.memory_space<semaphore_mem>>
        %dma_start3A_88 = arith.constant 0 : i32
        %dma_start3A_89 = arith.constant 0 : i32
        %dma_start3A_90 = tpu.memref_slice %arg6[%dma_start3A_88, %dma_start3A_89] : memref<100000x64xf32, #tpu.memory_space<hbm>> -> memref<100000x64xf32, #tpu.memory_space<hbm>>
        tpu.enqueue_indirect_dma source(%arg25 : memref<128x64xf32, #tpu.memory_space<vmem>>) target(%dma_start3A_90 : memref<100000x64xf32, #tpu.memory_space<hbm>>) offsets(%arg13 : memref<128xi32, #tpu.memory_space<vmem>>) semaphore(%run_scoped3A : memref<!tpu.dma_semaphore, #tpu.memory_space<semaphore_mem>>)
        %dma_wait3A_91 = arith.constant 0 : i32
        %dma_wait3A_92 = arith.constant 0 : i32
        %dma_wait3A_93 = tpu.memref_slice %arg6[%dma_wait3A_91, %dma_wait3A_92] : memref<100000x64xf32, #tpu.memory_space<hbm>> -> memref<100000x64xf32, #tpu.memory_space<hbm>>
        tpu.wait_indirect_dma semaphore(%run_scoped3A : memref<!tpu.dma_semaphore, #tpu.memory_space<semaphore_mem>>) src(%arg25 : memref<128x64xf32, #tpu.memory_space<vmem>>) dst(%dma_wait3A_93 : memref<100000x64xf32, #tpu.memory_space<hbm>>)
        tpu.yield
      }) : () -> ()
      "tpu.region"() ({
        %run_scoped3A = tpu.sem_alloc : memref<!tpu.dma_semaphore, #tpu.memory_space<semaphore_mem>>
        %dma_start3A_88 = arith.constant 0 : i32
        %dma_start3A_89 = arith.constant 0 : i32
        %dma_start3A_90 = tpu.memref_slice %arg31[%dma_start3A_88, %dma_start3A_89] : memref<16384x80xf32, #tpu.memory_space<vmem_shared>> -> memref<16384x80xf32, #tpu.memory_space<vmem_shared>>
        tpu.enqueue_indirect_dma source(%dma_start3A_90 : memref<16384x80xf32, #tpu.memory_space<vmem_shared>>) target(%arg26 : memref<128x80xf32, #tpu.memory_space<vmem>>) offsets(%arg22 : memref<128xi32, #tpu.memory_space<vmem>>) semaphore(%run_scoped3A : memref<!tpu.dma_semaphore, #tpu.memory_space<semaphore_mem>>)
        %dma_wait3A_91 = arith.constant 0 : i32
        %dma_wait3A_92 = arith.constant 0 : i32
        %dma_wait3A_93 = tpu.memref_slice %arg31[%dma_wait3A_91, %dma_wait3A_92] : memref<16384x80xf32, #tpu.memory_space<vmem_shared>> -> memref<16384x80xf32, #tpu.memory_space<vmem_shared>>
        tpu.wait_indirect_dma semaphore(%run_scoped3A : memref<!tpu.dma_semaphore, #tpu.memory_space<semaphore_mem>>) src(%dma_wait3A_93 : memref<16384x80xf32, #tpu.memory_space<vmem_shared>>) dst(%arg26 : memref<128x80xf32, #tpu.memory_space<vmem>>)
        tpu.yield
      }) : () -> ()
      "tpu.region"() ({
        %run_scoped3A = tpu.sem_alloc : memref<!tpu.dma_semaphore, #tpu.memory_space<semaphore_mem>>
        %dma_start3A_88 = arith.constant 0 : i32
        %dma_start3A_89 = arith.constant 0 : i32
        %dma_start3A_90 = tpu.memref_slice %arg4[%dma_start3A_88, %dma_start3A_89] : memref<100000x64xf32, #tpu.memory_space<hbm>> -> memref<100000x64xf32, #tpu.memory_space<hbm>>
        tpu.enqueue_indirect_dma source(%dma_start3A_90 : memref<100000x64xf32, #tpu.memory_space<hbm>>) target(%arg24 : memref<128x64xf32, #tpu.memory_space<vmem>>) offsets(%arg14 : memref<128xi32, #tpu.memory_space<vmem>>) semaphore(%run_scoped3A : memref<!tpu.dma_semaphore, #tpu.memory_space<semaphore_mem>>)
        %dma_wait3A_91 = arith.constant 0 : i32
        %dma_wait3A_92 = arith.constant 0 : i32
        %dma_wait3A_93 = tpu.memref_slice %arg4[%dma_wait3A_91, %dma_wait3A_92] : memref<100000x64xf32, #tpu.memory_space<hbm>> -> memref<100000x64xf32, #tpu.memory_space<hbm>>
        tpu.wait_indirect_dma semaphore(%run_scoped3A : memref<!tpu.dma_semaphore, #tpu.memory_space<semaphore_mem>>) src(%dma_wait3A_93 : memref<100000x64xf32, #tpu.memory_space<hbm>>) dst(%arg24 : memref<128x64xf32, #tpu.memory_space<vmem>>)
        tpu.yield
      }) : () -> ()
      %scan3A_81 = arith.constant 0 : i32
      %scan3A_82 = arith.constant 0 : i32
      %scan3A_83 = arith.constant 128 : i32
      %scan3A_84 = arith.addi %scan3A_82, %scan3A_83 : i32
      %scan3A_85 = arith.constant 1 : i32
      %scan3A_86 = scf.for %scan3A_88 = %scan3A_82 to %scan3A_84 step %scan3A_85 iter_args(%scan3A_89 = %scan3A_81) -> (i32)  : i32 {
        %get3A = arith.index_cast %scan3A_88 : i32 to index
        %get3A_90 = arith.constant 64 : index
        %get3A_91 = tpu.vector_load %arg26[%get3A, %get3A_90] {strides = array<i32>} : memref<128x80xf32, #tpu.memory_space<vmem>>, vector<1x16xf32>,
        %get3A_92 = vector.shape_cast %get3A_91 : vector<1x16xf32> to vector<16xf32>
        %add3A_93 = arith.constant 1.000000e+00 : f32
        %add3A_94 = vector.broadcast %add3A_93 : f32 to vector<16xf32>
        %add3A_95 = arith.addf %add3A_94, %get3A_92 : vector<16xf32>
        %div3A = arith.constant 5.000000e-01 : f32
        %div3A_96 = vector.broadcast %div3A : f32 to vector<16xf32>
        %div3A_97 = arith.divf %div3A_96, %add3A_95 : vector<16xf32>
        %get3A_98 = arith.index_cast %scan3A_88 : i32 to index
        %get3A_99 = arith.constant 0 : index
        %get3A_100 = tpu.vector_load %arg24[%get3A_98, %get3A_99] {strides = array<i32>} : memref<128x64xf32, #tpu.memory_space<vmem>>, vector<1x16xf32>,
        %get3A_101 = vector.shape_cast %get3A_100 : vector<1x16xf32> to vector<16xf32>
        %get3A_102 = arith.index_cast %scan3A_88 : i32 to index
        %get3A_103 = arith.constant 0 : index
        %get3A_104 = tpu.vector_load %arg26[%get3A_102, %get3A_103] {strides = array<i32>} : memref<128x80xf32, #tpu.memory_space<vmem>>, vector<1x16xf32>,
        %get3A_105 = vector.shape_cast %get3A_104 : vector<1x16xf32> to vector<16xf32>
        %mul3A_106 = arith.mulf %div3A_97, %get3A_105 : vector<16xf32>
        %sub3A = arith.subf %get3A_101, %mul3A_106 : vector<16xf32>
        %swap3A = arith.index_cast %scan3A_88 : i32 to index
        %swap3A_107 = arith.constant 0 : index
        %swap3A_108 = tpu.vector_load %arg25[%swap3A, %swap3A_107] {strides = array<i32>} : memref<128x64xf32, #tpu.memory_space<vmem>>, vector<1x16xf32>,
        %swap3A_109 = vector.shape_cast %swap3A_108 : vector<1x16xf32> to vector<16xf32>
        %swap3A_110 = vector.shape_cast %sub3A : vector<16xf32> to vector<1x16xf32>
        tpu.vector_store %arg25[%swap3A, %swap3A_107], %swap3A_110 {strides = array<i32>} : memref<128x64xf32, #tpu.memory_space<vmem>>, vector<1x16xf32>,
        %get3A_111 = arith.index_cast %scan3A_88 : i32 to index
        %get3A_112 = arith.constant 16 : index
        %get3A_113 = tpu.vector_load %arg24[%get3A_111, %get3A_112] {strides = array<i32>} : memref<128x64xf32, #tpu.memory_space<vmem>>, vector<1x16xf32>,
        %get3A_114 = vector.shape_cast %get3A_113 : vector<1x16xf32> to vector<16xf32>
        %get3A_115 = arith.index_cast %scan3A_88 : i32 to index
        %get3A_116 = arith.constant 16 : index
        %get3A_117 = tpu.vector_load %arg26[%get3A_115, %get3A_116] {strides = array<i32>} : memref<128x80xf32, #tpu.memory_space<vmem>>, vector<1x16xf32>,
        %get3A_118 = vector.shape_cast %get3A_117 : vector<1x16xf32> to vector<16xf32>
        %mul3A_119 = arith.mulf %div3A_97, %get3A_118 : vector<16xf32>
        %sub3A_120 = arith.subf %get3A_114, %mul3A_119 : vector<16xf32>
        %swap3A_121 = arith.index_cast %scan3A_88 : i32 to index
        %swap3A_122 = arith.constant 16 : index
        %swap3A_123 = tpu.vector_load %arg25[%swap3A_121, %swap3A_122] {strides = array<i32>} : memref<128x64xf32, #tpu.memory_space<vmem>>, vector<1x16xf32>,
        %swap3A_124 = vector.shape_cast %swap3A_123 : vector<1x16xf32> to vector<16xf32>
        %swap3A_125 = vector.shape_cast %sub3A_120 : vector<16xf32> to vector<1x16xf32>
        tpu.vector_store %arg25[%swap3A_121, %swap3A_122], %swap3A_125 {strides = array<i32>} : memref<128x64xf32, #tpu.memory_space<vmem>>, vector<1x16xf32>,
        %get3A_126 = arith.index_cast %scan3A_88 : i32 to index
        %get3A_127 = arith.constant 32 : index
        %get3A_128 = tpu.vector_load %arg24[%get3A_126, %get3A_127] {strides = array<i32>} : memref<128x64xf32, #tpu.memory_space<vmem>>, vector<1x16xf32>,
        %get3A_129 = vector.shape_cast %get3A_128 : vector<1x16xf32> to vector<16xf32>
        %get3A_130 = arith.index_cast %scan3A_88 : i32 to index
        %get3A_131 = arith.constant 32 : index
        %get3A_132 = tpu.vector_load %arg26[%get3A_130, %get3A_131] {strides = array<i32>} : memref<128x80xf32, #tpu.memory_space<vmem>>, vector<1x16xf32>,
        %get3A_133 = vector.shape_cast %get3A_132 : vector<1x16xf32> to vector<16xf32>
        %mul3A_134 = arith.mulf %div3A_97, %get3A_133 : vector<16xf32>
        %sub3A_135 = arith.subf %get3A_129, %mul3A_134 : vector<16xf32>
        %swap3A_136 = arith.index_cast %scan3A_88 : i32 to index
        %swap3A_137 = arith.constant 32 : index
        %swap3A_138 = tpu.vector_load %arg25[%swap3A_136, %swap3A_137] {strides = array<i32>} : memref<128x64xf32, #tpu.memory_space<vmem>>, vector<1x16xf32>,
        %swap3A_139 = vector.shape_cast %swap3A_138 : vector<1x16xf32> to vector<16xf32>
        %swap3A_140 = vector.shape_cast %sub3A_135 : vector<16xf32> to vector<1x16xf32>
        tpu.vector_store %arg25[%swap3A_136, %swap3A_137], %swap3A_140 {strides = array<i32>} : memref<128x64xf32, #tpu.memory_space<vmem>>, vector<1x16xf32>,
        %get3A_141 = arith.index_cast %scan3A_88 : i32 to index
        %get3A_142 = arith.constant 48 : index
        %get3A_143 = tpu.vector_load %arg24[%get3A_141, %get3A_142] {strides = array<i32>} : memref<128x64xf32, #tpu.memory_space<vmem>>, vector<1x16xf32>,
        %get3A_144 = vector.shape_cast %get3A_143 : vector<1x16xf32> to vector<16xf32>
        %get3A_145 = arith.index_cast %scan3A_88 : i32 to index
        %get3A_146 = arith.constant 48 : index
        %get3A_147 = tpu.vector_load %arg26[%get3A_145, %get3A_146] {strides = array<i32>} : memref<128x80xf32, #tpu.memory_space<vmem>>, vector<1x16xf32>,
        %get3A_148 = vector.shape_cast %get3A_147 : vector<1x16xf32> to vector<16xf32>
        %mul3A_149 = arith.mulf %div3A_97, %get3A_148 : vector<16xf32>
        %sub3A_150 = arith.subf %get3A_144, %mul3A_149 : vector<16xf32>
        %swap3A_151 = arith.index_cast %scan3A_88 : i32 to index
        %swap3A_152 = arith.constant 48 : index
        %swap3A_153 = tpu.vector_load %arg25[%swap3A_151, %swap3A_152] {strides = array<i32>} : memref<128x64xf32, #tpu.memory_space<vmem>>, vector<1x16xf32>,
        %swap3A_154 = vector.shape_cast %swap3A_153 : vector<1x16xf32> to vector<16xf32>
        %swap3A_155 = vector.shape_cast %sub3A_150 : vector<16xf32> to vector<1x16xf32>
        tpu.vector_store %arg25[%swap3A_151, %swap3A_152], %swap3A_155 {strides = array<i32>} : memref<128x64xf32, #tpu.memory_space<vmem>>, vector<1x16xf32>,
        %scan3A_156 = arith.constant 0 : i32
        scf.yield %scan3A_156 : i32
      }
      %scan3A_87 = arith.constant 128 : i32
      "tpu.region"() ({
        %run_scoped3A = tpu.sem_alloc : memref<!tpu.dma_semaphore, #tpu.memory_space<semaphore_mem>>
        %dma_start3A_88 = arith.constant 0 : i32
        %dma_start3A_89 = arith.constant 0 : i32
        %dma_start3A_90 = tpu.memref_slice %arg6[%dma_start3A_88, %dma_start3A_89] : memref<100000x64xf32, #tpu.memory_space<hbm>> -> memref<100000x64xf32, #tpu.memory_space<hbm>>
        tpu.enqueue_indirect_dma source(%arg25 : memref<128x64xf32, #tpu.memory_space<vmem>>) target(%dma_start3A_90 : memref<100000x64xf32, #tpu.memory_space<hbm>>) offsets(%arg14 : memref<128xi32, #tpu.memory_space<vmem>>) semaphore(%run_scoped3A : memref<!tpu.dma_semaphore, #tpu.memory_space<semaphore_mem>>)
        %dma_wait3A_91 = arith.constant 0 : i32
        %dma_wait3A_92 = arith.constant 0 : i32
        %dma_wait3A_93 = tpu.memref_slice %arg6[%dma_wait3A_91, %dma_wait3A_92] : memref<100000x64xf32, #tpu.memory_space<hbm>> -> memref<100000x64xf32, #tpu.memory_space<hbm>>
        tpu.wait_indirect_dma semaphore(%run_scoped3A : memref<!tpu.dma_semaphore, #tpu.memory_space<semaphore_mem>>) src(%arg25 : memref<128x64xf32, #tpu.memory_space<vmem>>) dst(%dma_wait3A_93 : memref<100000x64xf32, #tpu.memory_space<hbm>>)
        tpu.yield
      }) : () -> ()
    } else {
    }
    return
  }
}

</mosaic_0001>

<sc_bundles>
// kernel: kernel.3.cloned.1.call-start
scs
__scs_entry_jumppad:
0x0: {  	(pc) =	sbr.rel $0x88, $3  }
0x1: {  	(tag) =	ssettag $0x0;
	lr =	simm.s32 $0x1  }
0x2: {  	[smem:$0x3F9E] =	sst lr;
	_ =	strace $0xD0000000  }
0x3: {  	_ = 	snop  }
0x4: {  	_ = 	snop  }
0x5: {  	_ = 	snop  }
0x6: {  	_ = 	snop  }
0x7: {  	_ = 	snop  }
__scs_overlays_trampoline_lowered:
0x8: {  	[smem:$0x3FAD] =	sst s0  }
0x9: {  	[smem:$0x3FAE] =	sst s1  }
0xa: {  	[smem:$0x3FAF] =	sst s2  }
0xb: {  	[smem:$0x3FB0] =	sst s3  }
0xc: {  	[smem:$0x3FB1] =	sst s4  }
0xd: {  	[smem:$0x3FB2] =	sst s5  }
0xe: {  	[smem:$0x3FB3] =	sst s6  }
0xf: {  	[smem:$0x3FB4] =	sst s7  }
0x10: {  	[smem:$0x3FB5] =	sst s8  }
0x11: {  	[smem:$0x3FB6] =	sst s9;
	s0 =	simm.s32 @!p0 $0x0  }
0x12: {  	s1 =	sld [smem:$0x3F9C];
	s0 =	simm.s32 @p0 $0x1  }
0x13: {  	[smem:$0x3FB7] =	sst s0;
	s0 =	simm.s32 @!p1 $0x0  }
0x14: {  	s2 =	sld [smem:$0x3F9B];
	s0 =	simm.s32 @p1 $0x1  }
0x15: {  	[smem:$0x3FB8] =	sst s0;
	s0 =	simm.s32 @!p2 $0x0  }
0x16: {  	s3 =	sld [smem:$0x3FDB];
	s0 =	simm.s32 @p2 $0x1  }
0x17: {  	s4 =	simm.s32 $0x1BF5;
	[smem:$0x3FBA] =	sst s0  }
0x18: {  	s0 =	sld [smem:$0x3F9D];
	_ =	swait.ge [sflag:s4], $0x0  }
0x19: {  	s7 =	sld [smem:$0x3F9E]  }
0x1a: {  	s8 =	sadd.s32 $0xFFFFE003, lr  }
0x1b: {  	s9 =	sadd.s32 $0xFFFFFEF7, lr;
	s5 =	simm.s32 $0xFFFFFFFF;
	p2 =	slt.u32 s8, $0xFFFFF086  }
0x1c: {  	p1 =	slt.u32 s9, $0xF7A;
	s5 =	simm.s32 @!p2 $0x0  }
0x1d: {  	s5 =	simm.s32 @p1 $0x1;
	p0 =	seq.s32 s7, s2  }
0x1e: {  	s7 =	smul.u32 @!p0 $0xF7A, s2;
	p2 =	seq.s32 @!p0 s5, $0x0  }
0x1f: {  	s9 =	smul.u32 $0xF7A, s1;
	s8 =	simm.s32 @!p0 $0x1BF5;
	p2 =	por !p2, p0  }
0x20: {  	[sflag:s8] =	ssyncset.s32 @!p0 $0xFFFFF086;
	s6 =	sadd.s32 @!p0 s3, s7;
	s7 =	simm.s32 @!p0 $0x108  }
0x21: {  	s3 =	sadd.s32 s3, s9;
	s6 =	sadd.s32 @!p0 $0x88, s6;
	s7 =	simm.s32 @p2 $0x1082  }
0x22: {  	[simem:s7], [sflag:s8] =	dma.local @!p0 [hbm:s6], $0xF7A  }
0x23: {  	s9 =	sor.u32 $0xD0000000, s2;
	s6 =	simm.s32 $0x108;
	_ =	swait.ge @!p0 [sflag:s8], $0x0  }
0x24: {  	s3 =	sadd.s32 $0x88, s3;
	s6 =	simm.s32 @!p1 $0x1082;
	[sflag:s4] =	ssyncset.s32 $0xFFFFF086  }
0x25: {  	[simem:s6], [sflag:s4] =	dma.local [hbm:s3], $0xF7A  }
0x26: {  	[smem:$0x3F9E] =	sst s1;
	(tag) =	ssettag s2;
	_ =	strace s9  }
0x27: {  	s1 =	sld [smem:$0x3FAE]  }
0x28: {  	s2 =	sld [smem:$0x3FAF]  }
0x29: {  	s4 =	sld [smem:$0x3FB1]  }
0x2a: {  	p0 =	seq.s32 s5, $0x0;
	s5 =	sld [smem:$0x3FB2]  }
0x2b: {  	s6 =	sld [smem:$0x3FB3]  }
0x2c: {  	s7 =	sld [smem:$0x3FB4]  }
0x2d: {  	s3 =	simm.s32 $0x108;
	s8 =	sld [smem:$0x3FB5]  }
0x2e: {  	s3 =	simm.s32 @!p0 $0x1082;
	s9 =	sld [smem:$0x3FB6]  }
0x2f: {  	lr =	sadd.s32 s0, s3;
	s0 =	sld [smem:$0x3FAD]  }
0x30: {  	s3 =	sld [smem:$0x3FB0]  }
0x31: {  	[smem:$0x3FB9] =	sst s10  }
0x32: {  	s10 =	sld [smem:$0x3FB7];
	_ =	sdelay $0x3  }
0x33: {  	p0 =	seq.s32 s10, $0x1;
	s10 =	sld [smem:$0x3FB9];
	_ =	sdelay $0x3  }
0x34: {  	[smem:$0x3FB9] =	sst s10  }
0x35: {  	s10 =	sld [smem:$0x3FB8];
	_ =	sdelay $0x3  }
0x36: {  	p1 =	seq.s32 s10, $0x1;
	s10 =	sld [smem:$0x3FB9];
	_ =	sdelay $0x3  }
0x37: {  	[smem:$0x3FB9] =	sst s10  }
0x38: {  	s10 =	sld [smem:$0x3FBA]  }
0x39: {  	_ = 	snop;
	(pc) =	sbr.ind lr, $3  }
0x3a: {  	_ = 	snop  }
0x3b: {  	_ = 	snop  }
0x3c: {  	p2 =	seq.s32 s10, $0x1;
	s10 =	sld [smem:$0x3FB9]  }
0x3d: {  	_ =	shalt  }
0x3e: {  	_ =	shalt  }
0x3f: {  	_ =	shalt  }
0x40: {  	_ =	shalt  }
0x41: {  	_ =	shalt  }
0x42: {  	_ =	shalt  }
0x43: {  	_ =	shalt  }
0x44: {  	_ =	shalt  }
0x45: {  	_ =	shalt  }
0x46: {  	_ =	shalt  }
0x47: {  	_ =	shalt  }
0x48: {  	_ =	shalt  }
0x49: {  	_ =	shalt  }
0x4a: {  	_ =	shalt  }
0x4b: {  	_ =	shalt  }
0x4c: {  	_ =	shalt  }
0x4d: {  	_ =	shalt  }
0x4e: {  	_ =	shalt  }
0x4f: {  	_ =	shalt  }
0x50: {  	_ =	shalt  }
0x51: {  	_ =	shalt  }
0x52: {  	_ =	shalt  }
0x53: {  	_ =	shalt  }
0x54: {  	_ =	shalt  }
0x55: {  	_ =	shalt  }
0x56: {  	_ =	shalt  }
0x57: {  	_ =	shalt  }
0x58: {  	_ =	shalt  }
0x59: {  	_ =	shalt  }
0x5a: {  	_ =	shalt  }
0x5b: {  	_ =	shalt  }
0x5c: {  	_ =	shalt  }
0x5d: {  	_ =	shalt  }
0x5e: {  	_ =	shalt  }
0x5f: {  	_ =	shalt  }
0x60: {  	_ =	shalt  }
0x61: {  	_ =	shalt  }
0x62: {  	_ =	shalt  }
0x63: {  	_ =	shalt  }
0x64: {  	_ =	shalt  }
0x65: {  	_ =	shalt  }
0x66: {  	_ =	shalt  }
0x67: {  	_ =	shalt  }
0x68: {  	_ =	shalt  }
0x69: {  	_ =	shalt  }
0x6a: {  	_ =	shalt  }
0x6b: {  	_ =	shalt  }
0x6c: {  	_ =	shalt  }
0x6d: {  	_ =	shalt  }
0x6e: {  	_ =	shalt  }
0x6f: {  	_ =	shalt  }
0x70: {  	_ =	shalt  }
0x71: {  	_ =	shalt  }
0x72: {  	_ =	shalt  }
0x73: {  	_ =	shalt  }
0x74: {  	_ =	shalt  }
0x75: {  	_ =	shalt  }
0x76: {  	_ =	shalt  }
0x77: {  	_ =	shalt  }
0x78: {  	_ =	shalt  }
0x79: {  	_ =	shalt  }
0x7a: {  	_ =	shalt  }
0x7b: {  	_ =	shalt  }
0x7c: {  	_ =	shalt  }
0x7d: {  	_ =	shalt  }
0x7e: {  	_ =	shalt  }
0x7f: {  	_ =	shalt  }
0x80: {  	_ =	shalt  }
0x81: {  	_ =	shalt  }
0x82: {  	_ =	shalt  }
0x83: {  	_ =	shalt  }
0x84: {  	_ =	shalt  }
0x85: {  	_ =	shalt  }
0x86: {  	_ =	shalt  }
0x87: {  	_ =	shalt  }
.Lfunc_end0:
.L_simem_size_0:
called_computation_lowered:
.L_overlay_start_0:
0x88: {  	s2 =	sld [smem:$0x3FD9]  }
0x89: {  	s3 =	sld [smem:$0x3FFE];
	_ =	sdelay $0x1  }
0x8a: {  	s1 =	srdreg.scid  }
0x8b: {  	s0 =	sand.u32 $0x1, s1  }
0x8c: {  	s14 =	sshll.u32 s0, $0xA;
	s2 =	sadd.s32 s3, s2  }
0x8d: {  	s2 =	sadd.s32 s2, s14  }
0x8e: {  	[smem:$0x3FC5] =	sst s2  }
0x8f: {  	_ = 	snop  }
0x90: {  	s2 =	sld [smem:$0x3FD0];
	_ =	sdelay $0x2  }
0x91: {  	s4 =	simm.s32 $0xA;
	s5 =	simm.s32 $0x10;
	s15 =	sld [smem:$0x3FC8]  }
0x92: {  	[smem:s5], [sflag:s4] =	dma.local [hbm:s2], $0x1  }
0x93: {  	_ =	swait.eq [sflag:s4], $0x1  }
0x94: {  	[sflag:s4] =	ssyncset.done $0x0  }
0x95: {  	s16 =	sld [smem:$0x10];
	[sflag:s4] =	ssyncadd.s32 $0xFFFFFFFF  }
0x96: {  	s17 =	sld [smem:$0x11];
	(tm) =	ssettm $0x1  }
0x97: {  	s18 =	sld [smem:$0x3FFB];
	_ =	sdelay $0x3  }
0x98: {  	_ =	strace s18  }
0x99: {  	s5 =	sld [smem:$0x3FFC];
	_ =	sdelay $0x3  }
0x9a: {  	_ =	strace s5  }
0x9b: {  	s5 =	sld [smem:$0x3FFD];
	_ =	sdelay $0x3  }
0x9c: {  	_ =	strace s5  }
0x9d: {  	_ =	strace $0x8FFFFFFF  }
0x9e: {  	s19 =	sld [smem:$0x3FDB];
	_ =	sdelay $0x1  }
0x9f: {  	s6 =	simm.s32 $_scs_section_size  }
0xa0: {  	s7 =	simm.s32 $_size__tile_overlayer_lowered;
	s8 =	simm.s32 $_tile_overlayer_lowered  }
0xa1: {  	s22 =	simm.s32 $0x1BFF;
	s21 =	sshll.u32 s8, $0x1;
	s5 =	sadd.s32 s6, s19  }
0xa2: {  	s9 =	simm.s32 $0x0;
	s20 =	sshll.u32 s7, $0x1;
	s7 =	sadd.s32 s21, s5  }
0xa3: {  	[timem:s9], [sflag:s22] =	dma.local [hbm:s7], s20  }
0xa4: {  	_ =	swait.ge [sflag:s22], s20  }
0xa5: {  	s6 =	ssub.s32 $0x0, s20;
	[sflag:s22] =	ssyncset.done $0x0  }
0xa6: {  	[sflag:s22] =	ssyncadd.s32 s6;
	_ =	sdelay $0x1  }
0xa7: {  	s23 =	simm.s32 $0x1B8B  }
0xa8: {  	_ =	swait.ge [sflag:s23], $0x1  }
0xa9: {  	[sflag:s23] =	ssyncset.done $0x0  }
0xaa: {  	s25 =	simm.s32 $0x1B8E;
	s24 =	sld [smem:$0x3FFE];
	[sflag:s23] =	ssyncadd.s32 $0xFFFFFFFF  }
0xab: {  	s26 =	simm.s32 $execute0_lowered;
	[smem:$0x3FD2] =	sst s25  }
0xac: {  	s7 =	sshll.u32 s26, $0x1;
	_ =	strace $0x80000046;
	[dreg:$0x1] =	wrdreg $0xFFFFFFFF  }
0xad: {  	s28 =	simm.s32 $_size_execute0_lowered;
	s5 =	sadd.s32 s5, s7;
	[dreg:$0x0] =	wrdreg $0x0  }
0xae: {  	s7 =	sshll.u32 s28, $0x1;
	[dreg:$0x2] =	wrdreg s5  }
0xaf: {  	[dreg:$0x3] =	wrdreg s7  }
0xb0: {  	[dreg:$0x4] =	wrdreg $0xC0  }
0xb1: {  	_ =	task [dreg:s9], $0x5FFFF  }
0xb2: {  	[dreg:$0x1] =	wrdreg $0xFFFFFFFF  }
0xb3: {  	[dreg:$0x0] =	wrdreg $0x60  }
0xb4: {  	[dreg:$0x2] =	wrdreg s24  }
0xb5: {  	[dreg:$0x3] =	wrdreg s15  }
0xb6: {  	[dreg:$0x4] =	wrdreg s17  }
0xb7: {  	[dreg:$0x5] =	wrdreg s16  }
0xb8: {  	[dreg:$0x6] =	wrdreg $0x9E900  }
0xb9: {  	[dreg:$0x7] =	wrdreg $0x85900  }
0xba: {  	[dreg:$0x8] =	wrdreg $0x1DE900  }
0xbb: {  	[dreg:$0x9] =	wrdreg $0x9  }
0xbc: {  	_ =	task.clear_ibuf [dreg:s9], $0xAFFFF;
	_ =	strace $0x90000046  }
0xbd: {  	s29 =	simm.s32 $0x9;
	_ =	strace $0x80000048  }
0xbe: {  	_ =	swait.ge [sflag:s29], $0x1  }
0xbf: {  	[sflag:s29] =	ssyncadd.s32 $0xFFFFFFFF  }
0xc0: {  	_ =	strace $0x90000048  }
0xc1: {  	_ =	sfence  }
0xc2: {  	s30 =	sld [smem:$0x0];
	_ =	sdelay $0x2  }
0xc3: {  	s31 =	sshll.u32 s1, $0xD;
	s1 =	sshrl.u32 s1, $0x2  }
0xc4: {  	s3 =	sand.u32 $0x4000, s31;
	s1 =	sadd.s32 s1, s30  }
0xc5: {  	s0 =	sor.u32 s3, s0;
	s1 =	sshll.u32 s1, $0x11  }
0xc6: {  	s0 =	sor.u32 s1, s0  }
0xc7: {  	s0 =	sadd.s32 $0x8F2B, s0  }
0xc8: {  	[sflag:s0] =	ssyncadd.remote.s32 $0x1  }
0xc9: {  	_ =	sfence.sel $0xFFFF  }
0xca: {  	[dreg:$0x0] =	wrdreg $0xFFFFFFFF;
	(pc) =	sbr.abs _section_cstart, $3  }
0xcb: {  	[dreg:$0x1] =	wrdreg $0xFFFFFFFF  }
0xcc: {  	_ =	task.clear_ibuf [dreg:s9], $0x2FFFF;
	_ =	strace $0x9FFFFFFF  }
0xcd: {  	(tm) =	ssettm $0x7FFFFFFF  }
tec
execute0_lowered:
.L_overlay_start_1:
0x0: {  	(tag) =	ssettag $0x1  }
0x1: {  	s8 =	rddreg [dreg:$0x0]  }
0x2: {  	s11 =	rddreg [dreg:$0x1]  }
0x3: {  	s0 =	srdreg.scid;
	s1 =	simm.s32 $0x0;
	s10 =	stileid.u32  }
0x4: {  	s12 =	sand.u32 $0x1, s0;
	[smem:$0x7FF] =	sst s1;
	s20 =	sshll.u32 s10, $0x1  }
0x5: {  	s14 =	sadd.s32 $0x800, s8;
	s3 =	sshll.u32 s10, $0xA;
	s13 =	sshll.u32 s10, $0x7  }
0x6: {  	p1 =	sne.s32 s10, $0x0;
	s0 =	ssub.s32 $0x2, s12;
	s1 =	sor.u32 s12, s20  }
0x7: {  	s9 =	sor.u32 $0x80, s3;
	s7 =	sor.u32 $0x100, s3;
	s6 =	sor.u32 $0x180, s3  }
0x8: {  	s5 =	sor.u32 $0x200, s3;
	s4 =	sor.u32 $0x280, s3;
	s21 =	sadd.s32 s11, s13  }
0x9: {  	p0 =	sne.s32 s12, $0x0;
	s31 =	sor.u32 $0x70, s3;
	s2 =	sshrl.u32 s0, $0x1  }
0xa: {  	s15 =	smul.u32 $0xC38, s1;
	s1 =	sor.u32 $0x300, s3;
	s16 =	sshrl.u32 s9, $0x3  }
0xb: {  	[dreg:$0x8] =	wrdreg s21;
	s23 =	sshrl.u32 s7, $0x3;
	s0 =	ssub.s32 s0, s2  }
0xc: {  	s25 =	sshrl.u32 s6, $0x3;
	s22 =	sadd.s32 s11, s16;
	[smem:$0x7FD] =	sst s0  }
0xd: {  	s26 =	sshrl.u32 s5, $0x3;
	s24 =	sadd.s32 s11, s23;
	[dreg:$0x9] =	wrdreg s22  }
0xe: {  	s17 =	sshrl.u32 s4, $0x3;
	s13 =	sadd.s32 s11, s25;
	[dreg:$0xa] =	wrdreg s24  }
0xf: {  	s2 =	sor.u32 $0x380, s3;
	s16 =	sadd.s32 s11, s26;
	[dreg:$0xb] =	wrdreg s13  }
0x10: {  	s18 =	sadd.s32 s11, s17;
	s19 =	sshrl.u32 s1, $0x3;
	[dreg:$0xc] =	wrdreg s16  }
0x11: {  	s23 =	sshll.u32 s10, $0xD;
	s25 =	sshll.u32 s9, $0x3;
	[dreg:$0xd] =	wrdreg s18  }
0x12: {  	s26 =	sshll.u32 s7, $0x3;
	s17 =	sshll.u32 s6, $0x3;
	s13 =	rddreg [dreg:$0x2]  }
0x13: {  	s21 =	sadd.s32 s11, s19;
	s18 =	sadd.s32 s14, s17;
	s17 =	rddreg [dreg:$0x4]  }
0x14: {  	s20 =	sshrl.u32 s2, $0x3;
	s24 =	sadd.s32 s14, s23;
	[dreg:$0xe] =	wrdreg s21  }
0x15: {  	s16 =	sadd.s32 s14, s26;
	s19 =	sshll.u32 s5, $0x3;
	[dreg:$0x10] =	wrdreg s24  }
0x16: {  	s0 =	smin.u32 s15, $0x17A68;
	s15 =	smul.u32 $0x50000, s10;
	[dreg:$0x12] =	wrdreg s16  }
0x17: {  	s23 =	sshll.u32 s1, $0x3;
	s29 =	smul.u32 $0x140, s2;
	[dreg:$0x13] =	wrdreg s18  }
0x18: {  	s22 =	sadd.s32 s11, s20;
	s20 =	sadd.s32 s14, s19;
	s19 =	rddreg [dreg:$0x5]  }
0x19: {  	s11 =	sadd.s32 s14, s25;
	s21 =	sshll.u32 s4, $0x3;
	[dreg:$0xf] =	wrdreg s22  }
0x1a: {  	s24 =	sadd.s32 s14, s23;
	s25 =	sshll.u32 s2, $0x3;
	[dreg:$0x11] =	wrdreg s11  }
0x1b: {  	s23 =	sadd.s32 $0x20800, s8;
	[dreg:$0x14] =	wrdreg s20;
	s22 =	sadd.s32 s14, s21  }
0x1c: {  	[dreg:$0x16] =	wrdreg s24;
	s26 =	sadd.s32 s14, s25;
	s11 =	sshll.u32 s0, $0x3  }
0x1d: {  	s14 =	sshll.u32 s10, $0x6;
	s20 =	sor.u32 $0x40, s3;
	s24 =	smul.u32 $0x140, s9  }
0x1e: {  	s10 =	sshll.u32 s10, $0x4;
	s0 =	sor.u32 $0x20, s3;
	[dreg:$0x15] =	wrdreg s22  }
0x1f: {  	[dreg:$0x17] =	wrdreg s26;
	s12 =	sadd.s32 s23, s11;
	s16 =	sadd.s32 s13, s11  }
0x20: {  	s18 =	sor.u32 $0x1C01, s14;
	_ =	strace $0x80000047;
	[dreg:$0x18] =	wrdreg s12  }
0x21: {  	v0 =	vlaneseq.u32;
	s21 =	smul.u32 $0x140, s20;
	s22 =	sshrl.u32 s15, $0x2;
	[dreg:$0x19] =	wrdreg s16  }
0x22: {  	v15 =	vor.u32 s7, v0;
	s15 =	smul.u32 $0x140, s7;
	s7 =	sor.u32 $0x350, s3;
	[dreg:$0x1a] =	wrdreg s18  }
0x23: {  	s18 =	sor.u32 $0xC0, s3;
	s25 =	sadd.s32 s22, s17;
	s16 =	sor.u32 $0x140, s3  }
0x24: {  	s12 =	sshrl.u32 s24, $0x2;
	v53 =	vor.u32 s7, v0;
	s7 =	simm.s32 $0x780;
	s26 =	smul.u32 $0x140, s18  }
0x25: {  	[dreg:$0x1b] =	wrdreg s25;
	s8 =	sshrl.u32 s21, $0x2;
	s21 =	smul.u32 $0x140, s16  }
0x26: {  	s22 =	sadd.s32 s12, s17;
	s12 =	sor.u32 $0x240, s3;
	v11 =	vor.u32 s18, v0;
	s18 =	sor.u32 $0x170, s3  }
0x27: {  	v19 =	vor.u32 s16, v0;
	s16 =	sor.u32 $0x250, s3;
	s14 =	sadd.s32 s8, s17;
	[dreg:$0x1d] =	wrdreg s22  }
0x28: {  	s8 =	sshrl.u32 s15, $0x2;
	v22 =	vor.u32 s18, v0;
	s18 =	sor.u32 $0x290, s3;
	v36 =	vor.u32 s16, v0;
	s16 =	sor.u32 $0x3D0, s3  }
0x29: {  	[dreg:$0x1c] =	wrdreg s14;
	s11 =	sshrl.u32 s26, $0x2;
	s25 =	sshrl.u32 s21, $0x2  }
0x2a: {  	s26 =	smul.u32 $0x140, s6;
	s14 =	sor.u32 $0x1C0, s3;
	s15 =	sadd.s32 s8, s17  }
0x2b: {  	v23 =	vor.u32 s6, v0;
	s6 =	sor.u32 $0x270, s3;
	v40 =	vor.u32 s18, v0;
	s18 =	sld [smem:$0x7FD];
	v61 =	vor.u32 s16, v0;
	s16 =	simm.s32 $0x480  }
0x2c: {  	s24 =	sadd.s32 s11, s17;
	[dreg:$0x1f] =	wrdreg s15;
	s22 =	smul.u32 $0x140, s14  }
0x2d: {  	s21 =	sadd.s32 s25, s17;
	s25 =	smul.u32 $0x140, s5;
	v27 =	vor.u32 s14, v0;
	s14 =	rddreg [dreg:$0x6]  }
0x2e: {  	v31 =	vor.u32 s5, v0;
	s11 =	sor.u32 $0x2C0, s3;
	s5 =	sor.u32 $0x330, s3;
	[dreg:$0x1e] =	wrdreg s24  }
0x2f: {  	v38 =	vor.u32 s6, v0;
	s6 =	sor.u32 $0x3B0, s3;
	[smem:$0x7F1] =	sst s21;
	s21 =	smul.u32 $0x140, s12  }
0x30: {  	s24 =	sshrl.u32 s26, $0x2;
	s28 =	smul.u32 $0x140, s11;
	v44 =	vor.u32 s11, v0;
	s11 =	simm.s32 $0x7190  }
0x31: {  	v35 =	vor.u32 s12, v0;
	s12 =	simm.s32 $0x2;
	v51 =	vor.u32 s5, v0;
	v59 =	vor.u32 s6, v0;
	s5 =	simm.s32 $0x680;
	s6 =	simm.s32 $0x700  }
0x32: {  	s26 =	sadd.s32 s24, s17;
	s8 =	sshrl.u32 s22, $0x2;
	s15 =	sshrl.u32 s25, $0x2  }
0x33: {  	v39 =	vor.u32 s4, v0;
	s22 =	smul.u32 $0x140, s4;
	s4 =	sadd.s32 s10, s14;
	s10 =	smax.u32 s18, $0x1  }
0x34: {  	s14 =	simm.s32 $0x80;
	s18 =	simm.s32 $0x180;
	[smem:$0x7F2] =	sst s26  }
0x35: {  	s8 =	sadd.s32 s8, s17;
	s24 =	sadd.s32 s15, s17;
	s25 =	sshrl.u32 s21, $0x2  }
0x36: {  	s26 =	smul.u32 $0x140, s1;
	s15 =	sor.u32 $0x340, s3;
	[smem:$0x7FC] =	sst s4  }
0x37: {  	s28 =	sshrl.u32 s28, $0x2;
	s4 =	simm.s32 $0x100;
	[smem:$0x7F3] =	sst s8  }
0x38: {  	[smem:$0x7F4] =	sst s24;
	s8 =	sadd.s32 s25, s17;
	s22 =	sshrl.u32 s22, $0x2  }
0x39: {  	s24 =	smul.u32 $0x140, s15;
	v52 =	vor.u32 s15, v0;
	s15 =	simm.s32 $0x2880;
	[smem:$0x7F5] =	sst s8  }
0x3a: {  	s25 =	sadd.s32 s22, s17;
	s8 =	sor.u32 $0x3C0, s3;
	s21 =	sshrl.u32 s26, $0x2  }
0x3b: {  	s26 =	sadd.s32 s28, s17;
	s28 =	sor.u32 $0x30, s3;
	[smem:$0x7F6] =	sst s25  }
0x3c: {  	s30 =	smul.u32 $0x140, s8;
	[smem:$0x7F7] =	sst s26;
	s21 =	sadd.s32 s21, s17  }
0x3d: {  	s22 =	sshrl.u32 s24, $0x2;
	s25 =	sshrl.u32 s29, $0x2;
	s29 =	sor.u32 $0x50, s3  }
0x3e: {  	v60 =	vor.u32 s8, v0;
	s8 =	simm.s32 $0x1;
	[smem:$0x7F8] =	sst s21;
	s24 =	sadd.s32 s22, s17  }
0x3f: {  	s22 =	sor.u32 $0xB0, s3;
	s21 =	sor.u32 $0x190, s3;
	[smem:$0x7F9] =	sst s24  }
0x40: {  	s26 =	sshrl.u32 s30, $0x2;
	s24 =	sadd.s32 s25, s17;
	s30 =	sor.u32 $0x60, s3  }
0x41: {  	v10 =	vor.u32 s22, v0;
	s22 =	sor.u32 $0x1B0, s3;
	v24 =	vor.u32 s21, v0;
	s21 =	sor.u32 $0x2D0, s3;
	[smem:$0x7FA] =	sst s24  }
0x42: {  	v41 =	vor.u32 s3, v0;
	v48 =	vor.u32 s1, v0;
	v56 =	vor.u32 s2, v0;
	s25 =	sadd.s32 s26, s17;
	s26 =	sor.u32 $0x10, s3;
	s24 =	sor.u32 $0x90, s3  }
0x43: {  	v26 =	vor.u32 s22, v0;
	s22 =	sor.u32 $0x2F0, s3;
	v45 =	vor.u32 s21, v0;
	s21 =	simm.s32 $0x200;
	[smem:$0x7FB] =	sst s25;
	v1 =	vor.u32 s26, v0  }
0x44: {  	s25 =	sor.u32 $0xA0, s3;
	s26 =	sor.u32 $0xD0, s3;
	v8 =	vor.u32 s24, v0;
	s24 =	sor.u32 $0x150, s3;
	v47 =	vor.u32 s22, v0;
	[tilespmem:$0x1FF80] =	vst v1;
	v1 =	vor.u32 s0, v0  }
0x45: {  	s22 =	simm.s32 $0x4880;
	s0 =	sor.u32 $0xF0, s3;
	v9 =	vor.u32 s25, v0;
	s25 =	sor.u32 $0x1A0, s3;
	v12 =	vor.u32 s26, v0;
	v20 =	vor.u32 s24, v0  }
0x46: {  	s26 =	sor.u32 $0x1D0, s3;
	s24 =	sor.u32 $0x260, s3;
	[tilespmem:$0x1FF90] =	vst v1;
	v1 =	vor.u32 s28, v0;
	s28 =	sor.u32 $0xE0, s3;
	v14 =	vor.u32 s0, v0;
	v25 =	vor.u32 s25, v0  }
0x47: {  	s0 =	sor.u32 $0x1F0, s3;
	s25 =	sor.u32 $0x2E0, s3;
	v28 =	vor.u32 s26, v0;
	s26 =	sor.u32 $0x320, s3;
	v37 =	vor.u32 s24, v0;
	[tilespmem:$0x1FFA0] =	vst v1;
	v1 =	vor.u32 s20, v0  }
0x48: {  	s24 =	sor.u32 $0x3E0, s3;
	v13 =	vor.u32 s28, v0;
	s28 =	sor.u32 $0x1E0, s3;
	s20 =	sor.u32 $0x2B0, s3;
	v30 =	vor.u32 s0, v0;
	v46 =	vor.u32 s25, v0  }
0x49: {  	s0 =	sor.u32 $0x360, s3;
	v50 =	vor.u32 s26, v0;
	s26 =	simm.s32 $0x300;
	s25 =	simm.s32 $0x380;
	v62 =	vor.u32 s24, v0;
	[tilespmem:$0x1FFB0] =	vst v1;
	v1 =	vor.u32 s29, v0  }
0x4a: {  	s24 =	simm.s32 $0x580;
	s29 =	sor.u32 $0x110, s3;
	v29 =	vor.u32 s28, v0;
	s28 =	sor.u32 $0x310, s3;
	v43 =	vor.u32 s20, v0;
	v54 =	vor.u32 s0, v0  }
0x4b: {  	s20 =	simm.s32 $0x880;
	[tilespmem:$0x1FFC0] =	vst v1;
	v1 =	vor.u32 s30, v0;
	s30 =	sor.u32 $0x120, s3;
	v16 =	vor.u32 s29, v0;
	s29 =	sor.u32 $0x210, s3;
	v49 =	vor.u32 s28, v0  }
.Ltmp0:
0x4c: {  	[tilespmem:$0x1FFD0] =	vst v1;
	v1 =	vor.u32 s31, v0;
	s31 =	sor.u32 $0x160, s3;
	v17 =	vor.u32 s30, v0;
	s30 =	sor.u32 $0x220, s3;
	v32 =	vor.u32 s29, v0;
	(pc) =	sbr.rel .LBB2_1-.Ltmp0, $4  }
0x4d: {  	s29 =	sor.u32 $0x390, s3;
	[tilespmem:$0x1FFE0] =	vst v1;
	v1 =	vor.u32 s9, v0;
	s9 =	sor.u32 $0x130, s3;
	v21 =	vor.u32 s31, v0;
	s31 =	sor.u32 $0x2A0, s3;
	v33 =	vor.u32 s30, v0  }
0x4e: {  	s28 =	simm.s32 $0x280;
	s30 =	sor.u32 $0x3A0, s3;
	v57 =	vor.u32 s29, v0;
	v18 =	vor.u32 s9, v0;
	s9 =	sor.u32 $0x230, s3;
	v42 =	vor.u32 s31, v0  }
0x4f: {  	s29 =	simm.s32 $0x600;
	[tilespmem:$0x1FFF0] =	vst v1;
	v58 =	vor.u32 s30, v0;
	v1 =	vimm.f32 $1.000000000e+00;
	v34 =	vor.u32 s9, v0;
	s9 =	sor.u32 $0x370, s3;
	s3 =	sor.u32 $0x3F0, s3  }
0x50: {  	s31 =	simm.s32 $0x800;
	s30 =	simm.s32 $0x500;
	v55 =	vor.u32 s9, v0;
	v63 =	vor.u32 s3, v0;
	v0 =	vimm.f32 $0.0e+00;
	s9 =	simm.s32 $0x0  }
.LBB2_39:
0x51: {  	v2 =	vadd.f32 $1.000000000e+00, v2;
	_ =	sdelay $0x1  }
0x52: {  	(erf) = vrcp.f32 v2;
	_ =	sdelay $0x6  }
0x53: {  	v2 =	vld [tilespmem:s0+$0xFFFFFFE0]  }
0x54: {  	s1 =	sshra.s32 s1, $0x2  }
0x55: {  	v3 =	vld [tilespmem:s1+$0x880];
	v4 =	vpop (erf)  }
0x56: {  	v4 =	vmul.f32 $5.000000000e-01, v4;
	_ =	sdelay $0x1  }
0x57: {  	v2 =	vmul.f32 v4, v2;
	_ =	sdelay $0x1  }
0x58: {  	v2 =	vsub.f32 v3, v2;
	_ =	sdelay $0x1  }
0x59: {  	[tilespmem:s1+$0x2880] =	vst v2  }
0x5a: {  	v2 =	vld [tilespmem:s0+$0xFFFFFFF0];
	_ =	sdelay $0x1  }
0x5b: {  	v3 =	vld [tilespmem:s1+$0x890];
	_ =	sdelay $0x2  }
0x5c: {  	v2 =	vmul.f32 v2, v4;
	_ =	sdelay $0x1  }
0x5d: {  	v2 =	vsub.f32 v3, v2;
	_ =	sdelay $0x1  }
0x5e: {  	[tilespmem:s1+$0x2890] =	vst v2  }
0x5f: {  	v2 =	vld [tilespmem:s0+$0x0];
	_ =	sdelay $0x1  }
0x60: {  	v3 =	vld [tilespmem:s1+$0x8A0];
	_ =	sdelay $0x2  }
0x61: {  	v2 =	vmul.f32 v2, v4;
	_ =	sdelay $0x1  }
0x62: {  	v2 =	vsub.f32 v3, v2;
	_ =	sdelay $0x1  }
0x63: {  	[tilespmem:s1+$0x28A0] =	vst v2  }
0x64: {  	v2 =	vld [tilespmem:s0+$0x10];
	_ =	sdelay $0x1  }
0x65: {  	v3 =	vld [tilespmem:s1+$0x8B0];
	_ =	sdelay $0x2  }
0x66: {  	v2 =	vmul.f32 v2, v4;
	_ =	sdelay $0x1  }
0x67: {  	v2 =	vsub.f32 v3, v2;
	_ =	sdelay $0x1  }
0x68: {  	[tilespmem:s1+$0x28B0] =	vst v2  }
0x69: {  	[hbm4b:s23+s14] =	stream.indirect.scatter [tilespmem:s15], [sflag:$0x2], $0x40, s25, s14, $0xb8;
	[tilespmem:$0x1DEA0] =	vst v63  }
0x6a: {  	_ =	swait.ge [sflag:s12], $0x2000  }
0x6b: {  	[sflag:s12] =	ssyncset.done $0x0  }
0x6c: {  	[sflag:s12] =	ssyncadd.s32 $0xFFFFE000  }
.LBB2_40:
0x6d: {  	s9 =	sadd.s32 $0x1, s9  }
0x6e: {  	p2 =	sne.s32 s9, s10  }
.Ltmp1:
0x6f: {  	_ = 	snop;
	(pc) =	sbr.rel @!p2 .LBB2_41-.Ltmp1, $1  }
0x70: {  	_ =	sdelay $0x3  }
.LBB2_1:
.Ltmp2:
0x71: {  	(pc) =	sbr.rel @p0 .LBB2_21-.Ltmp2, $4  }
0x72: {  	s0 =	rddreg [dreg:$0x18]  }
0x73: {  	s1 =	rddreg [dreg:$0x19]  }
0x74: {  	s2 =	rddreg [dreg:$0x1a]  }
0x75: {  	[hbm:s0], [sflag:s2] =	dma.local [hbm:s1], $0x61C0  }
0x76: {  	s0 =	simm.s32 $0x0  }
0x77: {  	s0 =	smul.u32 $0xCCCD, s0;
	_ =	sdelay $0x1  }
0x78: {  	s1 =	sshrl.u32 s0, $0x12  }
0x79: {  	s2 =	simm.s32 $0x0;
	s0 =	simm.s32 $0x1;
	s3 =	smul.u32 $0x5, s1  }
.LBB2_3:
0x7a: {  	s16 =	smul.u32 $0xCCCD, s0  }
0x7b: {  	s24 =	smov.u32 s0;
	s1 =	smul.u32 $0x140, s1;
	p2 =	sne.s32 s0, $0x13F  }
.Ltmp3:
0x7c: {  	s2 =	ssub.s32 s2, s3;
	(pc) =	sbr.rel @p2 .LBB2_3-.Ltmp3, $4  }
0x7d: {  	s0 =	sadd.s32 $0x1, s0;
	s2 =	sand.u32 $0xFFFF, s2  }
0x7e: {  	s3 =	sshrl.u32 s1, $0x2;
	s30 =	sshll.u32 s2, $0x4;
	s2 =	smov.u32 s24  }
0x7f: {  	s1 =	sshrl.u32 s16, $0x12;
	s16 =	sadd.s32 s30, s3  }
0x80: {  	s3 =	smul.u32 $0x5, s1;
	[tilespmem:s16+$0x7190] =	vst v0  }
0x81: {  	_ = 	snop  }
0x82: {  	s1 =	smul.u32 $0x140, s1;
	s0 =	ssub.s32 s2, s3  }
0x83: {  	s0 =	sand.u32 $0xFFFF, s0  }
0x84: {  	s1 =	sshrl.u32 s1, $0x2;
	s0 =	sshll.u32 s0, $0x4  }
0x85: {  	s0 =	sadd.s32 s0, s1  }
0x86: {  	s2 =	rddreg [dreg:$0x1b];
	[tilespmem:s0+$0x7190] =	vst v0  }
0x87: {  	[spmem:s2] =	stream.linear.scatter [tilespmem:s11], [sflag:$0x2], $0x1400, $0x38;
	[tilespmem:$0x1DEA0] =	vst v63  }
0x88: {  	_ =	swait.ge [sflag:s12], $0x1400  }
0x89: {  	[sflag:s12] =	ssyncset.done $0x0  }
0x8a: {  	s3 =	rddreg [dreg:$0x1c];
	[sflag:s12] =	ssyncadd.s32 $0xFFFFEC00  }
0x8b: {  	[spmem:s3] =	stream.linear.scatter [tilespmem:s11], [sflag:$0x2], $0x1400, $0x38;
	[tilespmem:$0x1DEA0] =	vst v63  }
0x8c: {  	_ =	swait.ge [sflag:s12], $0x1400  }
0x8d: {  	[sflag:s12] =	ssyncset.done $0x0  }
0x8e: {  	s16 =	rddreg [dreg:$0x1d];
	[sflag:s12] =	ssyncadd.s32 $0xFFFFEC00  }
0x8f: {  	[spmem:s16] =	stream.linear.scatter [tilespmem:s11], [sflag:$0x2], $0x1400, $0x38;
	[tilespmem:$0x1DEA0] =	vst v63  }
0x90: {  	_ =	swait.ge [sflag:s12], $0x1400  }
0x91: {  	[sflag:s12] =	ssyncset.done $0x0  }
0x92: {  	s24 =	rddreg [dreg:$0x1e];
	[sflag:s12] =	ssyncadd.s32 $0xFFFFEC00  }
0x93: {  	[spmem:s24] =	stream.linear.scatter [tilespmem:s11], [sflag:$0x2], $0x1400, $0x38;
	[tilespmem:$0x1DEA0] =	vst v63  }
0x94: {  	_ =	swait.ge [sflag:s12], $0x1400  }
0x95: {  	[sflag:s12] =	ssyncset.done $0x0  }
0x96: {  	s30 =	rddreg [dreg:$0x1f];
	[sflag:s12] =	ssyncadd.s32 $0xFFFFEC00  }
0x97: {  	[spmem:s30] =	stream.linear.scatter [tilespmem:s11], [sflag:$0x2], $0x1400, $0x38;
	[tilespmem:$0x1DEA0] =	vst v63  }
0x98: {  	_ =	swait.ge [sflag:s12], $0x1400  }
0x99: {  	s1 =	sld [smem:$0x7F1]  }
0x9a: {  	[sflag:s12] =	ssyncset.done $0x0  }
0x9b: {  	[sflag:s12] =	ssyncadd.s32 $0xFFFFEC00  }
0x9c: {  	[spmem:s1] =	stream.linear.scatter [tilespmem:s11], [sflag:$0x2], $0x1400, $0x38;
	[tilespmem:$0x1DEA0] =	vst v63  }
0x9d: {  	_ =	swait.ge [sflag:s12], $0x1400  }
0x9e: {  	s2 =	sld [smem:$0x7F2]  }
0x9f: {  	[sflag:s12] =	ssyncset.done $0x0  }
0xa0: {  	[sflag:s12] =	ssyncadd.s32 $0xFFFFEC00  }
0xa1: {  	[spmem:s2] =	stream.linear.scatter [tilespmem:s11], [sflag:$0x2], $0x1400, $0x38;
	[tilespmem:$0x1DEA0] =	vst v63  }
0xa2: {  	_ =	swait.ge [sflag:s12], $0x1400  }
0xa3: {  	s3 =	sld [smem:$0x7F3]  }
0xa4: {  	[sflag:s12] =	ssyncset.done $0x0  }
0xa5: {  	[sflag:s12] =	ssyncadd.s32 $0xFFFFEC00  }
0xa6: {  	[spmem:s3] =	stream.linear.scatter [tilespmem:s11], [sflag:$0x2], $0x1400, $0x38;
	[tilespmem:$0x1DEA0] =	vst v63  }
0xa7: {  	_ =	swait.ge [sflag:s12], $0x1400  }
0xa8: {  	s16 =	sld [smem:$0x7F4]  }
0xa9: {  	[sflag:s12] =	ssyncset.done $0x0  }
0xaa: {  	[sflag:s12] =	ssyncadd.s32 $0xFFFFEC00  }
0xab: {  	[spmem:s16] =	stream.linear.scatter [tilespmem:s11], [sflag:$0x2], $0x1400, $0x38;
	[tilespmem:$0x1DEA0] =	vst v63  }
0xac: {  	_ =	swait.ge [sflag:s12], $0x1400  }
0xad: {  	s24 =	sld [smem:$0x7F5]  }
0xae: {  	[sflag:s12] =	ssyncset.done $0x0  }
0xaf: {  	[sflag:s12] =	ssyncadd.s32 $0xFFFFEC00  }
0xb0: {  	[spmem:s24] =	stream.linear.scatter [tilespmem:s11], [sflag:$0x2], $0x1400, $0x38;
	[tilespmem:$0x1DEA0] =	vst v63  }
0xb1: {  	_ =	swait.ge [sflag:s12], $0x1400  }
0xb2: {  	s30 =	sld [smem:$0x7F6]  }
0xb3: {  	[sflag:s12] =	ssyncset.done $0x0  }
0xb4: {  	[sflag:s12] =	ssyncadd.s32 $0xFFFFEC00  }
0xb5: {  	[spmem:s30] =	stream.linear.scatter [tilespmem:s11], [sflag:$0x2], $0x1400, $0x38;
	[tilespmem:$0x1DEA0] =	vst v63  }
0xb6: {  	_ =	swait.ge [sflag:s12], $0x1400  }
0xb7: {  	s1 =	sld [smem:$0x7F7]  }
0xb8: {  	[sflag:s12] =	ssyncset.done $0x0  }
0xb9: {  	[sflag:s12] =	ssyncadd.s32 $0xFFFFEC00  }
0xba: {  	[spmem:s1] =	stream.linear.scatter [tilespmem:s11], [sflag:$0x2], $0x1400, $0x38;
	[tilespmem:$0x1DEA0] =	vst v63  }
0xbb: {  	_ =	swait.ge [sflag:s12], $0x1400  }
0xbc: {  	s2 =	sld [smem:$0x7F8]  }
0xbd: {  	[sflag:s12] =	ssyncset.done $0x0  }
0xbe: {  	[sflag:s12] =	ssyncadd.s32 $0xFFFFEC00  }
0xbf: {  	[spmem:s2] =	stream.linear.scatter [tilespmem:s11], [sflag:$0x2], $0x1400, $0x38;
	[tilespmem:$0x1DEA0] =	vst v63  }
0xc0: {  	_ =	swait.ge [sflag:s12], $0x1400  }
0xc1: {  	s3 =	sld [smem:$0x7F9]  }
0xc2: {  	[sflag:s12] =	ssyncset.done $0x0  }
0xc3: {  	[sflag:s12] =	ssyncadd.s32 $0xFFFFEC00  }
0xc4: {  	[spmem:s3] =	stream.linear.scatter [tilespmem:s11], [sflag:$0x2], $0x1400, $0x38;
	[tilespmem:$0x1DEA0] =	vst v63  }
0xc5: {  	_ =	swait.ge [sflag:s12], $0x1400  }
0xc6: {  	s16 =	sld [smem:$0x7FA]  }
0xc7: {  	[sflag:s12] =	ssyncset.done $0x0  }
0xc8: {  	[sflag:s12] =	ssyncadd.s32 $0xFFFFEC00  }
0xc9: {  	[spmem:s16] =	stream.linear.scatter [tilespmem:s11], [sflag:$0x2], $0x1400, $0x38;
	[tilespmem:$0x1DEA0] =	vst v63  }
0xca: {  	_ =	swait.ge [sflag:s12], $0x1400  }
0xcb: {  	s24 =	sld [smem:$0x7FB]  }
0xcc: {  	[sflag:s12] =	ssyncset.done $0x0  }
0xcd: {  	[sflag:s12] =	ssyncadd.s32 $0xFFFFEC00  }
0xce: {  	[spmem:s24] =	stream.linear.scatter [tilespmem:s11], [sflag:$0x2], $0x1400, $0x38;
	[tilespmem:$0x1DEA0] =	vst v63  }
0xcf: {  	_ =	swait.ge [sflag:s12], $0x1400  }
0xd0: {  	[sflag:s12] =	ssyncset.done $0x0  }
0xd1: {  	s0 =	simm.s32 $0x0;
	s30 =	rddreg [dreg:$0x8];
	[sflag:s12] =	ssyncadd.s32 $0xFFFFEC00  }
0xd2: {  	[tilespmem:s0], [sflag:$0x2] =	stream.linear.gather [hbm4b:s30+s0], $0x80, $0x38;
	[tilespmem:$0x1DEA0] =	vst v63  }
0xd3: {  	_ =	swait.ge [sflag:s12], $0x80  }
0xd4: {  	[sflag:s12] =	ssyncset.done $0x0  }
0xd5: {  	s2 =	rddreg [dreg:$0x9];
	[sflag:s12] =	ssyncadd.s32 $0xFFFFFF80  }
0xd6: {  	[tilespmem:s14], [sflag:$0x2] =	stream.linear.gather [hbm4b:s2+s0], $0x80, $0x38;
	[tilespmem:$0x1DEA0] =	vst v63  }
0xd7: {  	_ =	swait.ge [sflag:s12], $0x80  }
0xd8: {  	[sflag:s12] =	ssyncset.done $0x0  }
0xd9: {  	s3 =	rddreg [dreg:$0xa];
	[sflag:s12] =	ssyncadd.s32 $0xFFFFFF80  }
0xda: {  	[tilespmem:s4], [sflag:$0x2] =	stream.linear.gather [hbm4b:s3+s0], $0x80, $0x38;
	[tilespmem:$0x1DEA0] =	vst v63  }
0xdb: {  	_ =	swait.ge [sflag:s12], $0x80  }
0xdc: {  	[sflag:s12] =	ssyncset.done $0x0  }
0xdd: {  	s16 =	rddreg [dreg:$0xb];
	[sflag:s12] =	ssyncadd.s32 $0xFFFFFF80  }
0xde: {  	[tilespmem:s18], [sflag:$0x2] =	stream.linear.gather [hbm4b:s16+s0], $0x80, $0x38;
	[tilespmem:$0x1DEA0] =	vst v63  }
0xdf: {  	_ =	swait.ge [sflag:s12], $0x80  }
0xe0: {  	[sflag:s12] =	ssyncset.done $0x0  }
0xe1: {  	s24 =	rddreg [dreg:$0xc];
	[sflag:s12] =	ssyncadd.s32 $0xFFFFFF80  }
0xe2: {  	[tilespmem:s21], [sflag:$0x2] =	stream.linear.gather [hbm4b:s24+s0], $0x80, $0x38;
	[tilespmem:$0x1DEA0] =	vst v63  }
0xe3: {  	_ =	swait.ge [sflag:s12], $0x80  }
0xe4: {  	[sflag:s12] =	ssyncset.done $0x0  }
0xe5: {  	s30 =	rddreg [dreg:$0xd];
	[sflag:s12] =	ssyncadd.s32 $0xFFFFFF80  }
0xe6: {  	[tilespmem:s28], [sflag:$0x2] =	stream.linear.gather [hbm4b:s30+s0], $0x80, $0x38;
	[tilespmem:$0x1DEA0] =	vst v63  }
0xe7: {  	_ =	swait.ge [sflag:s12], $0x80  }
0xe8: {  	[sflag:s12] =	ssyncset.done $0x0  }
0xe9: {  	s2 =	rddreg [dreg:$0xe];
	[sflag:s12] =	ssyncadd.s32 $0xFFFFFF80  }
0xea: {  	[tilespmem:s26], [sflag:$0x2] =	stream.linear.gather [hbm4b:s2+s0], $0x80, $0x38;
	[tilespmem:$0x1DEA0] =	vst v63  }
0xeb: {  	_ =	swait.ge [sflag:s12], $0x80  }
0xec: {  	[sflag:s12] =	ssyncset.done $0x0  }
0xed: {  	s3 =	rddreg [dreg:$0xf];
	[sflag:s12] =	ssyncadd.s32 $0xFFFFFF80  }
0xee: {  	[tilespmem:s25], [sflag:$0x2] =	stream.linear.gather [hbm4b:s3+s0], $0x80, $0x38;
	[tilespmem:$0x1DEA0] =	vst v63  }
0xef: {  	_ =	swait.ge [sflag:s12], $0x80  }
0xf0: {  	v2 =	vld [tilespmem:$0x1FF80];
	_ =	sdelay $0x2  }
0xf1: {  	[sflag:s12] =	ssyncset.done $0x0  }
0xf2: {  	[sflag:s12] =	ssyncadd.s32 $0xFFFFFF80  }
0xf3: {  	[tilespmem:$0x810] =	vst v2;
	v2 =	vld [tilespmem:$0x1FF90];
	_ =	sdelay $0x4  }
0xf4: {  	[tilespmem:$0x820] =	vst v2;
	v2 =	vld [tilespmem:$0x1FFA0];
	_ =	sdelay $0x4  }
0xf5: {  	[tilespmem:$0x830] =	vst v2;
	v2 =	vld [tilespmem:$0x1FFB0];
	_ =	sdelay $0x4  }
0xf6: {  	[tilespmem:$0x840] =	vst v2;
	v2 =	vld [tilespmem:$0x1FFC0];
	_ =	sdelay $0x4  }
0xf7: {  	[tilespmem:$0x850] =	vst v2;
	v2 =	vld [tilespmem:$0x1FFD0];
	_ =	sdelay $0x4  }
0xf8: {  	[tilespmem:$0x860] =	vst v2;
	v2 =	vld [tilespmem:$0x1FFE0];
	_ =	sdelay $0x3  }
0xf9: {  	[tilespmem:$0x800] =	vst v41  }
0xfa: {  	[tilespmem:$0x870] =	vst v2  }
0xfb: {  	[spmem:s19] =	stream.indirect.scatter [tilespmem:s31], [sflag:$0x2], $0x1, s0, s14, $0xb8;
	[tilespmem:$0x1DEA0] =	vst v63  }
0xfc: {  	_ =	swait.ge [sflag:s12], $0x80  }
0xfd: {  	[sflag:s12] =	ssyncset.done $0x0  }
0xfe: {  	[sflag:s12] =	ssyncadd.s32 $0xFFFFFF80  }
0xff: {  	[tilespmem:$0x810] =	vst v8  }
0x100: {  	[tilespmem:$0x820] =	vst v9  }
0x101: {  	v2 =	vld [tilespmem:$0x1FFF0];
	[tilespmem:$0x830] =	vst v10  }
0x102: {  	[tilespmem:$0x840] =	vst v11  }
0x103: {  	[tilespmem:$0x850] =	vst v12  }
0x104: {  	[tilespmem:$0x860] =	vst v13  }
0x105: {  	[tilespmem:$0x870] =	vst v14  }
0x106: {  	[tilespmem:$0x800] =	vst v2  }
0x107: {  	[spmem:s19] =	stream.indirect.scatter [tilespmem:s31], [sflag:$0x2], $0x1, s14, s14, $0xb8;
	[tilespmem:$0x1DEA0] =	vst v63  }
0x108: {  	_ =	swait.ge [sflag:s12], $0x80  }
0x109: {  	[sflag:s12] =	ssyncset.done $0x0  }
0x10a: {  	[sflag:s12] =	ssyncadd.s32 $0xFFFFFF80  }
0x10b: {  	[tilespmem:$0x800] =	vst v15  }
0x10c: {  	[tilespmem:$0x810] =	vst v16  }
0x10d: {  	[tilespmem:$0x820] =	vst v17  }
0x10e: {  	[tilespmem:$0x830] =	vst v18  }
0x10f: {  	[tilespmem:$0x840] =	vst v19  }
0x110: {  	[tilespmem:$0x850] =	vst v20  }
0x111: {  	[tilespmem:$0x860] =	vst v21  }
0x112: {  	[tilespmem:$0x870] =	vst v22  }
0x113: {  	[spmem:s19] =	stream.indirect.scatter [tilespmem:s31], [sflag:$0x2], $0x1, s4, s14, $0xb8;
	[tilespmem:$0x1DEA0] =	vst v63  }
0x114: {  	_ =	swait.ge [sflag:s12], $0x80  }
0x115: {  	[sflag:s12] =	ssyncset.done $0x0  }
0x116: {  	[sflag:s12] =	ssyncadd.s32 $0xFFFFFF80  }
0x117: {  	[tilespmem:$0x800] =	vst v23  }
0x118: {  	[tilespmem:$0x810] =	vst v24  }
0x119: {  	[tilespmem:$0x820] =	vst v25  }
0x11a: {  	[tilespmem:$0x830] =	vst v26  }
0x11b: {  	[tilespmem:$0x840] =	vst v27  }
0x11c: {  	[tilespmem:$0x850] =	vst v28  }
0x11d: {  	[tilespmem:$0x860] =	vst v29  }
0x11e: {  	[tilespmem:$0x870] =	vst v30  }
0x11f: {  	[spmem:s19] =	stream.indirect.scatter [tilespmem:s31], [sflag:$0x2], $0x1, s18, s14, $0xb8;
	[tilespmem:$0x1DEA0] =	vst v63  }
0x120: {  	_ =	swait.ge [sflag:s12], $0x80  }
0x121: {  	[sflag:s12] =	ssyncset.done $0x0  }
0x122: {  	[sflag:s12] =	ssyncadd.s32 $0xFFFFFF80  }
0x123: {  	[tilespmem:$0x800] =	vst v31  }
0x124: {  	[tilespmem:$0x810] =	vst v32  }
0x125: {  	[tilespmem:$0x820] =	vst v33  }
0x126: {  	[tilespmem:$0x830] =	vst v34  }
0x127: {  	[tilespmem:$0x840] =	vst v35  }
0x128: {  	[tilespmem:$0x850] =	vst v36  }
0x129: {  	[tilespmem:$0x860] =	vst v37  }
0x12a: {  	[tilespmem:$0x870] =	vst v38  }
0x12b: {  	[spmem:s19] =	stream.indirect.scatter [tilespmem:s31], [sflag:$0x2], $0x1, s21, s14, $0xb8;
	[tilespmem:$0x1DEA0] =	vst v63  }
0x12c: {  	_ =	swait.ge [sflag:s12], $0x80  }
0x12d: {  	[sflag:s12] =	ssyncset.done $0x0  }
0x12e: {  	[sflag:s12] =	ssyncadd.s32 $0xFFFFFF80  }
0x12f: {  	[tilespmem:$0x800] =	vst v39  }
0x130: {  	[tilespmem:$0x810] =	vst v40  }
0x131: {  	[tilespmem:$0x820] =	vst v42  }
0x132: {  	[tilespmem:$0x830] =	vst v43  }
0x133: {  	[tilespmem:$0x840] =	vst v44  }
0x134: {  	[tilespmem:$0x850] =	vst v45  }
0x135: {  	[tilespmem:$0x860] =	vst v46  }
0x136: {  	[tilespmem:$0x870] =	vst v47  }
0x137: {  	[spmem:s19] =	stream.indirect.scatter [tilespmem:s31], [sflag:$0x2], $0x1, s28, s14, $0xb8;
	[tilespmem:$0x1DEA0] =	vst v63  }
0x138: {  	_ =	swait.ge [sflag:s12], $0x80  }
0x139: {  	[sflag:s12] =	ssyncset.done $0x0  }
0x13a: {  	[sflag:s12] =	ssyncadd.s32 $0xFFFFFF80  }
0x13b: {  	[tilespmem:$0x800] =	vst v48  }
0x13c: {  	[tilespmem:$0x810] =	vst v49  }
0x13d: {  	[tilespmem:$0x820] =	vst v50  }
0x13e: {  	[tilespmem:$0x830] =	vst v51  }
0x13f: {  	[tilespmem:$0x840] =	vst v52  }
0x140: {  	[tilespmem:$0x850] =	vst v53  }
0x141: {  	[tilespmem:$0x860] =	vst v54  }
0x142: {  	[tilespmem:$0x870] =	vst v55  }
0x143: {  	[spmem:s19] =	stream.indirect.scatter [tilespmem:s31], [sflag:$0x2], $0x1, s26, s14, $0xb8;
	[tilespmem:$0x1DEA0] =	vst v63  }
0x144: {  	_ =	swait.ge [sflag:s12], $0x80  }
0x145: {  	[sflag:s12] =	ssyncset.done $0x0  }
0x146: {  	[sflag:s12] =	ssyncadd.s32 $0xFFFFFF80  }
0x147: {  	[tilespmem:$0x800] =	vst v56  }
0x148: {  	[tilespmem:$0x810] =	vst v57  }
0x149: {  	[tilespmem:$0x820] =	vst v58  }
0x14a: {  	[tilespmem:$0x830] =	vst v59  }
0x14b: {  	[tilespmem:$0x840] =	vst v60  }
0x14c: {  	[tilespmem:$0x850] =	vst v61  }
0x14d: {  	[tilespmem:$0x860] =	vst v62  }
0x14e: {  	[tilespmem:$0x870] =	vst v63  }
0x14f: {  	[spmem:s19] =	stream.indirect.scatter [tilespmem:s31], [sflag:$0x2], $0x1, s25, s14, $0xb8;
	[tilespmem:$0x1DEA0] =	vst v63  }
0x150: {  	_ =	swait.ge [sflag:s12], $0x80  }
0x151: {  	[sflag:s12] =	ssyncset.done $0x0  }
0x152: {  	[sflag:s12] =	ssyncadd.s32 $0xFFFFFF80  }
0x153: {  	[bflag:$0x0] =	sbarrier.arrive $0xFFFF  }
0x154: {  	[tilespmem:s20], [sflag:$0x2] =	stream.indirect.gather [hbm4b:s13+s14], $0x40, s0, s14, $0xb8;
	[tilespmem:$0x1DEA0] =	vst v63  }
0x155: {  	_ =	swait.ge [sflag:s12], $0x2000  }
0x156: {  	[sflag:s12] =	ssyncset.done $0x0  }
0x157: {  	s16 =	rddreg [dreg:$0x10];
	[sflag:s12] =	ssyncadd.s32 $0xFFFFE000  }
0x158: {  	[tilespmem:s15], [sflag:$0x2] =	stream.linear.gather [hbm4b:s16+s0], $0x2000, $0x38;
	[tilespmem:$0x1DEA0] =	vst v63  }
0x159: {  	_ =	swait.ge [sflag:s12], $0x2000  }
0x15a: {  	[sflag:s12] =	ssyncset.done $0x0  }
0x15b: {  	s24 =	simm.s32 $0x400;
	[sflag:s12] =	ssyncadd.s32 $0xFFFFE000  }
0x15c: {  	[tilespmem:s24], [sflag:$0x2] =	stream.indirect.gather [spmem:s19], $0x1, s0, s14, $0xb8;
	[tilespmem:$0x1DEA0] =	vst v63  }
0x15d: {  	_ =	swait.ge [sflag:s12], $0x80  }
0x15e: {  	[sflag:s12] =	ssyncset.done $0x0  }
0x15f: {  	s30 =	simm.s32 $0x0;
	[sflag:s12] =	ssyncadd.s32 $0xFFFFFF80  }
0x160: {  	v2 =	vld [tilespmem:s30+$0x2880]  }
0x161: {  	v3 =	vld [tilespmem:s30+$0x880];
	_ =	sdelay $0x4  }
0x162: {  	v2 =	vsub.f32 v3, v2  }
0x163: {  	s0 =	simm.s32 $0x48A0  }
0x164: {  	[tilespmem:s0+$0xFFFFFFE0] =	vst v2  }
0x165: {  	v3 =	vld [tilespmem:s30+$0x2890]  }
0x166: {  	v4 =	vld [tilespmem:s30+$0x890];
	_ =	sdelay $0x4  }
0x167: {  	v3 =	vsub.f32 v4, v3;
	_ =	sdelay $0x1  }
0x168: {  	[tilespmem:s0+$0xFFFFFFF0] =	vst v3  }
0x169: {  	v4 =	vld [tilespmem:s30+$0x28A0]  }
0x16a: {  	v5 =	vld [tilespmem:s30+$0x8A0];
	_ =	sdelay $0x4  }
0x16b: {  	v4 =	vsub.f32 v5, v4  }
0x16c: {  	v2 =	vmul.f32 v2, v2  }
0x16d: {  	v5 =	vimm.f32 $0.0e+00;
	[tilespmem:s0+$0x0] =	vst v4  }
0x16e: {  	v6 =	vmul.f32 v3, v3;
	v2 =	vadd.f32 v2, v5;
	v3 =	vld [tilespmem:s30+$0x28B0]  }
0x16f: {  	v5 =	vmul.f32 v4, v4;
	v4 =	vld [tilespmem:s30+$0x8B0]  }
0x170: {  	v2 =	vadd.f32 v6, v2;
	_ =	sdelay $0x1  }
0x171: {  	s1 =	simm.s32 $0x100;
	s2 =	simm.s32 $0x48A0;
	[tilespmem:s0+$0x20] =	vst v1;
	v2 =	vadd.f32 v5, v2  }
.LBB2_5:
0x172: {  	p2 =	sne.s32 s1, $0x7F00  }
0x173: {  	s0 =	sadd.s32 $0x50, s0;
	s3 =	smov.u32 s1;
	s1 =	sadd.s32 $0x100, s1;
	v3 =	vsub.f32 v4, v3  }
0x174: {  	_ = 	snop  }
0x175: {  	s3 =	sshra.s32 s3, $0x2;
	v4 =	vmul.f32 v3, v3;
	[tilespmem:s2+$0x10] =	vst v3;
	s2 =	smov.u32 s0  }
0x176: {  	v3 =	vld [tilespmem:s3+$0x2880]  }
0x177: {  	v5 =	vld [tilespmem:s3+$0x880];
	v2 =	vadd.f32 v4, v2;
	_ =	sdelay $0x4  }
0x178: {  	v3 =	vsub.f32 v5, v3;
	_ =	sdelay $0x1  }
0x179: {  	v4 =	vmul.f32 v3, v3;
	[tilespmem:s0+$0xFFFFFFE0] =	vst v3  }
0x17a: {  	v3 =	vld [tilespmem:s3+$0x2890]  }
0x17b: {  	v5 =	vld [tilespmem:s3+$0x890];
	_ =	sdelay $0x4  }
0x17c: {  	v3 =	vsub.f32 v5, v3;
	_ =	sdelay $0x1  }
0x17d: {  	v5 =	vmul.f32 v3, v3;
	[tilespmem:s0+$0xFFFFFFF0] =	vst v3  }
0x17e: {  	v3 =	vld [tilespmem:s3+$0x28A0]  }
0x17f: {  	v6 =	vld [tilespmem:s3+$0x8A0];
	_ =	sdelay $0x4  }
0x180: {  	v3 =	vsub.f32 v6, v3;
	_ =	sdelay $0x1  }
0x181: {  	v6 =	vmul.f32 v3, v3;
	[tilespmem:s0+$0x0] =	vst v3  }
.Ltmp4:
0x182: {  	v2 =	vadd.f32 v4, v2;
	v3 =	vld [tilespmem:s3+$0x28B0];
	(pc) =	sbr.rel @p2 .LBB2_5-.Ltmp4, $3  }
0x183: {  	v4 =	vld [tilespmem:s3+$0x8B0]  }
0x184: {  	v2 =	vadd.f32 v5, v2;
	[tilespmem:s0+$0x20] =	vst v1;
	_ =	sdelay $0x1  }
0x185: {  	v2 =	vadd.f32 v6, v2  }
0x186: {  	_ = 	snop  }
0x187: {  	v3 =	vsub.f32 v4, v3;
	_ =	sdelay $0x1  }
0x188: {  	s0 =	simm.s32 $0x400;
	[tilespmem:s2+$0x10] =	vst v3  }
0x189: {  	[spmem:s17] =	stream.indirect.scatter.add.f32 [tilespmem:s22], [sflag:$0x2], $0x50, s0, s14, $0xb8;
	[tilespmem:$0x1DEA0] =	vst v63  }
0x18a: {  	_ =	swait.ge [sflag:s12], $0x2800  }
0x18b: {  	[sflag:s12] =	ssyncset.done $0x0  }
0x18c: {  	[sflag:s12] =	ssyncadd.s32 $0xFFFFD800  }
0x18d: {  	[tilespmem:s20], [sflag:$0x2] =	stream.indirect.gather [hbm4b:s13+s14], $0x40, s14, s14, $0xb8;
	[tilespmem:$0x1DEA0] =	vst v63  }
0x18e: {  	_ =	swait.ge [sflag:s12], $0x2000  }
0x18f: {  	[sflag:s12] =	ssyncset.done $0x0  }
0x190: {  	s16 =	simm.s32 $0x0;
	s1 =	rddreg [dreg:$0x11];
	[sflag:s12] =	ssyncadd.s32 $0xFFFFE000  }
0x191: {  	[tilespmem:s15], [sflag:$0x2] =	stream.linear.gather [hbm4b:s1+s16], $0x2000, $0x38;
	[tilespmem:$0x1DEA0] =	vst v63  }
0x192: {  	_ =	swait.ge [sflag:s12], $0x2000  }
0x193: {  	[sflag:s12] =	ssyncset.done $0x0  }
0x194: {  	s16 =	simm.s32 $0x480;
	[sflag:s12] =	ssyncadd.s32 $0xFFFFE000  }
0x195: {  	[tilespmem:s16], [sflag:$0x2] =	stream.indirect.gather [spmem:s19], $0x1, s14, s14, $0xb8;
	[tilespmem:$0x1DEA0] =	vst v63  }
0x196: {  	_ =	swait.ge [sflag:s12], $0x80  }
0x197: {  	[sflag:s12] =	ssyncset.done $0x0  }
0x198: {  	s24 =	simm.s32 $0x0;
	[sflag:s12] =	ssyncadd.s32 $0xFFFFFF80  }
0x199: {  	v4 =	vld [tilespmem:s24+$0x2880]  }
0x19a: {  	v5 =	vld [tilespmem:s24+$0x880];
	_ =	sdelay $0x4  }
0x19b: {  	v4 =	vsub.f32 v5, v4  }
0x19c: {  	s0 =	simm.s32 $0x48A0  }
0x19d: {  	[tilespmem:s0+$0xFFFFFFE0] =	vst v4  }
0x19e: {  	v5 =	vld [tilespmem:s24+$0x2890]  }
0x19f: {  	v6 =	vld [tilespmem:s24+$0x890];
	_ =	sdelay $0x4  }
0x1a0: {  	v5 =	vsub.f32 v6, v5;
	_ =	sdelay $0x1  }
0x1a1: {  	[tilespmem:s0+$0xFFFFFFF0] =	vst v5  }
0x1a2: {  	v6 =	vld [tilespmem:s24+$0x28A0]  }
0x1a3: {  	v7 =	vld [tilespmem:s24+$0x8A0];
	_ =	sdelay $0x2  }
0x1a4: {  	v3 =	vmul.f32 v3, v3;
	_ =	sdelay $0x1  }
0x1a5: {  	v2 =	vadd.f32 v3, v2;
	v3 =	vmul.f32 v4, v4;
	v4 =	vsub.f32 v7, v6;
	_ =	sdelay $0x1  }
0x1a6: {  	[tilespmem:s0+$0x0] =	vst v4  }
0x1a7: {  	v2 =	vadd.f32 v3, v2;
	v5 =	vmul.f32 v5, v5;
	v3 =	vld [tilespmem:s24+$0x28B0]  }
0x1a8: {  	v6 =	vmul.f32 v4, v4;
	v4 =	vld [tilespmem:s24+$0x8B0]  }
0x1a9: {  	v2 =	vadd.f32 v5, v2  }
0x1aa: {  	s30 =	simm.s32 $0x500  }
0x1ab: {  	s2 =	simm.s32 $0x48A0;
	s1 =	simm.s32 $0x100;
	[tilespmem:s0+$0x20] =	vst v1;
	s24 =	simm.s32 $0x580;
	v2 =	vadd.f32 v6, v2  }
.LBB2_7:
0x1ac: {  	p2 =	sne.s32 s1, $0x7F00  }
0x1ad: {  	s0 =	sadd.s32 $0x50, s0;
	s3 =	smov.u32 s1;
	s1 =	sadd.s32 $0x100, s1;
	v3 =	vsub.f32 v4, v3  }
0x1ae: {  	_ = 	snop  }
0x1af: {  	s3 =	sshra.s32 s3, $0x2;
	v4 =	vmul.f32 v3, v3;
	[tilespmem:s2+$0x10] =	vst v3;
	s2 =	smov.u32 s0  }
0x1b0: {  	v3 =	vld [tilespmem:s3+$0x2880]  }
0x1b1: {  	v5 =	vld [tilespmem:s3+$0x880];
	v2 =	vadd.f32 v4, v2;
	_ =	sdelay $0x4  }
0x1b2: {  	v3 =	vsub.f32 v5, v3;
	_ =	sdelay $0x1  }
0x1b3: {  	v4 =	vmul.f32 v3, v3;
	[tilespmem:s0+$0xFFFFFFE0] =	vst v3  }
0x1b4: {  	v3 =	vld [tilespmem:s3+$0x2890]  }
0x1b5: {  	v5 =	vld [tilespmem:s3+$0x890];
	_ =	sdelay $0x4  }
0x1b6: {  	v3 =	vsub.f32 v5, v3;
	_ =	sdelay $0x1  }
0x1b7: {  	v5 =	vmul.f32 v3, v3;
	[tilespmem:s0+$0xFFFFFFF0] =	vst v3  }
0x1b8: {  	v3 =	vld [tilespmem:s3+$0x28A0]  }
0x1b9: {  	v6 =	vld [tilespmem:s3+$0x8A0];
	_ =	sdelay $0x4  }
0x1ba: {  	v3 =	vsub.f32 v6, v3;
	_ =	sdelay $0x1  }
0x1bb: {  	v6 =	vmul.f32 v3, v3;
	[tilespmem:s0+$0x0] =	vst v3  }
.Ltmp5:
0x1bc: {  	v2 =	vadd.f32 v4, v2;
	v3 =	vld [tilespmem:s3+$0x28B0];
	(pc) =	sbr.rel @p2 .LBB2_7-.Ltmp5, $3  }
0x1bd: {  	v4 =	vld [tilespmem:s3+$0x8B0]  }
0x1be: {  	v2 =	vadd.f32 v5, v2;
	[tilespmem:s0+$0x20] =	vst v1;
	_ =	sdelay $0x1  }
0x1bf: {  	v2 =	vadd.f32 v6, v2  }
0x1c0: {  	_ = 	snop  }
0x1c1: {  	v3 =	vsub.f32 v4, v3;
	_ =	sdelay $0x1  }
0x1c2: {  	[tilespmem:s2+$0x10] =	vst v3  }
0x1c3: {  	[spmem:s17] =	stream.indirect.scatter.add.f32 [tilespmem:s22], [sflag:$0x2], $0x50, s16, s14, $0xb8;
	[tilespmem:$0x1DEA0] =	vst v63  }
0x1c4: {  	_ =	swait.ge [sflag:s12], $0x2800  }
0x1c5: {  	[sflag:s12] =	ssyncset.done $0x0  }
0x1c6: {  	[sflag:s12] =	ssyncadd.s32 $0xFFFFD800  }
0x1c7: {  	[tilespmem:s20], [sflag:$0x2] =	stream.indirect.gather [hbm4b:s13+s14], $0x40, s4, s14, $0xb8;
	[tilespmem:$0x1DEA0] =	vst v63  }
0x1c8: {  	_ =	swait.ge [sflag:s12], $0x2000  }
0x1c9: {  	[sflag:s12] =	ssyncset.done $0x0  }
0x1ca: {  	s0 =	simm.s32 $0x0;
	s1 =	rddreg [dreg:$0x12];
	[sflag:s12] =	ssyncadd.s32 $0xFFFFE000  }
0x1cb: {  	[tilespmem:s15], [sflag:$0x2] =	stream.linear.gather [hbm4b:s1+s0], $0x2000, $0x38;
	[tilespmem:$0x1DEA0] =	vst v63  }
0x1cc: {  	_ =	swait.ge [sflag:s12], $0x2000  }
0x1cd: {  	[sflag:s12] =	ssyncset.done $0x0  }
0x1ce: {  	[sflag:s12] =	ssyncadd.s32 $0xFFFFE000  }
0x1cf: {  	[tilespmem:s30], [sflag:$0x2] =	stream.indirect.gather [spmem:s19], $0x1, s4, s14, $0xb8;
	[tilespmem:$0x1DEA0] =	vst v63  }
0x1d0: {  	_ =	swait.ge [sflag:s12], $0x80  }
0x1d1: {  	[sflag:s12] =	ssyncset.done $0x0  }
0x1d2: {  	s3 =	simm.s32 $0x0;
	[sflag:s12] =	ssyncadd.s32 $0xFFFFFF80  }
0x1d3: {  	v4 =	vld [tilespmem:s3+$0x2880]  }
0x1d4: {  	v5 =	vld [tilespmem:s3+$0x880];
	_ =	sdelay $0x4  }
0x1d5: {  	v4 =	vsub.f32 v5, v4  }
0x1d6: {  	s0 =	simm.s32 $0x48A0  }
0x1d7: {  	[tilespmem:s0+$0xFFFFFFE0] =	vst v4  }
0x1d8: {  	v5 =	vld [tilespmem:s3+$0x2890]  }
0x1d9: {  	v6 =	vld [tilespmem:s3+$0x890];
	_ =	sdelay $0x4  }
0x1da: {  	v5 =	vsub.f32 v6, v5;
	_ =	sdelay $0x1  }
0x1db: {  	[tilespmem:s0+$0xFFFFFFF0] =	vst v5  }
0x1dc: {  	v6 =	vld [tilespmem:s3+$0x28A0]  }
0x1dd: {  	v7 =	vld [tilespmem:s3+$0x8A0];
	_ =	sdelay $0x2  }
0x1de: {  	v3 =	vmul.f32 v3, v3;
	_ =	sdelay $0x1  }
0x1df: {  	v2 =	vadd.f32 v3, v2;
	v3 =	vmul.f32 v4, v4;
	v4 =	vsub.f32 v7, v6;
	_ =	sdelay $0x1  }
0x1e0: {  	[tilespmem:s0+$0x0] =	vst v4  }
0x1e1: {  	v2 =	vadd.f32 v3, v2;
	v5 =	vmul.f32 v5, v5;
	v3 =	vld [tilespmem:s3+$0x28B0]  }
0x1e2: {  	v6 =	vmul.f32 v4, v4;
	v4 =	vld [tilespmem:s3+$0x8B0]  }
0x1e3: {  	v2 =	vadd.f32 v5, v2;
	_ =	sdelay $0x1  }
0x1e4: {  	s2 =	simm.s32 $0x48A0;
	s1 =	simm.s32 $0x100;
	[tilespmem:s0+$0x20] =	vst v1;
	v2 =	vadd.f32 v6, v2  }
.LBB2_9:
0x1e5: {  	p2 =	sne.s32 s1, $0x7F00  }
0x1e6: {  	s0 =	sadd.s32 $0x50, s0;
	s3 =	smov.u32 s1;
	s1 =	sadd.s32 $0x100, s1;
	v3 =	vsub.f32 v4, v3  }
0x1e7: {  	_ = 	snop  }
0x1e8: {  	s3 =	sshra.s32 s3, $0x2;
	v4 =	vmul.f32 v3, v3;
	[tilespmem:s2+$0x10] =	vst v3;
	s2 =	smov.u32 s0  }
0x1e9: {  	v3 =	vld [tilespmem:s3+$0x2880]  }
0x1ea: {  	v5 =	vld [tilespmem:s3+$0x880];
	v2 =	vadd.f32 v4, v2;
	_ =	sdelay $0x4  }
0x1eb: {  	v3 =	vsub.f32 v5, v3;
	_ =	sdelay $0x1  }
0x1ec: {  	v4 =	vmul.f32 v3, v3;
	[tilespmem:s0+$0xFFFFFFE0] =	vst v3  }
0x1ed: {  	v3 =	vld [tilespmem:s3+$0x2890]  }
0x1ee: {  	v5 =	vld [tilespmem:s3+$0x890];
	_ =	sdelay $0x4  }
0x1ef: {  	v3 =	vsub.f32 v5, v3;
	_ =	sdelay $0x1  }
0x1f0: {  	v5 =	vmul.f32 v3, v3;
	[tilespmem:s0+$0xFFFFFFF0] =	vst v3  }
0x1f1: {  	v3 =	vld [tilespmem:s3+$0x28A0]  }
0x1f2: {  	v6 =	vld [tilespmem:s3+$0x8A0];
	_ =	sdelay $0x4  }
0x1f3: {  	v3 =	vsub.f32 v6, v3;
	_ =	sdelay $0x1  }
0x1f4: {  	v6 =	vmul.f32 v3, v3;
	[tilespmem:s0+$0x0] =	vst v3  }
.Ltmp6:
0x1f5: {  	v2 =	vadd.f32 v4, v2;
	v3 =	vld [tilespmem:s3+$0x28B0];
	(pc) =	sbr.rel @p2 .LBB2_9-.Ltmp6, $3  }
0x1f6: {  	v4 =	vld [tilespmem:s3+$0x8B0]  }
0x1f7: {  	v2 =	vadd.f32 v5, v2;
	[tilespmem:s0+$0x20] =	vst v1;
	_ =	sdelay $0x1  }
0x1f8: {  	v2 =	vadd.f32 v6, v2  }
0x1f9: {  	_ = 	snop  }
0x1fa: {  	v3 =	vsub.f32 v4, v3;
	_ =	sdelay $0x1  }
0x1fb: {  	[tilespmem:s2+$0x10] =	vst v3  }
0x1fc: {  	[spmem:s17] =	stream.indirect.scatter.add.f32 [tilespmem:s22], [sflag:$0x2], $0x50, s30, s14, $0xb8;
	[tilespmem:$0x1DEA0] =	vst v63  }
0x1fd: {  	_ =	swait.ge [sflag:s12], $0x2800  }
0x1fe: {  	[sflag:s12] =	ssyncset.done $0x0  }
0x1ff: {  	[sflag:s12] =	ssyncadd.s32 $0xFFFFD800  }
0x200: {  	[tilespmem:s20], [sflag:$0x2] =	stream.indirect.gather [hbm4b:s13+s14], $0x40, s18, s14, $0xb8;
	[tilespmem:$0x1DEA0] =	vst v63  }
0x201: {  	_ =	swait.ge [sflag:s12], $0x2000  }
0x202: {  	[sflag:s12] =	ssyncset.done $0x0  }
0x203: {  	s0 =	simm.s32 $0x0;
	s1 =	rddreg [dreg:$0x13];
	[sflag:s12] =	ssyncadd.s32 $0xFFFFE000  }
0x204: {  	[tilespmem:s15], [sflag:$0x2] =	stream.linear.gather [hbm4b:s1+s0], $0x2000, $0x38;
	[tilespmem:$0x1DEA0] =	vst v63  }
0x205: {  	_ =	swait.ge [sflag:s12], $0x2000  }
0x206: {  	[sflag:s12] =	ssyncset.done $0x0  }
0x207: {  	[sflag:s12] =	ssyncadd.s32 $0xFFFFE000  }
0x208: {  	[tilespmem:s24], [sflag:$0x2] =	stream.indirect.gather [spmem:s19], $0x1, s18, s14, $0xb8;
	[tilespmem:$0x1DEA0] =	vst v63  }
0x209: {  	_ =	swait.ge [sflag:s12], $0x80  }
0x20a: {  	[sflag:s12] =	ssyncset.done $0x0  }
0x20b: {  	s3 =	simm.s32 $0x0;
	[sflag:s12] =	ssyncadd.s32 $0xFFFFFF80  }
0x20c: {  	v4 =	vld [tilespmem:s3+$0x2880]  }
0x20d: {  	v5 =	vld [tilespmem:s3+$0x880];
	_ =	sdelay $0x4  }
0x20e: {  	v4 =	vsub.f32 v5, v4  }
0x20f: {  	s0 =	simm.s32 $0x48A0  }
0x210: {  	[tilespmem:s0+$0xFFFFFFE0] =	vst v4  }
0x211: {  	v5 =	vld [tilespmem:s3+$0x2890]  }
0x212: {  	v6 =	vld [tilespmem:s3+$0x890];
	_ =	sdelay $0x4  }
0x213: {  	v5 =	vsub.f32 v6, v5;
	_ =	sdelay $0x1  }
0x214: {  	[tilespmem:s0+$0xFFFFFFF0] =	vst v5  }
0x215: {  	v6 =	vld [tilespmem:s3+$0x28A0]  }
0x216: {  	v7 =	vld [tilespmem:s3+$0x8A0];
	_ =	sdelay $0x2  }
0x217: {  	v3 =	vmul.f32 v3, v3;
	_ =	sdelay $0x1  }
0x218: {  	v2 =	vadd.f32 v3, v2;
	v3 =	vmul.f32 v4, v4;
	v4 =	vsub.f32 v7, v6;
	_ =	sdelay $0x1  }
0x219: {  	[tilespmem:s0+$0x0] =	vst v4  }
0x21a: {  	v2 =	vadd.f32 v3, v2;
	v5 =	vmul.f32 v5, v5;
	v3 =	vld [tilespmem:s3+$0x28B0]  }
0x21b: {  	v6 =	vmul.f32 v4, v4;
	v4 =	vld [tilespmem:s3+$0x8B0]  }
0x21c: {  	v2 =	vadd.f32 v5, v2;
	_ =	sdelay $0x1  }
0x21d: {  	s2 =	simm.s32 $0x48A0;
	s1 =	simm.s32 $0x100;
	[tilespmem:s0+$0x20] =	vst v1;
	v2 =	vadd.f32 v6, v2  }
.LBB2_11:
0x21e: {  	p2 =	sne.s32 s1, $0x7F00  }
0x21f: {  	s0 =	sadd.s32 $0x50, s0;
	s3 =	smov.u32 s1;
	s1 =	sadd.s32 $0x100, s1;
	v3 =	vsub.f32 v4, v3  }
0x220: {  	_ = 	snop  }
0x221: {  	s3 =	sshra.s32 s3, $0x2;
	v4 =	vmul.f32 v3, v3;
	[tilespmem:s2+$0x10] =	vst v3;
	s2 =	smov.u32 s0  }
0x222: {  	v3 =	vld [tilespmem:s3+$0x2880]  }
0x223: {  	v5 =	vld [tilespmem:s3+$0x880];
	v2 =	vadd.f32 v4, v2;
	_ =	sdelay $0x4  }
0x224: {  	v3 =	vsub.f32 v5, v3;
	_ =	sdelay $0x1  }
0x225: {  	v4 =	vmul.f32 v3, v3;
	[tilespmem:s0+$0xFFFFFFE0] =	vst v3  }
0x226: {  	v3 =	vld [tilespmem:s3+$0x2890]  }
0x227: {  	v5 =	vld [tilespmem:s3+$0x890];
	_ =	sdelay $0x4  }
0x228: {  	v3 =	vsub.f32 v5, v3;
	_ =	sdelay $0x1  }
0x229: {  	v5 =	vmul.f32 v3, v3;
	[tilespmem:s0+$0xFFFFFFF0] =	vst v3  }
0x22a: {  	v3 =	vld [tilespmem:s3+$0x28A0]  }
0x22b: {  	v6 =	vld [tilespmem:s3+$0x8A0];
	_ =	sdelay $0x4  }
0x22c: {  	v3 =	vsub.f32 v6, v3;
	_ =	sdelay $0x1  }
0x22d: {  	v6 =	vmul.f32 v3, v3;
	[tilespmem:s0+$0x0] =	vst v3  }
.Ltmp7:
0x22e: {  	v2 =	vadd.f32 v4, v2;
	v3 =	vld [tilespmem:s3+$0x28B0];
	(pc) =	sbr.rel @p2 .LBB2_11-.Ltmp7, $3  }
0x22f: {  	v4 =	vld [tilespmem:s3+$0x8B0]  }
0x230: {  	v2 =	vadd.f32 v5, v2;
	[tilespmem:s0+$0x20] =	vst v1;
	_ =	sdelay $0x1  }
0x231: {  	v2 =	vadd.f32 v6, v2  }
0x232: {  	_ = 	snop  }
0x233: {  	v3 =	vsub.f32 v4, v3;
	_ =	sdelay $0x1  }
0x234: {  	[tilespmem:s2+$0x10] =	vst v3  }
0x235: {  	[spmem:s17] =	stream.indirect.scatter.add.f32 [tilespmem:s22], [sflag:$0x2], $0x50, s24, s14, $0xb8;
	[tilespmem:$0x1DEA0] =	vst v63  }
0x236: {  	_ =	swait.ge [sflag:s12], $0x2800  }
0x237: {  	[sflag:s12] =	ssyncset.done $0x0  }
0x238: {  	[sflag:s12] =	ssyncadd.s32 $0xFFFFD800  }
0x239: {  	[tilespmem:s20], [sflag:$0x2] =	stream.indirect.gather [hbm4b:s13+s14], $0x40, s21, s14, $0xb8;
	[tilespmem:$0x1DEA0] =	vst v63  }
0x23a: {  	_ =	swait.ge [sflag:s12], $0x2000  }
0x23b: {  	[sflag:s12] =	ssyncset.done $0x0  }
0x23c: {  	s0 =	simm.s32 $0x0;
	s1 =	rddreg [dreg:$0x14];
	[sflag:s12] =	ssyncadd.s32 $0xFFFFE000  }
0x23d: {  	[tilespmem:s15], [sflag:$0x2] =	stream.linear.gather [hbm4b:s1+s0], $0x2000, $0x38;
	[tilespmem:$0x1DEA0] =	vst v63  }
0x23e: {  	_ =	swait.ge [sflag:s12], $0x2000  }
0x23f: {  	[sflag:s12] =	ssyncset.done $0x0  }
0x240: {  	[sflag:s12] =	ssyncadd.s32 $0xFFFFE000  }
0x241: {  	[tilespmem:s29], [sflag:$0x2] =	stream.indirect.gather [spmem:s19], $0x1, s21, s14, $0xb8;
	[tilespmem:$0x1DEA0] =	vst v63  }
0x242: {  	_ =	swait.ge [sflag:s12], $0x80  }
0x243: {  	[sflag:s12] =	ssyncset.done $0x0  }
0x244: {  	s3 =	simm.s32 $0x0;
	[sflag:s12] =	ssyncadd.s32 $0xFFFFFF80  }
0x245: {  	v4 =	vld [tilespmem:s3+$0x2880]  }
0x246: {  	v5 =	vld [tilespmem:s3+$0x880];
	_ =	sdelay $0x4  }
0x247: {  	v4 =	vsub.f32 v5, v4  }
0x248: {  	s0 =	simm.s32 $0x48A0  }
0x249: {  	[tilespmem:s0+$0xFFFFFFE0] =	vst v4  }
0x24a: {  	v5 =	vld [tilespmem:s3+$0x2890]  }
0x24b: {  	v6 =	vld [tilespmem:s3+$0x890];
	_ =	sdelay $0x4  }
0x24c: {  	v5 =	vsub.f32 v6, v5;
	_ =	sdelay $0x1  }
0x24d: {  	[tilespmem:s0+$0xFFFFFFF0] =	vst v5  }
0x24e: {  	v6 =	vld [tilespmem:s3+$0x28A0]  }
0x24f: {  	v7 =	vld [tilespmem:s3+$0x8A0];
	_ =	sdelay $0x2  }
0x250: {  	v3 =	vmul.f32 v3, v3;
	_ =	sdelay $0x1  }
0x251: {  	v2 =	vadd.f32 v3, v2;
	v3 =	vmul.f32 v4, v4;
	v4 =	vsub.f32 v7, v6;
	_ =	sdelay $0x1  }
0x252: {  	[tilespmem:s0+$0x0] =	vst v4  }
0x253: {  	v2 =	vadd.f32 v3, v2;
	v5 =	vmul.f32 v5, v5;
	v3 =	vld [tilespmem:s3+$0x28B0]  }
0x254: {  	v6 =	vmul.f32 v4, v4;
	v4 =	vld [tilespmem:s3+$0x8B0]  }
0x255: {  	v2 =	vadd.f32 v5, v2;
	_ =	sdelay $0x1  }
0x256: {  	s2 =	simm.s32 $0x48A0;
	s1 =	simm.s32 $0x100;
	[tilespmem:s0+$0x20] =	vst v1;
	v2 =	vadd.f32 v6, v2  }
.LBB2_13:
0x257: {  	p2 =	sne.s32 s1, $0x7F00  }
0x258: {  	s0 =	sadd.s32 $0x50, s0;
	s3 =	smov.u32 s1;
	s1 =	sadd.s32 $0x100, s1;
	v3 =	vsub.f32 v4, v3  }
0x259: {  	_ = 	snop  }
0x25a: {  	s3 =	sshra.s32 s3, $0x2;
	v4 =	vmul.f32 v3, v3;
	[tilespmem:s2+$0x10] =	vst v3;
	s2 =	smov.u32 s0  }
0x25b: {  	v3 =	vld [tilespmem:s3+$0x2880]  }
0x25c: {  	v5 =	vld [tilespmem:s3+$0x880];
	v2 =	vadd.f32 v4, v2;
	_ =	sdelay $0x4  }
0x25d: {  	v3 =	vsub.f32 v5, v3;
	_ =	sdelay $0x1  }
0x25e: {  	v4 =	vmul.f32 v3, v3;
	[tilespmem:s0+$0xFFFFFFE0] =	vst v3  }
0x25f: {  	v3 =	vld [tilespmem:s3+$0x2890]  }
0x260: {  	v5 =	vld [tilespmem:s3+$0x890];
	_ =	sdelay $0x4  }
0x261: {  	v3 =	vsub.f32 v5, v3;
	_ =	sdelay $0x1  }
0x262: {  	v5 =	vmul.f32 v3, v3;
	[tilespmem:s0+$0xFFFFFFF0] =	vst v3  }
0x263: {  	v3 =	vld [tilespmem:s3+$0x28A0]  }
0x264: {  	v6 =	vld [tilespmem:s3+$0x8A0];
	_ =	sdelay $0x4  }
0x265: {  	v3 =	vsub.f32 v6, v3;
	_ =	sdelay $0x1  }
0x266: {  	v6 =	vmul.f32 v3, v3;
	[tilespmem:s0+$0x0] =	vst v3  }
.Ltmp8:
0x267: {  	v2 =	vadd.f32 v4, v2;
	v3 =	vld [tilespmem:s3+$0x28B0];
	(pc) =	sbr.rel @p2 .LBB2_13-.Ltmp8, $3  }
0x268: {  	v4 =	vld [tilespmem:s3+$0x8B0]  }
0x269: {  	v2 =	vadd.f32 v5, v2;
	[tilespmem:s0+$0x20] =	vst v1;
	_ =	sdelay $0x1  }
0x26a: {  	v2 =	vadd.f32 v6, v2  }
0x26b: {  	_ = 	snop  }
0x26c: {  	v3 =	vsub.f32 v4, v3;
	_ =	sdelay $0x1  }
0x26d: {  	[tilespmem:s2+$0x10] =	vst v3  }
0x26e: {  	[spmem:s17] =	stream.indirect.scatter.add.f32 [tilespmem:s22], [sflag:$0x2], $0x50, s29, s14, $0xb8;
	[tilespmem:$0x1DEA0] =	vst v63  }
0x26f: {  	_ =	swait.ge [sflag:s12], $0x2800  }
0x270: {  	[sflag:s12] =	ssyncset.done $0x0  }
0x271: {  	[sflag:s12] =	ssyncadd.s32 $0xFFFFD800  }
0x272: {  	[tilespmem:s20], [sflag:$0x2] =	stream.indirect.gather [hbm4b:s13+s14], $0x40, s28, s14, $0xb8;
	[tilespmem:$0x1DEA0] =	vst v63  }
0x273: {  	_ =	swait.ge [sflag:s12], $0x2000  }
0x274: {  	[sflag:s12] =	ssyncset.done $0x0  }
0x275: {  	s0 =	simm.s32 $0x0;
	s1 =	rddreg [dreg:$0x15];
	[sflag:s12] =	ssyncadd.s32 $0xFFFFE000  }
0x276: {  	[tilespmem:s15], [sflag:$0x2] =	stream.linear.gather [hbm4b:s1+s0], $0x2000, $0x38;
	[tilespmem:$0x1DEA0] =	vst v63  }
0x277: {  	_ =	swait.ge [sflag:s12], $0x2000  }
0x278: {  	[sflag:s12] =	ssyncset.done $0x0  }
0x279: {  	[sflag:s12] =	ssyncadd.s32 $0xFFFFE000  }
0x27a: {  	[tilespmem:s5], [sflag:$0x2] =	stream.indirect.gather [spmem:s19], $0x1, s28, s14, $0xb8;
	[tilespmem:$0x1DEA0] =	vst v63  }
0x27b: {  	_ =	swait.ge [sflag:s12], $0x80  }
0x27c: {  	[sflag:s12] =	ssyncset.done $0x0  }
0x27d: {  	s3 =	simm.s32 $0x0;
	[sflag:s12] =	ssyncadd.s32 $0xFFFFFF80  }
0x27e: {  	v4 =	vld [tilespmem:s3+$0x2880]  }
0x27f: {  	v5 =	vld [tilespmem:s3+$0x880];
	_ =	sdelay $0x4  }
0x280: {  	v4 =	vsub.f32 v5, v4  }
0x281: {  	s0 =	simm.s32 $0x48A0  }
0x282: {  	[tilespmem:s0+$0xFFFFFFE0] =	vst v4  }
0x283: {  	v5 =	vld [tilespmem:s3+$0x2890]  }
0x284: {  	v6 =	vld [tilespmem:s3+$0x890];
	_ =	sdelay $0x4  }
0x285: {  	v5 =	vsub.f32 v6, v5;
	_ =	sdelay $0x1  }
0x286: {  	[tilespmem:s0+$0xFFFFFFF0] =	vst v5  }
0x287: {  	v6 =	vld [tilespmem:s3+$0x28A0]  }
0x288: {  	v7 =	vld [tilespmem:s3+$0x8A0];
	_ =	sdelay $0x2  }
0x289: {  	v3 =	vmul.f32 v3, v3;
	_ =	sdelay $0x1  }
0x28a: {  	v2 =	vadd.f32 v3, v2;
	v3 =	vmul.f32 v4, v4;
	v4 =	vsub.f32 v7, v6;
	_ =	sdelay $0x1  }
0x28b: {  	[tilespmem:s0+$0x0] =	vst v4  }
0x28c: {  	v2 =	vadd.f32 v3, v2;
	v5 =	vmul.f32 v5, v5;
	v3 =	vld [tilespmem:s3+$0x28B0]  }
0x28d: {  	v6 =	vmul.f32 v4, v4;
	v4 =	vld [tilespmem:s3+$0x8B0]  }
0x28e: {  	v2 =	vadd.f32 v5, v2;
	_ =	sdelay $0x1  }
0x28f: {  	s2 =	simm.s32 $0x48A0;
	s1 =	simm.s32 $0x100;
	[tilespmem:s0+$0x20] =	vst v1;
	v2 =	vadd.f32 v6, v2  }
.LBB2_15:
0x290: {  	p2 =	sne.s32 s1, $0x7F00  }
0x291: {  	s0 =	sadd.s32 $0x50, s0;
	s3 =	smov.u32 s1;
	s1 =	sadd.s32 $0x100, s1;
	v3 =	vsub.f32 v4, v3  }
0x292: {  	_ = 	snop  }
0x293: {  	s3 =	sshra.s32 s3, $0x2;
	v4 =	vmul.f32 v3, v3;
	[tilespmem:s2+$0x10] =	vst v3;
	s2 =	smov.u32 s0  }
0x294: {  	v3 =	vld [tilespmem:s3+$0x2880]  }
0x295: {  	v5 =	vld [tilespmem:s3+$0x880];
	v2 =	vadd.f32 v4, v2;
	_ =	sdelay $0x4  }
0x296: {  	v3 =	vsub.f32 v5, v3;
	_ =	sdelay $0x1  }
0x297: {  	v4 =	vmul.f32 v3, v3;
	[tilespmem:s0+$0xFFFFFFE0] =	vst v3  }
0x298: {  	v3 =	vld [tilespmem:s3+$0x2890]  }
0x299: {  	v5 =	vld [tilespmem:s3+$0x890];
	_ =	sdelay $0x4  }
0x29a: {  	v3 =	vsub.f32 v5, v3;
	_ =	sdelay $0x1  }
0x29b: {  	v5 =	vmul.f32 v3, v3;
	[tilespmem:s0+$0xFFFFFFF0] =	vst v3  }
0x29c: {  	v3 =	vld [tilespmem:s3+$0x28A0]  }
0x29d: {  	v6 =	vld [tilespmem:s3+$0x8A0];
	_ =	sdelay $0x4  }
0x29e: {  	v3 =	vsub.f32 v6, v3;
	_ =	sdelay $0x1  }
0x29f: {  	v6 =	vmul.f32 v3, v3;
	[tilespmem:s0+$0x0] =	vst v3  }
.Ltmp9:
0x2a0: {  	v2 =	vadd.f32 v4, v2;
	v3 =	vld [tilespmem:s3+$0x28B0];
	(pc) =	sbr.rel @p2 .LBB2_15-.Ltmp9, $3  }
0x2a1: {  	v4 =	vld [tilespmem:s3+$0x8B0]  }
0x2a2: {  	v2 =	vadd.f32 v5, v2;
	[tilespmem:s0+$0x20] =	vst v1;
	_ =	sdelay $0x1  }
0x2a3: {  	v2 =	vadd.f32 v6, v2  }
0x2a4: {  	_ = 	snop  }
0x2a5: {  	v3 =	vsub.f32 v4, v3;
	_ =	sdelay $0x1  }
0x2a6: {  	[tilespmem:s2+$0x10] =	vst v3  }
0x2a7: {  	[spmem:s17] =	stream.indirect.scatter.add.f32 [tilespmem:s22], [sflag:$0x2], $0x50, s5, s14, $0xb8;
	[tilespmem:$0x1DEA0] =	vst v63  }
0x2a8: {  	_ =	swait.ge [sflag:s12], $0x2800  }
0x2a9: {  	[sflag:s12] =	ssyncset.done $0x0  }
0x2aa: {  	[sflag:s12] =	ssyncadd.s32 $0xFFFFD800  }
0x2ab: {  	[tilespmem:s20], [sflag:$0x2] =	stream.indirect.gather [hbm4b:s13+s14], $0x40, s26, s14, $0xb8;
	[tilespmem:$0x1DEA0] =	vst v63  }
0x2ac: {  	_ =	swait.ge [sflag:s12], $0x2000  }
0x2ad: {  	[sflag:s12] =	ssyncset.done $0x0  }
0x2ae: {  	s0 =	simm.s32 $0x0;
	s1 =	rddreg [dreg:$0x16];
	[sflag:s12] =	ssyncadd.s32 $0xFFFFE000  }
0x2af: {  	[tilespmem:s15], [sflag:$0x2] =	stream.linear.gather [hbm4b:s1+s0], $0x2000, $0x38;
	[tilespmem:$0x1DEA0] =	vst v63  }
0x2b0: {  	_ =	swait.ge [sflag:s12], $0x2000  }
0x2b1: {  	[sflag:s12] =	ssyncset.done $0x0  }
0x2b2: {  	[sflag:s12] =	ssyncadd.s32 $0xFFFFE000  }
0x2b3: {  	[tilespmem:s6], [sflag:$0x2] =	stream.indirect.gather [spmem:s19], $0x1, s26, s14, $0xb8;
	[tilespmem:$0x1DEA0] =	vst v63  }
0x2b4: {  	_ =	swait.ge [sflag:s12], $0x80  }
0x2b5: {  	[sflag:s12] =	ssyncset.done $0x0  }
0x2b6: {  	s3 =	simm.s32 $0x0;
	[sflag:s12] =	ssyncadd.s32 $0xFFFFFF80  }
0x2b7: {  	v4 =	vld [tilespmem:s3+$0x2880]  }
0x2b8: {  	v5 =	vld [tilespmem:s3+$0x880];
	_ =	sdelay $0x4  }
0x2b9: {  	v4 =	vsub.f32 v5, v4  }
0x2ba: {  	s0 =	simm.s32 $0x48A0  }
0x2bb: {  	[tilespmem:s0+$0xFFFFFFE0] =	vst v4  }
0x2bc: {  	v5 =	vld [tilespmem:s3+$0x2890]  }
0x2bd: {  	v6 =	vld [tilespmem:s3+$0x890];
	_ =	sdelay $0x4  }
0x2be: {  	v5 =	vsub.f32 v6, v5;
	_ =	sdelay $0x1  }
0x2bf: {  	[tilespmem:s0+$0xFFFFFFF0] =	vst v5  }
0x2c0: {  	v6 =	vld [tilespmem:s3+$0x28A0]  }
0x2c1: {  	v7 =	vld [tilespmem:s3+$0x8A0];
	_ =	sdelay $0x2  }
0x2c2: {  	v3 =	vmul.f32 v3, v3;
	_ =	sdelay $0x1  }
0x2c3: {  	v2 =	vadd.f32 v3, v2;
	v3 =	vmul.f32 v4, v4;
	v4 =	vsub.f32 v7, v6;
	_ =	sdelay $0x1  }
0x2c4: {  	[tilespmem:s0+$0x0] =	vst v4  }
0x2c5: {  	v2 =	vadd.f32 v3, v2;
	v5 =	vmul.f32 v5, v5;
	v3 =	vld [tilespmem:s3+$0x28B0]  }
0x2c6: {  	v6 =	vmul.f32 v4, v4;
	v4 =	vld [tilespmem:s3+$0x8B0]  }
0x2c7: {  	v2 =	vadd.f32 v5, v2;
	_ =	sdelay $0x1  }
0x2c8: {  	s2 =	simm.s32 $0x48A0;
	s1 =	simm.s32 $0x100;
	[tilespmem:s0+$0x20] =	vst v1;
	v2 =	vadd.f32 v6, v2  }
.LBB2_17:
0x2c9: {  	p2 =	sne.s32 s1, $0x7F00  }
0x2ca: {  	s0 =	sadd.s32 $0x50, s0;
	s3 =	smov.u32 s1;
	s1 =	sadd.s32 $0x100, s1;
	v3 =	vsub.f32 v4, v3  }
0x2cb: {  	_ = 	snop  }
0x2cc: {  	s3 =	sshra.s32 s3, $0x2;
	v4 =	vmul.f32 v3, v3;
	[tilespmem:s2+$0x10] =	vst v3;
	s2 =	smov.u32 s0  }
0x2cd: {  	v3 =	vld [tilespmem:s3+$0x2880]  }
0x2ce: {  	v5 =	vld [tilespmem:s3+$0x880];
	v2 =	vadd.f32 v4, v2;
	_ =	sdelay $0x4  }
0x2cf: {  	v3 =	vsub.f32 v5, v3;
	_ =	sdelay $0x1  }
0x2d0: {  	v4 =	vmul.f32 v3, v3;
	[tilespmem:s0+$0xFFFFFFE0] =	vst v3  }
0x2d1: {  	v3 =	vld [tilespmem:s3+$0x2890]  }
0x2d2: {  	v5 =	vld [tilespmem:s3+$0x890];
	_ =	sdelay $0x4  }
0x2d3: {  	v3 =	vsub.f32 v5, v3;
	_ =	sdelay $0x1  }
0x2d4: {  	v5 =	vmul.f32 v3, v3;
	[tilespmem:s0+$0xFFFFFFF0] =	vst v3  }
0x2d5: {  	v3 =	vld [tilespmem:s3+$0x28A0]  }
0x2d6: {  	v6 =	vld [tilespmem:s3+$0x8A0];
	_ =	sdelay $0x4  }
0x2d7: {  	v3 =	vsub.f32 v6, v3;
	_ =	sdelay $0x1  }
0x2d8: {  	v6 =	vmul.f32 v3, v3;
	[tilespmem:s0+$0x0] =	vst v3  }
.Ltmp10:
0x2d9: {  	v2 =	vadd.f32 v4, v2;
	v3 =	vld [tilespmem:s3+$0x28B0];
	(pc) =	sbr.rel @p2 .LBB2_17-.Ltmp10, $3  }
0x2da: {  	v4 =	vld [tilespmem:s3+$0x8B0]  }
0x2db: {  	v2 =	vadd.f32 v5, v2;
	[tilespmem:s0+$0x20] =	vst v1;
	_ =	sdelay $0x1  }
0x2dc: {  	v2 =	vadd.f32 v6, v2  }
0x2dd: {  	_ = 	snop  }
0x2de: {  	v3 =	vsub.f32 v4, v3;
	_ =	sdelay $0x1  }
0x2df: {  	[tilespmem:s2+$0x10] =	vst v3  }
0x2e0: {  	[spmem:s17] =	stream.indirect.scatter.add.f32 [tilespmem:s22], [sflag:$0x2], $0x50, s6, s14, $0xb8;
	[tilespmem:$0x1DEA0] =	vst v63  }
0x2e1: {  	_ =	swait.ge [sflag:s12], $0x2800  }
0x2e2: {  	[sflag:s12] =	ssyncset.done $0x0  }
0x2e3: {  	[sflag:s12] =	ssyncadd.s32 $0xFFFFD800  }
0x2e4: {  	[tilespmem:s20], [sflag:$0x2] =	stream.indirect.gather [hbm4b:s13+s14], $0x40, s25, s14, $0xb8;
	[tilespmem:$0x1DEA0] =	vst v63  }
0x2e5: {  	_ =	swait.ge [sflag:s12], $0x2000  }
0x2e6: {  	[sflag:s12] =	ssyncset.done $0x0  }
0x2e7: {  	s0 =	simm.s32 $0x0;
	s1 =	rddreg [dreg:$0x17];
	[sflag:s12] =	ssyncadd.s32 $0xFFFFE000  }
0x2e8: {  	[tilespmem:s15], [sflag:$0x2] =	stream.linear.gather [hbm4b:s1+s0], $0x2000, $0x38;
	[tilespmem:$0x1DEA0] =	vst v63  }
0x2e9: {  	_ =	swait.ge [sflag:s12], $0x2000  }
0x2ea: {  	[sflag:s12] =	ssyncset.done $0x0  }
0x2eb: {  	[sflag:s12] =	ssyncadd.s32 $0xFFFFE000  }
0x2ec: {  	[tilespmem:s7], [sflag:$0x2] =	stream.indirect.gather [spmem:s19], $0x1, s25, s14, $0xb8;
	[tilespmem:$0x1DEA0] =	vst v63  }
0x2ed: {  	_ =	swait.ge [sflag:s12], $0x80  }
0x2ee: {  	[sflag:s12] =	ssyncset.done $0x0  }
0x2ef: {  	s3 =	simm.s32 $0x0;
	[sflag:s12] =	ssyncadd.s32 $0xFFFFFF80  }
0x2f0: {  	v4 =	vld [tilespmem:s3+$0x2880]  }
0x2f1: {  	v5 =	vld [tilespmem:s3+$0x880];
	_ =	sdelay $0x4  }
0x2f2: {  	v4 =	vsub.f32 v5, v4  }
0x2f3: {  	s0 =	simm.s32 $0x48A0  }
0x2f4: {  	[tilespmem:s0+$0xFFFFFFE0] =	vst v4  }
0x2f5: {  	v5 =	vld [tilespmem:s3+$0x2890]  }
0x2f6: {  	v6 =	vld [tilespmem:s3+$0x890];
	_ =	sdelay $0x4  }
0x2f7: {  	v5 =	vsub.f32 v6, v5;
	_ =	sdelay $0x1  }
0x2f8: {  	[tilespmem:s0+$0xFFFFFFF0] =	vst v5  }
0x2f9: {  	v6 =	vld [tilespmem:s3+$0x28A0]  }
0x2fa: {  	v7 =	vld [tilespmem:s3+$0x8A0];
	_ =	sdelay $0x2  }
0x2fb: {  	v3 =	vmul.f32 v3, v3;
	_ =	sdelay $0x1  }
0x2fc: {  	v2 =	vadd.f32 v3, v2;
	v3 =	vmul.f32 v4, v4;
	v4 =	vsub.f32 v7, v6;
	_ =	sdelay $0x1  }
0x2fd: {  	[tilespmem:s0+$0x0] =	vst v4  }
0x2fe: {  	v2 =	vadd.f32 v3, v2;
	v5 =	vmul.f32 v5, v5;
	v3 =	vld [tilespmem:s3+$0x28B0]  }
0x2ff: {  	v6 =	vmul.f32 v4, v4;
	v4 =	vld [tilespmem:s3+$0x8B0]  }
0x300: {  	v2 =	vadd.f32 v5, v2;
	_ =	sdelay $0x1  }
0x301: {  	s2 =	simm.s32 $0x48A0;
	s1 =	simm.s32 $0x100;
	[tilespmem:s0+$0x20] =	vst v1;
	v2 =	vadd.f32 v6, v2  }
.LBB2_19:
0x302: {  	p2 =	sne.s32 s1, $0x7F00  }
0x303: {  	s0 =	sadd.s32 $0x50, s0;
	s3 =	smov.u32 s1;
	s1 =	sadd.s32 $0x100, s1;
	v3 =	vsub.f32 v4, v3  }
0x304: {  	_ = 	snop  }
0x305: {  	s3 =	sshra.s32 s3, $0x2;
	v4 =	vmul.f32 v3, v3;
	[tilespmem:s2+$0x10] =	vst v3;
	s2 =	smov.u32 s0  }
0x306: {  	v3 =	vld [tilespmem:s3+$0x2880]  }
0x307: {  	v5 =	vld [tilespmem:s3+$0x880];
	v2 =	vadd.f32 v4, v2;
	_ =	sdelay $0x4  }
0x308: {  	v3 =	vsub.f32 v5, v3;
	_ =	sdelay $0x1  }
0x309: {  	v4 =	vmul.f32 v3, v3;
	[tilespmem:s0+$0xFFFFFFE0] =	vst v3  }
0x30a: {  	v3 =	vld [tilespmem:s3+$0x2890]  }
0x30b: {  	v5 =	vld [tilespmem:s3+$0x890];
	_ =	sdelay $0x4  }
0x30c: {  	v3 =	vsub.f32 v5, v3;
	_ =	sdelay $0x1  }
0x30d: {  	v5 =	vmul.f32 v3, v3;
	[tilespmem:s0+$0xFFFFFFF0] =	vst v3  }
0x30e: {  	v3 =	vld [tilespmem:s3+$0x28A0]  }
0x30f: {  	v6 =	vld [tilespmem:s3+$0x8A0];
	_ =	sdelay $0x4  }
0x310: {  	v3 =	vsub.f32 v6, v3;
	_ =	sdelay $0x1  }
0x311: {  	v6 =	vmul.f32 v3, v3;
	[tilespmem:s0+$0x0] =	vst v3  }
.Ltmp11:
0x312: {  	v2 =	vadd.f32 v4, v2;
	v3 =	vld [tilespmem:s3+$0x28B0];
	(pc) =	sbr.rel @p2 .LBB2_19-.Ltmp11, $3  }
0x313: {  	v4 =	vld [tilespmem:s3+$0x8B0]  }
0x314: {  	v2 =	vadd.f32 v5, v2;
	[tilespmem:s0+$0x20] =	vst v1;
	_ =	sdelay $0x1  }
0x315: {  	v2 =	vadd.f32 v6, v2  }
0x316: {  	_ = 	snop  }
0x317: {  	v3 =	vsub.f32 v4, v3;
	_ =	sdelay $0x1  }
0x318: {  	v4 =	vmul.f32 v3, v3  }
0x319: {  	[tilespmem:s2+$0x10] =	vst v3  }
0x31a: {  	[spmem:s17] =	stream.indirect.scatter.add.f32 [tilespmem:s22], [sflag:$0x2], $0x50, s7, s14, $0xb8;
	v2 =	vadd.f32 v4, v2;
	[tilespmem:$0x1DEA0] =	vst v63  }
0x31b: {  	_ =	swait.ge [sflag:s12], $0x2800  }
0x31c: {  	[sflag:s12] =	ssyncset.done $0x0;
	s0 =	sld [smem:$0x7FC];
	v2 =	vmul.f32 $5.000000000e-01, v2  }
0x31d: {  	[sflag:s12] =	ssyncadd.s32 $0xFFFFD800  }
.Ltmp12:
0x31e: {  	s1 =	simm.s32 $0x7080;
	[tilespmem:$0x7080] =	vst v2;
	(pc) =	sbr.rel .LBB2_22-.Ltmp12, $4  }
0x31f: {  	[spmem:s0] =	stream.linear.scatter [tilespmem:s1], [sflag:$0x2], $0x10, $0x38;
	[tilespmem:$0x1DEA0] =	vst v63  }
0x320: {  	_ =	swait.ge [sflag:s12], $0x10  }
0x321: {  	[sflag:s12] =	ssyncset.done $0x0  }
0x322: {  	[sflag:s12] =	ssyncadd.s32 $0xFFFFFFF0  }
.LBB2_21:
0x323: {  	[bflag:$0x0] =	sbarrier.arrive $0xFFFF  }
.LBB2_22:
.Ltmp13:
0x324: {  	_ =	swait.ge [sflag:s8], $0x61C0;
	(pc) =	sbr.rel @p0 .LBB2_40-.Ltmp13, $3  }
0x325: {  	[sflag:s8] =	ssyncset.done $0x0  }
0x326: {  	[sflag:s8] =	ssyncadd.s32 $0xFFFF9E40  }
0x327: {  	[bflag:$0x0] =	sbarrier.arrive $0xFFFF;
	_ =	sdelay $0x1  }
0x328: {  	s0 =	simm.s32 @!p1 $0x7090;
	s1 =	rddreg [dreg:$0x6]  }
0x329: {  	[tilespmem:s0], [sflag:$0x2] =	stream.linear.gather @!p1 [spmem:s1], $0x100, $0x38;
	[tilespmem:$0x1DEA0] =	vst v63  }
0x32a: {  	s0 =	simm.s32 @!p1 $0x2  }
0x32b: {  	_ =	swait.ge @!p1 [sflag:s0], $0x100  }
0x32c: {  	[sflag:s0] =	ssyncset.done @!p1 $0x0  }
0x32d: {  	[sflag:s0] =	ssyncadd.s32 @!p1 $0xFFFFFF00  }
0x32e: {  	v2 =	vld @!p1 [tilespmem:$0x7090];
	_ =	sdelay $0x1  }
0x32f: {  	v3 =	vld @!p1 [tilespmem:$0x70A0];
	_ =	sdelay $0x1  }
0x330: {  	v4 =	vld @!p1 [tilespmem:$0x70B0]  }
0x331: {  	v2 =	vadd.f32 @!p1 $0.0e+00, v2  }
0x332: {  	v5 =	vld @!p1 [tilespmem:$0x70C0]  }
0x333: {  	v2 =	vadd.f32 @!p1 v3, v2  }
0x334: {  	v3 =	vld @!p1 [tilespmem:$0x70D0]  }
0x335: {  	v2 =	vadd.f32 @!p1 v4, v2  }
0x336: {  	v4 =	vld @!p1 [tilespmem:$0x70E0]  }
0x337: {  	v2 =	vadd.f32 @!p1 v5, v2  }
0x338: {  	v5 =	vld @!p1 [tilespmem:$0x70F0]  }
0x339: {  	v2 =	vadd.f32 @!p1 v3, v2  }
0x33a: {  	v3 =	vld @!p1 [tilespmem:$0x7100]  }
0x33b: {  	v2 =	vadd.f32 @!p1 v4, v2  }
0x33c: {  	v4 =	vld @!p1 [tilespmem:$0x7110]  }
0x33d: {  	v2 =	vadd.f32 @!p1 v5, v2  }
0x33e: {  	v5 =	vld @!p1 [tilespmem:$0x7120]  }
0x33f: {  	v2 =	vadd.f32 @!p1 v3, v2  }
0x340: {  	v3 =	vld @!p1 [tilespmem:$0x7130]  }
0x341: {  	v2 =	vadd.f32 @!p1 v4, v2  }
0x342: {  	v4 =	vld @!p1 [tilespmem:$0x7140]  }
0x343: {  	v2 =	vadd.f32 @!p1 v5, v2  }
0x344: {  	v5 =	vld @!p1 [tilespmem:$0x7150]  }
0x345: {  	v2 =	vadd.f32 @!p1 v3, v2  }
0x346: {  	v3 =	vld @!p1 [tilespmem:$0x7160]  }
0x347: {  	v2 =	vadd.f32 @!p1 v4, v2  }
0x348: {  	v4 =	vld @!p1 [tilespmem:$0x7170]  }
0x349: {  	v2 =	vadd.f32 @!p1 v5, v2  }
0x34a: {  	v5 =	vld @!p1 [tilespmem:$0x7180]  }
0x34b: {  	v2 =	vadd.f32 @!p1 v3, v2;
	_ =	sdelay $0x1  }
0x34c: {  	v2 =	vadd.f32 @!p1 v4, v2;
	_ =	sdelay $0x1  }
0x34d: {  	v2 =	vadd.f32 @!p1 v5, v2;
	_ =	sdelay $0x1  }
0x34e: {  	s2 =	simm.s32 @!p1 $0x7080;
	s1 =	simm.s32 @!p1 $0x0;
	s3 =	rddreg [dreg:$0x3];
	[tilespmem:$0x7080] =	vst @!p1 v2  }
0x34f: {  	[hbm4b:s3+s1] =	stream.linear.scatter @!p1 [tilespmem:s2], [sflag:$0x2], $0x10, $0x38;
	[tilespmem:$0x1DEA0] =	vst v63  }
0x350: {  	_ =	swait.ge @!p1 [sflag:s0], $0x10  }
0x351: {  	[sflag:s0] =	ssyncset.done @!p1 $0x0  }
0x352: {  	s3 =	simm.s32 $0x400;
	[sflag:s0] =	ssyncadd.s32 @!p1 $0xFFFFFFF0  }
0x353: {  	[tilespmem:s22], [sflag:$0x2] =	stream.indirect.gather [spmem:s17], $0x50, s3, s14, $0xb8;
	[tilespmem:$0x1DEA0] =	vst v63  }
0x354: {  	_ =	swait.ge [sflag:s12], $0x2800  }
0x355: {  	[sflag:s12] =	ssyncset.done $0x0  }
0x356: {  	s1 =	simm.s32 $0x0;
	[sflag:s12] =	ssyncadd.s32 $0xFFFFD800  }
0x357: {  	[tilespmem:s20], [sflag:$0x2] =	stream.indirect.gather [hbm4b:s13+s14], $0x40, s1, s14, $0xb8;
	[tilespmem:$0x1DEA0] =	vst v63  }
0x358: {  	_ =	swait.ge [sflag:s12], $0x2000  }
0x359: {  	[sflag:s12] =	ssyncset.done $0x0  }
0x35a: {  	s0 =	simm.s32 $0x48A0;
	[sflag:s12] =	ssyncadd.s32 $0xFFFFE000  }
0x35b: {  	s2 =	simm.s32 $0x100;
	v2 =	vld [tilespmem:s0+$0x20]  }
.LBB2_24:
0x35c: {  	p2 =	sne.s32 s2, $0x7F00;
	v3 =	vld [tilespmem:s0+$0xFFFFFFE0];
	_ =	sdelay $0x3  }
0x35d: {  	v2 =	vadd.f32 $1.000000000e+00, v2;
	_ =	sdelay $0x1  }
0x35e: {  	(erf) = vrcp.f32 v2;
	_ =	sdelay $0x7  }
0x35f: {  	s3 =	sshra.s32 s1, $0x2;
	s1 =	smov.u32 s2  }
0x360: {  	v2 =	vld [tilespmem:s3+$0x880];
	v4 =	vpop (erf)  }
0x361: {  	v4 =	vmul.f32 $5.000000000e-01, v4;
	_ =	sdelay $0x1  }
0x362: {  	v3 =	vmul.f32 v4, v3;
	_ =	sdelay $0x1  }
0x363: {  	v2 =	vsub.f32 v2, v3;
	_ =	sdelay $0x1  }
0x364: {  	[tilespmem:s3+$0x2880] =	vst v2  }
0x365: {  	v2 =	vld [tilespmem:s0+$0xFFFFFFF0];
	_ =	sdelay $0x1  }
0x366: {  	v3 =	vld [tilespmem:s3+$0x890];
	_ =	sdelay $0x2  }
0x367: {  	v2 =	vmul.f32 v2, v4;
	_ =	sdelay $0x1  }
0x368: {  	v2 =	vsub.f32 v3, v2;
	_ =	sdelay $0x1  }
0x369: {  	[tilespmem:s3+$0x2890] =	vst v2  }
0x36a: {  	v2 =	vld [tilespmem:s0+$0x0];
	_ =	sdelay $0x1  }
0x36b: {  	v3 =	vld [tilespmem:s3+$0x8A0];
	_ =	sdelay $0x2  }
0x36c: {  	v2 =	vmul.f32 v2, v4;
	_ =	sdelay $0x1  }
0x36d: {  	v2 =	vsub.f32 v3, v2;
	_ =	sdelay $0x1  }
0x36e: {  	[tilespmem:s3+$0x28A0] =	vst v2  }
0x36f: {  	v2 =	vld [tilespmem:s0+$0x10];
	_ =	sdelay $0x1  }
0x370: {  	v3 =	vld [tilespmem:s3+$0x8B0];
	_ =	sdelay $0x2  }
0x371: {  	v2 =	vmul.f32 v2, v4  }
.Ltmp14:
0x372: {  	(pc) =	sbr.rel @p2 .LBB2_24-.Ltmp14, $3  }
0x373: {  	v2 =	vsub.f32 v3, v2;
	_ =	sdelay $0x1  }
0x374: {  	s0 =	sadd.s32 $0x50, s0;
	[tilespmem:s3+$0x28B0] =	vst v2  }
0x375: {  	s2 =	sadd.s32 $0x100, s2;
	v2 =	vld [tilespmem:s0+$0x20]  }
0x376: {  	_ =	sdelay $0x3  }
0x377: {  	v2 =	vadd.f32 $1.000000000e+00, v2;
	_ =	sdelay $0x1  }
0x378: {  	(erf) = vrcp.f32 v2;
	_ =	sdelay $0x6  }
0x379: {  	v2 =	vld [tilespmem:s0+$0xFFFFFFE0]  }
0x37a: {  	s1 =	sshra.s32 s1, $0x2  }
0x37b: {  	v3 =	vld [tilespmem:s1+$0x880];
	v4 =	vpop (erf)  }
0x37c: {  	v4 =	vmul.f32 $5.000000000e-01, v4;
	_ =	sdelay $0x1  }
0x37d: {  	v2 =	vmul.f32 v4, v2;
	_ =	sdelay $0x1  }
0x37e: {  	v2 =	vsub.f32 v3, v2;
	_ =	sdelay $0x1  }
0x37f: {  	[tilespmem:s1+$0x2880] =	vst v2  }
0x380: {  	v2 =	vld [tilespmem:s0+$0xFFFFFFF0];
	_ =	sdelay $0x1  }
0x381: {  	v3 =	vld [tilespmem:s1+$0x890];
	_ =	sdelay $0x2  }
0x382: {  	v2 =	vmul.f32 v2, v4;
	_ =	sdelay $0x1  }
0x383: {  	v2 =	vsub.f32 v3, v2;
	_ =	sdelay $0x1  }
0x384: {  	[tilespmem:s1+$0x2890] =	vst v2  }
0x385: {  	v2 =	vld [tilespmem:s0+$0x0];
	_ =	sdelay $0x1  }
0x386: {  	v3 =	vld [tilespmem:s1+$0x8A0];
	_ =	sdelay $0x2  }
0x387: {  	v2 =	vmul.f32 v2, v4;
	_ =	sdelay $0x1  }
0x388: {  	v2 =	vsub.f32 v3, v2;
	_ =	sdelay $0x1  }
0x389: {  	[tilespmem:s1+$0x28A0] =	vst v2  }
0x38a: {  	v2 =	vld [tilespmem:s0+$0x10];
	_ =	sdelay $0x1  }
0x38b: {  	v3 =	vld [tilespmem:s1+$0x8B0];
	_ =	sdelay $0x2  }
0x38c: {  	v2 =	vmul.f32 v2, v4;
	_ =	sdelay $0x1  }
0x38d: {  	v2 =	vsub.f32 v3, v2;
	_ =	sdelay $0x1  }
0x38e: {  	[tilespmem:s1+$0x28B0] =	vst v2;
	s1 =	simm.s32 $0x0  }
0x38f: {  	[hbm4b:s23+s14] =	stream.indirect.scatter [tilespmem:s15], [sflag:$0x2], $0x40, s1, s14, $0xb8;
	[tilespmem:$0x1DEA0] =	vst v63  }
0x390: {  	_ =	swait.ge [sflag:s12], $0x2000  }
0x391: {  	[sflag:s12] =	ssyncset.done $0x0  }
0x392: {  	[sflag:s12] =	ssyncadd.s32 $0xFFFFE000  }
0x393: {  	[tilespmem:s22], [sflag:$0x2] =	stream.indirect.gather [spmem:s17], $0x50, s16, s14, $0xb8;
	[tilespmem:$0x1DEA0] =	vst v63  }
0x394: {  	_ =	swait.ge [sflag:s12], $0x2800  }
0x395: {  	[sflag:s12] =	ssyncset.done $0x0  }
0x396: {  	[sflag:s12] =	ssyncadd.s32 $0xFFFFD800  }
0x397: {  	[tilespmem:s20], [sflag:$0x2] =	stream.indirect.gather [hbm4b:s13+s14], $0x40, s14, s14, $0xb8;
	[tilespmem:$0x1DEA0] =	vst v63  }
0x398: {  	_ =	swait.ge [sflag:s12], $0x2000  }
0x399: {  	[sflag:s12] =	ssyncset.done $0x0  }
0x39a: {  	s0 =	simm.s32 $0x48A0;
	[sflag:s12] =	ssyncadd.s32 $0xFFFFE000  }
0x39b: {  	s2 =	simm.s32 $0x100;
	v2 =	vld [tilespmem:s0+$0x20]  }
.LBB2_26:
0x39c: {  	p2 =	sne.s32 s2, $0x7F00;
	v3 =	vld [tilespmem:s0+$0xFFFFFFE0];
	_ =	sdelay $0x3  }
0x39d: {  	v2 =	vadd.f32 $1.000000000e+00, v2;
	_ =	sdelay $0x1  }
0x39e: {  	(erf) = vrcp.f32 v2;
	_ =	sdelay $0x7  }
0x39f: {  	s3 =	sshra.s32 s1, $0x2;
	s1 =	smov.u32 s2  }
0x3a0: {  	v2 =	vld [tilespmem:s3+$0x880];
	v4 =	vpop (erf)  }
0x3a1: {  	v4 =	vmul.f32 $5.000000000e-01, v4;
	_ =	sdelay $0x1  }
0x3a2: {  	v3 =	vmul.f32 v4, v3;
	_ =	sdelay $0x1  }
0x3a3: {  	v2 =	vsub.f32 v2, v3;
	_ =	sdelay $0x1  }
0x3a4: {  	[tilespmem:s3+$0x2880] =	vst v2  }
0x3a5: {  	v2 =	vld [tilespmem:s0+$0xFFFFFFF0];
	_ =	sdelay $0x1  }
0x3a6: {  	v3 =	vld [tilespmem:s3+$0x890];
	_ =	sdelay $0x2  }
0x3a7: {  	v2 =	vmul.f32 v2, v4;
	_ =	sdelay $0x1  }
0x3a8: {  	v2 =	vsub.f32 v3, v2;
	_ =	sdelay $0x1  }
0x3a9: {  	[tilespmem:s3+$0x2890] =	vst v2  }
0x3aa: {  	v2 =	vld [tilespmem:s0+$0x0];
	_ =	sdelay $0x1  }
0x3ab: {  	v3 =	vld [tilespmem:s3+$0x8A0];
	_ =	sdelay $0x2  }
0x3ac: {  	v2 =	vmul.f32 v2, v4;
	_ =	sdelay $0x1  }
0x3ad: {  	v2 =	vsub.f32 v3, v2;
	_ =	sdelay $0x1  }
0x3ae: {  	[tilespmem:s3+$0x28A0] =	vst v2  }
0x3af: {  	v2 =	vld [tilespmem:s0+$0x10];
	_ =	sdelay $0x1  }
0x3b0: {  	v3 =	vld [tilespmem:s3+$0x8B0];
	_ =	sdelay $0x2  }
0x3b1: {  	v2 =	vmul.f32 v2, v4  }
.Ltmp15:
0x3b2: {  	(pc) =	sbr.rel @p2 .LBB2_26-.Ltmp15, $3  }
0x3b3: {  	v2 =	vsub.f32 v3, v2;
	_ =	sdelay $0x1  }
0x3b4: {  	s0 =	sadd.s32 $0x50, s0;
	[tilespmem:s3+$0x28B0] =	vst v2  }
0x3b5: {  	s2 =	sadd.s32 $0x100, s2;
	v2 =	vld [tilespmem:s0+$0x20]  }
0x3b6: {  	_ =	sdelay $0x3  }
0x3b7: {  	v2 =	vadd.f32 $1.000000000e+00, v2;
	_ =	sdelay $0x1  }
0x3b8: {  	(erf) = vrcp.f32 v2;
	_ =	sdelay $0x6  }
0x3b9: {  	v2 =	vld [tilespmem:s0+$0xFFFFFFE0]  }
0x3ba: {  	s1 =	sshra.s32 s1, $0x2  }
0x3bb: {  	v3 =	vld [tilespmem:s1+$0x880];
	v4 =	vpop (erf)  }
0x3bc: {  	v4 =	vmul.f32 $5.000000000e-01, v4;
	_ =	sdelay $0x1  }
0x3bd: {  	v2 =	vmul.f32 v4, v2;
	_ =	sdelay $0x1  }
0x3be: {  	v2 =	vsub.f32 v3, v2;
	_ =	sdelay $0x1  }
0x3bf: {  	[tilespmem:s1+$0x2880] =	vst v2  }
0x3c0: {  	v2 =	vld [tilespmem:s0+$0xFFFFFFF0];
	_ =	sdelay $0x1  }
0x3c1: {  	v3 =	vld [tilespmem:s1+$0x890];
	_ =	sdelay $0x2  }
0x3c2: {  	v2 =	vmul.f32 v2, v4;
	_ =	sdelay $0x1  }
0x3c3: {  	v2 =	vsub.f32 v3, v2;
	_ =	sdelay $0x1  }
0x3c4: {  	[tilespmem:s1+$0x2890] =	vst v2  }
0x3c5: {  	v2 =	vld [tilespmem:s0+$0x0];
	_ =	sdelay $0x1  }
0x3c6: {  	v3 =	vld [tilespmem:s1+$0x8A0];
	_ =	sdelay $0x2  }
0x3c7: {  	v2 =	vmul.f32 v2, v4;
	_ =	sdelay $0x1  }
0x3c8: {  	v2 =	vsub.f32 v3, v2;
	_ =	sdelay $0x1  }
0x3c9: {  	[tilespmem:s1+$0x28A0] =	vst v2  }
0x3ca: {  	v2 =	vld [tilespmem:s0+$0x10];
	_ =	sdelay $0x1  }
0x3cb: {  	v3 =	vld [tilespmem:s1+$0x8B0];
	_ =	sdelay $0x2  }
0x3cc: {  	v2 =	vmul.f32 v2, v4;
	_ =	sdelay $0x1  }
0x3cd: {  	v2 =	vsub.f32 v3, v2;
	_ =	sdelay $0x1  }
0x3ce: {  	[tilespmem:s1+$0x28B0] =	vst v2  }
0x3cf: {  	[hbm4b:s23+s14] =	stream.indirect.scatter [tilespmem:s15], [sflag:$0x2], $0x40, s14, s14, $0xb8;
	[tilespmem:$0x1DEA0] =	vst v63  }
0x3d0: {  	_ =	swait.ge [sflag:s12], $0x2000  }
0x3d1: {  	[sflag:s12] =	ssyncset.done $0x0  }
0x3d2: {  	[sflag:s12] =	ssyncadd.s32 $0xFFFFE000  }
0x3d3: {  	[tilespmem:s22], [sflag:$0x2] =	stream.indirect.gather [spmem:s17], $0x50, s30, s14, $0xb8;
	[tilespmem:$0x1DEA0] =	vst v63  }
0x3d4: {  	_ =	swait.ge [sflag:s12], $0x2800  }
0x3d5: {  	[sflag:s12] =	ssyncset.done $0x0  }
0x3d6: {  	[sflag:s12] =	ssyncadd.s32 $0xFFFFD800  }
0x3d7: {  	[tilespmem:s20], [sflag:$0x2] =	stream.indirect.gather [hbm4b:s13+s14], $0x40, s4, s14, $0xb8;
	[tilespmem:$0x1DEA0] =	vst v63  }
0x3d8: {  	_ =	swait.ge [sflag:s12], $0x2000  }
0x3d9: {  	[sflag:s12] =	ssyncset.done $0x0  }
0x3da: {  	s0 =	simm.s32 $0x48A0;
	[sflag:s12] =	ssyncadd.s32 $0xFFFFE000  }
0x3db: {  	s2 =	simm.s32 $0x100;
	s1 =	simm.s32 $0x0;
	v2 =	vld [tilespmem:s0+$0x20]  }
.LBB2_28:
0x3dc: {  	p2 =	sne.s32 s2, $0x7F00;
	v3 =	vld [tilespmem:s0+$0xFFFFFFE0];
	_ =	sdelay $0x3  }
0x3dd: {  	v2 =	vadd.f32 $1.000000000e+00, v2;
	_ =	sdelay $0x1  }
0x3de: {  	(erf) = vrcp.f32 v2;
	_ =	sdelay $0x7  }
0x3df: {  	s3 =	sshra.s32 s1, $0x2;
	s1 =	smov.u32 s2  }
0x3e0: {  	v2 =	vld [tilespmem:s3+$0x880];
	v4 =	vpop (erf)  }
0x3e1: {  	v4 =	vmul.f32 $5.000000000e-01, v4;
	_ =	sdelay $0x1  }
0x3e2: {  	v3 =	vmul.f32 v4, v3;
	_ =	sdelay $0x1  }
0x3e3: {  	v2 =	vsub.f32 v2, v3;
	_ =	sdelay $0x1  }
0x3e4: {  	[tilespmem:s3+$0x2880] =	vst v2  }
0x3e5: {  	v2 =	vld [tilespmem:s0+$0xFFFFFFF0];
	_ =	sdelay $0x1  }
0x3e6: {  	v3 =	vld [tilespmem:s3+$0x890];
	_ =	sdelay $0x2  }
0x3e7: {  	v2 =	vmul.f32 v2, v4;
	_ =	sdelay $0x1  }
0x3e8: {  	v2 =	vsub.f32 v3, v2;
	_ =	sdelay $0x1  }
0x3e9: {  	[tilespmem:s3+$0x2890] =	vst v2  }
0x3ea: {  	v2 =	vld [tilespmem:s0+$0x0];
	_ =	sdelay $0x1  }
0x3eb: {  	v3 =	vld [tilespmem:s3+$0x8A0];
	_ =	sdelay $0x2  }
0x3ec: {  	v2 =	vmul.f32 v2, v4;
	_ =	sdelay $0x1  }
0x3ed: {  	v2 =	vsub.f32 v3, v2;
	_ =	sdelay $0x1  }
0x3ee: {  	[tilespmem:s3+$0x28A0] =	vst v2  }
0x3ef: {  	v2 =	vld [tilespmem:s0+$0x10];
	_ =	sdelay $0x1  }
0x3f0: {  	v3 =	vld [tilespmem:s3+$0x8B0];
	_ =	sdelay $0x2  }
0x3f1: {  	v2 =	vmul.f32 v2, v4  }
.Ltmp16:
0x3f2: {  	(pc) =	sbr.rel @p2 .LBB2_28-.Ltmp16, $3  }
0x3f3: {  	v2 =	vsub.f32 v3, v2;
	_ =	sdelay $0x1  }
0x3f4: {  	s0 =	sadd.s32 $0x50, s0;
	[tilespmem:s3+$0x28B0] =	vst v2  }
0x3f5: {  	s2 =	sadd.s32 $0x100, s2;
	v2 =	vld [tilespmem:s0+$0x20]  }
0x3f6: {  	_ =	sdelay $0x3  }
0x3f7: {  	v2 =	vadd.f32 $1.000000000e+00, v2;
	_ =	sdelay $0x1  }
0x3f8: {  	(erf) = vrcp.f32 v2;
	_ =	sdelay $0x6  }
0x3f9: {  	v2 =	vld [tilespmem:s0+$0xFFFFFFE0]  }
0x3fa: {  	s1 =	sshra.s32 s1, $0x2  }
0x3fb: {  	v3 =	vld [tilespmem:s1+$0x880];
	v4 =	vpop (erf)  }
0x3fc: {  	v4 =	vmul.f32 $5.000000000e-01, v4;
	_ =	sdelay $0x1  }
0x3fd: {  	v2 =	vmul.f32 v4, v2;
	_ =	sdelay $0x1  }
0x3fe: {  	v2 =	vsub.f32 v3, v2;
	_ =	sdelay $0x1  }
0x3ff: {  	[tilespmem:s1+$0x2880] =	vst v2  }
0x400: {  	v2 =	vld [tilespmem:s0+$0xFFFFFFF0];
	_ =	sdelay $0x1  }
0x401: {  	v3 =	vld [tilespmem:s1+$0x890];
	_ =	sdelay $0x2  }
0x402: {  	v2 =	vmul.f32 v2, v4;
	_ =	sdelay $0x1  }
0x403: {  	v2 =	vsub.f32 v3, v2;
	_ =	sdelay $0x1  }
0x404: {  	[tilespmem:s1+$0x2890] =	vst v2  }
0x405: {  	v2 =	vld [tilespmem:s0+$0x0];
	_ =	sdelay $0x1  }
0x406: {  	v3 =	vld [tilespmem:s1+$0x8A0];
	_ =	sdelay $0x2  }
0x407: {  	v2 =	vmul.f32 v2, v4;
	_ =	sdelay $0x1  }
0x408: {  	v2 =	vsub.f32 v3, v2;
	_ =	sdelay $0x1  }
0x409: {  	[tilespmem:s1+$0x28A0] =	vst v2  }
0x40a: {  	v2 =	vld [tilespmem:s0+$0x10];
	_ =	sdelay $0x1  }
0x40b: {  	v3 =	vld [tilespmem:s1+$0x8B0];
	_ =	sdelay $0x2  }
0x40c: {  	v2 =	vmul.f32 v2, v4;
	_ =	sdelay $0x1  }
0x40d: {  	v2 =	vsub.f32 v3, v2;
	_ =	sdelay $0x1  }
0x40e: {  	[tilespmem:s1+$0x28B0] =	vst v2  }
0x40f: {  	[hbm4b:s23+s14] =	stream.indirect.scatter [tilespmem:s15], [sflag:$0x2], $0x40, s4, s14, $0xb8;
	[tilespmem:$0x1DEA0] =	vst v63  }
0x410: {  	_ =	swait.ge [sflag:s12], $0x2000  }
0x411: {  	[sflag:s12] =	ssyncset.done $0x0  }
0x412: {  	[sflag:s12] =	ssyncadd.s32 $0xFFFFE000  }
0x413: {  	[tilespmem:s22], [sflag:$0x2] =	stream.indirect.gather [spmem:s17], $0x50, s24, s14, $0xb8;
	[tilespmem:$0x1DEA0] =	vst v63  }
0x414: {  	_ =	swait.ge [sflag:s12], $0x2800  }
0x415: {  	[sflag:s12] =	ssyncset.done $0x0  }
0x416: {  	[sflag:s12] =	ssyncadd.s32 $0xFFFFD800  }
0x417: {  	[tilespmem:s20], [sflag:$0x2] =	stream.indirect.gather [hbm4b:s13+s14], $0x40, s18, s14, $0xb8;
	[tilespmem:$0x1DEA0] =	vst v63  }
0x418: {  	_ =	swait.ge [sflag:s12], $0x2000  }
0x419: {  	[sflag:s12] =	ssyncset.done $0x0  }
0x41a: {  	s0 =	simm.s32 $0x48A0;
	[sflag:s12] =	ssyncadd.s32 $0xFFFFE000  }
0x41b: {  	s2 =	simm.s32 $0x100;
	s1 =	simm.s32 $0x0;
	v2 =	vld [tilespmem:s0+$0x20]  }
.LBB2_30:
0x41c: {  	p2 =	sne.s32 s2, $0x7F00;
	v3 =	vld [tilespmem:s0+$0xFFFFFFE0];
	_ =	sdelay $0x3  }
0x41d: {  	v2 =	vadd.f32 $1.000000000e+00, v2;
	_ =	sdelay $0x1  }
0x41e: {  	(erf) = vrcp.f32 v2;
	_ =	sdelay $0x7  }
0x41f: {  	s3 =	sshra.s32 s1, $0x2;
	s1 =	smov.u32 s2  }
0x420: {  	v2 =	vld [tilespmem:s3+$0x880];
	v4 =	vpop (erf)  }
0x421: {  	v4 =	vmul.f32 $5.000000000e-01, v4;
	_ =	sdelay $0x1  }
0x422: {  	v3 =	vmul.f32 v4, v3;
	_ =	sdelay $0x1  }
0x423: {  	v2 =	vsub.f32 v2, v3;
	_ =	sdelay $0x1  }
0x424: {  	[tilespmem:s3+$0x2880] =	vst v2  }
0x425: {  	v2 =	vld [tilespmem:s0+$0xFFFFFFF0];
	_ =	sdelay $0x1  }
0x426: {  	v3 =	vld [tilespmem:s3+$0x890];
	_ =	sdelay $0x2  }
0x427: {  	v2 =	vmul.f32 v2, v4;
	_ =	sdelay $0x1  }
0x428: {  	v2 =	vsub.f32 v3, v2;
	_ =	sdelay $0x1  }
0x429: {  	[tilespmem:s3+$0x2890] =	vst v2  }
0x42a: {  	v2 =	vld [tilespmem:s0+$0x0];
	_ =	sdelay $0x1  }
0x42b: {  	v3 =	vld [tilespmem:s3+$0x8A0];
	_ =	sdelay $0x2  }
0x42c: {  	v2 =	vmul.f32 v2, v4;
	_ =	sdelay $0x1  }
0x42d: {  	v2 =	vsub.f32 v3, v2;
	_ =	sdelay $0x1  }
0x42e: {  	[tilespmem:s3+$0x28A0] =	vst v2  }
0x42f: {  	v2 =	vld [tilespmem:s0+$0x10];
	_ =	sdelay $0x1  }
0x430: {  	v3 =	vld [tilespmem:s3+$0x8B0];
	_ =	sdelay $0x2  }
0x431: {  	v2 =	vmul.f32 v2, v4  }
.Ltmp17:
0x432: {  	(pc) =	sbr.rel @p2 .LBB2_30-.Ltmp17, $3  }
0x433: {  	v2 =	vsub.f32 v3, v2;
	_ =	sdelay $0x1  }
0x434: {  	s0 =	sadd.s32 $0x50, s0;
	[tilespmem:s3+$0x28B0] =	vst v2  }
0x435: {  	s2 =	sadd.s32 $0x100, s2;
	v2 =	vld [tilespmem:s0+$0x20]  }
0x436: {  	_ =	sdelay $0x3  }
0x437: {  	v2 =	vadd.f32 $1.000000000e+00, v2;
	_ =	sdelay $0x1  }
0x438: {  	(erf) = vrcp.f32 v2;
	_ =	sdelay $0x6  }
0x439: {  	v2 =	vld [tilespmem:s0+$0xFFFFFFE0]  }
0x43a: {  	s1 =	sshra.s32 s1, $0x2  }
0x43b: {  	v3 =	vld [tilespmem:s1+$0x880];
	v4 =	vpop (erf)  }
0x43c: {  	v4 =	vmul.f32 $5.000000000e-01, v4;
	_ =	sdelay $0x1  }
0x43d: {  	v2 =	vmul.f32 v4, v2;
	_ =	sdelay $0x1  }
0x43e: {  	v2 =	vsub.f32 v3, v2;
	_ =	sdelay $0x1  }
0x43f: {  	[tilespmem:s1+$0x2880] =	vst v2  }
0x440: {  	v2 =	vld [tilespmem:s0+$0xFFFFFFF0];
	_ =	sdelay $0x1  }
0x441: {  	v3 =	vld [tilespmem:s1+$0x890];
	_ =	sdelay $0x2  }
0x442: {  	v2 =	vmul.f32 v2, v4;
	_ =	sdelay $0x1  }
0x443: {  	v2 =	vsub.f32 v3, v2;
	_ =	sdelay $0x1  }
0x444: {  	[tilespmem:s1+$0x2890] =	vst v2  }
0x445: {  	v2 =	vld [tilespmem:s0+$0x0];
	_ =	sdelay $0x1  }
0x446: {  	v3 =	vld [tilespmem:s1+$0x8A0];
	_ =	sdelay $0x2  }
0x447: {  	v2 =	vmul.f32 v2, v4;
	_ =	sdelay $0x1  }
0x448: {  	v2 =	vsub.f32 v3, v2;
	_ =	sdelay $0x1  }
0x449: {  	[tilespmem:s1+$0x28A0] =	vst v2  }
0x44a: {  	v2 =	vld [tilespmem:s0+$0x10];
	_ =	sdelay $0x1  }
0x44b: {  	v3 =	vld [tilespmem:s1+$0x8B0];
	_ =	sdelay $0x2  }
0x44c: {  	v2 =	vmul.f32 v2, v4;
	_ =	sdelay $0x1  }
0x44d: {  	v2 =	vsub.f32 v3, v2;
	_ =	sdelay $0x1  }
0x44e: {  	[tilespmem:s1+$0x28B0] =	vst v2  }
0x44f: {  	[hbm4b:s23+s14] =	stream.indirect.scatter [tilespmem:s15], [sflag:$0x2], $0x40, s18, s14, $0xb8;
	[tilespmem:$0x1DEA0] =	vst v63  }
0x450: {  	_ =	swait.ge [sflag:s12], $0x2000  }
0x451: {  	[sflag:s12] =	ssyncset.done $0x0  }
0x452: {  	[sflag:s12] =	ssyncadd.s32 $0xFFFFE000  }
0x453: {  	[tilespmem:s22], [sflag:$0x2] =	stream.indirect.gather [spmem:s17], $0x50, s29, s14, $0xb8;
	[tilespmem:$0x1DEA0] =	vst v63  }
0x454: {  	_ =	swait.ge [sflag:s12], $0x2800  }
0x455: {  	[sflag:s12] =	ssyncset.done $0x0  }
0x456: {  	[sflag:s12] =	ssyncadd.s32 $0xFFFFD800  }
0x457: {  	[tilespmem:s20], [sflag:$0x2] =	stream.indirect.gather [hbm4b:s13+s14], $0x40, s21, s14, $0xb8;
	[tilespmem:$0x1DEA0] =	vst v63  }
0x458: {  	_ =	swait.ge [sflag:s12], $0x2000  }
0x459: {  	[sflag:s12] =	ssyncset.done $0x0  }
0x45a: {  	s0 =	simm.s32 $0x48A0;
	[sflag:s12] =	ssyncadd.s32 $0xFFFFE000  }
0x45b: {  	s2 =	simm.s32 $0x100;
	s1 =	simm.s32 $0x0;
	v2 =	vld [tilespmem:s0+$0x20]  }
.LBB2_32:
0x45c: {  	p2 =	sne.s32 s2, $0x7F00;
	v3 =	vld [tilespmem:s0+$0xFFFFFFE0];
	_ =	sdelay $0x3  }
0x45d: {  	v2 =	vadd.f32 $1.000000000e+00, v2;
	_ =	sdelay $0x1  }
0x45e: {  	(erf) = vrcp.f32 v2;
	_ =	sdelay $0x7  }
0x45f: {  	s3 =	sshra.s32 s1, $0x2;
	s1 =	smov.u32 s2  }
0x460: {  	v2 =	vld [tilespmem:s3+$0x880];
	v4 =	vpop (erf)  }
0x461: {  	v4 =	vmul.f32 $5.000000000e-01, v4;
	_ =	sdelay $0x1  }
0x462: {  	v3 =	vmul.f32 v4, v3;
	_ =	sdelay $0x1  }
0x463: {  	v2 =	vsub.f32 v2, v3;
	_ =	sdelay $0x1  }
0x464: {  	[tilespmem:s3+$0x2880] =	vst v2  }
0x465: {  	v2 =	vld [tilespmem:s0+$0xFFFFFFF0];
	_ =	sdelay $0x1  }
0x466: {  	v3 =	vld [tilespmem:s3+$0x890];
	_ =	sdelay $0x2  }
0x467: {  	v2 =	vmul.f32 v2, v4;
	_ =	sdelay $0x1  }
0x468: {  	v2 =	vsub.f32 v3, v2;
	_ =	sdelay $0x1  }
0x469: {  	[tilespmem:s3+$0x2890] =	vst v2  }
0x46a: {  	v2 =	vld [tilespmem:s0+$0x0];
	_ =	sdelay $0x1  }
0x46b: {  	v3 =	vld [tilespmem:s3+$0x8A0];
	_ =	sdelay $0x2  }
0x46c: {  	v2 =	vmul.f32 v2, v4;
	_ =	sdelay $0x1  }
0x46d: {  	v2 =	vsub.f32 v3, v2;
	_ =	sdelay $0x1  }
0x46e: {  	[tilespmem:s3+$0x28A0] =	vst v2  }
0x46f: {  	v2 =	vld [tilespmem:s0+$0x10];
	_ =	sdelay $0x1  }
0x470: {  	v3 =	vld [tilespmem:s3+$0x8B0];
	_ =	sdelay $0x2  }
0x471: {  	v2 =	vmul.f32 v2, v4  }
.Ltmp18:
0x472: {  	(pc) =	sbr.rel @p2 .LBB2_32-.Ltmp18, $3  }
0x473: {  	v2 =	vsub.f32 v3, v2;
	_ =	sdelay $0x1  }
0x474: {  	s0 =	sadd.s32 $0x50, s0;
	[tilespmem:s3+$0x28B0] =	vst v2  }
0x475: {  	s2 =	sadd.s32 $0x100, s2;
	v2 =	vld [tilespmem:s0+$0x20]  }
0x476: {  	_ =	sdelay $0x3  }
0x477: {  	v2 =	vadd.f32 $1.000000000e+00, v2;
	_ =	sdelay $0x1  }
0x478: {  	(erf) = vrcp.f32 v2;
	_ =	sdelay $0x6  }
0x479: {  	v2 =	vld [tilespmem:s0+$0xFFFFFFE0]  }
0x47a: {  	s1 =	sshra.s32 s1, $0x2  }
0x47b: {  	v3 =	vld [tilespmem:s1+$0x880];
	v4 =	vpop (erf)  }
0x47c: {  	v4 =	vmul.f32 $5.000000000e-01, v4;
	_ =	sdelay $0x1  }
0x47d: {  	v2 =	vmul.f32 v4, v2;
	_ =	sdelay $0x1  }
0x47e: {  	v2 =	vsub.f32 v3, v2;
	_ =	sdelay $0x1  }
0x47f: {  	[tilespmem:s1+$0x2880] =	vst v2  }
0x480: {  	v2 =	vld [tilespmem:s0+$0xFFFFFFF0];
	_ =	sdelay $0x1  }
0x481: {  	v3 =	vld [tilespmem:s1+$0x890];
	_ =	sdelay $0x2  }
0x482: {  	v2 =	vmul.f32 v2, v4;
	_ =	sdelay $0x1  }
0x483: {  	v2 =	vsub.f32 v3, v2;
	_ =	sdelay $0x1  }
0x484: {  	[tilespmem:s1+$0x2890] =	vst v2  }
0x485: {  	v2 =	vld [tilespmem:s0+$0x0];
	_ =	sdelay $0x1  }
0x486: {  	v3 =	vld [tilespmem:s1+$0x8A0];
	_ =	sdelay $0x2  }
0x487: {  	v2 =	vmul.f32 v2, v4;
	_ =	sdelay $0x1  }
0x488: {  	v2 =	vsub.f32 v3, v2;
	_ =	sdelay $0x1  }
0x489: {  	[tilespmem:s1+$0x28A0] =	vst v2  }
0x48a: {  	v2 =	vld [tilespmem:s0+$0x10];
	_ =	sdelay $0x1  }
0x48b: {  	v3 =	vld [tilespmem:s1+$0x8B0];
	_ =	sdelay $0x2  }
0x48c: {  	v2 =	vmul.f32 v2, v4;
	_ =	sdelay $0x1  }
0x48d: {  	v2 =	vsub.f32 v3, v2;
	_ =	sdelay $0x1  }
0x48e: {  	[tilespmem:s1+$0x28B0] =	vst v2  }
0x48f: {  	[hbm4b:s23+s14] =	stream.indirect.scatter [tilespmem:s15], [sflag:$0x2], $0x40, s21, s14, $0xb8;
	[tilespmem:$0x1DEA0] =	vst v63  }
0x490: {  	_ =	swait.ge [sflag:s12], $0x2000  }
0x491: {  	[sflag:s12] =	ssyncset.done $0x0  }
0x492: {  	[sflag:s12] =	ssyncadd.s32 $0xFFFFE000  }
0x493: {  	[tilespmem:s22], [sflag:$0x2] =	stream.indirect.gather [spmem:s17], $0x50, s5, s14, $0xb8;
	[tilespmem:$0x1DEA0] =	vst v63  }
0x494: {  	_ =	swait.ge [sflag:s12], $0x2800  }
0x495: {  	[sflag:s12] =	ssyncset.done $0x0  }
0x496: {  	[sflag:s12] =	ssyncadd.s32 $0xFFFFD800  }
0x497: {  	[tilespmem:s20], [sflag:$0x2] =	stream.indirect.gather [hbm4b:s13+s14], $0x40, s28, s14, $0xb8;
	[tilespmem:$0x1DEA0] =	vst v63  }
0x498: {  	_ =	swait.ge [sflag:s12], $0x2000  }
0x499: {  	[sflag:s12] =	ssyncset.done $0x0  }
0x49a: {  	s0 =	simm.s32 $0x48A0;
	[sflag:s12] =	ssyncadd.s32 $0xFFFFE000  }
0x49b: {  	s2 =	simm.s32 $0x100;
	s1 =	simm.s32 $0x0;
	v2 =	vld [tilespmem:s0+$0x20]  }
.LBB2_34:
0x49c: {  	p2 =	sne.s32 s2, $0x7F00;
	v3 =	vld [tilespmem:s0+$0xFFFFFFE0];
	_ =	sdelay $0x3  }
0x49d: {  	v2 =	vadd.f32 $1.000000000e+00, v2;
	_ =	sdelay $0x1  }
0x49e: {  	(erf) = vrcp.f32 v2;
	_ =	sdelay $0x7  }
0x49f: {  	s3 =	sshra.s32 s1, $0x2;
	s1 =	smov.u32 s2  }
0x4a0: {  	v2 =	vld [tilespmem:s3+$0x880];
	v4 =	vpop (erf)  }
0x4a1: {  	v4 =	vmul.f32 $5.000000000e-01, v4;
	_ =	sdelay $0x1  }
0x4a2: {  	v3 =	vmul.f32 v4, v3;
	_ =	sdelay $0x1  }
0x4a3: {  	v2 =	vsub.f32 v2, v3;
	_ =	sdelay $0x1  }
0x4a4: {  	[tilespmem:s3+$0x2880] =	vst v2  }
0x4a5: {  	v2 =	vld [tilespmem:s0+$0xFFFFFFF0];
	_ =	sdelay $0x1  }
0x4a6: {  	v3 =	vld [tilespmem:s3+$0x890];
	_ =	sdelay $0x2  }
0x4a7: {  	v2 =	vmul.f32 v2, v4;
	_ =	sdelay $0x1  }
0x4a8: {  	v2 =	vsub.f32 v3, v2;
	_ =	sdelay $0x1  }
0x4a9: {  	[tilespmem:s3+$0x2890] =	vst v2  }
0x4aa: {  	v2 =	vld [tilespmem:s0+$0x0];
	_ =	sdelay $0x1  }
0x4ab: {  	v3 =	vld [tilespmem:s3+$0x8A0];
	_ =	sdelay $0x2  }
0x4ac: {  	v2 =	vmul.f32 v2, v4;
	_ =	sdelay $0x1  }
0x4ad: {  	v2 =	vsub.f32 v3, v2;
	_ =	sdelay $0x1  }
0x4ae: {  	[tilespmem:s3+$0x28A0] =	vst v2  }
0x4af: {  	v2 =	vld [tilespmem:s0+$0x10];
	_ =	sdelay $0x1  }
0x4b0: {  	v3 =	vld [tilespmem:s3+$0x8B0];
	_ =	sdelay $0x2  }
0x4b1: {  	v2 =	vmul.f32 v2, v4  }
.Ltmp19:
0x4b2: {  	(pc) =	sbr.rel @p2 .LBB2_34-.Ltmp19, $3  }
0x4b3: {  	v2 =	vsub.f32 v3, v2;
	_ =	sdelay $0x1  }
0x4b4: {  	s0 =	sadd.s32 $0x50, s0;
	[tilespmem:s3+$0x28B0] =	vst v2  }
0x4b5: {  	s2 =	sadd.s32 $0x100, s2;
	v2 =	vld [tilespmem:s0+$0x20]  }
0x4b6: {  	_ =	sdelay $0x3  }
0x4b7: {  	v2 =	vadd.f32 $1.000000000e+00, v2;
	_ =	sdelay $0x1  }
0x4b8: {  	(erf) = vrcp.f32 v2;
	_ =	sdelay $0x6  }
0x4b9: {  	v2 =	vld [tilespmem:s0+$0xFFFFFFE0]  }
0x4ba: {  	s1 =	sshra.s32 s1, $0x2  }
0x4bb: {  	v3 =	vld [tilespmem:s1+$0x880];
	v4 =	vpop (erf)  }
0x4bc: {  	v4 =	vmul.f32 $5.000000000e-01, v4;
	_ =	sdelay $0x1  }
0x4bd: {  	v2 =	vmul.f32 v4, v2;
	_ =	sdelay $0x1  }
0x4be: {  	v2 =	vsub.f32 v3, v2;
	_ =	sdelay $0x1  }
0x4bf: {  	[tilespmem:s1+$0x2880] =	vst v2  }
0x4c0: {  	v2 =	vld [tilespmem:s0+$0xFFFFFFF0];
	_ =	sdelay $0x1  }
0x4c1: {  	v3 =	vld [tilespmem:s1+$0x890];
	_ =	sdelay $0x2  }
0x4c2: {  	v2 =	vmul.f32 v2, v4;
	_ =	sdelay $0x1  }
0x4c3: {  	v2 =	vsub.f32 v3, v2;
	_ =	sdelay $0x1  }
0x4c4: {  	[tilespmem:s1+$0x2890] =	vst v2  }
0x4c5: {  	v2 =	vld [tilespmem:s0+$0x0];
	_ =	sdelay $0x1  }
0x4c6: {  	v3 =	vld [tilespmem:s1+$0x8A0];
	_ =	sdelay $0x2  }
0x4c7: {  	v2 =	vmul.f32 v2, v4;
	_ =	sdelay $0x1  }
0x4c8: {  	v2 =	vsub.f32 v3, v2;
	_ =	sdelay $0x1  }
0x4c9: {  	[tilespmem:s1+$0x28A0] =	vst v2  }
0x4ca: {  	v2 =	vld [tilespmem:s0+$0x10];
	_ =	sdelay $0x1  }
0x4cb: {  	v3 =	vld [tilespmem:s1+$0x8B0];
	_ =	sdelay $0x2  }
0x4cc: {  	v2 =	vmul.f32 v2, v4;
	_ =	sdelay $0x1  }
0x4cd: {  	v2 =	vsub.f32 v3, v2;
	_ =	sdelay $0x1  }
0x4ce: {  	[tilespmem:s1+$0x28B0] =	vst v2  }
0x4cf: {  	[hbm4b:s23+s14] =	stream.indirect.scatter [tilespmem:s15], [sflag:$0x2], $0x40, s28, s14, $0xb8;
	[tilespmem:$0x1DEA0] =	vst v63  }
0x4d0: {  	_ =	swait.ge [sflag:s12], $0x2000  }
0x4d1: {  	[sflag:s12] =	ssyncset.done $0x0  }
0x4d2: {  	[sflag:s12] =	ssyncadd.s32 $0xFFFFE000  }
0x4d3: {  	[tilespmem:s22], [sflag:$0x2] =	stream.indirect.gather [spmem:s17], $0x50, s6, s14, $0xb8;
	[tilespmem:$0x1DEA0] =	vst v63  }
0x4d4: {  	_ =	swait.ge [sflag:s12], $0x2800  }
0x4d5: {  	[sflag:s12] =	ssyncset.done $0x0  }
0x4d6: {  	[sflag:s12] =	ssyncadd.s32 $0xFFFFD800  }
0x4d7: {  	[tilespmem:s20], [sflag:$0x2] =	stream.indirect.gather [hbm4b:s13+s14], $0x40, s26, s14, $0xb8;
	[tilespmem:$0x1DEA0] =	vst v63  }
0x4d8: {  	_ =	swait.ge [sflag:s12], $0x2000  }
0x4d9: {  	[sflag:s12] =	ssyncset.done $0x0  }
0x4da: {  	s0 =	simm.s32 $0x48A0;
	[sflag:s12] =	ssyncadd.s32 $0xFFFFE000  }
0x4db: {  	s2 =	simm.s32 $0x100;
	s1 =	simm.s32 $0x0;
	v2 =	vld [tilespmem:s0+$0x20]  }
.LBB2_36:
0x4dc: {  	p2 =	sne.s32 s2, $0x7F00;
	v3 =	vld [tilespmem:s0+$0xFFFFFFE0];
	_ =	sdelay $0x3  }
0x4dd: {  	v2 =	vadd.f32 $1.000000000e+00, v2;
	_ =	sdelay $0x1  }
0x4de: {  	(erf) = vrcp.f32 v2;
	_ =	sdelay $0x7  }
0x4df: {  	s3 =	sshra.s32 s1, $0x2;
	s1 =	smov.u32 s2  }
0x4e0: {  	v2 =	vld [tilespmem:s3+$0x880];
	v4 =	vpop (erf)  }
0x4e1: {  	v4 =	vmul.f32 $5.000000000e-01, v4;
	_ =	sdelay $0x1  }
0x4e2: {  	v3 =	vmul.f32 v4, v3;
	_ =	sdelay $0x1  }
0x4e3: {  	v2 =	vsub.f32 v2, v3;
	_ =	sdelay $0x1  }
0x4e4: {  	[tilespmem:s3+$0x2880] =	vst v2  }
0x4e5: {  	v2 =	vld [tilespmem:s0+$0xFFFFFFF0];
	_ =	sdelay $0x1  }
0x4e6: {  	v3 =	vld [tilespmem:s3+$0x890];
	_ =	sdelay $0x2  }
0x4e7: {  	v2 =	vmul.f32 v2, v4;
	_ =	sdelay $0x1  }
0x4e8: {  	v2 =	vsub.f32 v3, v2;
	_ =	sdelay $0x1  }
0x4e9: {  	[tilespmem:s3+$0x2890] =	vst v2  }
0x4ea: {  	v2 =	vld [tilespmem:s0+$0x0];
	_ =	sdelay $0x1  }
0x4eb: {  	v3 =	vld [tilespmem:s3+$0x8A0];
	_ =	sdelay $0x2  }
0x4ec: {  	v2 =	vmul.f32 v2, v4;
	_ =	sdelay $0x1  }
0x4ed: {  	v2 =	vsub.f32 v3, v2;
	_ =	sdelay $0x1  }
0x4ee: {  	[tilespmem:s3+$0x28A0] =	vst v2  }
0x4ef: {  	v2 =	vld [tilespmem:s0+$0x10];
	_ =	sdelay $0x1  }
0x4f0: {  	v3 =	vld [tilespmem:s3+$0x8B0];
	_ =	sdelay $0x2  }
0x4f1: {  	v2 =	vmul.f32 v2, v4  }
.Ltmp20:
0x4f2: {  	(pc) =	sbr.rel @p2 .LBB2_36-.Ltmp20, $3  }
0x4f3: {  	v2 =	vsub.f32 v3, v2;
	_ =	sdelay $0x1  }
0x4f4: {  	s0 =	sadd.s32 $0x50, s0;
	[tilespmem:s3+$0x28B0] =	vst v2  }
0x4f5: {  	s2 =	sadd.s32 $0x100, s2;
	v2 =	vld [tilespmem:s0+$0x20]  }
0x4f6: {  	_ =	sdelay $0x3  }
0x4f7: {  	v2 =	vadd.f32 $1.000000000e+00, v2;
	_ =	sdelay $0x1  }
0x4f8: {  	(erf) = vrcp.f32 v2;
	_ =	sdelay $0x6  }
0x4f9: {  	v2 =	vld [tilespmem:s0+$0xFFFFFFE0]  }
0x4fa: {  	s1 =	sshra.s32 s1, $0x2  }
0x4fb: {  	v3 =	vld [tilespmem:s1+$0x880];
	v4 =	vpop (erf)  }
0x4fc: {  	v4 =	vmul.f32 $5.000000000e-01, v4;
	_ =	sdelay $0x1  }
0x4fd: {  	v2 =	vmul.f32 v4, v2;
	_ =	sdelay $0x1  }
0x4fe: {  	v2 =	vsub.f32 v3, v2;
	_ =	sdelay $0x1  }
0x4ff: {  	[tilespmem:s1+$0x2880] =	vst v2  }
0x500: {  	v2 =	vld [tilespmem:s0+$0xFFFFFFF0];
	_ =	sdelay $0x1  }
0x501: {  	v3 =	vld [tilespmem:s1+$0x890];
	_ =	sdelay $0x2  }
0x502: {  	v2 =	vmul.f32 v2, v4;
	_ =	sdelay $0x1  }
0x503: {  	v2 =	vsub.f32 v3, v2;
	_ =	sdelay $0x1  }
0x504: {  	[tilespmem:s1+$0x2890] =	vst v2  }
0x505: {  	v2 =	vld [tilespmem:s0+$0x0];
	_ =	sdelay $0x1  }
0x506: {  	v3 =	vld [tilespmem:s1+$0x8A0];
	_ =	sdelay $0x2  }
0x507: {  	v2 =	vmul.f32 v2, v4;
	_ =	sdelay $0x1  }
0x508: {  	v2 =	vsub.f32 v3, v2;
	_ =	sdelay $0x1  }
0x509: {  	[tilespmem:s1+$0x28A0] =	vst v2  }
0x50a: {  	v2 =	vld [tilespmem:s0+$0x10];
	_ =	sdelay $0x1  }
0x50b: {  	v3 =	vld [tilespmem:s1+$0x8B0];
	_ =	sdelay $0x2  }
0x50c: {  	v2 =	vmul.f32 v2, v4;
	_ =	sdelay $0x1  }
0x50d: {  	v2 =	vsub.f32 v3, v2;
	_ =	sdelay $0x1  }
0x50e: {  	[tilespmem:s1+$0x28B0] =	vst v2  }
0x50f: {  	[hbm4b:s23+s14] =	stream.indirect.scatter [tilespmem:s15], [sflag:$0x2], $0x40, s26, s14, $0xb8;
	[tilespmem:$0x1DEA0] =	vst v63  }
0x510: {  	_ =	swait.ge [sflag:s12], $0x2000  }
0x511: {  	[sflag:s12] =	ssyncset.done $0x0  }
0x512: {  	[sflag:s12] =	ssyncadd.s32 $0xFFFFE000  }
0x513: {  	[tilespmem:s22], [sflag:$0x2] =	stream.indirect.gather [spmem:s17], $0x50, s7, s14, $0xb8;
	[tilespmem:$0x1DEA0] =	vst v63  }
0x514: {  	_ =	swait.ge [sflag:s12], $0x2800  }
0x515: {  	[sflag:s12] =	ssyncset.done $0x0  }
0x516: {  	[sflag:s12] =	ssyncadd.s32 $0xFFFFD800  }
0x517: {  	[tilespmem:s20], [sflag:$0x2] =	stream.indirect.gather [hbm4b:s13+s14], $0x40, s25, s14, $0xb8;
	[tilespmem:$0x1DEA0] =	vst v63  }
0x518: {  	_ =	swait.ge [sflag:s12], $0x2000  }
0x519: {  	[sflag:s12] =	ssyncset.done $0x0  }
0x51a: {  	s0 =	simm.s32 $0x48A0;
	[sflag:s12] =	ssyncadd.s32 $0xFFFFE000  }
0x51b: {  	s2 =	simm.s32 $0x100;
	s1 =	simm.s32 $0x0;
	v2 =	vld [tilespmem:s0+$0x20]  }
.LBB2_38:
0x51c: {  	p2 =	sne.s32 s2, $0x7F00;
	v3 =	vld [tilespmem:s0+$0xFFFFFFE0];
	_ =	sdelay $0x3  }
0x51d: {  	v2 =	vadd.f32 $1.000000000e+00, v2;
	_ =	sdelay $0x1  }
0x51e: {  	(erf) = vrcp.f32 v2;
	_ =	sdelay $0x7  }
0x51f: {  	s3 =	sshra.s32 s1, $0x2;
	s1 =	smov.u32 s2  }
0x520: {  	v2 =	vld [tilespmem:s3+$0x880];
	v4 =	vpop (erf)  }
0x521: {  	v4 =	vmul.f32 $5.000000000e-01, v4;
	_ =	sdelay $0x1  }
0x522: {  	v3 =	vmul.f32 v4, v3;
	_ =	sdelay $0x1  }
0x523: {  	v2 =	vsub.f32 v2, v3;
	_ =	sdelay $0x1  }
0x524: {  	[tilespmem:s3+$0x2880] =	vst v2  }
0x525: {  	v2 =	vld [tilespmem:s0+$0xFFFFFFF0];
	_ =	sdelay $0x1  }
0x526: {  	v3 =	vld [tilespmem:s3+$0x890];
	_ =	sdelay $0x2  }
0x527: {  	v2 =	vmul.f32 v2, v4;
	_ =	sdelay $0x1  }
0x528: {  	v2 =	vsub.f32 v3, v2;
	_ =	sdelay $0x1  }
0x529: {  	[tilespmem:s3+$0x2890] =	vst v2  }
0x52a: {  	v2 =	vld [tilespmem:s0+$0x0];
	_ =	sdelay $0x1  }
0x52b: {  	v3 =	vld [tilespmem:s3+$0x8A0];
	_ =	sdelay $0x2  }
0x52c: {  	v2 =	vmul.f32 v2, v4;
	_ =	sdelay $0x1  }
0x52d: {  	v2 =	vsub.f32 v3, v2;
	_ =	sdelay $0x1  }
0x52e: {  	[tilespmem:s3+$0x28A0] =	vst v2  }
0x52f: {  	v2 =	vld [tilespmem:s0+$0x10];
	_ =	sdelay $0x1  }
0x530: {  	v3 =	vld [tilespmem:s3+$0x8B0];
	_ =	sdelay $0x2  }
0x531: {  	v2 =	vmul.f32 v2, v4  }
.Ltmp21:
0x532: {  	(pc) =	sbr.rel @p2 .LBB2_38-.Ltmp21, $3  }
0x533: {  	v2 =	vsub.f32 v3, v2;
	_ =	sdelay $0x1  }
0x534: {  	s0 =	sadd.s32 $0x50, s0;
	[tilespmem:s3+$0x28B0] =	vst v2  }
0x535: {  	s2 =	sadd.s32 $0x100, s2;
	v2 =	vld [tilespmem:s0+$0x20]  }
.Ltmp22:
0x536: {  	_ = 	snop;
	(pc) =	sbr.rel .LBB2_39-.Ltmp22, $1  }
0x537: {  	_ =	sdelay $0x3  }
.LBB2_41:
0x538: {  	_ =	sfence.sel $0x180000  }
0x539: {  	[bflag:$0x0] =	sbarrier.arrive $0xFFFF  }
0x53a: {  	_ =	strace $0x90000047  }
0x53b: {  	[bflag:$0x2] =	sbarrier.arrive $0xFFFF  }
0x53c: {  	s0 =	rddreg [dreg:$0x7]  }
0x53d: {  	s0 =	sadd.s32 @!p1 $0x100000, s0  }
0x53e: {  	[sflag:s0] =	ssyncadd.tile.s32 @!p1 $0x1;
	_ =	shalt  }
.Lfunc_end2:
_tile_overlayer_lowered:
.L_overlay_start_2:
0x53f: {  	(tag) =	ssettag $0x2  }
0x540: {  	s0 =	rddreg [dreg:$0x0];
	s2 =	stileid.u32  }
0x541: {  	s1 =	rddreg [dreg:$0x1];
	p0 =	sne.s32 s2, $0x0  }
0x542: {  	s3 =	rddreg [dreg:$0x2];
	[bflag:$0x3] =	sbarrier.arrive $0xFFFF;
	s2 =	simm.s32 @!p0 $0x1C02  }
0x543: {  	[timem:s3], [sflag:s2] =	dma.local @!p0 [hbm:s0], s1  }
0x544: {  	s0 =	simm.s32 @!p0 $0x2  }
0x545: {  	_ =	swait.ge @!p0 [sflag:s0], s1  }
0x546: {  	s1 =	ssub.s32 @!p0 $0x0, s1;
	[sflag:s0] =	ssyncset.done @!p0 $0x0  }
0x547: {  	[sflag:s0] =	ssyncadd.s32 @!p0 s1  }
0x548: {  	[bflag:$0x3] =	sbarrier.arrive $0xFFFF  }
0x549: {  	_ =	shalt  }

</sc_bundles>
